<compile_context>
chip_gen: v7x
topology: tpu7x:2x2x1
jax: 0.10.2.dev20260603
libtpu: 0.0.44.dev20260713+nightly
codegen_flags: <defaults>
</compile_context>

<pallas_src>
import functools

import jax
import jax.numpy as jnp
from jax import lax
from jax.experimental import pallas as pl
from jax.experimental.pallas import tpu as pltpu
from jax.experimental.pallas import tpu_sc as plsc

N = 10000
D = 128
E = 320000

NC = 2
NS = 16
NW = NC * NS
CHUNK = 128
CPW = 80
EPAD = NW * CPW * CHUNK
NPAD = 10240
RPT = NPAD // NS

BN = 512
GRID = NPAD // BN

KS = 110
KF = 50
NKS0 = NS * KS
TOTCH = NW * CPW

_f32 = jnp.float32


def _mesh():
    return plsc.VectorSubcoreMesh(core_axis_name="c", subcore_axis_name="s")


def _deg_body(dst_hbm, zeros_hbm, ones_hbm, out_hbm, idx_v, ones_v, acc_sh, ssem):
    c = lax.axis_index("c")
    s = lax.axis_index("s")
    wid = c * NS + s
    r0 = s * RPT
    pltpu.sync_copy(zeros_hbm.at[pl.ds(r0, RPT)], acc_sh.at[pl.ds(r0, RPT)])
    pltpu.sync_copy(ones_hbm, ones_v)
    pltpu.sync_copy(dst_hbm.at[wid], idx_v)
    plsc.subcore_barrier()

    def fire(j, carry):
        pltpu.async_copy(ones_v, acc_sh.at[idx_v.at[j]], ssem, add=True)
        return carry

    lax.fori_loop(0, CPW, fire, 0)

    def drain(j, carry):
        pltpu.make_async_copy(ones_v, acc_sh.at[idx_v.at[0]], ssem).wait()
        return carry

    lax.fori_loop(0, CPW, drain, 0)
    plsc.subcore_barrier()
    pltpu.sync_copy(acc_sh.at[pl.ds(r0, RPT)], out_hbm.at[c, pl.ds(r0, RPT)])


def _sc_degree(dstp, zeros128, ones128):
    return pl.kernel(
        _deg_body,
        out_type=jax.ShapeDtypeStruct((NC, NPAD, D), _f32),
        mesh=_mesh(),
        scratch_types=[
            pltpu.VMEM((CPW, CHUNK), jnp.int32),
            pltpu.VMEM((CHUNK, D), _f32),
            pltpu.VMEM_SHARED((NPAD, D), _f32),
            pltpu.SemaphoreType.DMA,
        ],
    )(dstp, zeros128, ones128)


def _agg_body(table_hbm, sd_hbm, zeros_hbm, out_hbm,
              sd_r, rows_v, acc_sh, isem0, isem1, gsem0, gsem1):
    c = lax.axis_index("c")
    s = lax.axis_index("s")
    r0 = s * RPT
    base = jnp.where(c == 0, s * KS, NKS0 + s * KF)
    nch = jnp.where(c == 0, KS, KF)
    isems = (isem0, isem1)
    gsems = (gsem0, gsem1)
    pltpu.sync_copy(zeros_hbm.at[pl.ds(r0, RPT)], acc_sh.at[pl.ds(r0, RPT)])

    pltpu.async_copy(sd_hbm.at[base], sd_r.at[0], isems[0])
    pltpu.async_copy(sd_hbm.at[base + 1], sd_r.at[1], isems[1])
    plsc.subcore_barrier()
    pltpu.make_async_copy(sd_hbm.at[base], sd_r.at[0], isems[0]).wait()
    pltpu.async_copy(table_hbm.at[sd_r.at[0, 0]], rows_v.at[0], gsems[0])

    def group(g, carry):
        for b in range(2):
            j = 2 * g + b
            nb = 1 - b

            @pl.when(j + 1 < nch)
            def _fire_gather():
                pltpu.make_async_copy(
                    sd_hbm.at[base], sd_r.at[nb], isems[nb]).wait()
                pltpu.async_copy(
                    table_hbm.at[sd_r.at[nb, 0]], rows_v.at[nb], gsems[nb])

            pltpu.make_async_copy(
                table_hbm.at[sd_r.at[b, 0]], rows_v.at[b], gsems[b]).wait()
            pltpu.sync_copy(rows_v.at[b], acc_sh.at[sd_r.at[b, 1]], add=True)

            @pl.when(j + 2 < nch)
            def _fire_idx():
                pltpu.async_copy(
                    sd_hbm.at[base + (j + 2)], sd_r.at[b], isems[b])
        return carry

    lax.fori_loop(0, lax.div(nch, 2), group, 0)
    plsc.subcore_barrier()
    pltpu.sync_copy(acc_sh.at[pl.ds(r0, RPT)], out_hbm.at[c, pl.ds(r0, RPT)])


def _sc_aggregate(table, sd_flat, zeros128):
    return pl.kernel(
        _agg_body,
        out_type=jax.ShapeDtypeStruct((NC, NPAD, D), _f32),
        mesh=_mesh(),
        scratch_types=[
            pltpu.VMEM((2, 2, CHUNK), jnp.int32),
            pltpu.VMEM((2, CHUNK, D), _f32),
            pltpu.VMEM_SHARED((NPAD, D), _f32),
            pltpu.SemaphoreType.DMA,
            pltpu.SemaphoreType.DMA,
            pltpu.SemaphoreType.DMA,
            pltpu.SemaphoreType.DMA,
        ],
    )(table, sd_flat, zeros128)


def _mm_body(h_ref, w_ref, o_ref):
    o_ref[...] = jnp.dot(h_ref[...], w_ref[...], preferred_element_type=_f32)


def _tc_matmul(h, w):
    return pl.pallas_call(
        _mm_body,
        grid=(GRID,),
        in_specs=[
            pl.BlockSpec((BN, D), lambda i: (i, 0)),
            pl.BlockSpec((D, D), lambda i: (0, 0)),
        ],
        out_specs=pl.BlockSpec((BN, D), lambda i: (i, 0)),
        out_shape=jax.ShapeDtypeStruct((NPAD, D), _f32),
    )(h, w)


def _scale1_body(degp_ref, u_ref, mm_ref, dinv_ref):
    deg = degp_ref[0] + degp_ref[1] + 1.0
    dinv = jnp.where(deg > 0.0, lax.rsqrt(deg), 0.0)
    dinv_ref[...] = dinv
    mm_ref[...] = u_ref[...] * dinv


def _tc_scale1(deg_p, u1):
    return pl.pallas_call(
        _scale1_body,
        grid=(GRID,),
        in_specs=[
            pl.BlockSpec((NC, BN, D), lambda i: (0, i, 0)),
            pl.BlockSpec((BN, D), lambda i: (i, 0)),
        ],
        out_specs=[
            pl.BlockSpec((BN, D), lambda i: (i, 0)),
            pl.BlockSpec((BN, D), lambda i: (i, 0)),
        ],
        out_shape=[
            jax.ShapeDtypeStruct((NPAD, D), _f32),
            jax.ShapeDtypeStruct((NPAD, D), _f32),
        ],
    )(deg_p, u1)


def _layer_body(has_skip, *refs):
    if has_skip:
        a_ref, mm_ref, dinv_ref, b_ref, w_ref, skip_ref, h_ref, mmn_ref = refs
    else:
        a_ref, mm_ref, dinv_ref, b_ref, w_ref, h_ref, mmn_ref = refs
    dinv = dinv_ref[...]
    t = (a_ref[0] + a_ref[1] + mm_ref[...]) * dinv + b_ref[...]
    h = jnp.maximum(t, 0.0)
    if has_skip:
        h = h + skip_ref[...]
    h_ref[...] = h
    mmn_ref[...] = jnp.dot(h, w_ref[...], preferred_element_type=_f32) * dinv


def _tc_layer(a_p, mm, dinv16, b_row, w_next, skip=None):
    has_skip = skip is not None
    in_specs = [
        pl.BlockSpec((NC, BN, D), lambda i: (0, i, 0)),
        pl.BlockSpec((BN, D), lambda i: (i, 0)),
        pl.BlockSpec((BN, D), lambda i: (i, 0)),
        pl.BlockSpec((1, D), lambda i: (0, 0)),
        pl.BlockSpec((D, D), lambda i: (0, 0)),
    ]
    args = [a_p, mm, dinv16, b_row, w_next]
    if has_skip:
        in_specs.append(pl.BlockSpec((BN, D), lambda i: (i, 0)))
        args.append(skip)
    return pl.pallas_call(
        functools.partial(_layer_body, has_skip),
        grid=(GRID,),
        in_specs=in_specs,
        out_specs=[
            pl.BlockSpec((BN, D), lambda i: (i, 0)),
            pl.BlockSpec((BN, D), lambda i: (i, 0)),
        ],
        out_shape=[
            jax.ShapeDtypeStruct((NPAD, D), _f32),
            jax.ShapeDtypeStruct((NPAD, D), _f32),
        ],
    )(*args)


def _final_body(a_ref, mm_ref, dinv_ref, b_ref, x_ref, o_ref):
    t = (a_ref[0] + a_ref[1] + mm_ref[...]) * dinv_ref[...] + b_ref[...]
    o_ref[...] = jnp.maximum(t, 0.0) + x_ref[...]


def _tc_final(a_p, mm, dinv16, b_row, xp):
    return pl.pallas_call(
        _final_body,
        grid=(GRID,),
        in_specs=[
            pl.BlockSpec((NC, BN, D), lambda i: (0, i, 0)),
            pl.BlockSpec((BN, D), lambda i: (i, 0)),
            pl.BlockSpec((BN, D), lambda i: (i, 0)),
            pl.BlockSpec((1, D), lambda i: (0, 0)),
            pl.BlockSpec((BN, D), lambda i: (i, 0)),
        ],
        out_specs=pl.BlockSpec((BN, D), lambda i: (i, 0)),
        out_shape=jax.ShapeDtypeStruct((NPAD, D), _f32),
    )(a_p, mm, dinv16, b_row, xp)


def kernel(x, edge_index, W1, b1, W2, b2, W3, b3, W4, b4):
    ei = edge_index.astype(jnp.int32)
    pad = jnp.full((EPAD - E,), N, dtype=jnp.int32)
    srcc = jnp.concatenate([ei[0], pad]).reshape(TOTCH, CHUNK)
    dstc = jnp.concatenate([ei[1], pad]).reshape(TOTCH, CHUNK)
    dstp = dstc.reshape(NW, CPW, CHUNK)
    sdp = jnp.stack([srcc, dstc], axis=1)

    xp = jnp.pad(x.astype(_f32), ((0, NPAD - N), (0, 0)))
    zeros128 = jnp.zeros((NPAD, D), _f32)
    ones128 = jnp.ones((CHUNK, D), _f32)
    b1r, b2r, b3r, b4r = (b.reshape(1, D) for b in (b1, b2, b3, b4))

    deg_p = _sc_degree(dstp, zeros128, ones128)
    u1 = _tc_matmul(xp, W1)
    mm1, dinv_b = _tc_scale1(deg_p, u1)

    a1 = _sc_aggregate(mm1, sdp, zeros128)
    h1, mm2 = _tc_layer(a1, mm1, dinv_b, b1r, W2)
    a2 = _sc_aggregate(mm2, sdp, zeros128)
    _, mm3 = _tc_layer(a2, mm2, dinv_b, b2r, W3)
    a3 = _sc_aggregate(mm3, sdp, zeros128)
    _, mm4 = _tc_layer(a3, mm3, dinv_b, b3r, W4, skip=h1)
    a4 = _sc_aggregate(mm4, sdp, zeros128)
    out = _tc_final(a4, mm4, dinv_b, b4r, xp)
    return out[:N]

# --- scband reference (transcript-rebuilt; emitter-appended) ---
"""Pipeline reference for scband-hgnn-54546084659602 (READ-ONLY COPY).

The authoritative reference and input builder live on the scoring server;
editing this copy changes nothing except your own understanding.
"""

import jax, jax.numpy as jnp
import numpy as np

N = 10000
D_IN = 128
D_HID = 128
D_OUT = 128
E = 320000


def setup_inputs(seed: int = 0) -> dict:
    key = jax.random.key(seed)
    ks = jax.random.split(key, 10)
    x = jax.random.normal(ks[0], (N, D_IN), dtype=jnp.float32)
    edge_index = jax.random.randint(ks[1], (2, E), 0, N, dtype=jnp.int64)
    s1 = 1.0 / np.sqrt(D_IN)
    s2 = 1.0 / np.sqrt(D_HID)
    s3 = 1.0 / np.sqrt(D_OUT)
    W1 = jax.random.normal(ks[2], (D_IN, D_HID), dtype=jnp.float32) * s1
    b1 = jnp.zeros((D_HID,), dtype=jnp.float32)
    W2 = jax.random.normal(ks[3], (D_HID, D_OUT), dtype=jnp.float32) * s2
    b2 = jnp.zeros((D_OUT,), dtype=jnp.float32)
    W3 = jax.random.normal(ks[4], (D_OUT, D_HID), dtype=jnp.float32) * s3
    b3 = jnp.zeros((D_HID,), dtype=jnp.float32)
    W4 = jax.random.normal(ks[5], (D_HID, D_IN), dtype=jnp.float32) * s2
    b4 = jnp.zeros((D_IN,), dtype=jnp.float32)
    return {"x": x, "edge_index": edge_index, "W1": W1, "b1": b1, "W2": W2, "b2": b2, "W3": W3, "b3": b3, "W4": W4, "b4": b4}


def reference(x, edge_index, W1, b1, W2, b2, W3, b3, W4, b4):
    # GCNConv semantics (PyG defaults): add self-loops, symmetric normalization
    loop = jnp.arange(N, dtype=edge_index.dtype)
    src = jnp.concatenate([edge_index[0], loop])
    dst = jnp.concatenate([edge_index[1], loop])
    deg = jnp.zeros((N,), dtype=jnp.float32).at[dst].add(1.0)
    dinv = jnp.where(deg > 0, deg ** -0.5, 0.0)
    norm = (dinv[src] * dinv[dst])[:, None]

    def conv(h, W, b):
        h = h @ W
        msg = h[src] * norm
        out = jnp.zeros((N, h.shape[1]), dtype=h.dtype).at[dst].add(msg)
        return out + b

    x_l1 = jax.nn.relu(conv(x, W1, b1))
    x_l2 = jax.nn.relu(conv(x_l1, W2, b2))
    x_l1_td = jax.nn.relu(conv(x_l2, W3, b3)) + x_l1
    x_out = jax.nn.relu(conv(x_l1_td, W4, b4)) + x
    return x_out

if __name__ == "__main__":
    import jax
    _d = setup_inputs()
    print(jax.jit(kernel)(*tuple(_d.values())))

</pallas_src>

<mosaic_0001>
#map = affine_map<(d0, d1) -> (0, 0, 0)>
#map1 = affine_map<(d0, d1) -> (0, 0)>
module attributes {stable_mosaic.version = 14 : i64} {
  func.func @_deg_body(%arg0: i32, %arg1: i32, %arg2: memref<32x80x128xi32, #tpu.memory_space<hbm>>, %arg3: memref<10240x128xf32, #tpu.memory_space<hbm>>, %arg4: memref<128x128xf32, #tpu.memory_space<hbm>>, %arg5: memref<2x10240x128xf32, #tpu.memory_space<hbm>>, %arg6: memref<80x128xi32, #tpu.memory_space<vmem>>, %arg7: memref<128x128xf32, #tpu.memory_space<vmem>>, %arg8: memref<10240x128xf32, #tpu.memory_space<vmem_shared>>, %arg9: memref<!tpu.dma_semaphore, #tpu.memory_space<semaphore_mem>>) attributes {dimension_semantics = [#tpu.dimension_semantics<core_parallel>, #tpu.dimension_semantics<subcore_parallel>], iteration_bounds = array<i64: 2, 16>, scalar_prefetch = 0 : i64, scratch_operands = 4 : i64, tpu.core_type = #tpu.core_type<sc_vector_subcore>, window_params = [{transform_indices = #map}, {transform_indices = #map1}, {transform_indices = #map1}, {transform_indices = #map}]} {
    %mul3A = arith.constant 16 : i32
    %mul3A_0 = arith.muli %arg0, %mul3A : i32
    %add3A = arith.addi %mul3A_0, %arg1 : i32
    %mul3A_1 = arith.constant 640 : i32
    %mul3A_2 = arith.muli %arg1, %mul3A_1 : i32
    "tpu.region"() ({
      %run_scoped3A = tpu.sem_alloc : memref<!tpu.dma_semaphore, #tpu.memory_space<semaphore_mem>>
      %dma_start3A = arith.constant 0 : i32
      %dma_start3A_15 = tpu.memref_slice %arg8[%mul3A_2, %dma_start3A] : memref<10240x128xf32, #tpu.memory_space<vmem_shared>> -> memref<640x128xf32, #tpu.memory_space<vmem_shared>>
      %dma_start3A_16 = arith.constant 0 : i32
      %dma_start3A_17 = tpu.memref_slice %arg3[%mul3A_2, %dma_start3A_16] : memref<10240x128xf32, #tpu.memory_space<hbm>> -> memref<640x128xf32, #tpu.memory_space<hbm>>
      tpu.enqueue_dma source(%dma_start3A_17 : memref<640x128xf32, #tpu.memory_space<hbm>>) target(%dma_start3A_15 : memref<640x128xf32, #tpu.memory_space<vmem_shared>>) target_semaphore(%run_scoped3A : memref<!tpu.dma_semaphore, #tpu.memory_space<semaphore_mem>>)
      %dma_wait3A = arith.constant 0 : i32
      %dma_wait3A_18 = tpu.memref_slice %arg8[%mul3A_2, %dma_wait3A] : memref<10240x128xf32, #tpu.memory_space<vmem_shared>> -> memref<640x128xf32, #tpu.memory_space<vmem_shared>>
      %dma_wait3A_19 = arith.constant 0 : i32
      %dma_wait3A_20 = tpu.memref_slice %arg3[%mul3A_2, %dma_wait3A_19] : memref<10240x128xf32, #tpu.memory_space<hbm>> -> memref<640x128xf32, #tpu.memory_space<hbm>>
      tpu.wait_dma2 semaphore(%run_scoped3A : memref<!tpu.dma_semaphore, #tpu.memory_space<semaphore_mem>>) src(%dma_wait3A_20 : memref<640x128xf32, #tpu.memory_space<hbm>>) dst(%dma_wait3A_18 : memref<640x128xf32, #tpu.memory_space<vmem_shared>>)
      tpu.yield
    }) : () -> ()
    "tpu.region"() ({
      %run_scoped3A = tpu.sem_alloc : memref<!tpu.dma_semaphore, #tpu.memory_space<semaphore_mem>>
      tpu.enqueue_dma source(%arg4 : memref<128x128xf32, #tpu.memory_space<hbm>>) target(%arg7 : memref<128x128xf32, #tpu.memory_space<vmem>>) target_semaphore(%run_scoped3A : memref<!tpu.dma_semaphore, #tpu.memory_space<semaphore_mem>>)
      tpu.wait_dma2 semaphore(%run_scoped3A : memref<!tpu.dma_semaphore, #tpu.memory_space<semaphore_mem>>) src(%arg4 : memref<128x128xf32, #tpu.memory_space<hbm>>) dst(%arg7 : memref<128x128xf32, #tpu.memory_space<vmem>>)
      tpu.yield
    }) : () -> ()
    "tpu.region"() ({
      %run_scoped3A = tpu.sem_alloc : memref<!tpu.dma_semaphore, #tpu.memory_space<semaphore_mem>>
      %dma_start3A = arith.constant 0 : i32
      %dma_start3A_15 = arith.constant 0 : i32
      %dma_start3A_16 = tpu.memref_slice %arg2[%add3A, %dma_start3A, %dma_start3A_15] : memref<32x80x128xi32, #tpu.memory_space<hbm>> -> memref<1x80x128xi32, #tpu.memory_space<hbm>>
      %dma_start3A_17 = tpu.memref_squeeze %dma_start3A_16 : memref<1x80x128xi32, #tpu.memory_space<hbm>> -> memref<80x128xi32, #tpu.memory_space<hbm>>
      %dma_start3A_18 = arith.constant 0 : i32
      %dma_start3A_19 = arith.constant 0 : i32
      %dma_start3A_20 = tpu.memref_slice %arg2[%add3A, %dma_start3A_18, %dma_start3A_19] : memref<32x80x128xi32, #tpu.memory_space<hbm>> -> memref<1x80x128xi32, #tpu.memory_space<hbm>>
      %dma_start3A_21 = tpu.memref_squeeze %dma_start3A_20 : memref<1x80x128xi32, #tpu.memory_space<hbm>> -> memref<80x128xi32, #tpu.memory_space<hbm>>
      tpu.enqueue_dma source(%dma_start3A_21 : memref<80x128xi32, #tpu.memory_space<hbm>>) target(%arg6 : memref<80x128xi32, #tpu.memory_space<vmem>>) target_semaphore(%run_scoped3A : memref<!tpu.dma_semaphore, #tpu.memory_space<semaphore_mem>>)
      %dma_wait3A = arith.constant 0 : i32
      %dma_wait3A_22 = arith.constant 0 : i32
      %dma_wait3A_23 = tpu.memref_slice %arg2[%add3A, %dma_wait3A, %dma_wait3A_22] : memref<32x80x128xi32, #tpu.memory_space<hbm>> -> memref<1x80x128xi32, #tpu.memory_space<hbm>>
      %dma_wait3A_24 = tpu.memref_squeeze %dma_wait3A_23 : memref<1x80x128xi32, #tpu.memory_space<hbm>> -> memref<80x128xi32, #tpu.memory_space<hbm>>
      %dma_wait3A_25 = arith.constant 0 : i32
      %dma_wait3A_26 = arith.constant 0 : i32
      %dma_wait3A_27 = tpu.memref_slice %arg2[%add3A, %dma_wait3A_25, %dma_wait3A_26] : memref<32x80x128xi32, #tpu.memory_space<hbm>> -> memref<1x80x128xi32, #tpu.memory_space<hbm>>
      %dma_wait3A_28 = tpu.memref_squeeze %dma_wait3A_27 : memref<1x80x128xi32, #tpu.memory_space<hbm>> -> memref<80x128xi32, #tpu.memory_space<hbm>>
      tpu.wait_dma2 semaphore(%run_scoped3A : memref<!tpu.dma_semaphore, #tpu.memory_space<semaphore_mem>>) src(%dma_wait3A_28 : memref<80x128xi32, #tpu.memory_space<hbm>>) dst(%arg6 : memref<80x128xi32, #tpu.memory_space<vmem>>)
      tpu.yield
    }) : () -> ()
    %barrier3A = arith.constant 0 : index
    tpu.barrier barrier_id(%barrier3A)
    %scan3A = arith.constant 0 : i32
    %scan3A_3 = arith.constant 0 : i32
    %scan3A_4 = arith.constant 80 : i32
    %scan3A_5 = arith.addi %scan3A_3, %scan3A_4 : i32
    %scan3A_6 = arith.constant 1 : i32
    scf.for %scan3A_15 = %scan3A_3 to %scan3A_5 step %scan3A_6  : i32 {
      %dma_start3A = arith.constant 0 : i32
      %dma_start3A_16 = tpu.memref_slice %arg6[%scan3A_15, %dma_start3A] : memref<80x128xi32, #tpu.memory_space<vmem>> -> memref<1x128xi32, #tpu.memory_space<vmem>>
      %dma_start3A_17 = tpu.memref_squeeze %dma_start3A_16 : memref<1x128xi32, #tpu.memory_space<vmem>> -> memref<128xi32, #tpu.memory_space<vmem>>
      %dma_start3A_18 = arith.constant 0 : i32
      %dma_start3A_19 = arith.constant 0 : i32
      %dma_start3A_20 = tpu.memref_slice %arg8[%dma_start3A_18, %dma_start3A_19] : memref<10240x128xf32, #tpu.memory_space<vmem_shared>> -> memref<10240x128xf32, #tpu.memory_space<vmem_shared>>
      tpu.enqueue_indirect_dma source(%arg7 : memref<128x128xf32, #tpu.memory_space<vmem>>) target(%dma_start3A_20 : memref<10240x128xf32, #tpu.memory_space<vmem_shared>>) offsets(%dma_start3A_17 : memref<128xi32, #tpu.memory_space<vmem>>) semaphore(%arg9 : memref<!tpu.dma_semaphore, #tpu.memory_space<semaphore_mem>>) {add = true}
    }
    %scan3A_7 = arith.constant 80 : i32
    %scan3A_8 = arith.constant 0 : i32
    %scan3A_9 = arith.constant 0 : i32
    %scan3A_10 = arith.constant 80 : i32
    %scan3A_11 = arith.addi %scan3A_9, %scan3A_10 : i32
    %scan3A_12 = arith.constant 1 : i32
    scf.for %scan3A_15 = %scan3A_9 to %scan3A_11 step %scan3A_12  : i32 {
      %dma_wait3A = arith.constant 0 : i32
      %dma_wait3A_16 = arith.constant 0 : i32
      %dma_wait3A_17 = tpu.memref_slice %arg6[%dma_wait3A, %dma_wait3A_16] : memref<80x128xi32, #tpu.memory_space<vmem>> -> memref<1x128xi32, #tpu.memory_space<vmem>>
      %dma_wait3A_18 = tpu.memref_squeeze %dma_wait3A_17 : memref<1x128xi32, #tpu.memory_space<vmem>> -> memref<128xi32, #tpu.memory_space<vmem>>
      %dma_wait3A_19 = arith.constant 0 : i32
      %dma_wait3A_20 = arith.constant 0 : i32
      %dma_wait3A_21 = tpu.memref_slice %arg8[%dma_wait3A_19, %dma_wait3A_20] : memref<10240x128xf32, #tpu.memory_space<vmem_shared>> -> memref<10240x128xf32, #tpu.memory_space<vmem_shared>>
      tpu.wait_indirect_dma semaphore(%arg9 : memref<!tpu.dma_semaphore, #tpu.memory_space<semaphore_mem>>) src(%arg7 : memref<128x128xf32, #tpu.memory_space<vmem>>) dst(%dma_wait3A_21 : memref<10240x128xf32, #tpu.memory_space<vmem_shared>>)
    }
    %scan3A_13 = arith.constant 80 : i32
    %barrier3A_14 = arith.constant 0 : index
    tpu.barrier barrier_id(%barrier3A_14)
    "tpu.region"() ({
      %run_scoped3A = tpu.sem_alloc : memref<!tpu.dma_semaphore, #tpu.memory_space<semaphore_mem>>
      %dma_start3A = arith.constant 0 : i32
      %dma_start3A_15 = tpu.memref_slice %arg5[%arg0, %mul3A_2, %dma_start3A] : memref<2x10240x128xf32, #tpu.memory_space<hbm>> -> memref<1x640x128xf32, #tpu.memory_space<hbm>>
      %dma_start3A_16 = tpu.memref_squeeze %dma_start3A_15 : memref<1x640x128xf32, #tpu.memory_space<hbm>> -> memref<640x128xf32, #tpu.memory_space<hbm>>
      %dma_start3A_17 = arith.constant 0 : i32
      %dma_start3A_18 = tpu.memref_slice %arg8[%mul3A_2, %dma_start3A_17] : memref<10240x128xf32, #tpu.memory_space<vmem_shared>> -> memref<640x128xf32, #tpu.memory_space<vmem_shared>>
      tpu.enqueue_dma source(%dma_start3A_18 : memref<640x128xf32, #tpu.memory_space<vmem_shared>>) target(%dma_start3A_16 : memref<640x128xf32, #tpu.memory_space<hbm>>) target_semaphore(%run_scoped3A : memref<!tpu.dma_semaphore, #tpu.memory_space<semaphore_mem>>)
      %dma_wait3A = arith.constant 0 : i32
      %dma_wait3A_19 = tpu.memref_slice %arg5[%arg0, %mul3A_2, %dma_wait3A] : memref<2x10240x128xf32, #tpu.memory_space<hbm>> -> memref<1x640x128xf32, #tpu.memory_space<hbm>>
      %dma_wait3A_20 = tpu.memref_squeeze %dma_wait3A_19 : memref<1x640x128xf32, #tpu.memory_space<hbm>> -> memref<640x128xf32, #tpu.memory_space<hbm>>
      %dma_wait3A_21 = arith.constant 0 : i32
      %dma_wait3A_22 = tpu.memref_slice %arg8[%mul3A_2, %dma_wait3A_21] : memref<10240x128xf32, #tpu.memory_space<vmem_shared>> -> memref<640x128xf32, #tpu.memory_space<vmem_shared>>
      tpu.wait_dma2 semaphore(%run_scoped3A : memref<!tpu.dma_semaphore, #tpu.memory_space<semaphore_mem>>) src(%dma_wait3A_22 : memref<640x128xf32, #tpu.memory_space<vmem_shared>>) dst(%dma_wait3A_20 : memref<640x128xf32, #tpu.memory_space<hbm>>)
      tpu.yield
    }) : () -> ()
    return
  }
}

#map = affine_map<(d0, d1) -> (0, 0)>
#map1 = affine_map<(d0, d1) -> (0, 0, 0)>
module attributes {stable_mosaic.version = 14 : i64} {
  func.func @_agg_body(%arg0: i32, %arg1: i32, %arg2: memref<10240x128xf32, #tpu.memory_space<hbm>>, %arg3: memref<2560x2x128xi32, #tpu.memory_space<hbm>>, %arg4: memref<10240x128xf32, #tpu.memory_space<hbm>>, %arg5: memref<2x10240x128xf32, #tpu.memory_space<hbm>>, %arg6: memref<2x2x128xi32, #tpu.memory_space<vmem>>, %arg7: memref<2x128x128xf32, #tpu.memory_space<vmem>>, %arg8: memref<10240x128xf32, #tpu.memory_space<vmem_shared>>, %arg9: memref<!tpu.dma_semaphore, #tpu.memory_space<semaphore_mem>>, %arg10: memref<!tpu.dma_semaphore, #tpu.memory_space<semaphore_mem>>, %arg11: memref<!tpu.dma_semaphore, #tpu.memory_space<semaphore_mem>>, %arg12: memref<!tpu.dma_semaphore, #tpu.memory_space<semaphore_mem>>) attributes {dimension_semantics = [#tpu.dimension_semantics<core_parallel>, #tpu.dimension_semantics<subcore_parallel>], iteration_bounds = array<i64: 2, 16>, scalar_prefetch = 0 : i64, scratch_operands = 7 : i64, tpu.core_type = #tpu.core_type<sc_vector_subcore>, window_params = [{transform_indices = #map}, {transform_indices = #map1}, {transform_indices = #map}, {transform_indices = #map1}]} {
    %mul3A = arith.constant 640 : i32
    %mul3A_0 = arith.muli %arg1, %mul3A : i32
    %eq3A = arith.constant 0 : i32
    %eq3A_1 = arith.cmpi eq, %arg0, %eq3A : i32
    %mul3A_2 = arith.constant 110 : i32
    %mul3A_3 = arith.muli %arg1, %mul3A_2 : i32
    %mul3A_4 = arith.constant 50 : i32
    %mul3A_5 = arith.muli %arg1, %mul3A_4 : i32
    %add3A = arith.constant 1760 : i32
    %add3A_6 = arith.addi %add3A, %mul3A_5 : i32
    %select_n3A = arith.select %eq3A_1, %mul3A_3, %add3A_6 : i32
    %eq3A_7 = arith.constant 0 : i32
    %eq3A_8 = arith.cmpi eq, %arg0, %eq3A_7 : i32
    %jit3A = arith.constant 110 : i32
    %jit3A_9 = arith.constant 50 : i32
    %select_n3A_10 = arith.select %eq3A_8, %jit3A, %jit3A_9 : i32
    "tpu.region"() ({
      %run_scoped3A = tpu.sem_alloc : memref<!tpu.dma_semaphore, #tpu.memory_space<semaphore_mem>>
      %dma_start3A_86 = arith.constant 0 : i32
      %dma_start3A_87 = tpu.memref_slice %arg8[%mul3A_0, %dma_start3A_86] : memref<10240x128xf32, #tpu.memory_space<vmem_shared>> -> memref<640x128xf32, #tpu.memory_space<vmem_shared>>
      %dma_start3A_88 = arith.constant 0 : i32
      %dma_start3A_89 = tpu.memref_slice %arg4[%mul3A_0, %dma_start3A_88] : memref<10240x128xf32, #tpu.memory_space<hbm>> -> memref<640x128xf32, #tpu.memory_space<hbm>>
      tpu.enqueue_dma source(%dma_start3A_89 : memref<640x128xf32, #tpu.memory_space<hbm>>) target(%dma_start3A_87 : memref<640x128xf32, #tpu.memory_space<vmem_shared>>) target_semaphore(%run_scoped3A : memref<!tpu.dma_semaphore, #tpu.memory_space<semaphore_mem>>)
      %dma_wait3A_90 = arith.constant 0 : i32
      %dma_wait3A_91 = tpu.memref_slice %arg8[%mul3A_0, %dma_wait3A_90] : memref<10240x128xf32, #tpu.memory_space<vmem_shared>> -> memref<640x128xf32, #tpu.memory_space<vmem_shared>>
      %dma_wait3A_92 = arith.constant 0 : i32
      %dma_wait3A_93 = tpu.memref_slice %arg4[%mul3A_0, %dma_wait3A_92] : memref<10240x128xf32, #tpu.memory_space<hbm>> -> memref<640x128xf32, #tpu.memory_space<hbm>>
      tpu.wait_dma2 semaphore(%run_scoped3A : memref<!tpu.dma_semaphore, #tpu.memory_space<semaphore_mem>>) src(%dma_wait3A_93 : memref<640x128xf32, #tpu.memory_space<hbm>>) dst(%dma_wait3A_91 : memref<640x128xf32, #tpu.memory_space<vmem_shared>>)
      tpu.yield
    }) : () -> ()
    %dma_start3A = arith.constant 0 : i32
    %dma_start3A_11 = arith.constant 0 : i32
    %dma_start3A_12 = arith.constant 0 : i32
    %dma_start3A_13 = tpu.memref_slice %arg6[%dma_start3A, %dma_start3A_11, %dma_start3A_12] : memref<2x2x128xi32, #tpu.memory_space<vmem>> -> memref<1x2x128xi32, #tpu.memory_space<vmem>>
    %dma_start3A_14 = tpu.memref_squeeze %dma_start3A_13 : memref<1x2x128xi32, #tpu.memory_space<vmem>> -> memref<2x128xi32, #tpu.memory_space<vmem>>
    %dma_start3A_15 = arith.constant 0 : i32
    %dma_start3A_16 = arith.constant 0 : i32
    %dma_start3A_17 = tpu.memref_slice %arg3[%select_n3A, %dma_start3A_15, %dma_start3A_16] : memref<2560x2x128xi32, #tpu.memory_space<hbm>> -> memref<1x2x128xi32, #tpu.memory_space<hbm>>
    %dma_start3A_18 = tpu.memref_squeeze %dma_start3A_17 : memref<1x2x128xi32, #tpu.memory_space<hbm>> -> memref<2x128xi32, #tpu.memory_space<hbm>>
    %dma_start3A_19 = arith.constant 0 : i32
    %dma_start3A_20 = arith.constant 0 : i32
    %dma_start3A_21 = tpu.memref_slice %arg6[%dma_start3A, %dma_start3A_19, %dma_start3A_20] : memref<2x2x128xi32, #tpu.memory_space<vmem>> -> memref<1x2x128xi32, #tpu.memory_space<vmem>>
    %dma_start3A_22 = tpu.memref_squeeze %dma_start3A_21 : memref<1x2x128xi32, #tpu.memory_space<vmem>> -> memref<2x128xi32, #tpu.memory_space<vmem>>
    %dma_start3A_23 = arith.constant 0 : i32
    %dma_start3A_24 = arith.constant 0 : i32
    %dma_start3A_25 = tpu.memref_slice %arg3[%select_n3A, %dma_start3A_23, %dma_start3A_24] : memref<2560x2x128xi32, #tpu.memory_space<hbm>> -> memref<1x2x128xi32, #tpu.memory_space<hbm>>
    %dma_start3A_26 = tpu.memref_squeeze %dma_start3A_25 : memref<1x2x128xi32, #tpu.memory_space<hbm>> -> memref<2x128xi32, #tpu.memory_space<hbm>>
    tpu.enqueue_dma source(%dma_start3A_26 : memref<2x128xi32, #tpu.memory_space<hbm>>) target(%dma_start3A_22 : memref<2x128xi32, #tpu.memory_space<vmem>>) target_semaphore(%arg9 : memref<!tpu.dma_semaphore, #tpu.memory_space<semaphore_mem>>)
    %add3A_27 = arith.constant 1 : i32
    %add3A_28 = arith.addi %select_n3A, %add3A_27 : i32
    %dma_start3A_29 = arith.constant 1 : i32
    %dma_start3A_30 = arith.constant 0 : i32
    %dma_start3A_31 = arith.constant 0 : i32
    %dma_start3A_32 = tpu.memref_slice %arg6[%dma_start3A_29, %dma_start3A_30, %dma_start3A_31] : memref<2x2x128xi32, #tpu.memory_space<vmem>> -> memref<1x2x128xi32, #tpu.memory_space<vmem>>
    %dma_start3A_33 = tpu.memref_squeeze %dma_start3A_32 : memref<1x2x128xi32, #tpu.memory_space<vmem>> -> memref<2x128xi32, #tpu.memory_space<vmem>>
    %dma_start3A_34 = arith.constant 0 : i32
    %dma_start3A_35 = arith.constant 0 : i32
    %dma_start3A_36 = tpu.memref_slice %arg3[%add3A_28, %dma_start3A_34, %dma_start3A_35] : memref<2560x2x128xi32, #tpu.memory_space<hbm>> -> memref<1x2x128xi32, #tpu.memory_space<hbm>>
    %dma_start3A_37 = tpu.memref_squeeze %dma_start3A_36 : memref<1x2x128xi32, #tpu.memory_space<hbm>> -> memref<2x128xi32, #tpu.memory_space<hbm>>
    %dma_start3A_38 = arith.constant 0 : i32
    %dma_start3A_39 = arith.constant 0 : i32
    %dma_start3A_40 = tpu.memref_slice %arg6[%dma_start3A_29, %dma_start3A_38, %dma_start3A_39] : memref<2x2x128xi32, #tpu.memory_space<vmem>> -> memref<1x2x128xi32, #tpu.memory_space<vmem>>
    %dma_start3A_41 = tpu.memref_squeeze %dma_start3A_40 : memref<1x2x128xi32, #tpu.memory_space<vmem>> -> memref<2x128xi32, #tpu.memory_space<vmem>>
    %dma_start3A_42 = arith.constant 0 : i32
    %dma_start3A_43 = arith.constant 0 : i32
    %dma_start3A_44 = tpu.memref_slice %arg3[%add3A_28, %dma_start3A_42, %dma_start3A_43] : memref<2560x2x128xi32, #tpu.memory_space<hbm>> -> memref<1x2x128xi32, #tpu.memory_space<hbm>>
    %dma_start3A_45 = tpu.memref_squeeze %dma_start3A_44 : memref<1x2x128xi32, #tpu.memory_space<hbm>> -> memref<2x128xi32, #tpu.memory_space<hbm>>
    tpu.enqueue_dma source(%dma_start3A_45 : memref<2x128xi32, #tpu.memory_space<hbm>>) target(%dma_start3A_41 : memref<2x128xi32, #tpu.memory_space<vmem>>) target_semaphore(%arg10 : memref<!tpu.dma_semaphore, #tpu.memory_space<semaphore_mem>>)
    %barrier3A = arith.constant 0 : index
    tpu.barrier barrier_id(%barrier3A)
    %dma_wait3A = arith.constant 0 : i32
    %dma_wait3A_46 = arith.constant 0 : i32
    %dma_wait3A_47 = arith.constant 0 : i32
    %dma_wait3A_48 = tpu.memref_slice %arg6[%dma_wait3A, %dma_wait3A_46, %dma_wait3A_47] : memref<2x2x128xi32, #tpu.memory_space<vmem>> -> memref<1x2x128xi32, #tpu.memory_space<vmem>>
    %dma_wait3A_49 = tpu.memref_squeeze %dma_wait3A_48 : memref<1x2x128xi32, #tpu.memory_space<vmem>> -> memref<2x128xi32, #tpu.memory_space<vmem>>
    %dma_wait3A_50 = arith.constant 0 : i32
    %dma_wait3A_51 = arith.constant 0 : i32
    %dma_wait3A_52 = tpu.memref_slice %arg3[%select_n3A, %dma_wait3A_50, %dma_wait3A_51] : memref<2560x2x128xi32, #tpu.memory_space<hbm>> -> memref<1x2x128xi32, #tpu.memory_space<hbm>>
    %dma_wait3A_53 = tpu.memref_squeeze %dma_wait3A_52 : memref<1x2x128xi32, #tpu.memory_space<hbm>> -> memref<2x128xi32, #tpu.memory_space<hbm>>
    %dma_wait3A_54 = arith.constant 0 : i32
    %dma_wait3A_55 = arith.constant 0 : i32
    %dma_wait3A_56 = tpu.memref_slice %arg6[%dma_wait3A, %dma_wait3A_54, %dma_wait3A_55] : memref<2x2x128xi32, #tpu.memory_space<vmem>> -> memref<1x2x128xi32, #tpu.memory_space<vmem>>
    %dma_wait3A_57 = tpu.memref_squeeze %dma_wait3A_56 : memref<1x2x128xi32, #tpu.memory_space<vmem>> -> memref<2x128xi32, #tpu.memory_space<vmem>>
    %dma_wait3A_58 = arith.constant 0 : i32
    %dma_wait3A_59 = arith.constant 0 : i32
    %dma_wait3A_60 = tpu.memref_slice %arg3[%select_n3A, %dma_wait3A_58, %dma_wait3A_59] : memref<2560x2x128xi32, #tpu.memory_space<hbm>> -> memref<1x2x128xi32, #tpu.memory_space<hbm>>
    %dma_wait3A_61 = tpu.memref_squeeze %dma_wait3A_60 : memref<1x2x128xi32, #tpu.memory_space<hbm>> -> memref<2x128xi32, #tpu.memory_space<hbm>>
    tpu.wait_dma2 semaphore(%arg9 : memref<!tpu.dma_semaphore, #tpu.memory_space<semaphore_mem>>) src(%dma_wait3A_61 : memref<2x128xi32, #tpu.memory_space<hbm>>) dst(%dma_wait3A_57 : memref<2x128xi32, #tpu.memory_space<vmem>>)
    %dma_start3A_62 = arith.constant 0 : i32
    %dma_start3A_63 = arith.constant 0 : i32
    %dma_start3A_64 = arith.constant 0 : i32
    %dma_start3A_65 = arith.constant 0 : i32
    %dma_start3A_66 = arith.constant 0 : i32
    %dma_start3A_67 = tpu.memref_slice %arg7[%dma_start3A_64, %dma_start3A_65, %dma_start3A_66] : memref<2x128x128xf32, #tpu.memory_space<vmem>> -> memref<1x128x128xf32, #tpu.memory_space<vmem>>
    %dma_start3A_68 = tpu.memref_squeeze %dma_start3A_67 : memref<1x128x128xf32, #tpu.memory_space<vmem>> -> memref<128x128xf32, #tpu.memory_space<vmem>>
    %dma_start3A_69 = arith.constant 0 : i32
    %dma_start3A_70 = tpu.memref_slice %arg6[%dma_start3A_62, %dma_start3A_63, %dma_start3A_69] : memref<2x2x128xi32, #tpu.memory_space<vmem>> -> memref<1x1x128xi32, #tpu.memory_space<vmem>>
    %dma_start3A_71 = tpu.memref_squeeze %dma_start3A_70 : memref<1x1x128xi32, #tpu.memory_space<vmem>> -> memref<128xi32, #tpu.memory_space<vmem>>
    %dma_start3A_72 = arith.constant 0 : i32
    %dma_start3A_73 = arith.constant 0 : i32
    %dma_start3A_74 = tpu.memref_slice %arg2[%dma_start3A_72, %dma_start3A_73] : memref<10240x128xf32, #tpu.memory_space<hbm>> -> memref<10240x128xf32, #tpu.memory_space<hbm>>
    tpu.enqueue_indirect_dma source(%dma_start3A_74 : memref<10240x128xf32, #tpu.memory_space<hbm>>) target(%dma_start3A_68 : memref<128x128xf32, #tpu.memory_space<vmem>>) offsets(%dma_start3A_71 : memref<128xi32, #tpu.memory_space<vmem>>) semaphore(%arg11 : memref<!tpu.dma_semaphore, #tpu.memory_space<semaphore_mem>>)
    %div3A = arith.constant 2 : i32
    %div3A_75 = arith.divsi %select_n3A_10, %div3A : i32
    %while3A = arith.constant 0 : i32
    %while3A_76 = arith.constant 0 : i32
    %while3A_77 = arith.subi %div3A_75, %while3A_76 : i32
    %while3A_78 = arith.addi %while3A_76, %while3A_77 : i32
    %while3A_79 = arith.constant 1 : i32
    %while3A_80 = arith.divsi %while3A_77, %while3A_79 : i32
    %while3A_81 = arith.muli %while3A_80, %while3A_79 : i32
    %while3A_82 = arith.addi %while3A_76, %while3A_81 : i32
    %while3A_83 = arith.constant 1 : i32
    scf.for %while3A_86 = %while3A_76 to %while3A_82 step %while3A_83  : i32 {
      %mul3A_87 = arith.constant 2 : i32
      %mul3A_88 = arith.muli %mul3A_87, %while3A_86 : i32
      %add3A_89 = arith.constant 0 : i32
      %add3A_90 = arith.addi %mul3A_88, %add3A_89 : i32
      %add3A_91 = arith.constant 1 : i32
      %add3A_92 = arith.addi %add3A_90, %add3A_91 : i32
      %lt3A = arith.cmpi slt, %add3A_92, %select_n3A_10 : i32
      %convert_element_type3A = arith.extui %lt3A : i1 to i32
      %cond3A = arith.constant 0 : i32
      %cond3A_93 = arith.cmpi ne, %convert_element_type3A, %cond3A : i32
      scf.if %cond3A_93 {
        %dma_wait3A_147 = arith.constant 1 : i32
        %dma_wait3A_148 = arith.constant 0 : i32
        %dma_wait3A_149 = arith.constant 0 : i32
        %dma_wait3A_150 = tpu.memref_slice %arg6[%dma_wait3A_147, %dma_wait3A_148, %dma_wait3A_149] : memref<2x2x128xi32, #tpu.memory_space<vmem>> -> memref<1x2x128xi32, #tpu.memory_space<vmem>>
        %dma_wait3A_151 = tpu.memref_squeeze %dma_wait3A_150 : memref<1x2x128xi32, #tpu.memory_space<vmem>> -> memref<2x128xi32, #tpu.memory_space<vmem>>
        %dma_wait3A_152 = arith.constant 0 : i32
        %dma_wait3A_153 = arith.constant 0 : i32
        %dma_wait3A_154 = tpu.memref_slice %arg3[%select_n3A, %dma_wait3A_152, %dma_wait3A_153] : memref<2560x2x128xi32, #tpu.memory_space<hbm>> -> memref<1x2x128xi32, #tpu.memory_space<hbm>>
        %dma_wait3A_155 = tpu.memref_squeeze %dma_wait3A_154 : memref<1x2x128xi32, #tpu.memory_space<hbm>> -> memref<2x128xi32, #tpu.memory_space<hbm>>
        %dma_wait3A_156 = arith.constant 0 : i32
        %dma_wait3A_157 = arith.constant 0 : i32
        %dma_wait3A_158 = tpu.memref_slice %arg6[%dma_wait3A_147, %dma_wait3A_156, %dma_wait3A_157] : memref<2x2x128xi32, #tpu.memory_space<vmem>> -> memref<1x2x128xi32, #tpu.memory_space<vmem>>
        %dma_wait3A_159 = tpu.memref_squeeze %dma_wait3A_158 : memref<1x2x128xi32, #tpu.memory_space<vmem>> -> memref<2x128xi32, #tpu.memory_space<vmem>>
        %dma_wait3A_160 = arith.constant 0 : i32
        %dma_wait3A_161 = arith.constant 0 : i32
        %dma_wait3A_162 = tpu.memref_slice %arg3[%select_n3A, %dma_wait3A_160, %dma_wait3A_161] : memref<2560x2x128xi32, #tpu.memory_space<hbm>> -> memref<1x2x128xi32, #tpu.memory_space<hbm>>
        %dma_wait3A_163 = tpu.memref_squeeze %dma_wait3A_162 : memref<1x2x128xi32, #tpu.memory_space<hbm>> -> memref<2x128xi32, #tpu.memory_space<hbm>>
        tpu.wait_dma2 semaphore(%arg10 : memref<!tpu.dma_semaphore, #tpu.memory_space<semaphore_mem>>) src(%dma_wait3A_163 : memref<2x128xi32, #tpu.memory_space<hbm>>) dst(%dma_wait3A_159 : memref<2x128xi32, #tpu.memory_space<vmem>>)
        %dma_start3A_164 = arith.constant 1 : i32
        %dma_start3A_165 = arith.constant 0 : i32
        %dma_start3A_166 = arith.constant 1 : i32
        %dma_start3A_167 = arith.constant 0 : i32
        %dma_start3A_168 = arith.constant 0 : i32
        %dma_start3A_169 = tpu.memref_slice %arg7[%dma_start3A_166, %dma_start3A_167, %dma_start3A_168] : memref<2x128x128xf32, #tpu.memory_space<vmem>> -> memref<1x128x128xf32, #tpu.memory_space<vmem>>
        %dma_start3A_170 = tpu.memref_squeeze %dma_start3A_169 : memref<1x128x128xf32, #tpu.memory_space<vmem>> -> memref<128x128xf32, #tpu.memory_space<vmem>>
        %dma_start3A_171 = arith.constant 0 : i32
        %dma_start3A_172 = tpu.memref_slice %arg6[%dma_start3A_164, %dma_start3A_165, %dma_start3A_171] : memref<2x2x128xi32, #tpu.memory_space<vmem>> -> memref<1x1x128xi32, #tpu.memory_space<vmem>>
        %dma_start3A_173 = tpu.memref_squeeze %dma_start3A_172 : memref<1x1x128xi32, #tpu.memory_space<vmem>> -> memref<128xi32, #tpu.memory_space<vmem>>
        %dma_start3A_174 = arith.constant 0 : i32
        %dma_start3A_175 = arith.constant 0 : i32
        %dma_start3A_176 = tpu.memref_slice %arg2[%dma_start3A_174, %dma_start3A_175] : memref<10240x128xf32, #tpu.memory_space<hbm>> -> memref<10240x128xf32, #tpu.memory_space<hbm>>
        tpu.enqueue_indirect_dma source(%dma_start3A_176 : memref<10240x128xf32, #tpu.memory_space<hbm>>) target(%dma_start3A_170 : memref<128x128xf32, #tpu.memory_space<vmem>>) offsets(%dma_start3A_173 : memref<128xi32, #tpu.memory_space<vmem>>) semaphore(%arg12 : memref<!tpu.dma_semaphore, #tpu.memory_space<semaphore_mem>>)
      } else {
      }
      %dma_wait3A_94 = arith.constant 0 : i32
      %dma_wait3A_95 = arith.constant 0 : i32
      %dma_wait3A_96 = arith.constant 0 : i32
      %dma_wait3A_97 = arith.constant 0 : i32
      %dma_wait3A_98 = arith.constant 0 : i32
      %dma_wait3A_99 = tpu.memref_slice %arg7[%dma_wait3A_96, %dma_wait3A_97, %dma_wait3A_98] : memref<2x128x128xf32, #tpu.memory_space<vmem>> -> memref<1x128x128xf32, #tpu.memory_space<vmem>>
      %dma_wait3A_100 = tpu.memref_squeeze %dma_wait3A_99 : memref<1x128x128xf32, #tpu.memory_space<vmem>> -> memref<128x128xf32, #tpu.memory_space<vmem>>
      %dma_wait3A_101 = arith.constant 0 : i32
      %dma_wait3A_102 = tpu.memref_slice %arg6[%dma_wait3A_94, %dma_wait3A_95, %dma_wait3A_101] : memref<2x2x128xi32, #tpu.memory_space<vmem>> -> memref<1x1x128xi32, #tpu.memory_space<vmem>>
      %dma_wait3A_103 = tpu.memref_squeeze %dma_wait3A_102 : memref<1x1x128xi32, #tpu.memory_space<vmem>> -> memref<128xi32, #tpu.memory_space<vmem>>
      %dma_wait3A_104 = arith.constant 0 : i32
      %dma_wait3A_105 = arith.constant 0 : i32
      %dma_wait3A_106 = tpu.memref_slice %arg2[%dma_wait3A_104, %dma_wait3A_105] : memref<10240x128xf32, #tpu.memory_space<hbm>> -> memref<10240x128xf32, #tpu.memory_space<hbm>>
      tpu.wait_indirect_dma semaphore(%arg11 : memref<!tpu.dma_semaphore, #tpu.memory_space<semaphore_mem>>) src(%dma_wait3A_106 : memref<10240x128xf32, #tpu.memory_space<hbm>>) dst(%dma_wait3A_100 : memref<128x128xf32, #tpu.memory_space<vmem>>)
      %run_scoped3A = arith.constant 0 : i32
      %run_scoped3A_107 = arith.constant 0 : i32
      %run_scoped3A_108 = arith.constant 1 : i32
      "tpu.region"() ({
        %run_scoped3A_147 = tpu.sem_alloc : memref<!tpu.dma_semaphore, #tpu.memory_space<semaphore_mem>>
        %dma_start3A_148 = arith.constant 0 : i32
        %dma_start3A_149 = arith.constant 0 : i32
        %dma_start3A_150 = tpu.memref_slice %arg7[%run_scoped3A, %dma_start3A_148, %dma_start3A_149] : memref<2x128x128xf32, #tpu.memory_space<vmem>> -> memref<1x128x128xf32, #tpu.memory_space<vmem>>
        %dma_start3A_151 = tpu.memref_squeeze %dma_start3A_150 : memref<1x128x128xf32, #tpu.memory_space<vmem>> -> memref<128x128xf32, #tpu.memory_space<vmem>>
        %dma_start3A_152 = arith.constant 0 : i32
        %dma_start3A_153 = tpu.memref_slice %arg6[%run_scoped3A_107, %run_scoped3A_108, %dma_start3A_152] : memref<2x2x128xi32, #tpu.memory_space<vmem>> -> memref<1x1x128xi32, #tpu.memory_space<vmem>>
        %dma_start3A_154 = tpu.memref_squeeze %dma_start3A_153 : memref<1x1x128xi32, #tpu.memory_space<vmem>> -> memref<128xi32, #tpu.memory_space<vmem>>
        %dma_start3A_155 = arith.constant 0 : i32
        %dma_start3A_156 = arith.constant 0 : i32
        %dma_start3A_157 = tpu.memref_slice %arg8[%dma_start3A_155, %dma_start3A_156] : memref<10240x128xf32, #tpu.memory_space<vmem_shared>> -> memref<10240x128xf32, #tpu.memory_space<vmem_shared>>
        tpu.enqueue_indirect_dma source(%dma_start3A_151 : memref<128x128xf32, #tpu.memory_space<vmem>>) target(%dma_start3A_157 : memref<10240x128xf32, #tpu.memory_space<vmem_shared>>) offsets(%dma_start3A_154 : memref<128xi32, #tpu.memory_space<vmem>>) semaphore(%run_scoped3A_147 : memref<!tpu.dma_semaphore, #tpu.memory_space<semaphore_mem>>) {add = true}
        %dma_wait3A_158 = arith.constant 0 : i32
        %dma_wait3A_159 = arith.constant 0 : i32
        %dma_wait3A_160 = tpu.memref_slice %arg7[%run_scoped3A, %dma_wait3A_158, %dma_wait3A_159] : memref<2x128x128xf32, #tpu.memory_space<vmem>> -> memref<1x128x128xf32, #tpu.memory_space<vmem>>
        %dma_wait3A_161 = tpu.memref_squeeze %dma_wait3A_160 : memref<1x128x128xf32, #tpu.memory_space<vmem>> -> memref<128x128xf32, #tpu.memory_space<vmem>>
        %dma_wait3A_162 = arith.constant 0 : i32
        %dma_wait3A_163 = tpu.memref_slice %arg6[%run_scoped3A_107, %run_scoped3A_108, %dma_wait3A_162] : memref<2x2x128xi32, #tpu.memory_space<vmem>> -> memref<1x1x128xi32, #tpu.memory_space<vmem>>
        %dma_wait3A_164 = tpu.memref_squeeze %dma_wait3A_163 : memref<1x1x128xi32, #tpu.memory_space<vmem>> -> memref<128xi32, #tpu.memory_space<vmem>>
        %dma_wait3A_165 = arith.constant 0 : i32
        %dma_wait3A_166 = arith.constant 0 : i32
        %dma_wait3A_167 = tpu.memref_slice %arg8[%dma_wait3A_165, %dma_wait3A_166] : memref<10240x128xf32, #tpu.memory_space<vmem_shared>> -> memref<10240x128xf32, #tpu.memory_space<vmem_shared>>
        tpu.wait_indirect_dma semaphore(%run_scoped3A_147 : memref<!tpu.dma_semaphore, #tpu.memory_space<semaphore_mem>>) src(%dma_wait3A_161 : memref<128x128xf32, #tpu.memory_space<vmem>>) dst(%dma_wait3A_167 : memref<10240x128xf32, #tpu.memory_space<vmem_shared>>)
        tpu.yield
      }) : () -> ()
      %add3A_109 = arith.constant 2 : i32
      %add3A_110 = arith.addi %add3A_90, %add3A_109 : i32
      %lt3A_111 = arith.cmpi slt, %add3A_110, %select_n3A_10 : i32
      %convert_element_type3A_112 = arith.extui %lt3A_111 : i1 to i32
      %cond3A_113 = arith.constant 0 : i32
      %cond3A_114 = arith.cmpi ne, %convert_element_type3A_112, %cond3A_113 : i32
      scf.if %cond3A_114 {
        %add3A_147 = arith.constant 2 : i32
        %add3A_148 = arith.addi %add3A_90, %add3A_147 : i32
        %add3A_149 = arith.addi %select_n3A, %add3A_148 : i32
        %dma_start3A_150 = arith.constant 0 : i32
        %dma_start3A_151 = arith.constant 0 : i32
        %dma_start3A_152 = arith.constant 0 : i32
        %dma_start3A_153 = tpu.memref_slice %arg6[%dma_start3A_150, %dma_start3A_151, %dma_start3A_152] : memref<2x2x128xi32, #tpu.memory_space<vmem>> -> memref<1x2x128xi32, #tpu.memory_space<vmem>>
        %dma_start3A_154 = tpu.memref_squeeze %dma_start3A_153 : memref<1x2x128xi32, #tpu.memory_space<vmem>> -> memref<2x128xi32, #tpu.memory_space<vmem>>
        %dma_start3A_155 = arith.constant 0 : i32
        %dma_start3A_156 = arith.constant 0 : i32
        %dma_start3A_157 = tpu.memref_slice %arg3[%add3A_149, %dma_start3A_155, %dma_start3A_156] : memref<2560x2x128xi32, #tpu.memory_space<hbm>> -> memref<1x2x128xi32, #tpu.memory_space<hbm>>
        %dma_start3A_158 = tpu.memref_squeeze %dma_start3A_157 : memref<1x2x128xi32, #tpu.memory_space<hbm>> -> memref<2x128xi32, #tpu.memory_space<hbm>>
        %dma_start3A_159 = arith.constant 0 : i32
        %dma_start3A_160 = arith.constant 0 : i32
        %dma_start3A_161 = tpu.memref_slice %arg6[%dma_start3A_150, %dma_start3A_159, %dma_start3A_160] : memref<2x2x128xi32, #tpu.memory_space<vmem>> -> memref<1x2x128xi32, #tpu.memory_space<vmem>>
        %dma_start3A_162 = tpu.memref_squeeze %dma_start3A_161 : memref<1x2x128xi32, #tpu.memory_space<vmem>> -> memref<2x128xi32, #tpu.memory_space<vmem>>
        %dma_start3A_163 = arith.constant 0 : i32
        %dma_start3A_164 = arith.constant 0 : i32
        %dma_start3A_165 = tpu.memref_slice %arg3[%add3A_149, %dma_start3A_163, %dma_start3A_164] : memref<2560x2x128xi32, #tpu.memory_space<hbm>> -> memref<1x2x128xi32, #tpu.memory_space<hbm>>
        %dma_start3A_166 = tpu.memref_squeeze %dma_start3A_165 : memref<1x2x128xi32, #tpu.memory_space<hbm>> -> memref<2x128xi32, #tpu.memory_space<hbm>>
        tpu.enqueue_dma source(%dma_start3A_166 : memref<2x128xi32, #tpu.memory_space<hbm>>) target(%dma_start3A_162 : memref<2x128xi32, #tpu.memory_space<vmem>>) target_semaphore(%arg9 : memref<!tpu.dma_semaphore, #tpu.memory_space<semaphore_mem>>)
      } else {
      }
      %mul3A_115 = arith.constant 2 : i32
      %mul3A_116 = arith.muli %mul3A_115, %while3A_86 : i32
      %add3A_117 = arith.constant 1 : i32
      %add3A_118 = arith.addi %mul3A_116, %add3A_117 : i32
      %add3A_119 = arith.constant 1 : i32
      %add3A_120 = arith.addi %add3A_118, %add3A_119 : i32
      %lt3A_121 = arith.cmpi slt, %add3A_120, %select_n3A_10 : i32
      %convert_element_type3A_122 = arith.extui %lt3A_121 : i1 to i32
      %cond3A_123 = arith.constant 0 : i32
      %cond3A_124 = arith.cmpi ne, %convert_element_type3A_122, %cond3A_123 : i32
      scf.if %cond3A_124 {
        %dma_wait3A_147 = arith.constant 0 : i32
        %dma_wait3A_148 = arith.constant 0 : i32
        %dma_wait3A_149 = arith.constant 0 : i32
        %dma_wait3A_150 = tpu.memref_slice %arg6[%dma_wait3A_147, %dma_wait3A_148, %dma_wait3A_149] : memref<2x2x128xi32, #tpu.memory_space<vmem>> -> memref<1x2x128xi32, #tpu.memory_space<vmem>>
        %dma_wait3A_151 = tpu.memref_squeeze %dma_wait3A_150 : memref<1x2x128xi32, #tpu.memory_space<vmem>> -> memref<2x128xi32, #tpu.memory_space<vmem>>
        %dma_wait3A_152 = arith.constant 0 : i32
        %dma_wait3A_153 = arith.constant 0 : i32
        %dma_wait3A_154 = tpu.memref_slice %arg3[%select_n3A, %dma_wait3A_152, %dma_wait3A_153] : memref<2560x2x128xi32, #tpu.memory_space<hbm>> -> memref<1x2x128xi32, #tpu.memory_space<hbm>>
        %dma_wait3A_155 = tpu.memref_squeeze %dma_wait3A_154 : memref<1x2x128xi32, #tpu.memory_space<hbm>> -> memref<2x128xi32, #tpu.memory_space<hbm>>
        %dma_wait3A_156 = arith.constant 0 : i32
        %dma_wait3A_157 = arith.constant 0 : i32
        %dma_wait3A_158 = tpu.memref_slice %arg6[%dma_wait3A_147, %dma_wait3A_156, %dma_wait3A_157] : memref<2x2x128xi32, #tpu.memory_space<vmem>> -> memref<1x2x128xi32, #tpu.memory_space<vmem>>
        %dma_wait3A_159 = tpu.memref_squeeze %dma_wait3A_158 : memref<1x2x128xi32, #tpu.memory_space<vmem>> -> memref<2x128xi32, #tpu.memory_space<vmem>>
        %dma_wait3A_160 = arith.constant 0 : i32
        %dma_wait3A_161 = arith.constant 0 : i32
        %dma_wait3A_162 = tpu.memref_slice %arg3[%select_n3A, %dma_wait3A_160, %dma_wait3A_161] : memref<2560x2x128xi32, #tpu.memory_space<hbm>> -> memref<1x2x128xi32, #tpu.memory_space<hbm>>
        %dma_wait3A_163 = tpu.memref_squeeze %dma_wait3A_162 : memref<1x2x128xi32, #tpu.memory_space<hbm>> -> memref<2x128xi32, #tpu.memory_space<hbm>>
        tpu.wait_dma2 semaphore(%arg9 : memref<!tpu.dma_semaphore, #tpu.memory_space<semaphore_mem>>) src(%dma_wait3A_163 : memref<2x128xi32, #tpu.memory_space<hbm>>) dst(%dma_wait3A_159 : memref<2x128xi32, #tpu.memory_space<vmem>>)
        %dma_start3A_164 = arith.constant 0 : i32
        %dma_start3A_165 = arith.constant 0 : i32
        %dma_start3A_166 = arith.constant 0 : i32
        %dma_start3A_167 = arith.constant 0 : i32
        %dma_start3A_168 = arith.constant 0 : i32
        %dma_start3A_169 = tpu.memref_slice %arg7[%dma_start3A_166, %dma_start3A_167, %dma_start3A_168] : memref<2x128x128xf32, #tpu.memory_space<vmem>> -> memref<1x128x128xf32, #tpu.memory_space<vmem>>
        %dma_start3A_170 = tpu.memref_squeeze %dma_start3A_169 : memref<1x128x128xf32, #tpu.memory_space<vmem>> -> memref<128x128xf32, #tpu.memory_space<vmem>>
        %dma_start3A_171 = arith.constant 0 : i32
        %dma_start3A_172 = tpu.memref_slice %arg6[%dma_start3A_164, %dma_start3A_165, %dma_start3A_171] : memref<2x2x128xi32, #tpu.memory_space<vmem>> -> memref<1x1x128xi32, #tpu.memory_space<vmem>>
        %dma_start3A_173 = tpu.memref_squeeze %dma_start3A_172 : memref<1x1x128xi32, #tpu.memory_space<vmem>> -> memref<128xi32, #tpu.memory_space<vmem>>
        %dma_start3A_174 = arith.constant 0 : i32
        %dma_start3A_175 = arith.constant 0 : i32
        %dma_start3A_176 = tpu.memref_slice %arg2[%dma_start3A_174, %dma_start3A_175] : memref<10240x128xf32, #tpu.memory_space<hbm>> -> memref<10240x128xf32, #tpu.memory_space<hbm>>
        tpu.enqueue_indirect_dma source(%dma_start3A_176 : memref<10240x128xf32, #tpu.memory_space<hbm>>) target(%dma_start3A_170 : memref<128x128xf32, #tpu.memory_space<vmem>>) offsets(%dma_start3A_173 : memref<128xi32, #tpu.memory_space<vmem>>) semaphore(%arg11 : memref<!tpu.dma_semaphore, #tpu.memory_space<semaphore_mem>>)
      } else {
      }
      %dma_wait3A_125 = arith.constant 1 : i32
      %dma_wait3A_126 = arith.constant 0 : i32
      %dma_wait3A_127 = arith.constant 1 : i32
      %dma_wait3A_128 = arith.constant 0 : i32
      %dma_wait3A_129 = arith.constant 0 : i32
      %dma_wait3A_130 = tpu.memref_slice %arg7[%dma_wait3A_127, %dma_wait3A_128, %dma_wait3A_129] : memref<2x128x128xf32, #tpu.memory_space<vmem>> -> memref<1x128x128xf32, #tpu.memory_space<vmem>>
      %dma_wait3A_131 = tpu.memref_squeeze %dma_wait3A_130 : memref<1x128x128xf32, #tpu.memory_space<vmem>> -> memref<128x128xf32, #tpu.memory_space<vmem>>
      %dma_wait3A_132 = arith.constant 0 : i32
      %dma_wait3A_133 = tpu.memref_slice %arg6[%dma_wait3A_125, %dma_wait3A_126, %dma_wait3A_132] : memref<2x2x128xi32, #tpu.memory_space<vmem>> -> memref<1x1x128xi32, #tpu.memory_space<vmem>>
      %dma_wait3A_134 = tpu.memref_squeeze %dma_wait3A_133 : memref<1x1x128xi32, #tpu.memory_space<vmem>> -> memref<128xi32, #tpu.memory_space<vmem>>
      %dma_wait3A_135 = arith.constant 0 : i32
      %dma_wait3A_136 = arith.constant 0 : i32
      %dma_wait3A_137 = tpu.memref_slice %arg2[%dma_wait3A_135, %dma_wait3A_136] : memref<10240x128xf32, #tpu.memory_space<hbm>> -> memref<10240x128xf32, #tpu.memory_space<hbm>>
      tpu.wait_indirect_dma semaphore(%arg12 : memref<!tpu.dma_semaphore, #tpu.memory_space<semaphore_mem>>) src(%dma_wait3A_137 : memref<10240x128xf32, #tpu.memory_space<hbm>>) dst(%dma_wait3A_131 : memref<128x128xf32, #tpu.memory_space<vmem>>)
      %run_scoped3A_138 = arith.constant 1 : i32
      %run_scoped3A_139 = arith.constant 1 : i32
      %run_scoped3A_140 = arith.constant 1 : i32
      "tpu.region"() ({
        %run_scoped3A_147 = tpu.sem_alloc : memref<!tpu.dma_semaphore, #tpu.memory_space<semaphore_mem>>
        %dma_start3A_148 = arith.constant 0 : i32
        %dma_start3A_149 = arith.constant 0 : i32
        %dma_start3A_150 = tpu.memref_slice %arg7[%run_scoped3A_138, %dma_start3A_148, %dma_start3A_149] : memref<2x128x128xf32, #tpu.memory_space<vmem>> -> memref<1x128x128xf32, #tpu.memory_space<vmem>>
        %dma_start3A_151 = tpu.memref_squeeze %dma_start3A_150 : memref<1x128x128xf32, #tpu.memory_space<vmem>> -> memref<128x128xf32, #tpu.memory_space<vmem>>
        %dma_start3A_152 = arith.constant 0 : i32
        %dma_start3A_153 = tpu.memref_slice %arg6[%run_scoped3A_139, %run_scoped3A_140, %dma_start3A_152] : memref<2x2x128xi32, #tpu.memory_space<vmem>> -> memref<1x1x128xi32, #tpu.memory_space<vmem>>
        %dma_start3A_154 = tpu.memref_squeeze %dma_start3A_153 : memref<1x1x128xi32, #tpu.memory_space<vmem>> -> memref<128xi32, #tpu.memory_space<vmem>>
        %dma_start3A_155 = arith.constant 0 : i32
        %dma_start3A_156 = arith.constant 0 : i32
        %dma_start3A_157 = tpu.memref_slice %arg8[%dma_start3A_155, %dma_start3A_156] : memref<10240x128xf32, #tpu.memory_space<vmem_shared>> -> memref<10240x128xf32, #tpu.memory_space<vmem_shared>>
        tpu.enqueue_indirect_dma source(%dma_start3A_151 : memref<128x128xf32, #tpu.memory_space<vmem>>) target(%dma_start3A_157 : memref<10240x128xf32, #tpu.memory_space<vmem_shared>>) offsets(%dma_start3A_154 : memref<128xi32, #tpu.memory_space<vmem>>) semaphore(%run_scoped3A_147 : memref<!tpu.dma_semaphore, #tpu.memory_space<semaphore_mem>>) {add = true}
        %dma_wait3A_158 = arith.constant 0 : i32
        %dma_wait3A_159 = arith.constant 0 : i32
        %dma_wait3A_160 = tpu.memref_slice %arg7[%run_scoped3A_138, %dma_wait3A_158, %dma_wait3A_159] : memref<2x128x128xf32, #tpu.memory_space<vmem>> -> memref<1x128x128xf32, #tpu.memory_space<vmem>>
        %dma_wait3A_161 = tpu.memref_squeeze %dma_wait3A_160 : memref<1x128x128xf32, #tpu.memory_space<vmem>> -> memref<128x128xf32, #tpu.memory_space<vmem>>
        %dma_wait3A_162 = arith.constant 0 : i32
        %dma_wait3A_163 = tpu.memref_slice %arg6[%run_scoped3A_139, %run_scoped3A_140, %dma_wait3A_162] : memref<2x2x128xi32, #tpu.memory_space<vmem>> -> memref<1x1x128xi32, #tpu.memory_space<vmem>>
        %dma_wait3A_164 = tpu.memref_squeeze %dma_wait3A_163 : memref<1x1x128xi32, #tpu.memory_space<vmem>> -> memref<128xi32, #tpu.memory_space<vmem>>
        %dma_wait3A_165 = arith.constant 0 : i32
        %dma_wait3A_166 = arith.constant 0 : i32
        %dma_wait3A_167 = tpu.memref_slice %arg8[%dma_wait3A_165, %dma_wait3A_166] : memref<10240x128xf32, #tpu.memory_space<vmem_shared>> -> memref<10240x128xf32, #tpu.memory_space<vmem_shared>>
        tpu.wait_indirect_dma semaphore(%run_scoped3A_147 : memref<!tpu.dma_semaphore, #tpu.memory_space<semaphore_mem>>) src(%dma_wait3A_161 : memref<128x128xf32, #tpu.memory_space<vmem>>) dst(%dma_wait3A_167 : memref<10240x128xf32, #tpu.memory_space<vmem_shared>>)
        tpu.yield
      }) : () -> ()
      %add3A_141 = arith.constant 2 : i32
      %add3A_142 = arith.addi %add3A_118, %add3A_141 : i32
      %lt3A_143 = arith.cmpi slt, %add3A_142, %select_n3A_10 : i32
      %convert_element_type3A_144 = arith.extui %lt3A_143 : i1 to i32
      %cond3A_145 = arith.constant 0 : i32
      %cond3A_146 = arith.cmpi ne, %convert_element_type3A_144, %cond3A_145 : i32
      scf.if %cond3A_146 {
        %add3A_147 = arith.constant 2 : i32
        %add3A_148 = arith.addi %add3A_118, %add3A_147 : i32
        %add3A_149 = arith.addi %select_n3A, %add3A_148 : i32
        %dma_start3A_150 = arith.constant 1 : i32
        %dma_start3A_151 = arith.constant 0 : i32
        %dma_start3A_152 = arith.constant 0 : i32
        %dma_start3A_153 = tpu.memref_slice %arg6[%dma_start3A_150, %dma_start3A_151, %dma_start3A_152] : memref<2x2x128xi32, #tpu.memory_space<vmem>> -> memref<1x2x128xi32, #tpu.memory_space<vmem>>
        %dma_start3A_154 = tpu.memref_squeeze %dma_start3A_153 : memref<1x2x128xi32, #tpu.memory_space<vmem>> -> memref<2x128xi32, #tpu.memory_space<vmem>>
        %dma_start3A_155 = arith.constant 0 : i32
        %dma_start3A_156 = arith.constant 0 : i32
        %dma_start3A_157 = tpu.memref_slice %arg3[%add3A_149, %dma_start3A_155, %dma_start3A_156] : memref<2560x2x128xi32, #tpu.memory_space<hbm>> -> memref<1x2x128xi32, #tpu.memory_space<hbm>>
        %dma_start3A_158 = tpu.memref_squeeze %dma_start3A_157 : memref<1x2x128xi32, #tpu.memory_space<hbm>> -> memref<2x128xi32, #tpu.memory_space<hbm>>
        %dma_start3A_159 = arith.constant 0 : i32
        %dma_start3A_160 = arith.constant 0 : i32
        %dma_start3A_161 = tpu.memref_slice %arg6[%dma_start3A_150, %dma_start3A_159, %dma_start3A_160] : memref<2x2x128xi32, #tpu.memory_space<vmem>> -> memref<1x2x128xi32, #tpu.memory_space<vmem>>
        %dma_start3A_162 = tpu.memref_squeeze %dma_start3A_161 : memref<1x2x128xi32, #tpu.memory_space<vmem>> -> memref<2x128xi32, #tpu.memory_space<vmem>>
        %dma_start3A_163 = arith.constant 0 : i32
        %dma_start3A_164 = arith.constant 0 : i32
        %dma_start3A_165 = tpu.memref_slice %arg3[%add3A_149, %dma_start3A_163, %dma_start3A_164] : memref<2560x2x128xi32, #tpu.memory_space<hbm>> -> memref<1x2x128xi32, #tpu.memory_space<hbm>>
        %dma_start3A_166 = tpu.memref_squeeze %dma_start3A_165 : memref<1x2x128xi32, #tpu.memory_space<hbm>> -> memref<2x128xi32, #tpu.memory_space<hbm>>
        tpu.enqueue_dma source(%dma_start3A_166 : memref<2x128xi32, #tpu.memory_space<hbm>>) target(%dma_start3A_162 : memref<2x128xi32, #tpu.memory_space<vmem>>) target_semaphore(%arg10 : memref<!tpu.dma_semaphore, #tpu.memory_space<semaphore_mem>>)
      } else {
      }
    }
    %while3A_84 = arith.constant 1 : i32
    scf.for %while3A_86 = %while3A_82 to %while3A_78 step %while3A_84  : i32 {
      %mul3A_87 = arith.constant 2 : i32
      %mul3A_88 = arith.muli %mul3A_87, %while3A_86 : i32
      %add3A_89 = arith.constant 0 : i32
      %add3A_90 = arith.addi %mul3A_88, %add3A_89 : i32
      %add3A_91 = arith.constant 1 : i32
      %add3A_92 = arith.addi %add3A_90, %add3A_91 : i32
      %lt3A = arith.cmpi slt, %add3A_92, %select_n3A_10 : i32
      %convert_element_type3A = arith.extui %lt3A : i1 to i32
      %cond3A = arith.constant 0 : i32
      %cond3A_93 = arith.cmpi ne, %convert_element_type3A, %cond3A : i32
      scf.if %cond3A_93 {
        %dma_wait3A_147 = arith.constant 1 : i32
        %dma_wait3A_148 = arith.constant 0 : i32
        %dma_wait3A_149 = arith.constant 0 : i32
        %dma_wait3A_150 = tpu.memref_slice %arg6[%dma_wait3A_147, %dma_wait3A_148, %dma_wait3A_149] : memref<2x2x128xi32, #tpu.memory_space<vmem>> -> memref<1x2x128xi32, #tpu.memory_space<vmem>>
        %dma_wait3A_151 = tpu.memref_squeeze %dma_wait3A_150 : memref<1x2x128xi32, #tpu.memory_space<vmem>> -> memref<2x128xi32, #tpu.memory_space<vmem>>
        %dma_wait3A_152 = arith.constant 0 : i32
        %dma_wait3A_153 = arith.constant 0 : i32
        %dma_wait3A_154 = tpu.memref_slice %arg3[%select_n3A, %dma_wait3A_152, %dma_wait3A_153] : memref<2560x2x128xi32, #tpu.memory_space<hbm>> -> memref<1x2x128xi32, #tpu.memory_space<hbm>>
        %dma_wait3A_155 = tpu.memref_squeeze %dma_wait3A_154 : memref<1x2x128xi32, #tpu.memory_space<hbm>> -> memref<2x128xi32, #tpu.memory_space<hbm>>
        %dma_wait3A_156 = arith.constant 0 : i32
        %dma_wait3A_157 = arith.constant 0 : i32
        %dma_wait3A_158 = tpu.memref_slice %arg6[%dma_wait3A_147, %dma_wait3A_156, %dma_wait3A_157] : memref<2x2x128xi32, #tpu.memory_space<vmem>> -> memref<1x2x128xi32, #tpu.memory_space<vmem>>
        %dma_wait3A_159 = tpu.memref_squeeze %dma_wait3A_158 : memref<1x2x128xi32, #tpu.memory_space<vmem>> -> memref<2x128xi32, #tpu.memory_space<vmem>>
        %dma_wait3A_160 = arith.constant 0 : i32
        %dma_wait3A_161 = arith.constant 0 : i32
        %dma_wait3A_162 = tpu.memref_slice %arg3[%select_n3A, %dma_wait3A_160, %dma_wait3A_161] : memref<2560x2x128xi32, #tpu.memory_space<hbm>> -> memref<1x2x128xi32, #tpu.memory_space<hbm>>
        %dma_wait3A_163 = tpu.memref_squeeze %dma_wait3A_162 : memref<1x2x128xi32, #tpu.memory_space<hbm>> -> memref<2x128xi32, #tpu.memory_space<hbm>>
        tpu.wait_dma2 semaphore(%arg10 : memref<!tpu.dma_semaphore, #tpu.memory_space<semaphore_mem>>) src(%dma_wait3A_163 : memref<2x128xi32, #tpu.memory_space<hbm>>) dst(%dma_wait3A_159 : memref<2x128xi32, #tpu.memory_space<vmem>>)
        %dma_start3A_164 = arith.constant 1 : i32
        %dma_start3A_165 = arith.constant 0 : i32
        %dma_start3A_166 = arith.constant 1 : i32
        %dma_start3A_167 = arith.constant 0 : i32
        %dma_start3A_168 = arith.constant 0 : i32
        %dma_start3A_169 = tpu.memref_slice %arg7[%dma_start3A_166, %dma_start3A_167, %dma_start3A_168] : memref<2x128x128xf32, #tpu.memory_space<vmem>> -> memref<1x128x128xf32, #tpu.memory_space<vmem>>
        %dma_start3A_170 = tpu.memref_squeeze %dma_start3A_169 : memref<1x128x128xf32, #tpu.memory_space<vmem>> -> memref<128x128xf32, #tpu.memory_space<vmem>>
        %dma_start3A_171 = arith.constant 0 : i32
        %dma_start3A_172 = tpu.memref_slice %arg6[%dma_start3A_164, %dma_start3A_165, %dma_start3A_171] : memref<2x2x128xi32, #tpu.memory_space<vmem>> -> memref<1x1x128xi32, #tpu.memory_space<vmem>>
        %dma_start3A_173 = tpu.memref_squeeze %dma_start3A_172 : memref<1x1x128xi32, #tpu.memory_space<vmem>> -> memref<128xi32, #tpu.memory_space<vmem>>
        %dma_start3A_174 = arith.constant 0 : i32
        %dma_start3A_175 = arith.constant 0 : i32
        %dma_start3A_176 = tpu.memref_slice %arg2[%dma_start3A_174, %dma_start3A_175] : memref<10240x128xf32, #tpu.memory_space<hbm>> -> memref<10240x128xf32, #tpu.memory_space<hbm>>
        tpu.enqueue_indirect_dma source(%dma_start3A_176 : memref<10240x128xf32, #tpu.memory_space<hbm>>) target(%dma_start3A_170 : memref<128x128xf32, #tpu.memory_space<vmem>>) offsets(%dma_start3A_173 : memref<128xi32, #tpu.memory_space<vmem>>) semaphore(%arg12 : memref<!tpu.dma_semaphore, #tpu.memory_space<semaphore_mem>>)
      } else {
      }
      %dma_wait3A_94 = arith.constant 0 : i32
      %dma_wait3A_95 = arith.constant 0 : i32
      %dma_wait3A_96 = arith.constant 0 : i32
      %dma_wait3A_97 = arith.constant 0 : i32
      %dma_wait3A_98 = arith.constant 0 : i32
      %dma_wait3A_99 = tpu.memref_slice %arg7[%dma_wait3A_96, %dma_wait3A_97, %dma_wait3A_98] : memref<2x128x128xf32, #tpu.memory_space<vmem>> -> memref<1x128x128xf32, #tpu.memory_space<vmem>>
      %dma_wait3A_100 = tpu.memref_squeeze %dma_wait3A_99 : memref<1x128x128xf32, #tpu.memory_space<vmem>> -> memref<128x128xf32, #tpu.memory_space<vmem>>
      %dma_wait3A_101 = arith.constant 0 : i32
      %dma_wait3A_102 = tpu.memref_slice %arg6[%dma_wait3A_94, %dma_wait3A_95, %dma_wait3A_101] : memref<2x2x128xi32, #tpu.memory_space<vmem>> -> memref<1x1x128xi32, #tpu.memory_space<vmem>>
      %dma_wait3A_103 = tpu.memref_squeeze %dma_wait3A_102 : memref<1x1x128xi32, #tpu.memory_space<vmem>> -> memref<128xi32, #tpu.memory_space<vmem>>
      %dma_wait3A_104 = arith.constant 0 : i32
      %dma_wait3A_105 = arith.constant 0 : i32
      %dma_wait3A_106 = tpu.memref_slice %arg2[%dma_wait3A_104, %dma_wait3A_105] : memref<10240x128xf32, #tpu.memory_space<hbm>> -> memref<10240x128xf32, #tpu.memory_space<hbm>>
      tpu.wait_indirect_dma semaphore(%arg11 : memref<!tpu.dma_semaphore, #tpu.memory_space<semaphore_mem>>) src(%dma_wait3A_106 : memref<10240x128xf32, #tpu.memory_space<hbm>>) dst(%dma_wait3A_100 : memref<128x128xf32, #tpu.memory_space<vmem>>)
      %run_scoped3A = arith.constant 0 : i32
      %run_scoped3A_107 = arith.constant 0 : i32
      %run_scoped3A_108 = arith.constant 1 : i32
      "tpu.region"() ({
        %run_scoped3A_147 = tpu.sem_alloc : memref<!tpu.dma_semaphore, #tpu.memory_space<semaphore_mem>>
        %dma_start3A_148 = arith.constant 0 : i32
        %dma_start3A_149 = arith.constant 0 : i32
        %dma_start3A_150 = tpu.memref_slice %arg7[%run_scoped3A, %dma_start3A_148, %dma_start3A_149] : memref<2x128x128xf32, #tpu.memory_space<vmem>> -> memref<1x128x128xf32, #tpu.memory_space<vmem>>
        %dma_start3A_151 = tpu.memref_squeeze %dma_start3A_150 : memref<1x128x128xf32, #tpu.memory_space<vmem>> -> memref<128x128xf32, #tpu.memory_space<vmem>>
        %dma_start3A_152 = arith.constant 0 : i32
        %dma_start3A_153 = tpu.memref_slice %arg6[%run_scoped3A_107, %run_scoped3A_108, %dma_start3A_152] : memref<2x2x128xi32, #tpu.memory_space<vmem>> -> memref<1x1x128xi32, #tpu.memory_space<vmem>>
        %dma_start3A_154 = tpu.memref_squeeze %dma_start3A_153 : memref<1x1x128xi32, #tpu.memory_space<vmem>> -> memref<128xi32, #tpu.memory_space<vmem>>
        %dma_start3A_155 = arith.constant 0 : i32
        %dma_start3A_156 = arith.constant 0 : i32
        %dma_start3A_157 = tpu.memref_slice %arg8[%dma_start3A_155, %dma_start3A_156] : memref<10240x128xf32, #tpu.memory_space<vmem_shared>> -> memref<10240x128xf32, #tpu.memory_space<vmem_shared>>
        tpu.enqueue_indirect_dma source(%dma_start3A_151 : memref<128x128xf32, #tpu.memory_space<vmem>>) target(%dma_start3A_157 : memref<10240x128xf32, #tpu.memory_space<vmem_shared>>) offsets(%dma_start3A_154 : memref<128xi32, #tpu.memory_space<vmem>>) semaphore(%run_scoped3A_147 : memref<!tpu.dma_semaphore, #tpu.memory_space<semaphore_mem>>) {add = true}
        %dma_wait3A_158 = arith.constant 0 : i32
        %dma_wait3A_159 = arith.constant 0 : i32
        %dma_wait3A_160 = tpu.memref_slice %arg7[%run_scoped3A, %dma_wait3A_158, %dma_wait3A_159] : memref<2x128x128xf32, #tpu.memory_space<vmem>> -> memref<1x128x128xf32, #tpu.memory_space<vmem>>
        %dma_wait3A_161 = tpu.memref_squeeze %dma_wait3A_160 : memref<1x128x128xf32, #tpu.memory_space<vmem>> -> memref<128x128xf32, #tpu.memory_space<vmem>>
        %dma_wait3A_162 = arith.constant 0 : i32
        %dma_wait3A_163 = tpu.memref_slice %arg6[%run_scoped3A_107, %run_scoped3A_108, %dma_wait3A_162] : memref<2x2x128xi32, #tpu.memory_space<vmem>> -> memref<1x1x128xi32, #tpu.memory_space<vmem>>
        %dma_wait3A_164 = tpu.memref_squeeze %dma_wait3A_163 : memref<1x1x128xi32, #tpu.memory_space<vmem>> -> memref<128xi32, #tpu.memory_space<vmem>>
        %dma_wait3A_165 = arith.constant 0 : i32
        %dma_wait3A_166 = arith.constant 0 : i32
        %dma_wait3A_167 = tpu.memref_slice %arg8[%dma_wait3A_165, %dma_wait3A_166] : memref<10240x128xf32, #tpu.memory_space<vmem_shared>> -> memref<10240x128xf32, #tpu.memory_space<vmem_shared>>
        tpu.wait_indirect_dma semaphore(%run_scoped3A_147 : memref<!tpu.dma_semaphore, #tpu.memory_space<semaphore_mem>>) src(%dma_wait3A_161 : memref<128x128xf32, #tpu.memory_space<vmem>>) dst(%dma_wait3A_167 : memref<10240x128xf32, #tpu.memory_space<vmem_shared>>)
        tpu.yield
      }) : () -> ()
      %add3A_109 = arith.constant 2 : i32
      %add3A_110 = arith.addi %add3A_90, %add3A_109 : i32
      %lt3A_111 = arith.cmpi slt, %add3A_110, %select_n3A_10 : i32
      %convert_element_type3A_112 = arith.extui %lt3A_111 : i1 to i32
      %cond3A_113 = arith.constant 0 : i32
      %cond3A_114 = arith.cmpi ne, %convert_element_type3A_112, %cond3A_113 : i32
      scf.if %cond3A_114 {
        %add3A_147 = arith.constant 2 : i32
        %add3A_148 = arith.addi %add3A_90, %add3A_147 : i32
        %add3A_149 = arith.addi %select_n3A, %add3A_148 : i32
        %dma_start3A_150 = arith.constant 0 : i32
        %dma_start3A_151 = arith.constant 0 : i32
        %dma_start3A_152 = arith.constant 0 : i32
        %dma_start3A_153 = tpu.memref_slice %arg6[%dma_start3A_150, %dma_start3A_151, %dma_start3A_152] : memref<2x2x128xi32, #tpu.memory_space<vmem>> -> memref<1x2x128xi32, #tpu.memory_space<vmem>>
        %dma_start3A_154 = tpu.memref_squeeze %dma_start3A_153 : memref<1x2x128xi32, #tpu.memory_space<vmem>> -> memref<2x128xi32, #tpu.memory_space<vmem>>
        %dma_start3A_155 = arith.constant 0 : i32
        %dma_start3A_156 = arith.constant 0 : i32
        %dma_start3A_157 = tpu.memref_slice %arg3[%add3A_149, %dma_start3A_155, %dma_start3A_156] : memref<2560x2x128xi32, #tpu.memory_space<hbm>> -> memref<1x2x128xi32, #tpu.memory_space<hbm>>
        %dma_start3A_158 = tpu.memref_squeeze %dma_start3A_157 : memref<1x2x128xi32, #tpu.memory_space<hbm>> -> memref<2x128xi32, #tpu.memory_space<hbm>>
        %dma_start3A_159 = arith.constant 0 : i32
        %dma_start3A_160 = arith.constant 0 : i32
        %dma_start3A_161 = tpu.memref_slice %arg6[%dma_start3A_150, %dma_start3A_159, %dma_start3A_160] : memref<2x2x128xi32, #tpu.memory_space<vmem>> -> memref<1x2x128xi32, #tpu.memory_space<vmem>>
        %dma_start3A_162 = tpu.memref_squeeze %dma_start3A_161 : memref<1x2x128xi32, #tpu.memory_space<vmem>> -> memref<2x128xi32, #tpu.memory_space<vmem>>
        %dma_start3A_163 = arith.constant 0 : i32
        %dma_start3A_164 = arith.constant 0 : i32
        %dma_start3A_165 = tpu.memref_slice %arg3[%add3A_149, %dma_start3A_163, %dma_start3A_164] : memref<2560x2x128xi32, #tpu.memory_space<hbm>> -> memref<1x2x128xi32, #tpu.memory_space<hbm>>
        %dma_start3A_166 = tpu.memref_squeeze %dma_start3A_165 : memref<1x2x128xi32, #tpu.memory_space<hbm>> -> memref<2x128xi32, #tpu.memory_space<hbm>>
        tpu.enqueue_dma source(%dma_start3A_166 : memref<2x128xi32, #tpu.memory_space<hbm>>) target(%dma_start3A_162 : memref<2x128xi32, #tpu.memory_space<vmem>>) target_semaphore(%arg9 : memref<!tpu.dma_semaphore, #tpu.memory_space<semaphore_mem>>)
      } else {
      }
      %mul3A_115 = arith.constant 2 : i32
      %mul3A_116 = arith.muli %mul3A_115, %while3A_86 : i32
      %add3A_117 = arith.constant 1 : i32
      %add3A_118 = arith.addi %mul3A_116, %add3A_117 : i32
      %add3A_119 = arith.constant 1 : i32
      %add3A_120 = arith.addi %add3A_118, %add3A_119 : i32
      %lt3A_121 = arith.cmpi slt, %add3A_120, %select_n3A_10 : i32
      %convert_element_type3A_122 = arith.extui %lt3A_121 : i1 to i32
      %cond3A_123 = arith.constant 0 : i32
      %cond3A_124 = arith.cmpi ne, %convert_element_type3A_122, %cond3A_123 : i32
      scf.if %cond3A_124 {
        %dma_wait3A_147 = arith.constant 0 : i32
        %dma_wait3A_148 = arith.constant 0 : i32
        %dma_wait3A_149 = arith.constant 0 : i32
        %dma_wait3A_150 = tpu.memref_slice %arg6[%dma_wait3A_147, %dma_wait3A_148, %dma_wait3A_149] : memref<2x2x128xi32, #tpu.memory_space<vmem>> -> memref<1x2x128xi32, #tpu.memory_space<vmem>>
        %dma_wait3A_151 = tpu.memref_squeeze %dma_wait3A_150 : memref<1x2x128xi32, #tpu.memory_space<vmem>> -> memref<2x128xi32, #tpu.memory_space<vmem>>
        %dma_wait3A_152 = arith.constant 0 : i32
        %dma_wait3A_153 = arith.constant 0 : i32
        %dma_wait3A_154 = tpu.memref_slice %arg3[%select_n3A, %dma_wait3A_152, %dma_wait3A_153] : memref<2560x2x128xi32, #tpu.memory_space<hbm>> -> memref<1x2x128xi32, #tpu.memory_space<hbm>>
        %dma_wait3A_155 = tpu.memref_squeeze %dma_wait3A_154 : memref<1x2x128xi32, #tpu.memory_space<hbm>> -> memref<2x128xi32, #tpu.memory_space<hbm>>
        %dma_wait3A_156 = arith.constant 0 : i32
        %dma_wait3A_157 = arith.constant 0 : i32
        %dma_wait3A_158 = tpu.memref_slice %arg6[%dma_wait3A_147, %dma_wait3A_156, %dma_wait3A_157] : memref<2x2x128xi32, #tpu.memory_space<vmem>> -> memref<1x2x128xi32, #tpu.memory_space<vmem>>
        %dma_wait3A_159 = tpu.memref_squeeze %dma_wait3A_158 : memref<1x2x128xi32, #tpu.memory_space<vmem>> -> memref<2x128xi32, #tpu.memory_space<vmem>>
        %dma_wait3A_160 = arith.constant 0 : i32
        %dma_wait3A_161 = arith.constant 0 : i32
        %dma_wait3A_162 = tpu.memref_slice %arg3[%select_n3A, %dma_wait3A_160, %dma_wait3A_161] : memref<2560x2x128xi32, #tpu.memory_space<hbm>> -> memref<1x2x128xi32, #tpu.memory_space<hbm>>
        %dma_wait3A_163 = tpu.memref_squeeze %dma_wait3A_162 : memref<1x2x128xi32, #tpu.memory_space<hbm>> -> memref<2x128xi32, #tpu.memory_space<hbm>>
        tpu.wait_dma2 semaphore(%arg9 : memref<!tpu.dma_semaphore, #tpu.memory_space<semaphore_mem>>) src(%dma_wait3A_163 : memref<2x128xi32, #tpu.memory_space<hbm>>) dst(%dma_wait3A_159 : memref<2x128xi32, #tpu.memory_space<vmem>>)
        %dma_start3A_164 = arith.constant 0 : i32
        %dma_start3A_165 = arith.constant 0 : i32
        %dma_start3A_166 = arith.constant 0 : i32
        %dma_start3A_167 = arith.constant 0 : i32
        %dma_start3A_168 = arith.constant 0 : i32
        %dma_start3A_169 = tpu.memref_slice %arg7[%dma_start3A_166, %dma_start3A_167, %dma_start3A_168] : memref<2x128x128xf32, #tpu.memory_space<vmem>> -> memref<1x128x128xf32, #tpu.memory_space<vmem>>
        %dma_start3A_170 = tpu.memref_squeeze %dma_start3A_169 : memref<1x128x128xf32, #tpu.memory_space<vmem>> -> memref<128x128xf32, #tpu.memory_space<vmem>>
        %dma_start3A_171 = arith.constant 0 : i32
        %dma_start3A_172 = tpu.memref_slice %arg6[%dma_start3A_164, %dma_start3A_165, %dma_start3A_171] : memref<2x2x128xi32, #tpu.memory_space<vmem>> -> memref<1x1x128xi32, #tpu.memory_space<vmem>>
        %dma_start3A_173 = tpu.memref_squeeze %dma_start3A_172 : memref<1x1x128xi32, #tpu.memory_space<vmem>> -> memref<128xi32, #tpu.memory_space<vmem>>
        %dma_start3A_174 = arith.constant 0 : i32
        %dma_start3A_175 = arith.constant 0 : i32
        %dma_start3A_176 = tpu.memref_slice %arg2[%dma_start3A_174, %dma_start3A_175] : memref<10240x128xf32, #tpu.memory_space<hbm>> -> memref<10240x128xf32, #tpu.memory_space<hbm>>
        tpu.enqueue_indirect_dma source(%dma_start3A_176 : memref<10240x128xf32, #tpu.memory_space<hbm>>) target(%dma_start3A_170 : memref<128x128xf32, #tpu.memory_space<vmem>>) offsets(%dma_start3A_173 : memref<128xi32, #tpu.memory_space<vmem>>) semaphore(%arg11 : memref<!tpu.dma_semaphore, #tpu.memory_space<semaphore_mem>>)
      } else {
      }
      %dma_wait3A_125 = arith.constant 1 : i32
      %dma_wait3A_126 = arith.constant 0 : i32
      %dma_wait3A_127 = arith.constant 1 : i32
      %dma_wait3A_128 = arith.constant 0 : i32
      %dma_wait3A_129 = arith.constant 0 : i32
      %dma_wait3A_130 = tpu.memref_slice %arg7[%dma_wait3A_127, %dma_wait3A_128, %dma_wait3A_129] : memref<2x128x128xf32, #tpu.memory_space<vmem>> -> memref<1x128x128xf32, #tpu.memory_space<vmem>>
      %dma_wait3A_131 = tpu.memref_squeeze %dma_wait3A_130 : memref<1x128x128xf32, #tpu.memory_space<vmem>> -> memref<128x128xf32, #tpu.memory_space<vmem>>
      %dma_wait3A_132 = arith.constant 0 : i32
      %dma_wait3A_133 = tpu.memref_slice %arg6[%dma_wait3A_125, %dma_wait3A_126, %dma_wait3A_132] : memref<2x2x128xi32, #tpu.memory_space<vmem>> -> memref<1x1x128xi32, #tpu.memory_space<vmem>>
      %dma_wait3A_134 = tpu.memref_squeeze %dma_wait3A_133 : memref<1x1x128xi32, #tpu.memory_space<vmem>> -> memref<128xi32, #tpu.memory_space<vmem>>
      %dma_wait3A_135 = arith.constant 0 : i32
      %dma_wait3A_136 = arith.constant 0 : i32
      %dma_wait3A_137 = tpu.memref_slice %arg2[%dma_wait3A_135, %dma_wait3A_136] : memref<10240x128xf32, #tpu.memory_space<hbm>> -> memref<10240x128xf32, #tpu.memory_space<hbm>>
      tpu.wait_indirect_dma semaphore(%arg12 : memref<!tpu.dma_semaphore, #tpu.memory_space<semaphore_mem>>) src(%dma_wait3A_137 : memref<10240x128xf32, #tpu.memory_space<hbm>>) dst(%dma_wait3A_131 : memref<128x128xf32, #tpu.memory_space<vmem>>)
      %run_scoped3A_138 = arith.constant 1 : i32
      %run_scoped3A_139 = arith.constant 1 : i32
      %run_scoped3A_140 = arith.constant 1 : i32
      "tpu.region"() ({
        %run_scoped3A_147 = tpu.sem_alloc : memref<!tpu.dma_semaphore, #tpu.memory_space<semaphore_mem>>
        %dma_start3A_148 = arith.constant 0 : i32
        %dma_start3A_149 = arith.constant 0 : i32
        %dma_start3A_150 = tpu.memref_slice %arg7[%run_scoped3A_138, %dma_start3A_148, %dma_start3A_149] : memref<2x128x128xf32, #tpu.memory_space<vmem>> -> memref<1x128x128xf32, #tpu.memory_space<vmem>>
        %dma_start3A_151 = tpu.memref_squeeze %dma_start3A_150 : memref<1x128x128xf32, #tpu.memory_space<vmem>> -> memref<128x128xf32, #tpu.memory_space<vmem>>
        %dma_start3A_152 = arith.constant 0 : i32
        %dma_start3A_153 = tpu.memref_slice %arg6[%run_scoped3A_139, %run_scoped3A_140, %dma_start3A_152] : memref<2x2x128xi32, #tpu.memory_space<vmem>> -> memref<1x1x128xi32, #tpu.memory_space<vmem>>
        %dma_start3A_154 = tpu.memref_squeeze %dma_start3A_153 : memref<1x1x128xi32, #tpu.memory_space<vmem>> -> memref<128xi32, #tpu.memory_space<vmem>>
        %dma_start3A_155 = arith.constant 0 : i32
        %dma_start3A_156 = arith.constant 0 : i32
        %dma_start3A_157 = tpu.memref_slice %arg8[%dma_start3A_155, %dma_start3A_156] : memref<10240x128xf32, #tpu.memory_space<vmem_shared>> -> memref<10240x128xf32, #tpu.memory_space<vmem_shared>>
        tpu.enqueue_indirect_dma source(%dma_start3A_151 : memref<128x128xf32, #tpu.memory_space<vmem>>) target(%dma_start3A_157 : memref<10240x128xf32, #tpu.memory_space<vmem_shared>>) offsets(%dma_start3A_154 : memref<128xi32, #tpu.memory_space<vmem>>) semaphore(%run_scoped3A_147 : memref<!tpu.dma_semaphore, #tpu.memory_space<semaphore_mem>>) {add = true}
        %dma_wait3A_158 = arith.constant 0 : i32
        %dma_wait3A_159 = arith.constant 0 : i32
        %dma_wait3A_160 = tpu.memref_slice %arg7[%run_scoped3A_138, %dma_wait3A_158, %dma_wait3A_159] : memref<2x128x128xf32, #tpu.memory_space<vmem>> -> memref<1x128x128xf32, #tpu.memory_space<vmem>>
        %dma_wait3A_161 = tpu.memref_squeeze %dma_wait3A_160 : memref<1x128x128xf32, #tpu.memory_space<vmem>> -> memref<128x128xf32, #tpu.memory_space<vmem>>
        %dma_wait3A_162 = arith.constant 0 : i32
        %dma_wait3A_163 = tpu.memref_slice %arg6[%run_scoped3A_139, %run_scoped3A_140, %dma_wait3A_162] : memref<2x2x128xi32, #tpu.memory_space<vmem>> -> memref<1x1x128xi32, #tpu.memory_space<vmem>>
        %dma_wait3A_164 = tpu.memref_squeeze %dma_wait3A_163 : memref<1x1x128xi32, #tpu.memory_space<vmem>> -> memref<128xi32, #tpu.memory_space<vmem>>
        %dma_wait3A_165 = arith.constant 0 : i32
        %dma_wait3A_166 = arith.constant 0 : i32
        %dma_wait3A_167 = tpu.memref_slice %arg8[%dma_wait3A_165, %dma_wait3A_166] : memref<10240x128xf32, #tpu.memory_space<vmem_shared>> -> memref<10240x128xf32, #tpu.memory_space<vmem_shared>>
        tpu.wait_indirect_dma semaphore(%run_scoped3A_147 : memref<!tpu.dma_semaphore, #tpu.memory_space<semaphore_mem>>) src(%dma_wait3A_161 : memref<128x128xf32, #tpu.memory_space<vmem>>) dst(%dma_wait3A_167 : memref<10240x128xf32, #tpu.memory_space<vmem_shared>>)
        tpu.yield
      }) : () -> ()
      %add3A_141 = arith.constant 2 : i32
      %add3A_142 = arith.addi %add3A_118, %add3A_141 : i32
      %lt3A_143 = arith.cmpi slt, %add3A_142, %select_n3A_10 : i32
      %convert_element_type3A_144 = arith.extui %lt3A_143 : i1 to i32
      %cond3A_145 = arith.constant 0 : i32
      %cond3A_146 = arith.cmpi ne, %convert_element_type3A_144, %cond3A_145 : i32
      scf.if %cond3A_146 {
        %add3A_147 = arith.constant 2 : i32
        %add3A_148 = arith.addi %add3A_118, %add3A_147 : i32
        %add3A_149 = arith.addi %select_n3A, %add3A_148 : i32
        %dma_start3A_150 = arith.constant 1 : i32
        %dma_start3A_151 = arith.constant 0 : i32
        %dma_start3A_152 = arith.constant 0 : i32
        %dma_start3A_153 = tpu.memref_slice %arg6[%dma_start3A_150, %dma_start3A_151, %dma_start3A_152] : memref<2x2x128xi32, #tpu.memory_space<vmem>> -> memref<1x2x128xi32, #tpu.memory_space<vmem>>
        %dma_start3A_154 = tpu.memref_squeeze %dma_start3A_153 : memref<1x2x128xi32, #tpu.memory_space<vmem>> -> memref<2x128xi32, #tpu.memory_space<vmem>>
        %dma_start3A_155 = arith.constant 0 : i32
        %dma_start3A_156 = arith.constant 0 : i32
        %dma_start3A_157 = tpu.memref_slice %arg3[%add3A_149, %dma_start3A_155, %dma_start3A_156] : memref<2560x2x128xi32, #tpu.memory_space<hbm>> -> memref<1x2x128xi32, #tpu.memory_space<hbm>>
        %dma_start3A_158 = tpu.memref_squeeze %dma_start3A_157 : memref<1x2x128xi32, #tpu.memory_space<hbm>> -> memref<2x128xi32, #tpu.memory_space<hbm>>
        %dma_start3A_159 = arith.constant 0 : i32
        %dma_start3A_160 = arith.constant 0 : i32
        %dma_start3A_161 = tpu.memref_slice %arg6[%dma_start3A_150, %dma_start3A_159, %dma_start3A_160] : memref<2x2x128xi32, #tpu.memory_space<vmem>> -> memref<1x2x128xi32, #tpu.memory_space<vmem>>
        %dma_start3A_162 = tpu.memref_squeeze %dma_start3A_161 : memref<1x2x128xi32, #tpu.memory_space<vmem>> -> memref<2x128xi32, #tpu.memory_space<vmem>>
        %dma_start3A_163 = arith.constant 0 : i32
        %dma_start3A_164 = arith.constant 0 : i32
        %dma_start3A_165 = tpu.memref_slice %arg3[%add3A_149, %dma_start3A_163, %dma_start3A_164] : memref<2560x2x128xi32, #tpu.memory_space<hbm>> -> memref<1x2x128xi32, #tpu.memory_space<hbm>>
        %dma_start3A_166 = tpu.memref_squeeze %dma_start3A_165 : memref<1x2x128xi32, #tpu.memory_space<hbm>> -> memref<2x128xi32, #tpu.memory_space<hbm>>
        tpu.enqueue_dma source(%dma_start3A_166 : memref<2x128xi32, #tpu.memory_space<hbm>>) target(%dma_start3A_162 : memref<2x128xi32, #tpu.memory_space<vmem>>) target_semaphore(%arg10 : memref<!tpu.dma_semaphore, #tpu.memory_space<semaphore_mem>>)
      } else {
      }
    }
    %barrier3A_85 = arith.constant 0 : index
    tpu.barrier barrier_id(%barrier3A_85)
    "tpu.region"() ({
      %run_scoped3A = tpu.sem_alloc : memref<!tpu.dma_semaphore, #tpu.memory_space<semaphore_mem>>
      %dma_start3A_86 = arith.constant 0 : i32
      %dma_start3A_87 = tpu.memref_slice %arg5[%arg0, %mul3A_0, %dma_start3A_86] : memref<2x10240x128xf32, #tpu.memory_space<hbm>> -> memref<1x640x128xf32, #tpu.memory_space<hbm>>
      %dma_start3A_88 = tpu.memref_squeeze %dma_start3A_87 : memref<1x640x128xf32, #tpu.memory_space<hbm>> -> memref<640x128xf32, #tpu.memory_space<hbm>>
      %dma_start3A_89 = arith.constant 0 : i32
      %dma_start3A_90 = tpu.memref_slice %arg8[%mul3A_0, %dma_start3A_89] : memref<10240x128xf32, #tpu.memory_space<vmem_shared>> -> memref<640x128xf32, #tpu.memory_space<vmem_shared>>
      tpu.enqueue_dma source(%dma_start3A_90 : memref<640x128xf32, #tpu.memory_space<vmem_shared>>) target(%dma_start3A_88 : memref<640x128xf32, #tpu.memory_space<hbm>>) target_semaphore(%run_scoped3A : memref<!tpu.dma_semaphore, #tpu.memory_space<semaphore_mem>>)
      %dma_wait3A_91 = arith.constant 0 : i32
      %dma_wait3A_92 = tpu.memref_slice %arg5[%arg0, %mul3A_0, %dma_wait3A_91] : memref<2x10240x128xf32, #tpu.memory_space<hbm>> -> memref<1x640x128xf32, #tpu.memory_space<hbm>>
      %dma_wait3A_93 = tpu.memref_squeeze %dma_wait3A_92 : memref<1x640x128xf32, #tpu.memory_space<hbm>> -> memref<640x128xf32, #tpu.memory_space<hbm>>
      %dma_wait3A_94 = arith.constant 0 : i32
      %dma_wait3A_95 = tpu.memref_slice %arg8[%mul3A_0, %dma_wait3A_94] : memref<10240x128xf32, #tpu.memory_space<vmem_shared>> -> memref<640x128xf32, #tpu.memory_space<vmem_shared>>
      tpu.wait_dma2 semaphore(%run_scoped3A : memref<!tpu.dma_semaphore, #tpu.memory_space<semaphore_mem>>) src(%dma_wait3A_95 : memref<640x128xf32, #tpu.memory_space<vmem_shared>>) dst(%dma_wait3A_93 : memref<640x128xf32, #tpu.memory_space<hbm>>)
      tpu.yield
    }) : () -> ()
    return
  }
}

#map = affine_map<(d0, d1) -> (0, 0)>
#map1 = affine_map<(d0, d1) -> (0, 0, 0)>
module attributes {stable_mosaic.version = 14 : i64} {
  func.func @_agg_body(%arg0: i32, %arg1: i32, %arg2: memref<10240x128xf32, #tpu.memory_space<hbm>>, %arg3: memref<2560x2x128xi32, #tpu.memory_space<hbm>>, %arg4: memref<10240x128xf32, #tpu.memory_space<hbm>>, %arg5: memref<2x10240x128xf32, #tpu.memory_space<hbm>>, %arg6: memref<2x2x128xi32, #tpu.memory_space<vmem>>, %arg7: memref<2x128x128xf32, #tpu.memory_space<vmem>>, %arg8: memref<10240x128xf32, #tpu.memory_space<vmem_shared>>, %arg9: memref<!tpu.dma_semaphore, #tpu.memory_space<semaphore_mem>>, %arg10: memref<!tpu.dma_semaphore, #tpu.memory_space<semaphore_mem>>, %arg11: memref<!tpu.dma_semaphore, #tpu.memory_space<semaphore_mem>>, %arg12: memref<!tpu.dma_semaphore, #tpu.memory_space<semaphore_mem>>) attributes {dimension_semantics = [#tpu.dimension_semantics<core_parallel>, #tpu.dimension_semantics<subcore_parallel>], iteration_bounds = array<i64: 2, 16>, scalar_prefetch = 0 : i64, scratch_operands = 7 : i64, tpu.core_type = #tpu.core_type<sc_vector_subcore>, window_params = [{transform_indices = #map}, {transform_indices = #map1}, {transform_indices = #map}, {transform_indices = #map1}]} {
    %mul3A = arith.constant 640 : i32
    %mul3A_0 = arith.muli %arg1, %mul3A : i32
    %eq3A = arith.constant 0 : i32
    %eq3A_1 = arith.cmpi eq, %arg0, %eq3A : i32
    %mul3A_2 = arith.constant 110 : i32
    %mul3A_3 = arith.muli %arg1, %mul3A_2 : i32
    %mul3A_4 = arith.constant 50 : i32
    %mul3A_5 = arith.muli %arg1, %mul3A_4 : i32
    %add3A = arith.constant 1760 : i32
    %add3A_6 = arith.addi %add3A, %mul3A_5 : i32
    %select_n3A = arith.select %eq3A_1, %mul3A_3, %add3A_6 : i32
    %eq3A_7 = arith.constant 0 : i32
    %eq3A_8 = arith.cmpi eq, %arg0, %eq3A_7 : i32
    %jit3A = arith.constant 110 : i32
    %jit3A_9 = arith.constant 50 : i32
    %select_n3A_10 = arith.select %eq3A_8, %jit3A, %jit3A_9 : i32
    "tpu.region"() ({
      %run_scoped3A = tpu.sem_alloc : memref<!tpu.dma_semaphore, #tpu.memory_space<semaphore_mem>>
      %dma_start3A_86 = arith.constant 0 : i32
      %dma_start3A_87 = tpu.memref_slice %arg8[%mul3A_0, %dma_start3A_86] : memref<10240x128xf32, #tpu.memory_space<vmem_shared>> -> memref<640x128xf32, #tpu.memory_space<vmem_shared>>
      %dma_start3A_88 = arith.constant 0 : i32
      %dma_start3A_89 = tpu.memref_slice %arg4[%mul3A_0, %dma_start3A_88] : memref<10240x128xf32, #tpu.memory_space<hbm>> -> memref<640x128xf32, #tpu.memory_space<hbm>>
      tpu.enqueue_dma source(%dma_start3A_89 : memref<640x128xf32, #tpu.memory_space<hbm>>) target(%dma_start3A_87 : memref<640x128xf32, #tpu.memory_space<vmem_shared>>) target_semaphore(%run_scoped3A : memref<!tpu.dma_semaphore, #tpu.memory_space<semaphore_mem>>)
      %dma_wait3A_90 = arith.constant 0 : i32
      %dma_wait3A_91 = tpu.memref_slice %arg8[%mul3A_0, %dma_wait3A_90] : memref<10240x128xf32, #tpu.memory_space<vmem_shared>> -> memref<640x128xf32, #tpu.memory_space<vmem_shared>>
      %dma_wait3A_92 = arith.constant 0 : i32
      %dma_wait3A_93 = tpu.memref_slice %arg4[%mul3A_0, %dma_wait3A_92] : memref<10240x128xf32, #tpu.memory_space<hbm>> -> memref<640x128xf32, #tpu.memory_space<hbm>>
      tpu.wait_dma2 semaphore(%run_scoped3A : memref<!tpu.dma_semaphore, #tpu.memory_space<semaphore_mem>>) src(%dma_wait3A_93 : memref<640x128xf32, #tpu.memory_space<hbm>>) dst(%dma_wait3A_91 : memref<640x128xf32, #tpu.memory_space<vmem_shared>>)
      tpu.yield
    }) : () -> ()
    %dma_start3A = arith.constant 0 : i32
    %dma_start3A_11 = arith.constant 0 : i32
    %dma_start3A_12 = arith.constant 0 : i32
    %dma_start3A_13 = tpu.memref_slice %arg6[%dma_start3A, %dma_start3A_11, %dma_start3A_12] : memref<2x2x128xi32, #tpu.memory_space<vmem>> -> memref<1x2x128xi32, #tpu.memory_space<vmem>>
    %dma_start3A_14 = tpu.memref_squeeze %dma_start3A_13 : memref<1x2x128xi32, #tpu.memory_space<vmem>> -> memref<2x128xi32, #tpu.memory_space<vmem>>
    %dma_start3A_15 = arith.constant 0 : i32
    %dma_start3A_16 = arith.constant 0 : i32
    %dma_start3A_17 = tpu.memref_slice %arg3[%select_n3A, %dma_start3A_15, %dma_start3A_16] : memref<2560x2x128xi32, #tpu.memory_space<hbm>> -> memref<1x2x128xi32, #tpu.memory_space<hbm>>
    %dma_start3A_18 = tpu.memref_squeeze %dma_start3A_17 : memref<1x2x128xi32, #tpu.memory_space<hbm>> -> memref<2x128xi32, #tpu.memory_space<hbm>>
    %dma_start3A_19 = arith.constant 0 : i32
    %dma_start3A_20 = arith.constant 0 : i32
    %dma_start3A_21 = tpu.memref_slice %arg6[%dma_start3A, %dma_start3A_19, %dma_start3A_20] : memref<2x2x128xi32, #tpu.memory_space<vmem>> -> memref<1x2x128xi32, #tpu.memory_space<vmem>>
    %dma_start3A_22 = tpu.memref_squeeze %dma_start3A_21 : memref<1x2x128xi32, #tpu.memory_space<vmem>> -> memref<2x128xi32, #tpu.memory_space<vmem>>
    %dma_start3A_23 = arith.constant 0 : i32
    %dma_start3A_24 = arith.constant 0 : i32
    %dma_start3A_25 = tpu.memref_slice %arg3[%select_n3A, %dma_start3A_23, %dma_start3A_24] : memref<2560x2x128xi32, #tpu.memory_space<hbm>> -> memref<1x2x128xi32, #tpu.memory_space<hbm>>
    %dma_start3A_26 = tpu.memref_squeeze %dma_start3A_25 : memref<1x2x128xi32, #tpu.memory_space<hbm>> -> memref<2x128xi32, #tpu.memory_space<hbm>>
    tpu.enqueue_dma source(%dma_start3A_26 : memref<2x128xi32, #tpu.memory_space<hbm>>) target(%dma_start3A_22 : memref<2x128xi32, #tpu.memory_space<vmem>>) target_semaphore(%arg9 : memref<!tpu.dma_semaphore, #tpu.memory_space<semaphore_mem>>)
    %add3A_27 = arith.constant 1 : i32
    %add3A_28 = arith.addi %select_n3A, %add3A_27 : i32
    %dma_start3A_29 = arith.constant 1 : i32
    %dma_start3A_30 = arith.constant 0 : i32
    %dma_start3A_31 = arith.constant 0 : i32
    %dma_start3A_32 = tpu.memref_slice %arg6[%dma_start3A_29, %dma_start3A_30, %dma_start3A_31] : memref<2x2x128xi32, #tpu.memory_space<vmem>> -> memref<1x2x128xi32, #tpu.memory_space<vmem>>
    %dma_start3A_33 = tpu.memref_squeeze %dma_start3A_32 : memref<1x2x128xi32, #tpu.memory_space<vmem>> -> memref<2x128xi32, #tpu.memory_space<vmem>>
    %dma_start3A_34 = arith.constant 0 : i32
    %dma_start3A_35 = arith.constant 0 : i32
    %dma_start3A_36 = tpu.memref_slice %arg3[%add3A_28, %dma_start3A_34, %dma_start3A_35] : memref<2560x2x128xi32, #tpu.memory_space<hbm>> -> memref<1x2x128xi32, #tpu.memory_space<hbm>>
    %dma_start3A_37 = tpu.memref_squeeze %dma_start3A_36 : memref<1x2x128xi32, #tpu.memory_space<hbm>> -> memref<2x128xi32, #tpu.memory_space<hbm>>
    %dma_start3A_38 = arith.constant 0 : i32
    %dma_start3A_39 = arith.constant 0 : i32
    %dma_start3A_40 = tpu.memref_slice %arg6[%dma_start3A_29, %dma_start3A_38, %dma_start3A_39] : memref<2x2x128xi32, #tpu.memory_space<vmem>> -> memref<1x2x128xi32, #tpu.memory_space<vmem>>
    %dma_start3A_41 = tpu.memref_squeeze %dma_start3A_40 : memref<1x2x128xi32, #tpu.memory_space<vmem>> -> memref<2x128xi32, #tpu.memory_space<vmem>>
    %dma_start3A_42 = arith.constant 0 : i32
    %dma_start3A_43 = arith.constant 0 : i32
    %dma_start3A_44 = tpu.memref_slice %arg3[%add3A_28, %dma_start3A_42, %dma_start3A_43] : memref<2560x2x128xi32, #tpu.memory_space<hbm>> -> memref<1x2x128xi32, #tpu.memory_space<hbm>>
    %dma_start3A_45 = tpu.memref_squeeze %dma_start3A_44 : memref<1x2x128xi32, #tpu.memory_space<hbm>> -> memref<2x128xi32, #tpu.memory_space<hbm>>
    tpu.enqueue_dma source(%dma_start3A_45 : memref<2x128xi32, #tpu.memory_space<hbm>>) target(%dma_start3A_41 : memref<2x128xi32, #tpu.memory_space<vmem>>) target_semaphore(%arg10 : memref<!tpu.dma_semaphore, #tpu.memory_space<semaphore_mem>>)
    %barrier3A = arith.constant 0 : index
    tpu.barrier barrier_id(%barrier3A)
    %dma_wait3A = arith.constant 0 : i32
    %dma_wait3A_46 = arith.constant 0 : i32
    %dma_wait3A_47 = arith.constant 0 : i32
    %dma_wait3A_48 = tpu.memref_slice %arg6[%dma_wait3A, %dma_wait3A_46, %dma_wait3A_47] : memref<2x2x128xi32, #tpu.memory_space<vmem>> -> memref<1x2x128xi32, #tpu.memory_space<vmem>>
    %dma_wait3A_49 = tpu.memref_squeeze %dma_wait3A_48 : memref<1x2x128xi32, #tpu.memory_space<vmem>> -> memref<2x128xi32, #tpu.memory_space<vmem>>
    %dma_wait3A_50 = arith.constant 0 : i32
    %dma_wait3A_51 = arith.constant 0 : i32
    %dma_wait3A_52 = tpu.memref_slice %arg3[%select_n3A, %dma_wait3A_50, %dma_wait3A_51] : memref<2560x2x128xi32, #tpu.memory_space<hbm>> -> memref<1x2x128xi32, #tpu.memory_space<hbm>>
    %dma_wait3A_53 = tpu.memref_squeeze %dma_wait3A_52 : memref<1x2x128xi32, #tpu.memory_space<hbm>> -> memref<2x128xi32, #tpu.memory_space<hbm>>
    %dma_wait3A_54 = arith.constant 0 : i32
    %dma_wait3A_55 = arith.constant 0 : i32
    %dma_wait3A_56 = tpu.memref_slice %arg6[%dma_wait3A, %dma_wait3A_54, %dma_wait3A_55] : memref<2x2x128xi32, #tpu.memory_space<vmem>> -> memref<1x2x128xi32, #tpu.memory_space<vmem>>
    %dma_wait3A_57 = tpu.memref_squeeze %dma_wait3A_56 : memref<1x2x128xi32, #tpu.memory_space<vmem>> -> memref<2x128xi32, #tpu.memory_space<vmem>>
    %dma_wait3A_58 = arith.constant 0 : i32
    %dma_wait3A_59 = arith.constant 0 : i32
    %dma_wait3A_60 = tpu.memref_slice %arg3[%select_n3A, %dma_wait3A_58, %dma_wait3A_59] : memref<2560x2x128xi32, #tpu.memory_space<hbm>> -> memref<1x2x128xi32, #tpu.memory_space<hbm>>
    %dma_wait3A_61 = tpu.memref_squeeze %dma_wait3A_60 : memref<1x2x128xi32, #tpu.memory_space<hbm>> -> memref<2x128xi32, #tpu.memory_space<hbm>>
    tpu.wait_dma2 semaphore(%arg9 : memref<!tpu.dma_semaphore, #tpu.memory_space<semaphore_mem>>) src(%dma_wait3A_61 : memref<2x128xi32, #tpu.memory_space<hbm>>) dst(%dma_wait3A_57 : memref<2x128xi32, #tpu.memory_space<vmem>>)
    %dma_start3A_62 = arith.constant 0 : i32
    %dma_start3A_63 = arith.constant 0 : i32
    %dma_start3A_64 = arith.constant 0 : i32
    %dma_start3A_65 = arith.constant 0 : i32
    %dma_start3A_66 = arith.constant 0 : i32
    %dma_start3A_67 = tpu.memref_slice %arg7[%dma_start3A_64, %dma_start3A_65, %dma_start3A_66] : memref<2x128x128xf32, #tpu.memory_space<vmem>> -> memref<1x128x128xf32, #tpu.memory_space<vmem>>
    %dma_start3A_68 = tpu.memref_squeeze %dma_start3A_67 : memref<1x128x128xf32, #tpu.memory_space<vmem>> -> memref<128x128xf32, #tpu.memory_space<vmem>>
    %dma_start3A_69 = arith.constant 0 : i32
    %dma_start3A_70 = tpu.memref_slice %arg6[%dma_start3A_62, %dma_start3A_63, %dma_start3A_69] : memref<2x2x128xi32, #tpu.memory_space<vmem>> -> memref<1x1x128xi32, #tpu.memory_space<vmem>>
    %dma_start3A_71 = tpu.memref_squeeze %dma_start3A_70 : memref<1x1x128xi32, #tpu.memory_space<vmem>> -> memref<128xi32, #tpu.memory_space<vmem>>
    %dma_start3A_72 = arith.constant 0 : i32
    %dma_start3A_73 = arith.constant 0 : i32
    %dma_start3A_74 = tpu.memref_slice %arg2[%dma_start3A_72, %dma_start3A_73] : memref<10240x128xf32, #tpu.memory_space<hbm>> -> memref<10240x128xf32, #tpu.memory_space<hbm>>
    tpu.enqueue_indirect_dma source(%dma_start3A_74 : memref<10240x128xf32, #tpu.memory_space<hbm>>) target(%dma_start3A_68 : memref<128x128xf32, #tpu.memory_space<vmem>>) offsets(%dma_start3A_71 : memref<128xi32, #tpu.memory_space<vmem>>) semaphore(%arg11 : memref<!tpu.dma_semaphore, #tpu.memory_space<semaphore_mem>>)
    %div3A = arith.constant 2 : i32
    %div3A_75 = arith.divsi %select_n3A_10, %div3A : i32
    %while3A = arith.constant 0 : i32
    %while3A_76 = arith.constant 0 : i32
    %while3A_77 = arith.subi %div3A_75, %while3A_76 : i32
    %while3A_78 = arith.addi %while3A_76, %while3A_77 : i32
    %while3A_79 = arith.constant 1 : i32
    %while3A_80 = arith.divsi %while3A_77, %while3A_79 : i32
    %while3A_81 = arith.muli %while3A_80, %while3A_79 : i32
    %while3A_82 = arith.addi %while3A_76, %while3A_81 : i32
    %while3A_83 = arith.constant 1 : i32
    scf.for %while3A_86 = %while3A_76 to %while3A_82 step %while3A_83  : i32 {
      %mul3A_87 = arith.constant 2 : i32
      %mul3A_88 = arith.muli %mul3A_87, %while3A_86 : i32
      %add3A_89 = arith.constant 0 : i32
      %add3A_90 = arith.addi %mul3A_88, %add3A_89 : i32
      %add3A_91 = arith.constant 1 : i32
      %add3A_92 = arith.addi %add3A_90, %add3A_91 : i32
      %lt3A = arith.cmpi slt, %add3A_92, %select_n3A_10 : i32
      %convert_element_type3A = arith.extui %lt3A : i1 to i32
      %cond3A = arith.constant 0 : i32
      %cond3A_93 = arith.cmpi ne, %convert_element_type3A, %cond3A : i32
      scf.if %cond3A_93 {
        %dma_wait3A_147 = arith.constant 1 : i32
        %dma_wait3A_148 = arith.constant 0 : i32
        %dma_wait3A_149 = arith.constant 0 : i32
        %dma_wait3A_150 = tpu.memref_slice %arg6[%dma_wait3A_147, %dma_wait3A_148, %dma_wait3A_149] : memref<2x2x128xi32, #tpu.memory_space<vmem>> -> memref<1x2x128xi32, #tpu.memory_space<vmem>>
        %dma_wait3A_151 = tpu.memref_squeeze %dma_wait3A_150 : memref<1x2x128xi32, #tpu.memory_space<vmem>> -> memref<2x128xi32, #tpu.memory_space<vmem>>
        %dma_wait3A_152 = arith.constant 0 : i32
        %dma_wait3A_153 = arith.constant 0 : i32
        %dma_wait3A_154 = tpu.memref_slice %arg3[%select_n3A, %dma_wait3A_152, %dma_wait3A_153] : memref<2560x2x128xi32, #tpu.memory_space<hbm>> -> memref<1x2x128xi32, #tpu.memory_space<hbm>>
        %dma_wait3A_155 = tpu.memref_squeeze %dma_wait3A_154 : memref<1x2x128xi32, #tpu.memory_space<hbm>> -> memref<2x128xi32, #tpu.memory_space<hbm>>
        %dma_wait3A_156 = arith.constant 0 : i32
        %dma_wait3A_157 = arith.constant 0 : i32
        %dma_wait3A_158 = tpu.memref_slice %arg6[%dma_wait3A_147, %dma_wait3A_156, %dma_wait3A_157] : memref<2x2x128xi32, #tpu.memory_space<vmem>> -> memref<1x2x128xi32, #tpu.memory_space<vmem>>
        %dma_wait3A_159 = tpu.memref_squeeze %dma_wait3A_158 : memref<1x2x128xi32, #tpu.memory_space<vmem>> -> memref<2x128xi32, #tpu.memory_space<vmem>>
        %dma_wait3A_160 = arith.constant 0 : i32
        %dma_wait3A_161 = arith.constant 0 : i32
        %dma_wait3A_162 = tpu.memref_slice %arg3[%select_n3A, %dma_wait3A_160, %dma_wait3A_161] : memref<2560x2x128xi32, #tpu.memory_space<hbm>> -> memref<1x2x128xi32, #tpu.memory_space<hbm>>
        %dma_wait3A_163 = tpu.memref_squeeze %dma_wait3A_162 : memref<1x2x128xi32, #tpu.memory_space<hbm>> -> memref<2x128xi32, #tpu.memory_space<hbm>>
        tpu.wait_dma2 semaphore(%arg10 : memref<!tpu.dma_semaphore, #tpu.memory_space<semaphore_mem>>) src(%dma_wait3A_163 : memref<2x128xi32, #tpu.memory_space<hbm>>) dst(%dma_wait3A_159 : memref<2x128xi32, #tpu.memory_space<vmem>>)
        %dma_start3A_164 = arith.constant 1 : i32
        %dma_start3A_165 = arith.constant 0 : i32
        %dma_start3A_166 = arith.constant 1 : i32
        %dma_start3A_167 = arith.constant 0 : i32
        %dma_start3A_168 = arith.constant 0 : i32
        %dma_start3A_169 = tpu.memref_slice %arg7[%dma_start3A_166, %dma_start3A_167, %dma_start3A_168] : memref<2x128x128xf32, #tpu.memory_space<vmem>> -> memref<1x128x128xf32, #tpu.memory_space<vmem>>
        %dma_start3A_170 = tpu.memref_squeeze %dma_start3A_169 : memref<1x128x128xf32, #tpu.memory_space<vmem>> -> memref<128x128xf32, #tpu.memory_space<vmem>>
        %dma_start3A_171 = arith.constant 0 : i32
        %dma_start3A_172 = tpu.memref_slice %arg6[%dma_start3A_164, %dma_start3A_165, %dma_start3A_171] : memref<2x2x128xi32, #tpu.memory_space<vmem>> -> memref<1x1x128xi32, #tpu.memory_space<vmem>>
        %dma_start3A_173 = tpu.memref_squeeze %dma_start3A_172 : memref<1x1x128xi32, #tpu.memory_space<vmem>> -> memref<128xi32, #tpu.memory_space<vmem>>
        %dma_start3A_174 = arith.constant 0 : i32
        %dma_start3A_175 = arith.constant 0 : i32
        %dma_start3A_176 = tpu.memref_slice %arg2[%dma_start3A_174, %dma_start3A_175] : memref<10240x128xf32, #tpu.memory_space<hbm>> -> memref<10240x128xf32, #tpu.memory_space<hbm>>
        tpu.enqueue_indirect_dma source(%dma_start3A_176 : memref<10240x128xf32, #tpu.memory_space<hbm>>) target(%dma_start3A_170 : memref<128x128xf32, #tpu.memory_space<vmem>>) offsets(%dma_start3A_173 : memref<128xi32, #tpu.memory_space<vmem>>) semaphore(%arg12 : memref<!tpu.dma_semaphore, #tpu.memory_space<semaphore_mem>>)
      } else {
      }
      %dma_wait3A_94 = arith.constant 0 : i32
      %dma_wait3A_95 = arith.constant 0 : i32
      %dma_wait3A_96 = arith.constant 0 : i32
      %dma_wait3A_97 = arith.constant 0 : i32
      %dma_wait3A_98 = arith.constant 0 : i32
      %dma_wait3A_99 = tpu.memref_slice %arg7[%dma_wait3A_96, %dma_wait3A_97, %dma_wait3A_98] : memref<2x128x128xf32, #tpu.memory_space<vmem>> -> memref<1x128x128xf32, #tpu.memory_space<vmem>>
      %dma_wait3A_100 = tpu.memref_squeeze %dma_wait3A_99 : memref<1x128x128xf32, #tpu.memory_space<vmem>> -> memref<128x128xf32, #tpu.memory_space<vmem>>
      %dma_wait3A_101 = arith.constant 0 : i32
      %dma_wait3A_102 = tpu.memref_slice %arg6[%dma_wait3A_94, %dma_wait3A_95, %dma_wait3A_101] : memref<2x2x128xi32, #tpu.memory_space<vmem>> -> memref<1x1x128xi32, #tpu.memory_space<vmem>>
      %dma_wait3A_103 = tpu.memref_squeeze %dma_wait3A_102 : memref<1x1x128xi32, #tpu.memory_space<vmem>> -> memref<128xi32, #tpu.memory_space<vmem>>
      %dma_wait3A_104 = arith.constant 0 : i32
      %dma_wait3A_105 = arith.constant 0 : i32
      %dma_wait3A_106 = tpu.memref_slice %arg2[%dma_wait3A_104, %dma_wait3A_105] : memref<10240x128xf32, #tpu.memory_space<hbm>> -> memref<10240x128xf32, #tpu.memory_space<hbm>>
      tpu.wait_indirect_dma semaphore(%arg11 : memref<!tpu.dma_semaphore, #tpu.memory_space<semaphore_mem>>) src(%dma_wait3A_106 : memref<10240x128xf32, #tpu.memory_space<hbm>>) dst(%dma_wait3A_100 : memref<128x128xf32, #tpu.memory_space<vmem>>)
      %run_scoped3A = arith.constant 0 : i32
      %run_scoped3A_107 = arith.constant 0 : i32
      %run_scoped3A_108 = arith.constant 1 : i32
      "tpu.region"() ({
        %run_scoped3A_147 = tpu.sem_alloc : memref<!tpu.dma_semaphore, #tpu.memory_space<semaphore_mem>>
        %dma_start3A_148 = arith.constant 0 : i32
        %dma_start3A_149 = arith.constant 0 : i32
        %dma_start3A_150 = tpu.memref_slice %arg7[%run_scoped3A, %dma_start3A_148, %dma_start3A_149] : memref<2x128x128xf32, #tpu.memory_space<vmem>> -> memref<1x128x128xf32, #tpu.memory_space<vmem>>
        %dma_start3A_151 = tpu.memref_squeeze %dma_start3A_150 : memref<1x128x128xf32, #tpu.memory_space<vmem>> -> memref<128x128xf32, #tpu.memory_space<vmem>>
        %dma_start3A_152 = arith.constant 0 : i32
        %dma_start3A_153 = tpu.memref_slice %arg6[%run_scoped3A_107, %run_scoped3A_108, %dma_start3A_152] : memref<2x2x128xi32, #tpu.memory_space<vmem>> -> memref<1x1x128xi32, #tpu.memory_space<vmem>>
        %dma_start3A_154 = tpu.memref_squeeze %dma_start3A_153 : memref<1x1x128xi32, #tpu.memory_space<vmem>> -> memref<128xi32, #tpu.memory_space<vmem>>
        %dma_start3A_155 = arith.constant 0 : i32
        %dma_start3A_156 = arith.constant 0 : i32
        %dma_start3A_157 = tpu.memref_slice %arg8[%dma_start3A_155, %dma_start3A_156] : memref<10240x128xf32, #tpu.memory_space<vmem_shared>> -> memref<10240x128xf32, #tpu.memory_space<vmem_shared>>
        tpu.enqueue_indirect_dma source(%dma_start3A_151 : memref<128x128xf32, #tpu.memory_space<vmem>>) target(%dma_start3A_157 : memref<10240x128xf32, #tpu.memory_space<vmem_shared>>) offsets(%dma_start3A_154 : memref<128xi32, #tpu.memory_space<vmem>>) semaphore(%run_scoped3A_147 : memref<!tpu.dma_semaphore, #tpu.memory_space<semaphore_mem>>) {add = true}
        %dma_wait3A_158 = arith.constant 0 : i32
        %dma_wait3A_159 = arith.constant 0 : i32
        %dma_wait3A_160 = tpu.memref_slice %arg7[%run_scoped3A, %dma_wait3A_158, %dma_wait3A_159] : memref<2x128x128xf32, #tpu.memory_space<vmem>> -> memref<1x128x128xf32, #tpu.memory_space<vmem>>
        %dma_wait3A_161 = tpu.memref_squeeze %dma_wait3A_160 : memref<1x128x128xf32, #tpu.memory_space<vmem>> -> memref<128x128xf32, #tpu.memory_space<vmem>>
        %dma_wait3A_162 = arith.constant 0 : i32
        %dma_wait3A_163 = tpu.memref_slice %arg6[%run_scoped3A_107, %run_scoped3A_108, %dma_wait3A_162] : memref<2x2x128xi32, #tpu.memory_space<vmem>> -> memref<1x1x128xi32, #tpu.memory_space<vmem>>
        %dma_wait3A_164 = tpu.memref_squeeze %dma_wait3A_163 : memref<1x1x128xi32, #tpu.memory_space<vmem>> -> memref<128xi32, #tpu.memory_space<vmem>>
        %dma_wait3A_165 = arith.constant 0 : i32
        %dma_wait3A_166 = arith.constant 0 : i32
        %dma_wait3A_167 = tpu.memref_slice %arg8[%dma_wait3A_165, %dma_wait3A_166] : memref<10240x128xf32, #tpu.memory_space<vmem_shared>> -> memref<10240x128xf32, #tpu.memory_space<vmem_shared>>
        tpu.wait_indirect_dma semaphore(%run_scoped3A_147 : memref<!tpu.dma_semaphore, #tpu.memory_space<semaphore_mem>>) src(%dma_wait3A_161 : memref<128x128xf32, #tpu.memory_space<vmem>>) dst(%dma_wait3A_167 : memref<10240x128xf32, #tpu.memory_space<vmem_shared>>)
        tpu.yield
      }) : () -> ()
      %add3A_109 = arith.constant 2 : i32
      %add3A_110 = arith.addi %add3A_90, %add3A_109 : i32
      %lt3A_111 = arith.cmpi slt, %add3A_110, %select_n3A_10 : i32
      %convert_element_type3A_112 = arith.extui %lt3A_111 : i1 to i32
      %cond3A_113 = arith.constant 0 : i32
      %cond3A_114 = arith.cmpi ne, %convert_element_type3A_112, %cond3A_113 : i32
      scf.if %cond3A_114 {
        %add3A_147 = arith.constant 2 : i32
        %add3A_148 = arith.addi %add3A_90, %add3A_147 : i32
        %add3A_149 = arith.addi %select_n3A, %add3A_148 : i32
        %dma_start3A_150 = arith.constant 0 : i32
        %dma_start3A_151 = arith.constant 0 : i32
        %dma_start3A_152 = arith.constant 0 : i32
        %dma_start3A_153 = tpu.memref_slice %arg6[%dma_start3A_150, %dma_start3A_151, %dma_start3A_152] : memref<2x2x128xi32, #tpu.memory_space<vmem>> -> memref<1x2x128xi32, #tpu.memory_space<vmem>>
        %dma_start3A_154 = tpu.memref_squeeze %dma_start3A_153 : memref<1x2x128xi32, #tpu.memory_space<vmem>> -> memref<2x128xi32, #tpu.memory_space<vmem>>
        %dma_start3A_155 = arith.constant 0 : i32
        %dma_start3A_156 = arith.constant 0 : i32
        %dma_start3A_157 = tpu.memref_slice %arg3[%add3A_149, %dma_start3A_155, %dma_start3A_156] : memref<2560x2x128xi32, #tpu.memory_space<hbm>> -> memref<1x2x128xi32, #tpu.memory_space<hbm>>
        %dma_start3A_158 = tpu.memref_squeeze %dma_start3A_157 : memref<1x2x128xi32, #tpu.memory_space<hbm>> -> memref<2x128xi32, #tpu.memory_space<hbm>>
        %dma_start3A_159 = arith.constant 0 : i32
        %dma_start3A_160 = arith.constant 0 : i32
        %dma_start3A_161 = tpu.memref_slice %arg6[%dma_start3A_150, %dma_start3A_159, %dma_start3A_160] : memref<2x2x128xi32, #tpu.memory_space<vmem>> -> memref<1x2x128xi32, #tpu.memory_space<vmem>>
        %dma_start3A_162 = tpu.memref_squeeze %dma_start3A_161 : memref<1x2x128xi32, #tpu.memory_space<vmem>> -> memref<2x128xi32, #tpu.memory_space<vmem>>
        %dma_start3A_163 = arith.constant 0 : i32
        %dma_start3A_164 = arith.constant 0 : i32
        %dma_start3A_165 = tpu.memref_slice %arg3[%add3A_149, %dma_start3A_163, %dma_start3A_164] : memref<2560x2x128xi32, #tpu.memory_space<hbm>> -> memref<1x2x128xi32, #tpu.memory_space<hbm>>
        %dma_start3A_166 = tpu.memref_squeeze %dma_start3A_165 : memref<1x2x128xi32, #tpu.memory_space<hbm>> -> memref<2x128xi32, #tpu.memory_space<hbm>>
        tpu.enqueue_dma source(%dma_start3A_166 : memref<2x128xi32, #tpu.memory_space<hbm>>) target(%dma_start3A_162 : memref<2x128xi32, #tpu.memory_space<vmem>>) target_semaphore(%arg9 : memref<!tpu.dma_semaphore, #tpu.memory_space<semaphore_mem>>)
      } else {
      }
      %mul3A_115 = arith.constant 2 : i32
      %mul3A_116 = arith.muli %mul3A_115, %while3A_86 : i32
      %add3A_117 = arith.constant 1 : i32
      %add3A_118 = arith.addi %mul3A_116, %add3A_117 : i32
      %add3A_119 = arith.constant 1 : i32
      %add3A_120 = arith.addi %add3A_118, %add3A_119 : i32
      %lt3A_121 = arith.cmpi slt, %add3A_120, %select_n3A_10 : i32
      %convert_element_type3A_122 = arith.extui %lt3A_121 : i1 to i32
      %cond3A_123 = arith.constant 0 : i32
      %cond3A_124 = arith.cmpi ne, %convert_element_type3A_122, %cond3A_123 : i32
      scf.if %cond3A_124 {
        %dma_wait3A_147 = arith.constant 0 : i32
        %dma_wait3A_148 = arith.constant 0 : i32
        %dma_wait3A_149 = arith.constant 0 : i32
        %dma_wait3A_150 = tpu.memref_slice %arg6[%dma_wait3A_147, %dma_wait3A_148, %dma_wait3A_149] : memref<2x2x128xi32, #tpu.memory_space<vmem>> -> memref<1x2x128xi32, #tpu.memory_space<vmem>>
        %dma_wait3A_151 = tpu.memref_squeeze %dma_wait3A_150 : memref<1x2x128xi32, #tpu.memory_space<vmem>> -> memref<2x128xi32, #tpu.memory_space<vmem>>
        %dma_wait3A_152 = arith.constant 0 : i32
        %dma_wait3A_153 = arith.constant 0 : i32
        %dma_wait3A_154 = tpu.memref_slice %arg3[%select_n3A, %dma_wait3A_152, %dma_wait3A_153] : memref<2560x2x128xi32, #tpu.memory_space<hbm>> -> memref<1x2x128xi32, #tpu.memory_space<hbm>>
        %dma_wait3A_155 = tpu.memref_squeeze %dma_wait3A_154 : memref<1x2x128xi32, #tpu.memory_space<hbm>> -> memref<2x128xi32, #tpu.memory_space<hbm>>
        %dma_wait3A_156 = arith.constant 0 : i32
        %dma_wait3A_157 = arith.constant 0 : i32
        %dma_wait3A_158 = tpu.memref_slice %arg6[%dma_wait3A_147, %dma_wait3A_156, %dma_wait3A_157] : memref<2x2x128xi32, #tpu.memory_space<vmem>> -> memref<1x2x128xi32, #tpu.memory_space<vmem>>
        %dma_wait3A_159 = tpu.memref_squeeze %dma_wait3A_158 : memref<1x2x128xi32, #tpu.memory_space<vmem>> -> memref<2x128xi32, #tpu.memory_space<vmem>>
        %dma_wait3A_160 = arith.constant 0 : i32
        %dma_wait3A_161 = arith.constant 0 : i32
        %dma_wait3A_162 = tpu.memref_slice %arg3[%select_n3A, %dma_wait3A_160, %dma_wait3A_161] : memref<2560x2x128xi32, #tpu.memory_space<hbm>> -> memref<1x2x128xi32, #tpu.memory_space<hbm>>
        %dma_wait3A_163 = tpu.memref_squeeze %dma_wait3A_162 : memref<1x2x128xi32, #tpu.memory_space<hbm>> -> memref<2x128xi32, #tpu.memory_space<hbm>>
        tpu.wait_dma2 semaphore(%arg9 : memref<!tpu.dma_semaphore, #tpu.memory_space<semaphore_mem>>) src(%dma_wait3A_163 : memref<2x128xi32, #tpu.memory_space<hbm>>) dst(%dma_wait3A_159 : memref<2x128xi32, #tpu.memory_space<vmem>>)
        %dma_start3A_164 = arith.constant 0 : i32
        %dma_start3A_165 = arith.constant 0 : i32
        %dma_start3A_166 = arith.constant 0 : i32
        %dma_start3A_167 = arith.constant 0 : i32
        %dma_start3A_168 = arith.constant 0 : i32
        %dma_start3A_169 = tpu.memref_slice %arg7[%dma_start3A_166, %dma_start3A_167, %dma_start3A_168] : memref<2x128x128xf32, #tpu.memory_space<vmem>> -> memref<1x128x128xf32, #tpu.memory_space<vmem>>
        %dma_start3A_170 = tpu.memref_squeeze %dma_start3A_169 : memref<1x128x128xf32, #tpu.memory_space<vmem>> -> memref<128x128xf32, #tpu.memory_space<vmem>>
        %dma_start3A_171 = arith.constant 0 : i32
        %dma_start3A_172 = tpu.memref_slice %arg6[%dma_start3A_164, %dma_start3A_165, %dma_start3A_171] : memref<2x2x128xi32, #tpu.memory_space<vmem>> -> memref<1x1x128xi32, #tpu.memory_space<vmem>>
        %dma_start3A_173 = tpu.memref_squeeze %dma_start3A_172 : memref<1x1x128xi32, #tpu.memory_space<vmem>> -> memref<128xi32, #tpu.memory_space<vmem>>
        %dma_start3A_174 = arith.constant 0 : i32
        %dma_start3A_175 = arith.constant 0 : i32
        %dma_start3A_176 = tpu.memref_slice %arg2[%dma_start3A_174, %dma_start3A_175] : memref<10240x128xf32, #tpu.memory_space<hbm>> -> memref<10240x128xf32, #tpu.memory_space<hbm>>
        tpu.enqueue_indirect_dma source(%dma_start3A_176 : memref<10240x128xf32, #tpu.memory_space<hbm>>) target(%dma_start3A_170 : memref<128x128xf32, #tpu.memory_space<vmem>>) offsets(%dma_start3A_173 : memref<128xi32, #tpu.memory_space<vmem>>) semaphore(%arg11 : memref<!tpu.dma_semaphore, #tpu.memory_space<semaphore_mem>>)
      } else {
      }
      %dma_wait3A_125 = arith.constant 1 : i32
      %dma_wait3A_126 = arith.constant 0 : i32
      %dma_wait3A_127 = arith.constant 1 : i32
      %dma_wait3A_128 = arith.constant 0 : i32
      %dma_wait3A_129 = arith.constant 0 : i32
      %dma_wait3A_130 = tpu.memref_slice %arg7[%dma_wait3A_127, %dma_wait3A_128, %dma_wait3A_129] : memref<2x128x128xf32, #tpu.memory_space<vmem>> -> memref<1x128x128xf32, #tpu.memory_space<vmem>>
      %dma_wait3A_131 = tpu.memref_squeeze %dma_wait3A_130 : memref<1x128x128xf32, #tpu.memory_space<vmem>> -> memref<128x128xf32, #tpu.memory_space<vmem>>
      %dma_wait3A_132 = arith.constant 0 : i32
      %dma_wait3A_133 = tpu.memref_slice %arg6[%dma_wait3A_125, %dma_wait3A_126, %dma_wait3A_132] : memref<2x2x128xi32, #tpu.memory_space<vmem>> -> memref<1x1x128xi32, #tpu.memory_space<vmem>>
      %dma_wait3A_134 = tpu.memref_squeeze %dma_wait3A_133 : memref<1x1x128xi32, #tpu.memory_space<vmem>> -> memref<128xi32, #tpu.memory_space<vmem>>
      %dma_wait3A_135 = arith.constant 0 : i32
      %dma_wait3A_136 = arith.constant 0 : i32
      %dma_wait3A_137 = tpu.memref_slice %arg2[%dma_wait3A_135, %dma_wait3A_136] : memref<10240x128xf32, #tpu.memory_space<hbm>> -> memref<10240x128xf32, #tpu.memory_space<hbm>>
      tpu.wait_indirect_dma semaphore(%arg12 : memref<!tpu.dma_semaphore, #tpu.memory_space<semaphore_mem>>) src(%dma_wait3A_137 : memref<10240x128xf32, #tpu.memory_space<hbm>>) dst(%dma_wait3A_131 : memref<128x128xf32, #tpu.memory_space<vmem>>)
      %run_scoped3A_138 = arith.constant 1 : i32
      %run_scoped3A_139 = arith.constant 1 : i32
      %run_scoped3A_140 = arith.constant 1 : i32
      "tpu.region"() ({
        %run_scoped3A_147 = tpu.sem_alloc : memref<!tpu.dma_semaphore, #tpu.memory_space<semaphore_mem>>
        %dma_start3A_148 = arith.constant 0 : i32
        %dma_start3A_149 = arith.constant 0 : i32
        %dma_start3A_150 = tpu.memref_slice %arg7[%run_scoped3A_138, %dma_start3A_148, %dma_start3A_149] : memref<2x128x128xf32, #tpu.memory_space<vmem>> -> memref<1x128x128xf32, #tpu.memory_space<vmem>>
        %dma_start3A_151 = tpu.memref_squeeze %dma_start3A_150 : memref<1x128x128xf32, #tpu.memory_space<vmem>> -> memref<128x128xf32, #tpu.memory_space<vmem>>
        %dma_start3A_152 = arith.constant 0 : i32
        %dma_start3A_153 = tpu.memref_slice %arg6[%run_scoped3A_139, %run_scoped3A_140, %dma_start3A_152] : memref<2x2x128xi32, #tpu.memory_space<vmem>> -> memref<1x1x128xi32, #tpu.memory_space<vmem>>
        %dma_start3A_154 = tpu.memref_squeeze %dma_start3A_153 : memref<1x1x128xi32, #tpu.memory_space<vmem>> -> memref<128xi32, #tpu.memory_space<vmem>>
        %dma_start3A_155 = arith.constant 0 : i32
        %dma_start3A_156 = arith.constant 0 : i32
        %dma_start3A_157 = tpu.memref_slice %arg8[%dma_start3A_155, %dma_start3A_156] : memref<10240x128xf32, #tpu.memory_space<vmem_shared>> -> memref<10240x128xf32, #tpu.memory_space<vmem_shared>>
        tpu.enqueue_indirect_dma source(%dma_start3A_151 : memref<128x128xf32, #tpu.memory_space<vmem>>) target(%dma_start3A_157 : memref<10240x128xf32, #tpu.memory_space<vmem_shared>>) offsets(%dma_start3A_154 : memref<128xi32, #tpu.memory_space<vmem>>) semaphore(%run_scoped3A_147 : memref<!tpu.dma_semaphore, #tpu.memory_space<semaphore_mem>>) {add = true}
        %dma_wait3A_158 = arith.constant 0 : i32
        %dma_wait3A_159 = arith.constant 0 : i32
        %dma_wait3A_160 = tpu.memref_slice %arg7[%run_scoped3A_138, %dma_wait3A_158, %dma_wait3A_159] : memref<2x128x128xf32, #tpu.memory_space<vmem>> -> memref<1x128x128xf32, #tpu.memory_space<vmem>>
        %dma_wait3A_161 = tpu.memref_squeeze %dma_wait3A_160 : memref<1x128x128xf32, #tpu.memory_space<vmem>> -> memref<128x128xf32, #tpu.memory_space<vmem>>
        %dma_wait3A_162 = arith.constant 0 : i32
        %dma_wait3A_163 = tpu.memref_slice %arg6[%run_scoped3A_139, %run_scoped3A_140, %dma_wait3A_162] : memref<2x2x128xi32, #tpu.memory_space<vmem>> -> memref<1x1x128xi32, #tpu.memory_space<vmem>>
        %dma_wait3A_164 = tpu.memref_squeeze %dma_wait3A_163 : memref<1x1x128xi32, #tpu.memory_space<vmem>> -> memref<128xi32, #tpu.memory_space<vmem>>
        %dma_wait3A_165 = arith.constant 0 : i32
        %dma_wait3A_166 = arith.constant 0 : i32
        %dma_wait3A_167 = tpu.memref_slice %arg8[%dma_wait3A_165, %dma_wait3A_166] : memref<10240x128xf32, #tpu.memory_space<vmem_shared>> -> memref<10240x128xf32, #tpu.memory_space<vmem_shared>>
        tpu.wait_indirect_dma semaphore(%run_scoped3A_147 : memref<!tpu.dma_semaphore, #tpu.memory_space<semaphore_mem>>) src(%dma_wait3A_161 : memref<128x128xf32, #tpu.memory_space<vmem>>) dst(%dma_wait3A_167 : memref<10240x128xf32, #tpu.memory_space<vmem_shared>>)
        tpu.yield
      }) : () -> ()
      %add3A_141 = arith.constant 2 : i32
      %add3A_142 = arith.addi %add3A_118, %add3A_141 : i32
      %lt3A_143 = arith.cmpi slt, %add3A_142, %select_n3A_10 : i32
      %convert_element_type3A_144 = arith.extui %lt3A_143 : i1 to i32
      %cond3A_145 = arith.constant 0 : i32
      %cond3A_146 = arith.cmpi ne, %convert_element_type3A_144, %cond3A_145 : i32
      scf.if %cond3A_146 {
        %add3A_147 = arith.constant 2 : i32
        %add3A_148 = arith.addi %add3A_118, %add3A_147 : i32
        %add3A_149 = arith.addi %select_n3A, %add3A_148 : i32
        %dma_start3A_150 = arith.constant 1 : i32
        %dma_start3A_151 = arith.constant 0 : i32
        %dma_start3A_152 = arith.constant 0 : i32
        %dma_start3A_153 = tpu.memref_slice %arg6[%dma_start3A_150, %dma_start3A_151, %dma_start3A_152] : memref<2x2x128xi32, #tpu.memory_space<vmem>> -> memref<1x2x128xi32, #tpu.memory_space<vmem>>
        %dma_start3A_154 = tpu.memref_squeeze %dma_start3A_153 : memref<1x2x128xi32, #tpu.memory_space<vmem>> -> memref<2x128xi32, #tpu.memory_space<vmem>>
        %dma_start3A_155 = arith.constant 0 : i32
        %dma_start3A_156 = arith.constant 0 : i32
        %dma_start3A_157 = tpu.memref_slice %arg3[%add3A_149, %dma_start3A_155, %dma_start3A_156] : memref<2560x2x128xi32, #tpu.memory_space<hbm>> -> memref<1x2x128xi32, #tpu.memory_space<hbm>>
        %dma_start3A_158 = tpu.memref_squeeze %dma_start3A_157 : memref<1x2x128xi32, #tpu.memory_space<hbm>> -> memref<2x128xi32, #tpu.memory_space<hbm>>
        %dma_start3A_159 = arith.constant 0 : i32
        %dma_start3A_160 = arith.constant 0 : i32
        %dma_start3A_161 = tpu.memref_slice %arg6[%dma_start3A_150, %dma_start3A_159, %dma_start3A_160] : memref<2x2x128xi32, #tpu.memory_space<vmem>> -> memref<1x2x128xi32, #tpu.memory_space<vmem>>
        %dma_start3A_162 = tpu.memref_squeeze %dma_start3A_161 : memref<1x2x128xi32, #tpu.memory_space<vmem>> -> memref<2x128xi32, #tpu.memory_space<vmem>>
        %dma_start3A_163 = arith.constant 0 : i32
        %dma_start3A_164 = arith.constant 0 : i32
        %dma_start3A_165 = tpu.memref_slice %arg3[%add3A_149, %dma_start3A_163, %dma_start3A_164] : memref<2560x2x128xi32, #tpu.memory_space<hbm>> -> memref<1x2x128xi32, #tpu.memory_space<hbm>>
        %dma_start3A_166 = tpu.memref_squeeze %dma_start3A_165 : memref<1x2x128xi32, #tpu.memory_space<hbm>> -> memref<2x128xi32, #tpu.memory_space<hbm>>
        tpu.enqueue_dma source(%dma_start3A_166 : memref<2x128xi32, #tpu.memory_space<hbm>>) target(%dma_start3A_162 : memref<2x128xi32, #tpu.memory_space<vmem>>) target_semaphore(%arg10 : memref<!tpu.dma_semaphore, #tpu.memory_space<semaphore_mem>>)
      } else {
      }
    }
    %while3A_84 = arith.constant 1 : i32
    scf.for %while3A_86 = %while3A_82 to %while3A_78 step %while3A_84  : i32 {
      %mul3A_87 = arith.constant 2 : i32
      %mul3A_88 = arith.muli %mul3A_87, %while3A_86 : i32
      %add3A_89 = arith.constant 0 : i32
      %add3A_90 = arith.addi %mul3A_88, %add3A_89 : i32
      %add3A_91 = arith.constant 1 : i32
      %add3A_92 = arith.addi %add3A_90, %add3A_91 : i32
      %lt3A = arith.cmpi slt, %add3A_92, %select_n3A_10 : i32
      %convert_element_type3A = arith.extui %lt3A : i1 to i32
      %cond3A = arith.constant 0 : i32
      %cond3A_93 = arith.cmpi ne, %convert_element_type3A, %cond3A : i32
      scf.if %cond3A_93 {
        %dma_wait3A_147 = arith.constant 1 : i32
        %dma_wait3A_148 = arith.constant 0 : i32
        %dma_wait3A_149 = arith.constant 0 : i32
        %dma_wait3A_150 = tpu.memref_slice %arg6[%dma_wait3A_147, %dma_wait3A_148, %dma_wait3A_149] : memref<2x2x128xi32, #tpu.memory_space<vmem>> -> memref<1x2x128xi32, #tpu.memory_space<vmem>>
        %dma_wait3A_151 = tpu.memref_squeeze %dma_wait3A_150 : memref<1x2x128xi32, #tpu.memory_space<vmem>> -> memref<2x128xi32, #tpu.memory_space<vmem>>
        %dma_wait3A_152 = arith.constant 0 : i32
        %dma_wait3A_153 = arith.constant 0 : i32
        %dma_wait3A_154 = tpu.memref_slice %arg3[%select_n3A, %dma_wait3A_152, %dma_wait3A_153] : memref<2560x2x128xi32, #tpu.memory_space<hbm>> -> memref<1x2x128xi32, #tpu.memory_space<hbm>>
        %dma_wait3A_155 = tpu.memref_squeeze %dma_wait3A_154 : memref<1x2x128xi32, #tpu.memory_space<hbm>> -> memref<2x128xi32, #tpu.memory_space<hbm>>
        %dma_wait3A_156 = arith.constant 0 : i32
        %dma_wait3A_157 = arith.constant 0 : i32
        %dma_wait3A_158 = tpu.memref_slice %arg6[%dma_wait3A_147, %dma_wait3A_156, %dma_wait3A_157] : memref<2x2x128xi32, #tpu.memory_space<vmem>> -> memref<1x2x128xi32, #tpu.memory_space<vmem>>
        %dma_wait3A_159 = tpu.memref_squeeze %dma_wait3A_158 : memref<1x2x128xi32, #tpu.memory_space<vmem>> -> memref<2x128xi32, #tpu.memory_space<vmem>>
        %dma_wait3A_160 = arith.constant 0 : i32
        %dma_wait3A_161 = arith.constant 0 : i32
        %dma_wait3A_162 = tpu.memref_slice %arg3[%select_n3A, %dma_wait3A_160, %dma_wait3A_161] : memref<2560x2x128xi32, #tpu.memory_space<hbm>> -> memref<1x2x128xi32, #tpu.memory_space<hbm>>
        %dma_wait3A_163 = tpu.memref_squeeze %dma_wait3A_162 : memref<1x2x128xi32, #tpu.memory_space<hbm>> -> memref<2x128xi32, #tpu.memory_space<hbm>>
        tpu.wait_dma2 semaphore(%arg10 : memref<!tpu.dma_semaphore, #tpu.memory_space<semaphore_mem>>) src(%dma_wait3A_163 : memref<2x128xi32, #tpu.memory_space<hbm>>) dst(%dma_wait3A_159 : memref<2x128xi32, #tpu.memory_space<vmem>>)
        %dma_start3A_164 = arith.constant 1 : i32
        %dma_start3A_165 = arith.constant 0 : i32
        %dma_start3A_166 = arith.constant 1 : i32
        %dma_start3A_167 = arith.constant 0 : i32
        %dma_start3A_168 = arith.constant 0 : i32
        %dma_start3A_169 = tpu.memref_slice %arg7[%dma_start3A_166, %dma_start3A_167, %dma_start3A_168] : memref<2x128x128xf32, #tpu.memory_space<vmem>> -> memref<1x128x128xf32, #tpu.memory_space<vmem>>
        %dma_start3A_170 = tpu.memref_squeeze %dma_start3A_169 : memref<1x128x128xf32, #tpu.memory_space<vmem>> -> memref<128x128xf32, #tpu.memory_space<vmem>>
        %dma_start3A_171 = arith.constant 0 : i32
        %dma_start3A_172 = tpu.memref_slice %arg6[%dma_start3A_164, %dma_start3A_165, %dma_start3A_171] : memref<2x2x128xi32, #tpu.memory_space<vmem>> -> memref<1x1x128xi32, #tpu.memory_space<vmem>>
        %dma_start3A_173 = tpu.memref_squeeze %dma_start3A_172 : memref<1x1x128xi32, #tpu.memory_space<vmem>> -> memref<128xi32, #tpu.memory_space<vmem>>
        %dma_start3A_174 = arith.constant 0 : i32
        %dma_start3A_175 = arith.constant 0 : i32
        %dma_start3A_176 = tpu.memref_slice %arg2[%dma_start3A_174, %dma_start3A_175] : memref<10240x128xf32, #tpu.memory_space<hbm>> -> memref<10240x128xf32, #tpu.memory_space<hbm>>
        tpu.enqueue_indirect_dma source(%dma_start3A_176 : memref<10240x128xf32, #tpu.memory_space<hbm>>) target(%dma_start3A_170 : memref<128x128xf32, #tpu.memory_space<vmem>>) offsets(%dma_start3A_173 : memref<128xi32, #tpu.memory_space<vmem>>) semaphore(%arg12 : memref<!tpu.dma_semaphore, #tpu.memory_space<semaphore_mem>>)
      } else {
      }
      %dma_wait3A_94 = arith.constant 0 : i32
      %dma_wait3A_95 = arith.constant 0 : i32
      %dma_wait3A_96 = arith.constant 0 : i32
      %dma_wait3A_97 = arith.constant 0 : i32
      %dma_wait3A_98 = arith.constant 0 : i32
      %dma_wait3A_99 = tpu.memref_slice %arg7[%dma_wait3A_96, %dma_wait3A_97, %dma_wait3A_98] : memref<2x128x128xf32, #tpu.memory_space<vmem>> -> memref<1x128x128xf32, #tpu.memory_space<vmem>>
      %dma_wait3A_100 = tpu.memref_squeeze %dma_wait3A_99 : memref<1x128x128xf32, #tpu.memory_space<vmem>> -> memref<128x128xf32, #tpu.memory_space<vmem>>
      %dma_wait3A_101 = arith.constant 0 : i32
      %dma_wait3A_102 = tpu.memref_slice %arg6[%dma_wait3A_94, %dma_wait3A_95, %dma_wait3A_101] : memref<2x2x128xi32, #tpu.memory_space<vmem>> -> memref<1x1x128xi32, #tpu.memory_space<vmem>>
      %dma_wait3A_103 = tpu.memref_squeeze %dma_wait3A_102 : memref<1x1x128xi32, #tpu.memory_space<vmem>> -> memref<128xi32, #tpu.memory_space<vmem>>
      %dma_wait3A_104 = arith.constant 0 : i32
      %dma_wait3A_105 = arith.constant 0 : i32
      %dma_wait3A_106 = tpu.memref_slice %arg2[%dma_wait3A_104, %dma_wait3A_105] : memref<10240x128xf32, #tpu.memory_space<hbm>> -> memref<10240x128xf32, #tpu.memory_space<hbm>>
      tpu.wait_indirect_dma semaphore(%arg11 : memref<!tpu.dma_semaphore, #tpu.memory_space<semaphore_mem>>) src(%dma_wait3A_106 : memref<10240x128xf32, #tpu.memory_space<hbm>>) dst(%dma_wait3A_100 : memref<128x128xf32, #tpu.memory_space<vmem>>)
      %run_scoped3A = arith.constant 0 : i32
      %run_scoped3A_107 = arith.constant 0 : i32
      %run_scoped3A_108 = arith.constant 1 : i32
      "tpu.region"() ({
        %run_scoped3A_147 = tpu.sem_alloc : memref<!tpu.dma_semaphore, #tpu.memory_space<semaphore_mem>>
        %dma_start3A_148 = arith.constant 0 : i32
        %dma_start3A_149 = arith.constant 0 : i32
        %dma_start3A_150 = tpu.memref_slice %arg7[%run_scoped3A, %dma_start3A_148, %dma_start3A_149] : memref<2x128x128xf32, #tpu.memory_space<vmem>> -> memref<1x128x128xf32, #tpu.memory_space<vmem>>
        %dma_start3A_151 = tpu.memref_squeeze %dma_start3A_150 : memref<1x128x128xf32, #tpu.memory_space<vmem>> -> memref<128x128xf32, #tpu.memory_space<vmem>>
        %dma_start3A_152 = arith.constant 0 : i32
        %dma_start3A_153 = tpu.memref_slice %arg6[%run_scoped3A_107, %run_scoped3A_108, %dma_start3A_152] : memref<2x2x128xi32, #tpu.memory_space<vmem>> -> memref<1x1x128xi32, #tpu.memory_space<vmem>>
        %dma_start3A_154 = tpu.memref_squeeze %dma_start3A_153 : memref<1x1x128xi32, #tpu.memory_space<vmem>> -> memref<128xi32, #tpu.memory_space<vmem>>
        %dma_start3A_155 = arith.constant 0 : i32
        %dma_start3A_156 = arith.constant 0 : i32
        %dma_start3A_157 = tpu.memref_slice %arg8[%dma_start3A_155, %dma_start3A_156] : memref<10240x128xf32, #tpu.memory_space<vmem_shared>> -> memref<10240x128xf32, #tpu.memory_space<vmem_shared>>
        tpu.enqueue_indirect_dma source(%dma_start3A_151 : memref<128x128xf32, #tpu.memory_space<vmem>>) target(%dma_start3A_157 : memref<10240x128xf32, #tpu.memory_space<vmem_shared>>) offsets(%dma_start3A_154 : memref<128xi32, #tpu.memory_space<vmem>>) semaphore(%run_scoped3A_147 : memref<!tpu.dma_semaphore, #tpu.memory_space<semaphore_mem>>) {add = true}
        %dma_wait3A_158 = arith.constant 0 : i32
        %dma_wait3A_159 = arith.constant 0 : i32
        %dma_wait3A_160 = tpu.memref_slice %arg7[%run_scoped3A, %dma_wait3A_158, %dma_wait3A_159] : memref<2x128x128xf32, #tpu.memory_space<vmem>> -> memref<1x128x128xf32, #tpu.memory_space<vmem>>
        %dma_wait3A_161 = tpu.memref_squeeze %dma_wait3A_160 : memref<1x128x128xf32, #tpu.memory_space<vmem>> -> memref<128x128xf32, #tpu.memory_space<vmem>>
        %dma_wait3A_162 = arith.constant 0 : i32
        %dma_wait3A_163 = tpu.memref_slice %arg6[%run_scoped3A_107, %run_scoped3A_108, %dma_wait3A_162] : memref<2x2x128xi32, #tpu.memory_space<vmem>> -> memref<1x1x128xi32, #tpu.memory_space<vmem>>
        %dma_wait3A_164 = tpu.memref_squeeze %dma_wait3A_163 : memref<1x1x128xi32, #tpu.memory_space<vmem>> -> memref<128xi32, #tpu.memory_space<vmem>>
        %dma_wait3A_165 = arith.constant 0 : i32
        %dma_wait3A_166 = arith.constant 0 : i32
        %dma_wait3A_167 = tpu.memref_slice %arg8[%dma_wait3A_165, %dma_wait3A_166] : memref<10240x128xf32, #tpu.memory_space<vmem_shared>> -> memref<10240x128xf32, #tpu.memory_space<vmem_shared>>
        tpu.wait_indirect_dma semaphore(%run_scoped3A_147 : memref<!tpu.dma_semaphore, #tpu.memory_space<semaphore_mem>>) src(%dma_wait3A_161 : memref<128x128xf32, #tpu.memory_space<vmem>>) dst(%dma_wait3A_167 : memref<10240x128xf32, #tpu.memory_space<vmem_shared>>)
        tpu.yield
      }) : () -> ()
      %add3A_109 = arith.constant 2 : i32
      %add3A_110 = arith.addi %add3A_90, %add3A_109 : i32
      %lt3A_111 = arith.cmpi slt, %add3A_110, %select_n3A_10 : i32
      %convert_element_type3A_112 = arith.extui %lt3A_111 : i1 to i32
      %cond3A_113 = arith.constant 0 : i32
      %cond3A_114 = arith.cmpi ne, %convert_element_type3A_112, %cond3A_113 : i32
      scf.if %cond3A_114 {
        %add3A_147 = arith.constant 2 : i32
        %add3A_148 = arith.addi %add3A_90, %add3A_147 : i32
        %add3A_149 = arith.addi %select_n3A, %add3A_148 : i32
        %dma_start3A_150 = arith.constant 0 : i32
        %dma_start3A_151 = arith.constant 0 : i32
        %dma_start3A_152 = arith.constant 0 : i32
        %dma_start3A_153 = tpu.memref_slice %arg6[%dma_start3A_150, %dma_start3A_151, %dma_start3A_152] : memref<2x2x128xi32, #tpu.memory_space<vmem>> -> memref<1x2x128xi32, #tpu.memory_space<vmem>>
        %dma_start3A_154 = tpu.memref_squeeze %dma_start3A_153 : memref<1x2x128xi32, #tpu.memory_space<vmem>> -> memref<2x128xi32, #tpu.memory_space<vmem>>
        %dma_start3A_155 = arith.constant 0 : i32
        %dma_start3A_156 = arith.constant 0 : i32
        %dma_start3A_157 = tpu.memref_slice %arg3[%add3A_149, %dma_start3A_155, %dma_start3A_156] : memref<2560x2x128xi32, #tpu.memory_space<hbm>> -> memref<1x2x128xi32, #tpu.memory_space<hbm>>
        %dma_start3A_158 = tpu.memref_squeeze %dma_start3A_157 : memref<1x2x128xi32, #tpu.memory_space<hbm>> -> memref<2x128xi32, #tpu.memory_space<hbm>>
        %dma_start3A_159 = arith.constant 0 : i32
        %dma_start3A_160 = arith.constant 0 : i32
        %dma_start3A_161 = tpu.memref_slice %arg6[%dma_start3A_150, %dma_start3A_159, %dma_start3A_160] : memref<2x2x128xi32, #tpu.memory_space<vmem>> -> memref<1x2x128xi32, #tpu.memory_space<vmem>>
        %dma_start3A_162 = tpu.memref_squeeze %dma_start3A_161 : memref<1x2x128xi32, #tpu.memory_space<vmem>> -> memref<2x128xi32, #tpu.memory_space<vmem>>
        %dma_start3A_163 = arith.constant 0 : i32
        %dma_start3A_164 = arith.constant 0 : i32
        %dma_start3A_165 = tpu.memref_slice %arg3[%add3A_149, %dma_start3A_163, %dma_start3A_164] : memref<2560x2x128xi32, #tpu.memory_space<hbm>> -> memref<1x2x128xi32, #tpu.memory_space<hbm>>
        %dma_start3A_166 = tpu.memref_squeeze %dma_start3A_165 : memref<1x2x128xi32, #tpu.memory_space<hbm>> -> memref<2x128xi32, #tpu.memory_space<hbm>>
        tpu.enqueue_dma source(%dma_start3A_166 : memref<2x128xi32, #tpu.memory_space<hbm>>) target(%dma_start3A_162 : memref<2x128xi32, #tpu.memory_space<vmem>>) target_semaphore(%arg9 : memref<!tpu.dma_semaphore, #tpu.memory_space<semaphore_mem>>)
      } else {
      }
      %mul3A_115 = arith.constant 2 : i32
      %mul3A_116 = arith.muli %mul3A_115, %while3A_86 : i32
      %add3A_117 = arith.constant 1 : i32
      %add3A_118 = arith.addi %mul3A_116, %add3A_117 : i32
      %add3A_119 = arith.constant 1 : i32
      %add3A_120 = arith.addi %add3A_118, %add3A_119 : i32
      %lt3A_121 = arith.cmpi slt, %add3A_120, %select_n3A_10 : i32
      %convert_element_type3A_122 = arith.extui %lt3A_121 : i1 to i32
      %cond3A_123 = arith.constant 0 : i32
      %cond3A_124 = arith.cmpi ne, %convert_element_type3A_122, %cond3A_123 : i32
      scf.if %cond3A_124 {
        %dma_wait3A_147 = arith.constant 0 : i32
        %dma_wait3A_148 = arith.constant 0 : i32
        %dma_wait3A_149 = arith.constant 0 : i32
        %dma_wait3A_150 = tpu.memref_slice %arg6[%dma_wait3A_147, %dma_wait3A_148, %dma_wait3A_149] : memref<2x2x128xi32, #tpu.memory_space<vmem>> -> memref<1x2x128xi32, #tpu.memory_space<vmem>>
        %dma_wait3A_151 = tpu.memref_squeeze %dma_wait3A_150 : memref<1x2x128xi32, #tpu.memory_space<vmem>> -> memref<2x128xi32, #tpu.memory_space<vmem>>
        %dma_wait3A_152 = arith.constant 0 : i32
        %dma_wait3A_153 = arith.constant 0 : i32
        %dma_wait3A_154 = tpu.memref_slice %arg3[%select_n3A, %dma_wait3A_152, %dma_wait3A_153] : memref<2560x2x128xi32, #tpu.memory_space<hbm>> -> memref<1x2x128xi32, #tpu.memory_space<hbm>>
        %dma_wait3A_155 = tpu.memref_squeeze %dma_wait3A_154 : memref<1x2x128xi32, #tpu.memory_space<hbm>> -> memref<2x128xi32, #tpu.memory_space<hbm>>
        %dma_wait3A_156 = arith.constant 0 : i32
        %dma_wait3A_157 = arith.constant 0 : i32
        %dma_wait3A_158 = tpu.memref_slice %arg6[%dma_wait3A_147, %dma_wait3A_156, %dma_wait3A_157] : memref<2x2x128xi32, #tpu.memory_space<vmem>> -> memref<1x2x128xi32, #tpu.memory_space<vmem>>
        %dma_wait3A_159 = tpu.memref_squeeze %dma_wait3A_158 : memref<1x2x128xi32, #tpu.memory_space<vmem>> -> memref<2x128xi32, #tpu.memory_space<vmem>>
        %dma_wait3A_160 = arith.constant 0 : i32
        %dma_wait3A_161 = arith.constant 0 : i32
        %dma_wait3A_162 = tpu.memref_slice %arg3[%select_n3A, %dma_wait3A_160, %dma_wait3A_161] : memref<2560x2x128xi32, #tpu.memory_space<hbm>> -> memref<1x2x128xi32, #tpu.memory_space<hbm>>
        %dma_wait3A_163 = tpu.memref_squeeze %dma_wait3A_162 : memref<1x2x128xi32, #tpu.memory_space<hbm>> -> memref<2x128xi32, #tpu.memory_space<hbm>>
        tpu.wait_dma2 semaphore(%arg9 : memref<!tpu.dma_semaphore, #tpu.memory_space<semaphore_mem>>) src(%dma_wait3A_163 : memref<2x128xi32, #tpu.memory_space<hbm>>) dst(%dma_wait3A_159 : memref<2x128xi32, #tpu.memory_space<vmem>>)
        %dma_start3A_164 = arith.constant 0 : i32
        %dma_start3A_165 = arith.constant 0 : i32
        %dma_start3A_166 = arith.constant 0 : i32
        %dma_start3A_167 = arith.constant 0 : i32
        %dma_start3A_168 = arith.constant 0 : i32
        %dma_start3A_169 = tpu.memref_slice %arg7[%dma_start3A_166, %dma_start3A_167, %dma_start3A_168] : memref<2x128x128xf32, #tpu.memory_space<vmem>> -> memref<1x128x128xf32, #tpu.memory_space<vmem>>
        %dma_start3A_170 = tpu.memref_squeeze %dma_start3A_169 : memref<1x128x128xf32, #tpu.memory_space<vmem>> -> memref<128x128xf32, #tpu.memory_space<vmem>>
        %dma_start3A_171 = arith.constant 0 : i32
        %dma_start3A_172 = tpu.memref_slice %arg6[%dma_start3A_164, %dma_start3A_165, %dma_start3A_171] : memref<2x2x128xi32, #tpu.memory_space<vmem>> -> memref<1x1x128xi32, #tpu.memory_space<vmem>>
        %dma_start3A_173 = tpu.memref_squeeze %dma_start3A_172 : memref<1x1x128xi32, #tpu.memory_space<vmem>> -> memref<128xi32, #tpu.memory_space<vmem>>
        %dma_start3A_174 = arith.constant 0 : i32
        %dma_start3A_175 = arith.constant 0 : i32
        %dma_start3A_176 = tpu.memref_slice %arg2[%dma_start3A_174, %dma_start3A_175] : memref<10240x128xf32, #tpu.memory_space<hbm>> -> memref<10240x128xf32, #tpu.memory_space<hbm>>
        tpu.enqueue_indirect_dma source(%dma_start3A_176 : memref<10240x128xf32, #tpu.memory_space<hbm>>) target(%dma_start3A_170 : memref<128x128xf32, #tpu.memory_space<vmem>>) offsets(%dma_start3A_173 : memref<128xi32, #tpu.memory_space<vmem>>) semaphore(%arg11 : memref<!tpu.dma_semaphore, #tpu.memory_space<semaphore_mem>>)
      } else {
      }
      %dma_wait3A_125 = arith.constant 1 : i32
      %dma_wait3A_126 = arith.constant 0 : i32
      %dma_wait3A_127 = arith.constant 1 : i32
      %dma_wait3A_128 = arith.constant 0 : i32
      %dma_wait3A_129 = arith.constant 0 : i32
      %dma_wait3A_130 = tpu.memref_slice %arg7[%dma_wait3A_127, %dma_wait3A_128, %dma_wait3A_129] : memref<2x128x128xf32, #tpu.memory_space<vmem>> -> memref<1x128x128xf32, #tpu.memory_space<vmem>>
      %dma_wait3A_131 = tpu.memref_squeeze %dma_wait3A_130 : memref<1x128x128xf32, #tpu.memory_space<vmem>> -> memref<128x128xf32, #tpu.memory_space<vmem>>
      %dma_wait3A_132 = arith.constant 0 : i32
      %dma_wait3A_133 = tpu.memref_slice %arg6[%dma_wait3A_125, %dma_wait3A_126, %dma_wait3A_132] : memref<2x2x128xi32, #tpu.memory_space<vmem>> -> memref<1x1x128xi32, #tpu.memory_space<vmem>>
      %dma_wait3A_134 = tpu.memref_squeeze %dma_wait3A_133 : memref<1x1x128xi32, #tpu.memory_space<vmem>> -> memref<128xi32, #tpu.memory_space<vmem>>
      %dma_wait3A_135 = arith.constant 0 : i32
      %dma_wait3A_136 = arith.constant 0 : i32
      %dma_wait3A_137 = tpu.memref_slice %arg2[%dma_wait3A_135, %dma_wait3A_136] : memref<10240x128xf32, #tpu.memory_space<hbm>> -> memref<10240x128xf32, #tpu.memory_space<hbm>>
      tpu.wait_indirect_dma semaphore(%arg12 : memref<!tpu.dma_semaphore, #tpu.memory_space<semaphore_mem>>) src(%dma_wait3A_137 : memref<10240x128xf32, #tpu.memory_space<hbm>>) dst(%dma_wait3A_131 : memref<128x128xf32, #tpu.memory_space<vmem>>)
      %run_scoped3A_138 = arith.constant 1 : i32
      %run_scoped3A_139 = arith.constant 1 : i32
      %run_scoped3A_140 = arith.constant 1 : i32
      "tpu.region"() ({
        %run_scoped3A_147 = tpu.sem_alloc : memref<!tpu.dma_semaphore, #tpu.memory_space<semaphore_mem>>
        %dma_start3A_148 = arith.constant 0 : i32
        %dma_start3A_149 = arith.constant 0 : i32
        %dma_start3A_150 = tpu.memref_slice %arg7[%run_scoped3A_138, %dma_start3A_148, %dma_start3A_149] : memref<2x128x128xf32, #tpu.memory_space<vmem>> -> memref<1x128x128xf32, #tpu.memory_space<vmem>>
        %dma_start3A_151 = tpu.memref_squeeze %dma_start3A_150 : memref<1x128x128xf32, #tpu.memory_space<vmem>> -> memref<128x128xf32, #tpu.memory_space<vmem>>
        %dma_start3A_152 = arith.constant 0 : i32
        %dma_start3A_153 = tpu.memref_slice %arg6[%run_scoped3A_139, %run_scoped3A_140, %dma_start3A_152] : memref<2x2x128xi32, #tpu.memory_space<vmem>> -> memref<1x1x128xi32, #tpu.memory_space<vmem>>
        %dma_start3A_154 = tpu.memref_squeeze %dma_start3A_153 : memref<1x1x128xi32, #tpu.memory_space<vmem>> -> memref<128xi32, #tpu.memory_space<vmem>>
        %dma_start3A_155 = arith.constant 0 : i32
        %dma_start3A_156 = arith.constant 0 : i32
        %dma_start3A_157 = tpu.memref_slice %arg8[%dma_start3A_155, %dma_start3A_156] : memref<10240x128xf32, #tpu.memory_space<vmem_shared>> -> memref<10240x128xf32, #tpu.memory_space<vmem_shared>>
        tpu.enqueue_indirect_dma source(%dma_start3A_151 : memref<128x128xf32, #tpu.memory_space<vmem>>) target(%dma_start3A_157 : memref<10240x128xf32, #tpu.memory_space<vmem_shared>>) offsets(%dma_start3A_154 : memref<128xi32, #tpu.memory_space<vmem>>) semaphore(%run_scoped3A_147 : memref<!tpu.dma_semaphore, #tpu.memory_space<semaphore_mem>>) {add = true}
        %dma_wait3A_158 = arith.constant 0 : i32
        %dma_wait3A_159 = arith.constant 0 : i32
        %dma_wait3A_160 = tpu.memref_slice %arg7[%run_scoped3A_138, %dma_wait3A_158, %dma_wait3A_159] : memref<2x128x128xf32, #tpu.memory_space<vmem>> -> memref<1x128x128xf32, #tpu.memory_space<vmem>>
        %dma_wait3A_161 = tpu.memref_squeeze %dma_wait3A_160 : memref<1x128x128xf32, #tpu.memory_space<vmem>> -> memref<128x128xf32, #tpu.memory_space<vmem>>
        %dma_wait3A_162 = arith.constant 0 : i32
        %dma_wait3A_163 = tpu.memref_slice %arg6[%run_scoped3A_139, %run_scoped3A_140, %dma_wait3A_162] : memref<2x2x128xi32, #tpu.memory_space<vmem>> -> memref<1x1x128xi32, #tpu.memory_space<vmem>>
        %dma_wait3A_164 = tpu.memref_squeeze %dma_wait3A_163 : memref<1x1x128xi32, #tpu.memory_space<vmem>> -> memref<128xi32, #tpu.memory_space<vmem>>
        %dma_wait3A_165 = arith.constant 0 : i32
        %dma_wait3A_166 = arith.constant 0 : i32
        %dma_wait3A_167 = tpu.memref_slice %arg8[%dma_wait3A_165, %dma_wait3A_166] : memref<10240x128xf32, #tpu.memory_space<vmem_shared>> -> memref<10240x128xf32, #tpu.memory_space<vmem_shared>>
        tpu.wait_indirect_dma semaphore(%run_scoped3A_147 : memref<!tpu.dma_semaphore, #tpu.memory_space<semaphore_mem>>) src(%dma_wait3A_161 : memref<128x128xf32, #tpu.memory_space<vmem>>) dst(%dma_wait3A_167 : memref<10240x128xf32, #tpu.memory_space<vmem_shared>>)
        tpu.yield
      }) : () -> ()
      %add3A_141 = arith.constant 2 : i32
      %add3A_142 = arith.addi %add3A_118, %add3A_141 : i32
      %lt3A_143 = arith.cmpi slt, %add3A_142, %select_n3A_10 : i32
      %convert_element_type3A_144 = arith.extui %lt3A_143 : i1 to i32
      %cond3A_145 = arith.constant 0 : i32
      %cond3A_146 = arith.cmpi ne, %convert_element_type3A_144, %cond3A_145 : i32
      scf.if %cond3A_146 {
        %add3A_147 = arith.constant 2 : i32
        %add3A_148 = arith.addi %add3A_118, %add3A_147 : i32
        %add3A_149 = arith.addi %select_n3A, %add3A_148 : i32
        %dma_start3A_150 = arith.constant 1 : i32
        %dma_start3A_151 = arith.constant 0 : i32
        %dma_start3A_152 = arith.constant 0 : i32
        %dma_start3A_153 = tpu.memref_slice %arg6[%dma_start3A_150, %dma_start3A_151, %dma_start3A_152] : memref<2x2x128xi32, #tpu.memory_space<vmem>> -> memref<1x2x128xi32, #tpu.memory_space<vmem>>
        %dma_start3A_154 = tpu.memref_squeeze %dma_start3A_153 : memref<1x2x128xi32, #tpu.memory_space<vmem>> -> memref<2x128xi32, #tpu.memory_space<vmem>>
        %dma_start3A_155 = arith.constant 0 : i32
        %dma_start3A_156 = arith.constant 0 : i32
        %dma_start3A_157 = tpu.memref_slice %arg3[%add3A_149, %dma_start3A_155, %dma_start3A_156] : memref<2560x2x128xi32, #tpu.memory_space<hbm>> -> memref<1x2x128xi32, #tpu.memory_space<hbm>>
        %dma_start3A_158 = tpu.memref_squeeze %dma_start3A_157 : memref<1x2x128xi32, #tpu.memory_space<hbm>> -> memref<2x128xi32, #tpu.memory_space<hbm>>
        %dma_start3A_159 = arith.constant 0 : i32
        %dma_start3A_160 = arith.constant 0 : i32
        %dma_start3A_161 = tpu.memref_slice %arg6[%dma_start3A_150, %dma_start3A_159, %dma_start3A_160] : memref<2x2x128xi32, #tpu.memory_space<vmem>> -> memref<1x2x128xi32, #tpu.memory_space<vmem>>
        %dma_start3A_162 = tpu.memref_squeeze %dma_start3A_161 : memref<1x2x128xi32, #tpu.memory_space<vmem>> -> memref<2x128xi32, #tpu.memory_space<vmem>>
        %dma_start3A_163 = arith.constant 0 : i32
        %dma_start3A_164 = arith.constant 0 : i32
        %dma_start3A_165 = tpu.memref_slice %arg3[%add3A_149, %dma_start3A_163, %dma_start3A_164] : memref<2560x2x128xi32, #tpu.memory_space<hbm>> -> memref<1x2x128xi32, #tpu.memory_space<hbm>>
        %dma_start3A_166 = tpu.memref_squeeze %dma_start3A_165 : memref<1x2x128xi32, #tpu.memory_space<hbm>> -> memref<2x128xi32, #tpu.memory_space<hbm>>
        tpu.enqueue_dma source(%dma_start3A_166 : memref<2x128xi32, #tpu.memory_space<hbm>>) target(%dma_start3A_162 : memref<2x128xi32, #tpu.memory_space<vmem>>) target_semaphore(%arg10 : memref<!tpu.dma_semaphore, #tpu.memory_space<semaphore_mem>>)
      } else {
      }
    }
    %barrier3A_85 = arith.constant 0 : index
    tpu.barrier barrier_id(%barrier3A_85)
    "tpu.region"() ({
      %run_scoped3A = tpu.sem_alloc : memref<!tpu.dma_semaphore, #tpu.memory_space<semaphore_mem>>
      %dma_start3A_86 = arith.constant 0 : i32
      %dma_start3A_87 = tpu.memref_slice %arg5[%arg0, %mul3A_0, %dma_start3A_86] : memref<2x10240x128xf32, #tpu.memory_space<hbm>> -> memref<1x640x128xf32, #tpu.memory_space<hbm>>
      %dma_start3A_88 = tpu.memref_squeeze %dma_start3A_87 : memref<1x640x128xf32, #tpu.memory_space<hbm>> -> memref<640x128xf32, #tpu.memory_space<hbm>>
      %dma_start3A_89 = arith.constant 0 : i32
      %dma_start3A_90 = tpu.memref_slice %arg8[%mul3A_0, %dma_start3A_89] : memref<10240x128xf32, #tpu.memory_space<vmem_shared>> -> memref<640x128xf32, #tpu.memory_space<vmem_shared>>
      tpu.enqueue_dma source(%dma_start3A_90 : memref<640x128xf32, #tpu.memory_space<vmem_shared>>) target(%dma_start3A_88 : memref<640x128xf32, #tpu.memory_space<hbm>>) target_semaphore(%run_scoped3A : memref<!tpu.dma_semaphore, #tpu.memory_space<semaphore_mem>>)
      %dma_wait3A_91 = arith.constant 0 : i32
      %dma_wait3A_92 = tpu.memref_slice %arg5[%arg0, %mul3A_0, %dma_wait3A_91] : memref<2x10240x128xf32, #tpu.memory_space<hbm>> -> memref<1x640x128xf32, #tpu.memory_space<hbm>>
      %dma_wait3A_93 = tpu.memref_squeeze %dma_wait3A_92 : memref<1x640x128xf32, #tpu.memory_space<hbm>> -> memref<640x128xf32, #tpu.memory_space<hbm>>
      %dma_wait3A_94 = arith.constant 0 : i32
      %dma_wait3A_95 = tpu.memref_slice %arg8[%mul3A_0, %dma_wait3A_94] : memref<10240x128xf32, #tpu.memory_space<vmem_shared>> -> memref<640x128xf32, #tpu.memory_space<vmem_shared>>
      tpu.wait_dma2 semaphore(%run_scoped3A : memref<!tpu.dma_semaphore, #tpu.memory_space<semaphore_mem>>) src(%dma_wait3A_95 : memref<640x128xf32, #tpu.memory_space<vmem_shared>>) dst(%dma_wait3A_93 : memref<640x128xf32, #tpu.memory_space<hbm>>)
      tpu.yield
    }) : () -> ()
    return
  }
}

#map = affine_map<(d0, d1) -> (0, 0)>
#map1 = affine_map<(d0, d1) -> (0, 0, 0)>
module attributes {stable_mosaic.version = 14 : i64} {
  func.func @_agg_body(%arg0: i32, %arg1: i32, %arg2: memref<10240x128xf32, #tpu.memory_space<hbm>>, %arg3: memref<2560x2x128xi32, #tpu.memory_space<hbm>>, %arg4: memref<10240x128xf32, #tpu.memory_space<hbm>>, %arg5: memref<2x10240x128xf32, #tpu.memory_space<hbm>>, %arg6: memref<2x2x128xi32, #tpu.memory_space<vmem>>, %arg7: memref<2x128x128xf32, #tpu.memory_space<vmem>>, %arg8: memref<10240x128xf32, #tpu.memory_space<vmem_shared>>, %arg9: memref<!tpu.dma_semaphore, #tpu.memory_space<semaphore_mem>>, %arg10: memref<!tpu.dma_semaphore, #tpu.memory_space<semaphore_mem>>, %arg11: memref<!tpu.dma_semaphore, #tpu.memory_space<semaphore_mem>>, %arg12: memref<!tpu.dma_semaphore, #tpu.memory_space<semaphore_mem>>) attributes {dimension_semantics = [#tpu.dimension_semantics<core_parallel>, #tpu.dimension_semantics<subcore_parallel>], iteration_bounds = array<i64: 2, 16>, scalar_prefetch = 0 : i64, scratch_operands = 7 : i64, tpu.core_type = #tpu.core_type<sc_vector_subcore>, window_params = [{transform_indices = #map}, {transform_indices = #map1}, {transform_indices = #map}, {transform_indices = #map1}]} {
    %mul3A = arith.constant 640 : i32
    %mul3A_0 = arith.muli %arg1, %mul3A : i32
    %eq3A = arith.constant 0 : i32
    %eq3A_1 = arith.cmpi eq, %arg0, %eq3A : i32
    %mul3A_2 = arith.constant 110 : i32
    %mul3A_3 = arith.muli %arg1, %mul3A_2 : i32
    %mul3A_4 = arith.constant 50 : i32
    %mul3A_5 = arith.muli %arg1, %mul3A_4 : i32
    %add3A = arith.constant 1760 : i32
    %add3A_6 = arith.addi %add3A, %mul3A_5 : i32
    %select_n3A = arith.select %eq3A_1, %mul3A_3, %add3A_6 : i32
    %eq3A_7 = arith.constant 0 : i32
    %eq3A_8 = arith.cmpi eq, %arg0, %eq3A_7 : i32
    %jit3A = arith.constant 110 : i32
    %jit3A_9 = arith.constant 50 : i32
    %select_n3A_10 = arith.select %eq3A_8, %jit3A, %jit3A_9 : i32
    "tpu.region"() ({
      %run_scoped3A = tpu.sem_alloc : memref<!tpu.dma_semaphore, #tpu.memory_space<semaphore_mem>>
      %dma_start3A_86 = arith.constant 0 : i32
      %dma_start3A_87 = tpu.memref_slice %arg8[%mul3A_0, %dma_start3A_86] : memref<10240x128xf32, #tpu.memory_space<vmem_shared>> -> memref<640x128xf32, #tpu.memory_space<vmem_shared>>
      %dma_start3A_88 = arith.constant 0 : i32
      %dma_start3A_89 = tpu.memref_slice %arg4[%mul3A_0, %dma_start3A_88] : memref<10240x128xf32, #tpu.memory_space<hbm>> -> memref<640x128xf32, #tpu.memory_space<hbm>>
      tpu.enqueue_dma source(%dma_start3A_89 : memref<640x128xf32, #tpu.memory_space<hbm>>) target(%dma_start3A_87 : memref<640x128xf32, #tpu.memory_space<vmem_shared>>) target_semaphore(%run_scoped3A : memref<!tpu.dma_semaphore, #tpu.memory_space<semaphore_mem>>)
      %dma_wait3A_90 = arith.constant 0 : i32
      %dma_wait3A_91 = tpu.memref_slice %arg8[%mul3A_0, %dma_wait3A_90] : memref<10240x128xf32, #tpu.memory_space<vmem_shared>> -> memref<640x128xf32, #tpu.memory_space<vmem_shared>>
      %dma_wait3A_92 = arith.constant 0 : i32
      %dma_wait3A_93 = tpu.memref_slice %arg4[%mul3A_0, %dma_wait3A_92] : memref<10240x128xf32, #tpu.memory_space<hbm>> -> memref<640x128xf32, #tpu.memory_space<hbm>>
      tpu.wait_dma2 semaphore(%run_scoped3A : memref<!tpu.dma_semaphore, #tpu.memory_space<semaphore_mem>>) src(%dma_wait3A_93 : memref<640x128xf32, #tpu.memory_space<hbm>>) dst(%dma_wait3A_91 : memref<640x128xf32, #tpu.memory_space<vmem_shared>>)
      tpu.yield
    }) : () -> ()
    %dma_start3A = arith.constant 0 : i32
    %dma_start3A_11 = arith.constant 0 : i32
    %dma_start3A_12 = arith.constant 0 : i32
    %dma_start3A_13 = tpu.memref_slice %arg6[%dma_start3A, %dma_start3A_11, %dma_start3A_12] : memref<2x2x128xi32, #tpu.memory_space<vmem>> -> memref<1x2x128xi32, #tpu.memory_space<vmem>>
    %dma_start3A_14 = tpu.memref_squeeze %dma_start3A_13 : memref<1x2x128xi32, #tpu.memory_space<vmem>> -> memref<2x128xi32, #tpu.memory_space<vmem>>
    %dma_start3A_15 = arith.constant 0 : i32
    %dma_start3A_16 = arith.constant 0 : i32
    %dma_start3A_17 = tpu.memref_slice %arg3[%select_n3A, %dma_start3A_15, %dma_start3A_16] : memref<2560x2x128xi32, #tpu.memory_space<hbm>> -> memref<1x2x128xi32, #tpu.memory_space<hbm>>
    %dma_start3A_18 = tpu.memref_squeeze %dma_start3A_17 : memref<1x2x128xi32, #tpu.memory_space<hbm>> -> memref<2x128xi32, #tpu.memory_space<hbm>>
    %dma_start3A_19 = arith.constant 0 : i32
    %dma_start3A_20 = arith.constant 0 : i32
    %dma_start3A_21 = tpu.memref_slice %arg6[%dma_start3A, %dma_start3A_19, %dma_start3A_20] : memref<2x2x128xi32, #tpu.memory_space<vmem>> -> memref<1x2x128xi32, #tpu.memory_space<vmem>>
    %dma_start3A_22 = tpu.memref_squeeze %dma_start3A_21 : memref<1x2x128xi32, #tpu.memory_space<vmem>> -> memref<2x128xi32, #tpu.memory_space<vmem>>
    %dma_start3A_23 = arith.constant 0 : i32
    %dma_start3A_24 = arith.constant 0 : i32
    %dma_start3A_25 = tpu.memref_slice %arg3[%select_n3A, %dma_start3A_23, %dma_start3A_24] : memref<2560x2x128xi32, #tpu.memory_space<hbm>> -> memref<1x2x128xi32, #tpu.memory_space<hbm>>
    %dma_start3A_26 = tpu.memref_squeeze %dma_start3A_25 : memref<1x2x128xi32, #tpu.memory_space<hbm>> -> memref<2x128xi32, #tpu.memory_space<hbm>>
    tpu.enqueue_dma source(%dma_start3A_26 : memref<2x128xi32, #tpu.memory_space<hbm>>) target(%dma_start3A_22 : memref<2x128xi32, #tpu.memory_space<vmem>>) target_semaphore(%arg9 : memref<!tpu.dma_semaphore, #tpu.memory_space<semaphore_mem>>)
    %add3A_27 = arith.constant 1 : i32
    %add3A_28 = arith.addi %select_n3A, %add3A_27 : i32
    %dma_start3A_29 = arith.constant 1 : i32
    %dma_start3A_30 = arith.constant 0 : i32
    %dma_start3A_31 = arith.constant 0 : i32
    %dma_start3A_32 = tpu.memref_slice %arg6[%dma_start3A_29, %dma_start3A_30, %dma_start3A_31] : memref<2x2x128xi32, #tpu.memory_space<vmem>> -> memref<1x2x128xi32, #tpu.memory_space<vmem>>
    %dma_start3A_33 = tpu.memref_squeeze %dma_start3A_32 : memref<1x2x128xi32, #tpu.memory_space<vmem>> -> memref<2x128xi32, #tpu.memory_space<vmem>>
    %dma_start3A_34 = arith.constant 0 : i32
    %dma_start3A_35 = arith.constant 0 : i32
    %dma_start3A_36 = tpu.memref_slice %arg3[%add3A_28, %dma_start3A_34, %dma_start3A_35] : memref<2560x2x128xi32, #tpu.memory_space<hbm>> -> memref<1x2x128xi32, #tpu.memory_space<hbm>>
    %dma_start3A_37 = tpu.memref_squeeze %dma_start3A_36 : memref<1x2x128xi32, #tpu.memory_space<hbm>> -> memref<2x128xi32, #tpu.memory_space<hbm>>
    %dma_start3A_38 = arith.constant 0 : i32
    %dma_start3A_39 = arith.constant 0 : i32
    %dma_start3A_40 = tpu.memref_slice %arg6[%dma_start3A_29, %dma_start3A_38, %dma_start3A_39] : memref<2x2x128xi32, #tpu.memory_space<vmem>> -> memref<1x2x128xi32, #tpu.memory_space<vmem>>
    %dma_start3A_41 = tpu.memref_squeeze %dma_start3A_40 : memref<1x2x128xi32, #tpu.memory_space<vmem>> -> memref<2x128xi32, #tpu.memory_space<vmem>>
    %dma_start3A_42 = arith.constant 0 : i32
    %dma_start3A_43 = arith.constant 0 : i32
    %dma_start3A_44 = tpu.memref_slice %arg3[%add3A_28, %dma_start3A_42, %dma_start3A_43] : memref<2560x2x128xi32, #tpu.memory_space<hbm>> -> memref<1x2x128xi32, #tpu.memory_space<hbm>>
    %dma_start3A_45 = tpu.memref_squeeze %dma_start3A_44 : memref<1x2x128xi32, #tpu.memory_space<hbm>> -> memref<2x128xi32, #tpu.memory_space<hbm>>
    tpu.enqueue_dma source(%dma_start3A_45 : memref<2x128xi32, #tpu.memory_space<hbm>>) target(%dma_start3A_41 : memref<2x128xi32, #tpu.memory_space<vmem>>) target_semaphore(%arg10 : memref<!tpu.dma_semaphore, #tpu.memory_space<semaphore_mem>>)
    %barrier3A = arith.constant 0 : index
    tpu.barrier barrier_id(%barrier3A)
    %dma_wait3A = arith.constant 0 : i32
    %dma_wait3A_46 = arith.constant 0 : i32
    %dma_wait3A_47 = arith.constant 0 : i32
    %dma_wait3A_48 = tpu.memref_slice %arg6[%dma_wait3A, %dma_wait3A_46, %dma_wait3A_47] : memref<2x2x128xi32, #tpu.memory_space<vmem>> -> memref<1x2x128xi32, #tpu.memory_space<vmem>>
    %dma_wait3A_49 = tpu.memref_squeeze %dma_wait3A_48 : memref<1x2x128xi32, #tpu.memory_space<vmem>> -> memref<2x128xi32, #tpu.memory_space<vmem>>
    %dma_wait3A_50 = arith.constant 0 : i32
    %dma_wait3A_51 = arith.constant 0 : i32
    %dma_wait3A_52 = tpu.memref_slice %arg3[%select_n3A, %dma_wait3A_50, %dma_wait3A_51] : memref<2560x2x128xi32, #tpu.memory_space<hbm>> -> memref<1x2x128xi32, #tpu.memory_space<hbm>>
    %dma_wait3A_53 = tpu.memref_squeeze %dma_wait3A_52 : memref<1x2x128xi32, #tpu.memory_space<hbm>> -> memref<2x128xi32, #tpu.memory_space<hbm>>
    %dma_wait3A_54 = arith.constant 0 : i32
    %dma_wait3A_55 = arith.constant 0 : i32
    %dma_wait3A_56 = tpu.memref_slice %arg6[%dma_wait3A, %dma_wait3A_54, %dma_wait3A_55] : memref<2x2x128xi32, #tpu.memory_space<vmem>> -> memref<1x2x128xi32, #tpu.memory_space<vmem>>
    %dma_wait3A_57 = tpu.memref_squeeze %dma_wait3A_56 : memref<1x2x128xi32, #tpu.memory_space<vmem>> -> memref<2x128xi32, #tpu.memory_space<vmem>>
    %dma_wait3A_58 = arith.constant 0 : i32
    %dma_wait3A_59 = arith.constant 0 : i32
    %dma_wait3A_60 = tpu.memref_slice %arg3[%select_n3A, %dma_wait3A_58, %dma_wait3A_59] : memref<2560x2x128xi32, #tpu.memory_space<hbm>> -> memref<1x2x128xi32, #tpu.memory_space<hbm>>
    %dma_wait3A_61 = tpu.memref_squeeze %dma_wait3A_60 : memref<1x2x128xi32, #tpu.memory_space<hbm>> -> memref<2x128xi32, #tpu.memory_space<hbm>>
    tpu.wait_dma2 semaphore(%arg9 : memref<!tpu.dma_semaphore, #tpu.memory_space<semaphore_mem>>) src(%dma_wait3A_61 : memref<2x128xi32, #tpu.memory_space<hbm>>) dst(%dma_wait3A_57 : memref<2x128xi32, #tpu.memory_space<vmem>>)
    %dma_start3A_62 = arith.constant 0 : i32
    %dma_start3A_63 = arith.constant 0 : i32
    %dma_start3A_64 = arith.constant 0 : i32
    %dma_start3A_65 = arith.constant 0 : i32
    %dma_start3A_66 = arith.constant 0 : i32
    %dma_start3A_67 = tpu.memref_slice %arg7[%dma_start3A_64, %dma_start3A_65, %dma_start3A_66] : memref<2x128x128xf32, #tpu.memory_space<vmem>> -> memref<1x128x128xf32, #tpu.memory_space<vmem>>
    %dma_start3A_68 = tpu.memref_squeeze %dma_start3A_67 : memref<1x128x128xf32, #tpu.memory_space<vmem>> -> memref<128x128xf32, #tpu.memory_space<vmem>>
    %dma_start3A_69 = arith.constant 0 : i32
    %dma_start3A_70 = tpu.memref_slice %arg6[%dma_start3A_62, %dma_start3A_63, %dma_start3A_69] : memref<2x2x128xi32, #tpu.memory_space<vmem>> -> memref<1x1x128xi32, #tpu.memory_space<vmem>>
    %dma_start3A_71 = tpu.memref_squeeze %dma_start3A_70 : memref<1x1x128xi32, #tpu.memory_space<vmem>> -> memref<128xi32, #tpu.memory_space<vmem>>
    %dma_start3A_72 = arith.constant 0 : i32
    %dma_start3A_73 = arith.constant 0 : i32
    %dma_start3A_74 = tpu.memref_slice %arg2[%dma_start3A_72, %dma_start3A_73] : memref<10240x128xf32, #tpu.memory_space<hbm>> -> memref<10240x128xf32, #tpu.memory_space<hbm>>
    tpu.enqueue_indirect_dma source(%dma_start3A_74 : memref<10240x128xf32, #tpu.memory_space<hbm>>) target(%dma_start3A_68 : memref<128x128xf32, #tpu.memory_space<vmem>>) offsets(%dma_start3A_71 : memref<128xi32, #tpu.memory_space<vmem>>) semaphore(%arg11 : memref<!tpu.dma_semaphore, #tpu.memory_space<semaphore_mem>>)
    %div3A = arith.constant 2 : i32
    %div3A_75 = arith.divsi %select_n3A_10, %div3A : i32
    %while3A = arith.constant 0 : i32
    %while3A_76 = arith.constant 0 : i32
    %while3A_77 = arith.subi %div3A_75, %while3A_76 : i32
    %while3A_78 = arith.addi %while3A_76, %while3A_77 : i32
    %while3A_79 = arith.constant 1 : i32
    %while3A_80 = arith.divsi %while3A_77, %while3A_79 : i32
    %while3A_81 = arith.muli %while3A_80, %while3A_79 : i32
    %while3A_82 = arith.addi %while3A_76, %while3A_81 : i32
    %while3A_83 = arith.constant 1 : i32
    scf.for %while3A_86 = %while3A_76 to %while3A_82 step %while3A_83  : i32 {
      %mul3A_87 = arith.constant 2 : i32
      %mul3A_88 = arith.muli %mul3A_87, %while3A_86 : i32
      %add3A_89 = arith.constant 0 : i32
      %add3A_90 = arith.addi %mul3A_88, %add3A_89 : i32
      %add3A_91 = arith.constant 1 : i32
      %add3A_92 = arith.addi %add3A_90, %add3A_91 : i32
      %lt3A = arith.cmpi slt, %add3A_92, %select_n3A_10 : i32
      %convert_element_type3A = arith.extui %lt3A : i1 to i32
      %cond3A = arith.constant 0 : i32
      %cond3A_93 = arith.cmpi ne, %convert_element_type3A, %cond3A : i32
      scf.if %cond3A_93 {
        %dma_wait3A_147 = arith.constant 1 : i32
        %dma_wait3A_148 = arith.constant 0 : i32
        %dma_wait3A_149 = arith.constant 0 : i32
        %dma_wait3A_150 = tpu.memref_slice %arg6[%dma_wait3A_147, %dma_wait3A_148, %dma_wait3A_149] : memref<2x2x128xi32, #tpu.memory_space<vmem>> -> memref<1x2x128xi32, #tpu.memory_space<vmem>>
        %dma_wait3A_151 = tpu.memref_squeeze %dma_wait3A_150 : memref<1x2x128xi32, #tpu.memory_space<vmem>> -> memref<2x128xi32, #tpu.memory_space<vmem>>
        %dma_wait3A_152 = arith.constant 0 : i32
        %dma_wait3A_153 = arith.constant 0 : i32
        %dma_wait3A_154 = tpu.memref_slice %arg3[%select_n3A, %dma_wait3A_152, %dma_wait3A_153] : memref<2560x2x128xi32, #tpu.memory_space<hbm>> -> memref<1x2x128xi32, #tpu.memory_space<hbm>>
        %dma_wait3A_155 = tpu.memref_squeeze %dma_wait3A_154 : memref<1x2x128xi32, #tpu.memory_space<hbm>> -> memref<2x128xi32, #tpu.memory_space<hbm>>
        %dma_wait3A_156 = arith.constant 0 : i32
        %dma_wait3A_157 = arith.constant 0 : i32
        %dma_wait3A_158 = tpu.memref_slice %arg6[%dma_wait3A_147, %dma_wait3A_156, %dma_wait3A_157] : memref<2x2x128xi32, #tpu.memory_space<vmem>> -> memref<1x2x128xi32, #tpu.memory_space<vmem>>
        %dma_wait3A_159 = tpu.memref_squeeze %dma_wait3A_158 : memref<1x2x128xi32, #tpu.memory_space<vmem>> -> memref<2x128xi32, #tpu.memory_space<vmem>>
        %dma_wait3A_160 = arith.constant 0 : i32
        %dma_wait3A_161 = arith.constant 0 : i32
        %dma_wait3A_162 = tpu.memref_slice %arg3[%select_n3A, %dma_wait3A_160, %dma_wait3A_161] : memref<2560x2x128xi32, #tpu.memory_space<hbm>> -> memref<1x2x128xi32, #tpu.memory_space<hbm>>
        %dma_wait3A_163 = tpu.memref_squeeze %dma_wait3A_162 : memref<1x2x128xi32, #tpu.memory_space<hbm>> -> memref<2x128xi32, #tpu.memory_space<hbm>>
        tpu.wait_dma2 semaphore(%arg10 : memref<!tpu.dma_semaphore, #tpu.memory_space<semaphore_mem>>) src(%dma_wait3A_163 : memref<2x128xi32, #tpu.memory_space<hbm>>) dst(%dma_wait3A_159 : memref<2x128xi32, #tpu.memory_space<vmem>>)
        %dma_start3A_164 = arith.constant 1 : i32
        %dma_start3A_165 = arith.constant 0 : i32
        %dma_start3A_166 = arith.constant 1 : i32
        %dma_start3A_167 = arith.constant 0 : i32
        %dma_start3A_168 = arith.constant 0 : i32
        %dma_start3A_169 = tpu.memref_slice %arg7[%dma_start3A_166, %dma_start3A_167, %dma_start3A_168] : memref<2x128x128xf32, #tpu.memory_space<vmem>> -> memref<1x128x128xf32, #tpu.memory_space<vmem>>
        %dma_start3A_170 = tpu.memref_squeeze %dma_start3A_169 : memref<1x128x128xf32, #tpu.memory_space<vmem>> -> memref<128x128xf32, #tpu.memory_space<vmem>>
        %dma_start3A_171 = arith.constant 0 : i32
        %dma_start3A_172 = tpu.memref_slice %arg6[%dma_start3A_164, %dma_start3A_165, %dma_start3A_171] : memref<2x2x128xi32, #tpu.memory_space<vmem>> -> memref<1x1x128xi32, #tpu.memory_space<vmem>>
        %dma_start3A_173 = tpu.memref_squeeze %dma_start3A_172 : memref<1x1x128xi32, #tpu.memory_space<vmem>> -> memref<128xi32, #tpu.memory_space<vmem>>
        %dma_start3A_174 = arith.constant 0 : i32
        %dma_start3A_175 = arith.constant 0 : i32
        %dma_start3A_176 = tpu.memref_slice %arg2[%dma_start3A_174, %dma_start3A_175] : memref<10240x128xf32, #tpu.memory_space<hbm>> -> memref<10240x128xf32, #tpu.memory_space<hbm>>
        tpu.enqueue_indirect_dma source(%dma_start3A_176 : memref<10240x128xf32, #tpu.memory_space<hbm>>) target(%dma_start3A_170 : memref<128x128xf32, #tpu.memory_space<vmem>>) offsets(%dma_start3A_173 : memref<128xi32, #tpu.memory_space<vmem>>) semaphore(%arg12 : memref<!tpu.dma_semaphore, #tpu.memory_space<semaphore_mem>>)
      } else {
      }
      %dma_wait3A_94 = arith.constant 0 : i32
      %dma_wait3A_95 = arith.constant 0 : i32
      %dma_wait3A_96 = arith.constant 0 : i32
      %dma_wait3A_97 = arith.constant 0 : i32
      %dma_wait3A_98 = arith.constant 0 : i32
      %dma_wait3A_99 = tpu.memref_slice %arg7[%dma_wait3A_96, %dma_wait3A_97, %dma_wait3A_98] : memref<2x128x128xf32, #tpu.memory_space<vmem>> -> memref<1x128x128xf32, #tpu.memory_space<vmem>>
      %dma_wait3A_100 = tpu.memref_squeeze %dma_wait3A_99 : memref<1x128x128xf32, #tpu.memory_space<vmem>> -> memref<128x128xf32, #tpu.memory_space<vmem>>
      %dma_wait3A_101 = arith.constant 0 : i32
      %dma_wait3A_102 = tpu.memref_slice %arg6[%dma_wait3A_94, %dma_wait3A_95, %dma_wait3A_101] : memref<2x2x128xi32, #tpu.memory_space<vmem>> -> memref<1x1x128xi32, #tpu.memory_space<vmem>>
      %dma_wait3A_103 = tpu.memref_squeeze %dma_wait3A_102 : memref<1x1x128xi32, #tpu.memory_space<vmem>> -> memref<128xi32, #tpu.memory_space<vmem>>
      %dma_wait3A_104 = arith.constant 0 : i32
      %dma_wait3A_105 = arith.constant 0 : i32
      %dma_wait3A_106 = tpu.memref_slice %arg2[%dma_wait3A_104, %dma_wait3A_105] : memref<10240x128xf32, #tpu.memory_space<hbm>> -> memref<10240x128xf32, #tpu.memory_space<hbm>>
      tpu.wait_indirect_dma semaphore(%arg11 : memref<!tpu.dma_semaphore, #tpu.memory_space<semaphore_mem>>) src(%dma_wait3A_106 : memref<10240x128xf32, #tpu.memory_space<hbm>>) dst(%dma_wait3A_100 : memref<128x128xf32, #tpu.memory_space<vmem>>)
      %run_scoped3A = arith.constant 0 : i32
      %run_scoped3A_107 = arith.constant 0 : i32
      %run_scoped3A_108 = arith.constant 1 : i32
      "tpu.region"() ({
        %run_scoped3A_147 = tpu.sem_alloc : memref<!tpu.dma_semaphore, #tpu.memory_space<semaphore_mem>>
        %dma_start3A_148 = arith.constant 0 : i32
        %dma_start3A_149 = arith.constant 0 : i32
        %dma_start3A_150 = tpu.memref_slice %arg7[%run_scoped3A, %dma_start3A_148, %dma_start3A_149] : memref<2x128x128xf32, #tpu.memory_space<vmem>> -> memref<1x128x128xf32, #tpu.memory_space<vmem>>
        %dma_start3A_151 = tpu.memref_squeeze %dma_start3A_150 : memref<1x128x128xf32, #tpu.memory_space<vmem>> -> memref<128x128xf32, #tpu.memory_space<vmem>>
        %dma_start3A_152 = arith.constant 0 : i32
        %dma_start3A_153 = tpu.memref_slice %arg6[%run_scoped3A_107, %run_scoped3A_108, %dma_start3A_152] : memref<2x2x128xi32, #tpu.memory_space<vmem>> -> memref<1x1x128xi32, #tpu.memory_space<vmem>>
        %dma_start3A_154 = tpu.memref_squeeze %dma_start3A_153 : memref<1x1x128xi32, #tpu.memory_space<vmem>> -> memref<128xi32, #tpu.memory_space<vmem>>
        %dma_start3A_155 = arith.constant 0 : i32
        %dma_start3A_156 = arith.constant 0 : i32
        %dma_start3A_157 = tpu.memref_slice %arg8[%dma_start3A_155, %dma_start3A_156] : memref<10240x128xf32, #tpu.memory_space<vmem_shared>> -> memref<10240x128xf32, #tpu.memory_space<vmem_shared>>
        tpu.enqueue_indirect_dma source(%dma_start3A_151 : memref<128x128xf32, #tpu.memory_space<vmem>>) target(%dma_start3A_157 : memref<10240x128xf32, #tpu.memory_space<vmem_shared>>) offsets(%dma_start3A_154 : memref<128xi32, #tpu.memory_space<vmem>>) semaphore(%run_scoped3A_147 : memref<!tpu.dma_semaphore, #tpu.memory_space<semaphore_mem>>) {add = true}
        %dma_wait3A_158 = arith.constant 0 : i32
        %dma_wait3A_159 = arith.constant 0 : i32
        %dma_wait3A_160 = tpu.memref_slice %arg7[%run_scoped3A, %dma_wait3A_158, %dma_wait3A_159] : memref<2x128x128xf32, #tpu.memory_space<vmem>> -> memref<1x128x128xf32, #tpu.memory_space<vmem>>
        %dma_wait3A_161 = tpu.memref_squeeze %dma_wait3A_160 : memref<1x128x128xf32, #tpu.memory_space<vmem>> -> memref<128x128xf32, #tpu.memory_space<vmem>>
        %dma_wait3A_162 = arith.constant 0 : i32
        %dma_wait3A_163 = tpu.memref_slice %arg6[%run_scoped3A_107, %run_scoped3A_108, %dma_wait3A_162] : memref<2x2x128xi32, #tpu.memory_space<vmem>> -> memref<1x1x128xi32, #tpu.memory_space<vmem>>
        %dma_wait3A_164 = tpu.memref_squeeze %dma_wait3A_163 : memref<1x1x128xi32, #tpu.memory_space<vmem>> -> memref<128xi32, #tpu.memory_space<vmem>>
        %dma_wait3A_165 = arith.constant 0 : i32
        %dma_wait3A_166 = arith.constant 0 : i32
        %dma_wait3A_167 = tpu.memref_slice %arg8[%dma_wait3A_165, %dma_wait3A_166] : memref<10240x128xf32, #tpu.memory_space<vmem_shared>> -> memref<10240x128xf32, #tpu.memory_space<vmem_shared>>
        tpu.wait_indirect_dma semaphore(%run_scoped3A_147 : memref<!tpu.dma_semaphore, #tpu.memory_space<semaphore_mem>>) src(%dma_wait3A_161 : memref<128x128xf32, #tpu.memory_space<vmem>>) dst(%dma_wait3A_167 : memref<10240x128xf32, #tpu.memory_space<vmem_shared>>)
        tpu.yield
      }) : () -> ()
      %add3A_109 = arith.constant 2 : i32
      %add3A_110 = arith.addi %add3A_90, %add3A_109 : i32
      %lt3A_111 = arith.cmpi slt, %add3A_110, %select_n3A_10 : i32
      %convert_element_type3A_112 = arith.extui %lt3A_111 : i1 to i32
      %cond3A_113 = arith.constant 0 : i32
      %cond3A_114 = arith.cmpi ne, %convert_element_type3A_112, %cond3A_113 : i32
      scf.if %cond3A_114 {
        %add3A_147 = arith.constant 2 : i32
        %add3A_148 = arith.addi %add3A_90, %add3A_147 : i32
        %add3A_149 = arith.addi %select_n3A, %add3A_148 : i32
        %dma_start3A_150 = arith.constant 0 : i32
        %dma_start3A_151 = arith.constant 0 : i32
        %dma_start3A_152 = arith.constant 0 : i32
        %dma_start3A_153 = tpu.memref_slice %arg6[%dma_start3A_150, %dma_start3A_151, %dma_start3A_152] : memref<2x2x128xi32, #tpu.memory_space<vmem>> -> memref<1x2x128xi32, #tpu.memory_space<vmem>>
        %dma_start3A_154 = tpu.memref_squeeze %dma_start3A_153 : memref<1x2x128xi32, #tpu.memory_space<vmem>> -> memref<2x128xi32, #tpu.memory_space<vmem>>
        %dma_start3A_155 = arith.constant 0 : i32
        %dma_start3A_156 = arith.constant 0 : i32
        %dma_start3A_157 = tpu.memref_slice %arg3[%add3A_149, %dma_start3A_155, %dma_start3A_156] : memref<2560x2x128xi32, #tpu.memory_space<hbm>> -> memref<1x2x128xi32, #tpu.memory_space<hbm>>
        %dma_start3A_158 = tpu.memref_squeeze %dma_start3A_157 : memref<1x2x128xi32, #tpu.memory_space<hbm>> -> memref<2x128xi32, #tpu.memory_space<hbm>>
        %dma_start3A_159 = arith.constant 0 : i32
        %dma_start3A_160 = arith.constant 0 : i32
        %dma_start3A_161 = tpu.memref_slice %arg6[%dma_start3A_150, %dma_start3A_159, %dma_start3A_160] : memref<2x2x128xi32, #tpu.memory_space<vmem>> -> memref<1x2x128xi32, #tpu.memory_space<vmem>>
        %dma_start3A_162 = tpu.memref_squeeze %dma_start3A_161 : memref<1x2x128xi32, #tpu.memory_space<vmem>> -> memref<2x128xi32, #tpu.memory_space<vmem>>
        %dma_start3A_163 = arith.constant 0 : i32
        %dma_start3A_164 = arith.constant 0 : i32
        %dma_start3A_165 = tpu.memref_slice %arg3[%add3A_149, %dma_start3A_163, %dma_start3A_164] : memref<2560x2x128xi32, #tpu.memory_space<hbm>> -> memref<1x2x128xi32, #tpu.memory_space<hbm>>
        %dma_start3A_166 = tpu.memref_squeeze %dma_start3A_165 : memref<1x2x128xi32, #tpu.memory_space<hbm>> -> memref<2x128xi32, #tpu.memory_space<hbm>>
        tpu.enqueue_dma source(%dma_start3A_166 : memref<2x128xi32, #tpu.memory_space<hbm>>) target(%dma_start3A_162 : memref<2x128xi32, #tpu.memory_space<vmem>>) target_semaphore(%arg9 : memref<!tpu.dma_semaphore, #tpu.memory_space<semaphore_mem>>)
      } else {
      }
      %mul3A_115 = arith.constant 2 : i32
      %mul3A_116 = arith.muli %mul3A_115, %while3A_86 : i32
      %add3A_117 = arith.constant 1 : i32
      %add3A_118 = arith.addi %mul3A_116, %add3A_117 : i32
      %add3A_119 = arith.constant 1 : i32
      %add3A_120 = arith.addi %add3A_118, %add3A_119 : i32
      %lt3A_121 = arith.cmpi slt, %add3A_120, %select_n3A_10 : i32
      %convert_element_type3A_122 = arith.extui %lt3A_121 : i1 to i32
      %cond3A_123 = arith.constant 0 : i32
      %cond3A_124 = arith.cmpi ne, %convert_element_type3A_122, %cond3A_123 : i32
      scf.if %cond3A_124 {
        %dma_wait3A_147 = arith.constant 0 : i32
        %dma_wait3A_148 = arith.constant 0 : i32
        %dma_wait3A_149 = arith.constant 0 : i32
        %dma_wait3A_150 = tpu.memref_slice %arg6[%dma_wait3A_147, %dma_wait3A_148, %dma_wait3A_149] : memref<2x2x128xi32, #tpu.memory_space<vmem>> -> memref<1x2x128xi32, #tpu.memory_space<vmem>>
        %dma_wait3A_151 = tpu.memref_squeeze %dma_wait3A_150 : memref<1x2x128xi32, #tpu.memory_space<vmem>> -> memref<2x128xi32, #tpu.memory_space<vmem>>
        %dma_wait3A_152 = arith.constant 0 : i32
        %dma_wait3A_153 = arith.constant 0 : i32
        %dma_wait3A_154 = tpu.memref_slice %arg3[%select_n3A, %dma_wait3A_152, %dma_wait3A_153] : memref<2560x2x128xi32, #tpu.memory_space<hbm>> -> memref<1x2x128xi32, #tpu.memory_space<hbm>>
        %dma_wait3A_155 = tpu.memref_squeeze %dma_wait3A_154 : memref<1x2x128xi32, #tpu.memory_space<hbm>> -> memref<2x128xi32, #tpu.memory_space<hbm>>
        %dma_wait3A_156 = arith.constant 0 : i32
        %dma_wait3A_157 = arith.constant 0 : i32
        %dma_wait3A_158 = tpu.memref_slice %arg6[%dma_wait3A_147, %dma_wait3A_156, %dma_wait3A_157] : memref<2x2x128xi32, #tpu.memory_space<vmem>> -> memref<1x2x128xi32, #tpu.memory_space<vmem>>
        %dma_wait3A_159 = tpu.memref_squeeze %dma_wait3A_158 : memref<1x2x128xi32, #tpu.memory_space<vmem>> -> memref<2x128xi32, #tpu.memory_space<vmem>>
        %dma_wait3A_160 = arith.constant 0 : i32
        %dma_wait3A_161 = arith.constant 0 : i32
        %dma_wait3A_162 = tpu.memref_slice %arg3[%select_n3A, %dma_wait3A_160, %dma_wait3A_161] : memref<2560x2x128xi32, #tpu.memory_space<hbm>> -> memref<1x2x128xi32, #tpu.memory_space<hbm>>
        %dma_wait3A_163 = tpu.memref_squeeze %dma_wait3A_162 : memref<1x2x128xi32, #tpu.memory_space<hbm>> -> memref<2x128xi32, #tpu.memory_space<hbm>>
        tpu.wait_dma2 semaphore(%arg9 : memref<!tpu.dma_semaphore, #tpu.memory_space<semaphore_mem>>) src(%dma_wait3A_163 : memref<2x128xi32, #tpu.memory_space<hbm>>) dst(%dma_wait3A_159 : memref<2x128xi32, #tpu.memory_space<vmem>>)
        %dma_start3A_164 = arith.constant 0 : i32
        %dma_start3A_165 = arith.constant 0 : i32
        %dma_start3A_166 = arith.constant 0 : i32
        %dma_start3A_167 = arith.constant 0 : i32
        %dma_start3A_168 = arith.constant 0 : i32
        %dma_start3A_169 = tpu.memref_slice %arg7[%dma_start3A_166, %dma_start3A_167, %dma_start3A_168] : memref<2x128x128xf32, #tpu.memory_space<vmem>> -> memref<1x128x128xf32, #tpu.memory_space<vmem>>
        %dma_start3A_170 = tpu.memref_squeeze %dma_start3A_169 : memref<1x128x128xf32, #tpu.memory_space<vmem>> -> memref<128x128xf32, #tpu.memory_space<vmem>>
        %dma_start3A_171 = arith.constant 0 : i32
        %dma_start3A_172 = tpu.memref_slice %arg6[%dma_start3A_164, %dma_start3A_165, %dma_start3A_171] : memref<2x2x128xi32, #tpu.memory_space<vmem>> -> memref<1x1x128xi32, #tpu.memory_space<vmem>>
        %dma_start3A_173 = tpu.memref_squeeze %dma_start3A_172 : memref<1x1x128xi32, #tpu.memory_space<vmem>> -> memref<128xi32, #tpu.memory_space<vmem>>
        %dma_start3A_174 = arith.constant 0 : i32
        %dma_start3A_175 = arith.constant 0 : i32
        %dma_start3A_176 = tpu.memref_slice %arg2[%dma_start3A_174, %dma_start3A_175] : memref<10240x128xf32, #tpu.memory_space<hbm>> -> memref<10240x128xf32, #tpu.memory_space<hbm>>
        tpu.enqueue_indirect_dma source(%dma_start3A_176 : memref<10240x128xf32, #tpu.memory_space<hbm>>) target(%dma_start3A_170 : memref<128x128xf32, #tpu.memory_space<vmem>>) offsets(%dma_start3A_173 : memref<128xi32, #tpu.memory_space<vmem>>) semaphore(%arg11 : memref<!tpu.dma_semaphore, #tpu.memory_space<semaphore_mem>>)
      } else {
      }
      %dma_wait3A_125 = arith.constant 1 : i32
      %dma_wait3A_126 = arith.constant 0 : i32
      %dma_wait3A_127 = arith.constant 1 : i32
      %dma_wait3A_128 = arith.constant 0 : i32
      %dma_wait3A_129 = arith.constant 0 : i32
      %dma_wait3A_130 = tpu.memref_slice %arg7[%dma_wait3A_127, %dma_wait3A_128, %dma_wait3A_129] : memref<2x128x128xf32, #tpu.memory_space<vmem>> -> memref<1x128x128xf32, #tpu.memory_space<vmem>>
      %dma_wait3A_131 = tpu.memref_squeeze %dma_wait3A_130 : memref<1x128x128xf32, #tpu.memory_space<vmem>> -> memref<128x128xf32, #tpu.memory_space<vmem>>
      %dma_wait3A_132 = arith.constant 0 : i32
      %dma_wait3A_133 = tpu.memref_slice %arg6[%dma_wait3A_125, %dma_wait3A_126, %dma_wait3A_132] : memref<2x2x128xi32, #tpu.memory_space<vmem>> -> memref<1x1x128xi32, #tpu.memory_space<vmem>>
      %dma_wait3A_134 = tpu.memref_squeeze %dma_wait3A_133 : memref<1x1x128xi32, #tpu.memory_space<vmem>> -> memref<128xi32, #tpu.memory_space<vmem>>
      %dma_wait3A_135 = arith.constant 0 : i32
      %dma_wait3A_136 = arith.constant 0 : i32
      %dma_wait3A_137 = tpu.memref_slice %arg2[%dma_wait3A_135, %dma_wait3A_136] : memref<10240x128xf32, #tpu.memory_space<hbm>> -> memref<10240x128xf32, #tpu.memory_space<hbm>>
      tpu.wait_indirect_dma semaphore(%arg12 : memref<!tpu.dma_semaphore, #tpu.memory_space<semaphore_mem>>) src(%dma_wait3A_137 : memref<10240x128xf32, #tpu.memory_space<hbm>>) dst(%dma_wait3A_131 : memref<128x128xf32, #tpu.memory_space<vmem>>)
      %run_scoped3A_138 = arith.constant 1 : i32
      %run_scoped3A_139 = arith.constant 1 : i32
      %run_scoped3A_140 = arith.constant 1 : i32
      "tpu.region"() ({
        %run_scoped3A_147 = tpu.sem_alloc : memref<!tpu.dma_semaphore, #tpu.memory_space<semaphore_mem>>
        %dma_start3A_148 = arith.constant 0 : i32
        %dma_start3A_149 = arith.constant 0 : i32
        %dma_start3A_150 = tpu.memref_slice %arg7[%run_scoped3A_138, %dma_start3A_148, %dma_start3A_149] : memref<2x128x128xf32, #tpu.memory_space<vmem>> -> memref<1x128x128xf32, #tpu.memory_space<vmem>>
        %dma_start3A_151 = tpu.memref_squeeze %dma_start3A_150 : memref<1x128x128xf32, #tpu.memory_space<vmem>> -> memref<128x128xf32, #tpu.memory_space<vmem>>
        %dma_start3A_152 = arith.constant 0 : i32
        %dma_start3A_153 = tpu.memref_slice %arg6[%run_scoped3A_139, %run_scoped3A_140, %dma_start3A_152] : memref<2x2x128xi32, #tpu.memory_space<vmem>> -> memref<1x1x128xi32, #tpu.memory_space<vmem>>
        %dma_start3A_154 = tpu.memref_squeeze %dma_start3A_153 : memref<1x1x128xi32, #tpu.memory_space<vmem>> -> memref<128xi32, #tpu.memory_space<vmem>>
        %dma_start3A_155 = arith.constant 0 : i32
        %dma_start3A_156 = arith.constant 0 : i32
        %dma_start3A_157 = tpu.memref_slice %arg8[%dma_start3A_155, %dma_start3A_156] : memref<10240x128xf32, #tpu.memory_space<vmem_shared>> -> memref<10240x128xf32, #tpu.memory_space<vmem_shared>>
        tpu.enqueue_indirect_dma source(%dma_start3A_151 : memref<128x128xf32, #tpu.memory_space<vmem>>) target(%dma_start3A_157 : memref<10240x128xf32, #tpu.memory_space<vmem_shared>>) offsets(%dma_start3A_154 : memref<128xi32, #tpu.memory_space<vmem>>) semaphore(%run_scoped3A_147 : memref<!tpu.dma_semaphore, #tpu.memory_space<semaphore_mem>>) {add = true}
        %dma_wait3A_158 = arith.constant 0 : i32
        %dma_wait3A_159 = arith.constant 0 : i32
        %dma_wait3A_160 = tpu.memref_slice %arg7[%run_scoped3A_138, %dma_wait3A_158, %dma_wait3A_159] : memref<2x128x128xf32, #tpu.memory_space<vmem>> -> memref<1x128x128xf32, #tpu.memory_space<vmem>>
        %dma_wait3A_161 = tpu.memref_squeeze %dma_wait3A_160 : memref<1x128x128xf32, #tpu.memory_space<vmem>> -> memref<128x128xf32, #tpu.memory_space<vmem>>
        %dma_wait3A_162 = arith.constant 0 : i32
        %dma_wait3A_163 = tpu.memref_slice %arg6[%run_scoped3A_139, %run_scoped3A_140, %dma_wait3A_162] : memref<2x2x128xi32, #tpu.memory_space<vmem>> -> memref<1x1x128xi32, #tpu.memory_space<vmem>>
        %dma_wait3A_164 = tpu.memref_squeeze %dma_wait3A_163 : memref<1x1x128xi32, #tpu.memory_space<vmem>> -> memref<128xi32, #tpu.memory_space<vmem>>
        %dma_wait3A_165 = arith.constant 0 : i32
        %dma_wait3A_166 = arith.constant 0 : i32
        %dma_wait3A_167 = tpu.memref_slice %arg8[%dma_wait3A_165, %dma_wait3A_166] : memref<10240x128xf32, #tpu.memory_space<vmem_shared>> -> memref<10240x128xf32, #tpu.memory_space<vmem_shared>>
        tpu.wait_indirect_dma semaphore(%run_scoped3A_147 : memref<!tpu.dma_semaphore, #tpu.memory_space<semaphore_mem>>) src(%dma_wait3A_161 : memref<128x128xf32, #tpu.memory_space<vmem>>) dst(%dma_wait3A_167 : memref<10240x128xf32, #tpu.memory_space<vmem_shared>>)
        tpu.yield
      }) : () -> ()
      %add3A_141 = arith.constant 2 : i32
      %add3A_142 = arith.addi %add3A_118, %add3A_141 : i32
      %lt3A_143 = arith.cmpi slt, %add3A_142, %select_n3A_10 : i32
      %convert_element_type3A_144 = arith.extui %lt3A_143 : i1 to i32
      %cond3A_145 = arith.constant 0 : i32
      %cond3A_146 = arith.cmpi ne, %convert_element_type3A_144, %cond3A_145 : i32
      scf.if %cond3A_146 {
        %add3A_147 = arith.constant 2 : i32
        %add3A_148 = arith.addi %add3A_118, %add3A_147 : i32
        %add3A_149 = arith.addi %select_n3A, %add3A_148 : i32
        %dma_start3A_150 = arith.constant 1 : i32
        %dma_start3A_151 = arith.constant 0 : i32
        %dma_start3A_152 = arith.constant 0 : i32
        %dma_start3A_153 = tpu.memref_slice %arg6[%dma_start3A_150, %dma_start3A_151, %dma_start3A_152] : memref<2x2x128xi32, #tpu.memory_space<vmem>> -> memref<1x2x128xi32, #tpu.memory_space<vmem>>
        %dma_start3A_154 = tpu.memref_squeeze %dma_start3A_153 : memref<1x2x128xi32, #tpu.memory_space<vmem>> -> memref<2x128xi32, #tpu.memory_space<vmem>>
        %dma_start3A_155 = arith.constant 0 : i32
        %dma_start3A_156 = arith.constant 0 : i32
        %dma_start3A_157 = tpu.memref_slice %arg3[%add3A_149, %dma_start3A_155, %dma_start3A_156] : memref<2560x2x128xi32, #tpu.memory_space<hbm>> -> memref<1x2x128xi32, #tpu.memory_space<hbm>>
        %dma_start3A_158 = tpu.memref_squeeze %dma_start3A_157 : memref<1x2x128xi32, #tpu.memory_space<hbm>> -> memref<2x128xi32, #tpu.memory_space<hbm>>
        %dma_start3A_159 = arith.constant 0 : i32
        %dma_start3A_160 = arith.constant 0 : i32
        %dma_start3A_161 = tpu.memref_slice %arg6[%dma_start3A_150, %dma_start3A_159, %dma_start3A_160] : memref<2x2x128xi32, #tpu.memory_space<vmem>> -> memref<1x2x128xi32, #tpu.memory_space<vmem>>
        %dma_start3A_162 = tpu.memref_squeeze %dma_start3A_161 : memref<1x2x128xi32, #tpu.memory_space<vmem>> -> memref<2x128xi32, #tpu.memory_space<vmem>>
        %dma_start3A_163 = arith.constant 0 : i32
        %dma_start3A_164 = arith.constant 0 : i32
        %dma_start3A_165 = tpu.memref_slice %arg3[%add3A_149, %dma_start3A_163, %dma_start3A_164] : memref<2560x2x128xi32, #tpu.memory_space<hbm>> -> memref<1x2x128xi32, #tpu.memory_space<hbm>>
        %dma_start3A_166 = tpu.memref_squeeze %dma_start3A_165 : memref<1x2x128xi32, #tpu.memory_space<hbm>> -> memref<2x128xi32, #tpu.memory_space<hbm>>
        tpu.enqueue_dma source(%dma_start3A_166 : memref<2x128xi32, #tpu.memory_space<hbm>>) target(%dma_start3A_162 : memref<2x128xi32, #tpu.memory_space<vmem>>) target_semaphore(%arg10 : memref<!tpu.dma_semaphore, #tpu.memory_space<semaphore_mem>>)
      } else {
      }
    }
    %while3A_84 = arith.constant 1 : i32
    scf.for %while3A_86 = %while3A_82 to %while3A_78 step %while3A_84  : i32 {
      %mul3A_87 = arith.constant 2 : i32
      %mul3A_88 = arith.muli %mul3A_87, %while3A_86 : i32
      %add3A_89 = arith.constant 0 : i32
      %add3A_90 = arith.addi %mul3A_88, %add3A_89 : i32
      %add3A_91 = arith.constant 1 : i32
      %add3A_92 = arith.addi %add3A_90, %add3A_91 : i32
      %lt3A = arith.cmpi slt, %add3A_92, %select_n3A_10 : i32
      %convert_element_type3A = arith.extui %lt3A : i1 to i32
      %cond3A = arith.constant 0 : i32
      %cond3A_93 = arith.cmpi ne, %convert_element_type3A, %cond3A : i32
      scf.if %cond3A_93 {
        %dma_wait3A_147 = arith.constant 1 : i32
        %dma_wait3A_148 = arith.constant 0 : i32
        %dma_wait3A_149 = arith.constant 0 : i32
        %dma_wait3A_150 = tpu.memref_slice %arg6[%dma_wait3A_147, %dma_wait3A_148, %dma_wait3A_149] : memref<2x2x128xi32, #tpu.memory_space<vmem>> -> memref<1x2x128xi32, #tpu.memory_space<vmem>>
        %dma_wait3A_151 = tpu.memref_squeeze %dma_wait3A_150 : memref<1x2x128xi32, #tpu.memory_space<vmem>> -> memref<2x128xi32, #tpu.memory_space<vmem>>
        %dma_wait3A_152 = arith.constant 0 : i32
        %dma_wait3A_153 = arith.constant 0 : i32
        %dma_wait3A_154 = tpu.memref_slice %arg3[%select_n3A, %dma_wait3A_152, %dma_wait3A_153] : memref<2560x2x128xi32, #tpu.memory_space<hbm>> -> memref<1x2x128xi32, #tpu.memory_space<hbm>>
        %dma_wait3A_155 = tpu.memref_squeeze %dma_wait3A_154 : memref<1x2x128xi32, #tpu.memory_space<hbm>> -> memref<2x128xi32, #tpu.memory_space<hbm>>
        %dma_wait3A_156 = arith.constant 0 : i32
        %dma_wait3A_157 = arith.constant 0 : i32
        %dma_wait3A_158 = tpu.memref_slice %arg6[%dma_wait3A_147, %dma_wait3A_156, %dma_wait3A_157] : memref<2x2x128xi32, #tpu.memory_space<vmem>> -> memref<1x2x128xi32, #tpu.memory_space<vmem>>
        %dma_wait3A_159 = tpu.memref_squeeze %dma_wait3A_158 : memref<1x2x128xi32, #tpu.memory_space<vmem>> -> memref<2x128xi32, #tpu.memory_space<vmem>>
        %dma_wait3A_160 = arith.constant 0 : i32
        %dma_wait3A_161 = arith.constant 0 : i32
        %dma_wait3A_162 = tpu.memref_slice %arg3[%select_n3A, %dma_wait3A_160, %dma_wait3A_161] : memref<2560x2x128xi32, #tpu.memory_space<hbm>> -> memref<1x2x128xi32, #tpu.memory_space<hbm>>
        %dma_wait3A_163 = tpu.memref_squeeze %dma_wait3A_162 : memref<1x2x128xi32, #tpu.memory_space<hbm>> -> memref<2x128xi32, #tpu.memory_space<hbm>>
        tpu.wait_dma2 semaphore(%arg10 : memref<!tpu.dma_semaphore, #tpu.memory_space<semaphore_mem>>) src(%dma_wait3A_163 : memref<2x128xi32, #tpu.memory_space<hbm>>) dst(%dma_wait3A_159 : memref<2x128xi32, #tpu.memory_space<vmem>>)
        %dma_start3A_164 = arith.constant 1 : i32
        %dma_start3A_165 = arith.constant 0 : i32
        %dma_start3A_166 = arith.constant 1 : i32
        %dma_start3A_167 = arith.constant 0 : i32
        %dma_start3A_168 = arith.constant 0 : i32
        %dma_start3A_169 = tpu.memref_slice %arg7[%dma_start3A_166, %dma_start3A_167, %dma_start3A_168] : memref<2x128x128xf32, #tpu.memory_space<vmem>> -> memref<1x128x128xf32, #tpu.memory_space<vmem>>
        %dma_start3A_170 = tpu.memref_squeeze %dma_start3A_169 : memref<1x128x128xf32, #tpu.memory_space<vmem>> -> memref<128x128xf32, #tpu.memory_space<vmem>>
        %dma_start3A_171 = arith.constant 0 : i32
        %dma_start3A_172 = tpu.memref_slice %arg6[%dma_start3A_164, %dma_start3A_165, %dma_start3A_171] : memref<2x2x128xi32, #tpu.memory_space<vmem>> -> memref<1x1x128xi32, #tpu.memory_space<vmem>>
        %dma_start3A_173 = tpu.memref_squeeze %dma_start3A_172 : memref<1x1x128xi32, #tpu.memory_space<vmem>> -> memref<128xi32, #tpu.memory_space<vmem>>
        %dma_start3A_174 = arith.constant 0 : i32
        %dma_start3A_175 = arith.constant 0 : i32
        %dma_start3A_176 = tpu.memref_slice %arg2[%dma_start3A_174, %dma_start3A_175] : memref<10240x128xf32, #tpu.memory_space<hbm>> -> memref<10240x128xf32, #tpu.memory_space<hbm>>
        tpu.enqueue_indirect_dma source(%dma_start3A_176 : memref<10240x128xf32, #tpu.memory_space<hbm>>) target(%dma_start3A_170 : memref<128x128xf32, #tpu.memory_space<vmem>>) offsets(%dma_start3A_173 : memref<128xi32, #tpu.memory_space<vmem>>) semaphore(%arg12 : memref<!tpu.dma_semaphore, #tpu.memory_space<semaphore_mem>>)
      } else {
      }
      %dma_wait3A_94 = arith.constant 0 : i32
      %dma_wait3A_95 = arith.constant 0 : i32
      %dma_wait3A_96 = arith.constant 0 : i32
      %dma_wait3A_97 = arith.constant 0 : i32
      %dma_wait3A_98 = arith.constant 0 : i32
      %dma_wait3A_99 = tpu.memref_slice %arg7[%dma_wait3A_96, %dma_wait3A_97, %dma_wait3A_98] : memref<2x128x128xf32, #tpu.memory_space<vmem>> -> memref<1x128x128xf32, #tpu.memory_space<vmem>>
      %dma_wait3A_100 = tpu.memref_squeeze %dma_wait3A_99 : memref<1x128x128xf32, #tpu.memory_space<vmem>> -> memref<128x128xf32, #tpu.memory_space<vmem>>
      %dma_wait3A_101 = arith.constant 0 : i32
      %dma_wait3A_102 = tpu.memref_slice %arg6[%dma_wait3A_94, %dma_wait3A_95, %dma_wait3A_101] : memref<2x2x128xi32, #tpu.memory_space<vmem>> -> memref<1x1x128xi32, #tpu.memory_space<vmem>>
      %dma_wait3A_103 = tpu.memref_squeeze %dma_wait3A_102 : memref<1x1x128xi32, #tpu.memory_space<vmem>> -> memref<128xi32, #tpu.memory_space<vmem>>
      %dma_wait3A_104 = arith.constant 0 : i32
      %dma_wait3A_105 = arith.constant 0 : i32
      %dma_wait3A_106 = tpu.memref_slice %arg2[%dma_wait3A_104, %dma_wait3A_105] : memref<10240x128xf32, #tpu.memory_space<hbm>> -> memref<10240x128xf32, #tpu.memory_space<hbm>>
      tpu.wait_indirect_dma semaphore(%arg11 : memref<!tpu.dma_semaphore, #tpu.memory_space<semaphore_mem>>) src(%dma_wait3A_106 : memref<10240x128xf32, #tpu.memory_space<hbm>>) dst(%dma_wait3A_100 : memref<128x128xf32, #tpu.memory_space<vmem>>)
      %run_scoped3A = arith.constant 0 : i32
      %run_scoped3A_107 = arith.constant 0 : i32
      %run_scoped3A_108 = arith.constant 1 : i32
      "tpu.region"() ({
        %run_scoped3A_147 = tpu.sem_alloc : memref<!tpu.dma_semaphore, #tpu.memory_space<semaphore_mem>>
        %dma_start3A_148 = arith.constant 0 : i32
        %dma_start3A_149 = arith.constant 0 : i32
        %dma_start3A_150 = tpu.memref_slice %arg7[%run_scoped3A, %dma_start3A_148, %dma_start3A_149] : memref<2x128x128xf32, #tpu.memory_space<vmem>> -> memref<1x128x128xf32, #tpu.memory_space<vmem>>
        %dma_start3A_151 = tpu.memref_squeeze %dma_start3A_150 : memref<1x128x128xf32, #tpu.memory_space<vmem>> -> memref<128x128xf32, #tpu.memory_space<vmem>>
        %dma_start3A_152 = arith.constant 0 : i32
        %dma_start3A_153 = tpu.memref_slice %arg6[%run_scoped3A_107, %run_scoped3A_108, %dma_start3A_152] : memref<2x2x128xi32, #tpu.memory_space<vmem>> -> memref<1x1x128xi32, #tpu.memory_space<vmem>>
        %dma_start3A_154 = tpu.memref_squeeze %dma_start3A_153 : memref<1x1x128xi32, #tpu.memory_space<vmem>> -> memref<128xi32, #tpu.memory_space<vmem>>
        %dma_start3A_155 = arith.constant 0 : i32
        %dma_start3A_156 = arith.constant 0 : i32
        %dma_start3A_157 = tpu.memref_slice %arg8[%dma_start3A_155, %dma_start3A_156] : memref<10240x128xf32, #tpu.memory_space<vmem_shared>> -> memref<10240x128xf32, #tpu.memory_space<vmem_shared>>
        tpu.enqueue_indirect_dma source(%dma_start3A_151 : memref<128x128xf32, #tpu.memory_space<vmem>>) target(%dma_start3A_157 : memref<10240x128xf32, #tpu.memory_space<vmem_shared>>) offsets(%dma_start3A_154 : memref<128xi32, #tpu.memory_space<vmem>>) semaphore(%run_scoped3A_147 : memref<!tpu.dma_semaphore, #tpu.memory_space<semaphore_mem>>) {add = true}
        %dma_wait3A_158 = arith.constant 0 : i32
        %dma_wait3A_159 = arith.constant 0 : i32
        %dma_wait3A_160 = tpu.memref_slice %arg7[%run_scoped3A, %dma_wait3A_158, %dma_wait3A_159] : memref<2x128x128xf32, #tpu.memory_space<vmem>> -> memref<1x128x128xf32, #tpu.memory_space<vmem>>
        %dma_wait3A_161 = tpu.memref_squeeze %dma_wait3A_160 : memref<1x128x128xf32, #tpu.memory_space<vmem>> -> memref<128x128xf32, #tpu.memory_space<vmem>>
        %dma_wait3A_162 = arith.constant 0 : i32
        %dma_wait3A_163 = tpu.memref_slice %arg6[%run_scoped3A_107, %run_scoped3A_108, %dma_wait3A_162] : memref<2x2x128xi32, #tpu.memory_space<vmem>> -> memref<1x1x128xi32, #tpu.memory_space<vmem>>
        %dma_wait3A_164 = tpu.memref_squeeze %dma_wait3A_163 : memref<1x1x128xi32, #tpu.memory_space<vmem>> -> memref<128xi32, #tpu.memory_space<vmem>>
        %dma_wait3A_165 = arith.constant 0 : i32
        %dma_wait3A_166 = arith.constant 0 : i32
        %dma_wait3A_167 = tpu.memref_slice %arg8[%dma_wait3A_165, %dma_wait3A_166] : memref<10240x128xf32, #tpu.memory_space<vmem_shared>> -> memref<10240x128xf32, #tpu.memory_space<vmem_shared>>
        tpu.wait_indirect_dma semaphore(%run_scoped3A_147 : memref<!tpu.dma_semaphore, #tpu.memory_space<semaphore_mem>>) src(%dma_wait3A_161 : memref<128x128xf32, #tpu.memory_space<vmem>>) dst(%dma_wait3A_167 : memref<10240x128xf32, #tpu.memory_space<vmem_shared>>)
        tpu.yield
      }) : () -> ()
      %add3A_109 = arith.constant 2 : i32
      %add3A_110 = arith.addi %add3A_90, %add3A_109 : i32
      %lt3A_111 = arith.cmpi slt, %add3A_110, %select_n3A_10 : i32
      %convert_element_type3A_112 = arith.extui %lt3A_111 : i1 to i32
      %cond3A_113 = arith.constant 0 : i32
      %cond3A_114 = arith.cmpi ne, %convert_element_type3A_112, %cond3A_113 : i32
      scf.if %cond3A_114 {
        %add3A_147 = arith.constant 2 : i32
        %add3A_148 = arith.addi %add3A_90, %add3A_147 : i32
        %add3A_149 = arith.addi %select_n3A, %add3A_148 : i32
        %dma_start3A_150 = arith.constant 0 : i32
        %dma_start3A_151 = arith.constant 0 : i32
        %dma_start3A_152 = arith.constant 0 : i32
        %dma_start3A_153 = tpu.memref_slice %arg6[%dma_start3A_150, %dma_start3A_151, %dma_start3A_152] : memref<2x2x128xi32, #tpu.memory_space<vmem>> -> memref<1x2x128xi32, #tpu.memory_space<vmem>>
        %dma_start3A_154 = tpu.memref_squeeze %dma_start3A_153 : memref<1x2x128xi32, #tpu.memory_space<vmem>> -> memref<2x128xi32, #tpu.memory_space<vmem>>
        %dma_start3A_155 = arith.constant 0 : i32
        %dma_start3A_156 = arith.constant 0 : i32
        %dma_start3A_157 = tpu.memref_slice %arg3[%add3A_149, %dma_start3A_155, %dma_start3A_156] : memref<2560x2x128xi32, #tpu.memory_space<hbm>> -> memref<1x2x128xi32, #tpu.memory_space<hbm>>
        %dma_start3A_158 = tpu.memref_squeeze %dma_start3A_157 : memref<1x2x128xi32, #tpu.memory_space<hbm>> -> memref<2x128xi32, #tpu.memory_space<hbm>>
        %dma_start3A_159 = arith.constant 0 : i32
        %dma_start3A_160 = arith.constant 0 : i32
        %dma_start3A_161 = tpu.memref_slice %arg6[%dma_start3A_150, %dma_start3A_159, %dma_start3A_160] : memref<2x2x128xi32, #tpu.memory_space<vmem>> -> memref<1x2x128xi32, #tpu.memory_space<vmem>>
        %dma_start3A_162 = tpu.memref_squeeze %dma_start3A_161 : memref<1x2x128xi32, #tpu.memory_space<vmem>> -> memref<2x128xi32, #tpu.memory_space<vmem>>
        %dma_start3A_163 = arith.constant 0 : i32
        %dma_start3A_164 = arith.constant 0 : i32
        %dma_start3A_165 = tpu.memref_slice %arg3[%add3A_149, %dma_start3A_163, %dma_start3A_164] : memref<2560x2x128xi32, #tpu.memory_space<hbm>> -> memref<1x2x128xi32, #tpu.memory_space<hbm>>
        %dma_start3A_166 = tpu.memref_squeeze %dma_start3A_165 : memref<1x2x128xi32, #tpu.memory_space<hbm>> -> memref<2x128xi32, #tpu.memory_space<hbm>>
        tpu.enqueue_dma source(%dma_start3A_166 : memref<2x128xi32, #tpu.memory_space<hbm>>) target(%dma_start3A_162 : memref<2x128xi32, #tpu.memory_space<vmem>>) target_semaphore(%arg9 : memref<!tpu.dma_semaphore, #tpu.memory_space<semaphore_mem>>)
      } else {
      }
      %mul3A_115 = arith.constant 2 : i32
      %mul3A_116 = arith.muli %mul3A_115, %while3A_86 : i32
      %add3A_117 = arith.constant 1 : i32
      %add3A_118 = arith.addi %mul3A_116, %add3A_117 : i32
      %add3A_119 = arith.constant 1 : i32
      %add3A_120 = arith.addi %add3A_118, %add3A_119 : i32
      %lt3A_121 = arith.cmpi slt, %add3A_120, %select_n3A_10 : i32
      %convert_element_type3A_122 = arith.extui %lt3A_121 : i1 to i32
      %cond3A_123 = arith.constant 0 : i32
      %cond3A_124 = arith.cmpi ne, %convert_element_type3A_122, %cond3A_123 : i32
      scf.if %cond3A_124 {
        %dma_wait3A_147 = arith.constant 0 : i32
        %dma_wait3A_148 = arith.constant 0 : i32
        %dma_wait3A_149 = arith.constant 0 : i32
        %dma_wait3A_150 = tpu.memref_slice %arg6[%dma_wait3A_147, %dma_wait3A_148, %dma_wait3A_149] : memref<2x2x128xi32, #tpu.memory_space<vmem>> -> memref<1x2x128xi32, #tpu.memory_space<vmem>>
        %dma_wait3A_151 = tpu.memref_squeeze %dma_wait3A_150 : memref<1x2x128xi32, #tpu.memory_space<vmem>> -> memref<2x128xi32, #tpu.memory_space<vmem>>
        %dma_wait3A_152 = arith.constant 0 : i32
        %dma_wait3A_153 = arith.constant 0 : i32
        %dma_wait3A_154 = tpu.memref_slice %arg3[%select_n3A, %dma_wait3A_152, %dma_wait3A_153] : memref<2560x2x128xi32, #tpu.memory_space<hbm>> -> memref<1x2x128xi32, #tpu.memory_space<hbm>>
        %dma_wait3A_155 = tpu.memref_squeeze %dma_wait3A_154 : memref<1x2x128xi32, #tpu.memory_space<hbm>> -> memref<2x128xi32, #tpu.memory_space<hbm>>
        %dma_wait3A_156 = arith.constant 0 : i32
        %dma_wait3A_157 = arith.constant 0 : i32
        %dma_wait3A_158 = tpu.memref_slice %arg6[%dma_wait3A_147, %dma_wait3A_156, %dma_wait3A_157] : memref<2x2x128xi32, #tpu.memory_space<vmem>> -> memref<1x2x128xi32, #tpu.memory_space<vmem>>
        %dma_wait3A_159 = tpu.memref_squeeze %dma_wait3A_158 : memref<1x2x128xi32, #tpu.memory_space<vmem>> -> memref<2x128xi32, #tpu.memory_space<vmem>>
        %dma_wait3A_160 = arith.constant 0 : i32
        %dma_wait3A_161 = arith.constant 0 : i32
        %dma_wait3A_162 = tpu.memref_slice %arg3[%select_n3A, %dma_wait3A_160, %dma_wait3A_161] : memref<2560x2x128xi32, #tpu.memory_space<hbm>> -> memref<1x2x128xi32, #tpu.memory_space<hbm>>
        %dma_wait3A_163 = tpu.memref_squeeze %dma_wait3A_162 : memref<1x2x128xi32, #tpu.memory_space<hbm>> -> memref<2x128xi32, #tpu.memory_space<hbm>>
        tpu.wait_dma2 semaphore(%arg9 : memref<!tpu.dma_semaphore, #tpu.memory_space<semaphore_mem>>) src(%dma_wait3A_163 : memref<2x128xi32, #tpu.memory_space<hbm>>) dst(%dma_wait3A_159 : memref<2x128xi32, #tpu.memory_space<vmem>>)
        %dma_start3A_164 = arith.constant 0 : i32
        %dma_start3A_165 = arith.constant 0 : i32
        %dma_start3A_166 = arith.constant 0 : i32
        %dma_start3A_167 = arith.constant 0 : i32
        %dma_start3A_168 = arith.constant 0 : i32
        %dma_start3A_169 = tpu.memref_slice %arg7[%dma_start3A_166, %dma_start3A_167, %dma_start3A_168] : memref<2x128x128xf32, #tpu.memory_space<vmem>> -> memref<1x128x128xf32, #tpu.memory_space<vmem>>
        %dma_start3A_170 = tpu.memref_squeeze %dma_start3A_169 : memref<1x128x128xf32, #tpu.memory_space<vmem>> -> memref<128x128xf32, #tpu.memory_space<vmem>>
        %dma_start3A_171 = arith.constant 0 : i32
        %dma_start3A_172 = tpu.memref_slice %arg6[%dma_start3A_164, %dma_start3A_165, %dma_start3A_171] : memref<2x2x128xi32, #tpu.memory_space<vmem>> -> memref<1x1x128xi32, #tpu.memory_space<vmem>>
        %dma_start3A_173 = tpu.memref_squeeze %dma_start3A_172 : memref<1x1x128xi32, #tpu.memory_space<vmem>> -> memref<128xi32, #tpu.memory_space<vmem>>
        %dma_start3A_174 = arith.constant 0 : i32
        %dma_start3A_175 = arith.constant 0 : i32
        %dma_start3A_176 = tpu.memref_slice %arg2[%dma_start3A_174, %dma_start3A_175] : memref<10240x128xf32, #tpu.memory_space<hbm>> -> memref<10240x128xf32, #tpu.memory_space<hbm>>
        tpu.enqueue_indirect_dma source(%dma_start3A_176 : memref<10240x128xf32, #tpu.memory_space<hbm>>) target(%dma_start3A_170 : memref<128x128xf32, #tpu.memory_space<vmem>>) offsets(%dma_start3A_173 : memref<128xi32, #tpu.memory_space<vmem>>) semaphore(%arg11 : memref<!tpu.dma_semaphore, #tpu.memory_space<semaphore_mem>>)
      } else {
      }
      %dma_wait3A_125 = arith.constant 1 : i32
      %dma_wait3A_126 = arith.constant 0 : i32
      %dma_wait3A_127 = arith.constant 1 : i32
      %dma_wait3A_128 = arith.constant 0 : i32
      %dma_wait3A_129 = arith.constant 0 : i32
      %dma_wait3A_130 = tpu.memref_slice %arg7[%dma_wait3A_127, %dma_wait3A_128, %dma_wait3A_129] : memref<2x128x128xf32, #tpu.memory_space<vmem>> -> memref<1x128x128xf32, #tpu.memory_space<vmem>>
      %dma_wait3A_131 = tpu.memref_squeeze %dma_wait3A_130 : memref<1x128x128xf32, #tpu.memory_space<vmem>> -> memref<128x128xf32, #tpu.memory_space<vmem>>
      %dma_wait3A_132 = arith.constant 0 : i32
      %dma_wait3A_133 = tpu.memref_slice %arg6[%dma_wait3A_125, %dma_wait3A_126, %dma_wait3A_132] : memref<2x2x128xi32, #tpu.memory_space<vmem>> -> memref<1x1x128xi32, #tpu.memory_space<vmem>>
      %dma_wait3A_134 = tpu.memref_squeeze %dma_wait3A_133 : memref<1x1x128xi32, #tpu.memory_space<vmem>> -> memref<128xi32, #tpu.memory_space<vmem>>
      %dma_wait3A_135 = arith.constant 0 : i32
      %dma_wait3A_136 = arith.constant 0 : i32
      %dma_wait3A_137 = tpu.memref_slice %arg2[%dma_wait3A_135, %dma_wait3A_136] : memref<10240x128xf32, #tpu.memory_space<hbm>> -> memref<10240x128xf32, #tpu.memory_space<hbm>>
      tpu.wait_indirect_dma semaphore(%arg12 : memref<!tpu.dma_semaphore, #tpu.memory_space<semaphore_mem>>) src(%dma_wait3A_137 : memref<10240x128xf32, #tpu.memory_space<hbm>>) dst(%dma_wait3A_131 : memref<128x128xf32, #tpu.memory_space<vmem>>)
      %run_scoped3A_138 = arith.constant 1 : i32
      %run_scoped3A_139 = arith.constant 1 : i32
      %run_scoped3A_140 = arith.constant 1 : i32
      "tpu.region"() ({
        %run_scoped3A_147 = tpu.sem_alloc : memref<!tpu.dma_semaphore, #tpu.memory_space<semaphore_mem>>
        %dma_start3A_148 = arith.constant 0 : i32
        %dma_start3A_149 = arith.constant 0 : i32
        %dma_start3A_150 = tpu.memref_slice %arg7[%run_scoped3A_138, %dma_start3A_148, %dma_start3A_149] : memref<2x128x128xf32, #tpu.memory_space<vmem>> -> memref<1x128x128xf32, #tpu.memory_space<vmem>>
        %dma_start3A_151 = tpu.memref_squeeze %dma_start3A_150 : memref<1x128x128xf32, #tpu.memory_space<vmem>> -> memref<128x128xf32, #tpu.memory_space<vmem>>
        %dma_start3A_152 = arith.constant 0 : i32
        %dma_start3A_153 = tpu.memref_slice %arg6[%run_scoped3A_139, %run_scoped3A_140, %dma_start3A_152] : memref<2x2x128xi32, #tpu.memory_space<vmem>> -> memref<1x1x128xi32, #tpu.memory_space<vmem>>
        %dma_start3A_154 = tpu.memref_squeeze %dma_start3A_153 : memref<1x1x128xi32, #tpu.memory_space<vmem>> -> memref<128xi32, #tpu.memory_space<vmem>>
        %dma_start3A_155 = arith.constant 0 : i32
        %dma_start3A_156 = arith.constant 0 : i32
        %dma_start3A_157 = tpu.memref_slice %arg8[%dma_start3A_155, %dma_start3A_156] : memref<10240x128xf32, #tpu.memory_space<vmem_shared>> -> memref<10240x128xf32, #tpu.memory_space<vmem_shared>>
        tpu.enqueue_indirect_dma source(%dma_start3A_151 : memref<128x128xf32, #tpu.memory_space<vmem>>) target(%dma_start3A_157 : memref<10240x128xf32, #tpu.memory_space<vmem_shared>>) offsets(%dma_start3A_154 : memref<128xi32, #tpu.memory_space<vmem>>) semaphore(%run_scoped3A_147 : memref<!tpu.dma_semaphore, #tpu.memory_space<semaphore_mem>>) {add = true}
        %dma_wait3A_158 = arith.constant 0 : i32
        %dma_wait3A_159 = arith.constant 0 : i32
        %dma_wait3A_160 = tpu.memref_slice %arg7[%run_scoped3A_138, %dma_wait3A_158, %dma_wait3A_159] : memref<2x128x128xf32, #tpu.memory_space<vmem>> -> memref<1x128x128xf32, #tpu.memory_space<vmem>>
        %dma_wait3A_161 = tpu.memref_squeeze %dma_wait3A_160 : memref<1x128x128xf32, #tpu.memory_space<vmem>> -> memref<128x128xf32, #tpu.memory_space<vmem>>
        %dma_wait3A_162 = arith.constant 0 : i32
        %dma_wait3A_163 = tpu.memref_slice %arg6[%run_scoped3A_139, %run_scoped3A_140, %dma_wait3A_162] : memref<2x2x128xi32, #tpu.memory_space<vmem>> -> memref<1x1x128xi32, #tpu.memory_space<vmem>>
        %dma_wait3A_164 = tpu.memref_squeeze %dma_wait3A_163 : memref<1x1x128xi32, #tpu.memory_space<vmem>> -> memref<128xi32, #tpu.memory_space<vmem>>
        %dma_wait3A_165 = arith.constant 0 : i32
        %dma_wait3A_166 = arith.constant 0 : i32
        %dma_wait3A_167 = tpu.memref_slice %arg8[%dma_wait3A_165, %dma_wait3A_166] : memref<10240x128xf32, #tpu.memory_space<vmem_shared>> -> memref<10240x128xf32, #tpu.memory_space<vmem_shared>>
        tpu.wait_indirect_dma semaphore(%run_scoped3A_147 : memref<!tpu.dma_semaphore, #tpu.memory_space<semaphore_mem>>) src(%dma_wait3A_161 : memref<128x128xf32, #tpu.memory_space<vmem>>) dst(%dma_wait3A_167 : memref<10240x128xf32, #tpu.memory_space<vmem_shared>>)
        tpu.yield
      }) : () -> ()
      %add3A_141 = arith.constant 2 : i32
      %add3A_142 = arith.addi %add3A_118, %add3A_141 : i32
      %lt3A_143 = arith.cmpi slt, %add3A_142, %select_n3A_10 : i32
      %convert_element_type3A_144 = arith.extui %lt3A_143 : i1 to i32
      %cond3A_145 = arith.constant 0 : i32
      %cond3A_146 = arith.cmpi ne, %convert_element_type3A_144, %cond3A_145 : i32
      scf.if %cond3A_146 {
        %add3A_147 = arith.constant 2 : i32
        %add3A_148 = arith.addi %add3A_118, %add3A_147 : i32
        %add3A_149 = arith.addi %select_n3A, %add3A_148 : i32
        %dma_start3A_150 = arith.constant 1 : i32
        %dma_start3A_151 = arith.constant 0 : i32
        %dma_start3A_152 = arith.constant 0 : i32
        %dma_start3A_153 = tpu.memref_slice %arg6[%dma_start3A_150, %dma_start3A_151, %dma_start3A_152] : memref<2x2x128xi32, #tpu.memory_space<vmem>> -> memref<1x2x128xi32, #tpu.memory_space<vmem>>
        %dma_start3A_154 = tpu.memref_squeeze %dma_start3A_153 : memref<1x2x128xi32, #tpu.memory_space<vmem>> -> memref<2x128xi32, #tpu.memory_space<vmem>>
        %dma_start3A_155 = arith.constant 0 : i32
        %dma_start3A_156 = arith.constant 0 : i32
        %dma_start3A_157 = tpu.memref_slice %arg3[%add3A_149, %dma_start3A_155, %dma_start3A_156] : memref<2560x2x128xi32, #tpu.memory_space<hbm>> -> memref<1x2x128xi32, #tpu.memory_space<hbm>>
        %dma_start3A_158 = tpu.memref_squeeze %dma_start3A_157 : memref<1x2x128xi32, #tpu.memory_space<hbm>> -> memref<2x128xi32, #tpu.memory_space<hbm>>
        %dma_start3A_159 = arith.constant 0 : i32
        %dma_start3A_160 = arith.constant 0 : i32
        %dma_start3A_161 = tpu.memref_slice %arg6[%dma_start3A_150, %dma_start3A_159, %dma_start3A_160] : memref<2x2x128xi32, #tpu.memory_space<vmem>> -> memref<1x2x128xi32, #tpu.memory_space<vmem>>
        %dma_start3A_162 = tpu.memref_squeeze %dma_start3A_161 : memref<1x2x128xi32, #tpu.memory_space<vmem>> -> memref<2x128xi32, #tpu.memory_space<vmem>>
        %dma_start3A_163 = arith.constant 0 : i32
        %dma_start3A_164 = arith.constant 0 : i32
        %dma_start3A_165 = tpu.memref_slice %arg3[%add3A_149, %dma_start3A_163, %dma_start3A_164] : memref<2560x2x128xi32, #tpu.memory_space<hbm>> -> memref<1x2x128xi32, #tpu.memory_space<hbm>>
        %dma_start3A_166 = tpu.memref_squeeze %dma_start3A_165 : memref<1x2x128xi32, #tpu.memory_space<hbm>> -> memref<2x128xi32, #tpu.memory_space<hbm>>
        tpu.enqueue_dma source(%dma_start3A_166 : memref<2x128xi32, #tpu.memory_space<hbm>>) target(%dma_start3A_162 : memref<2x128xi32, #tpu.memory_space<vmem>>) target_semaphore(%arg10 : memref<!tpu.dma_semaphore, #tpu.memory_space<semaphore_mem>>)
      } else {
      }
    }
    %barrier3A_85 = arith.constant 0 : index
    tpu.barrier barrier_id(%barrier3A_85)
    "tpu.region"() ({
      %run_scoped3A = tpu.sem_alloc : memref<!tpu.dma_semaphore, #tpu.memory_space<semaphore_mem>>
      %dma_start3A_86 = arith.constant 0 : i32
      %dma_start3A_87 = tpu.memref_slice %arg5[%arg0, %mul3A_0, %dma_start3A_86] : memref<2x10240x128xf32, #tpu.memory_space<hbm>> -> memref<1x640x128xf32, #tpu.memory_space<hbm>>
      %dma_start3A_88 = tpu.memref_squeeze %dma_start3A_87 : memref<1x640x128xf32, #tpu.memory_space<hbm>> -> memref<640x128xf32, #tpu.memory_space<hbm>>
      %dma_start3A_89 = arith.constant 0 : i32
      %dma_start3A_90 = tpu.memref_slice %arg8[%mul3A_0, %dma_start3A_89] : memref<10240x128xf32, #tpu.memory_space<vmem_shared>> -> memref<640x128xf32, #tpu.memory_space<vmem_shared>>
      tpu.enqueue_dma source(%dma_start3A_90 : memref<640x128xf32, #tpu.memory_space<vmem_shared>>) target(%dma_start3A_88 : memref<640x128xf32, #tpu.memory_space<hbm>>) target_semaphore(%run_scoped3A : memref<!tpu.dma_semaphore, #tpu.memory_space<semaphore_mem>>)
      %dma_wait3A_91 = arith.constant 0 : i32
      %dma_wait3A_92 = tpu.memref_slice %arg5[%arg0, %mul3A_0, %dma_wait3A_91] : memref<2x10240x128xf32, #tpu.memory_space<hbm>> -> memref<1x640x128xf32, #tpu.memory_space<hbm>>
      %dma_wait3A_93 = tpu.memref_squeeze %dma_wait3A_92 : memref<1x640x128xf32, #tpu.memory_space<hbm>> -> memref<640x128xf32, #tpu.memory_space<hbm>>
      %dma_wait3A_94 = arith.constant 0 : i32
      %dma_wait3A_95 = tpu.memref_slice %arg8[%mul3A_0, %dma_wait3A_94] : memref<10240x128xf32, #tpu.memory_space<vmem_shared>> -> memref<640x128xf32, #tpu.memory_space<vmem_shared>>
      tpu.wait_dma2 semaphore(%run_scoped3A : memref<!tpu.dma_semaphore, #tpu.memory_space<semaphore_mem>>) src(%dma_wait3A_95 : memref<640x128xf32, #tpu.memory_space<vmem_shared>>) dst(%dma_wait3A_93 : memref<640x128xf32, #tpu.memory_space<hbm>>)
      tpu.yield
    }) : () -> ()
    return
  }
}

#map = affine_map<(d0, d1) -> (0, 0)>
#map1 = affine_map<(d0, d1) -> (0, 0, 0)>
module attributes {stable_mosaic.version = 14 : i64} {
  func.func @_agg_body(%arg0: i32, %arg1: i32, %arg2: memref<10240x128xf32, #tpu.memory_space<hbm>>, %arg3: memref<2560x2x128xi32, #tpu.memory_space<hbm>>, %arg4: memref<10240x128xf32, #tpu.memory_space<hbm>>, %arg5: memref<2x10240x128xf32, #tpu.memory_space<hbm>>, %arg6: memref<2x2x128xi32, #tpu.memory_space<vmem>>, %arg7: memref<2x128x128xf32, #tpu.memory_space<vmem>>, %arg8: memref<10240x128xf32, #tpu.memory_space<vmem_shared>>, %arg9: memref<!tpu.dma_semaphore, #tpu.memory_space<semaphore_mem>>, %arg10: memref<!tpu.dma_semaphore, #tpu.memory_space<semaphore_mem>>, %arg11: memref<!tpu.dma_semaphore, #tpu.memory_space<semaphore_mem>>, %arg12: memref<!tpu.dma_semaphore, #tpu.memory_space<semaphore_mem>>) attributes {dimension_semantics = [#tpu.dimension_semantics<core_parallel>, #tpu.dimension_semantics<subcore_parallel>], iteration_bounds = array<i64: 2, 16>, scalar_prefetch = 0 : i64, scratch_operands = 7 : i64, tpu.core_type = #tpu.core_type<sc_vector_subcore>, window_params = [{transform_indices = #map}, {transform_indices = #map1}, {transform_indices = #map}, {transform_indices = #map1}]} {
    %mul3A = arith.constant 640 : i32
    %mul3A_0 = arith.muli %arg1, %mul3A : i32
    %eq3A = arith.constant 0 : i32
    %eq3A_1 = arith.cmpi eq, %arg0, %eq3A : i32
    %mul3A_2 = arith.constant 110 : i32
    %mul3A_3 = arith.muli %arg1, %mul3A_2 : i32
    %mul3A_4 = arith.constant 50 : i32
    %mul3A_5 = arith.muli %arg1, %mul3A_4 : i32
    %add3A = arith.constant 1760 : i32
    %add3A_6 = arith.addi %add3A, %mul3A_5 : i32
    %select_n3A = arith.select %eq3A_1, %mul3A_3, %add3A_6 : i32
    %eq3A_7 = arith.constant 0 : i32
    %eq3A_8 = arith.cmpi eq, %arg0, %eq3A_7 : i32
    %jit3A = arith.constant 110 : i32
    %jit3A_9 = arith.constant 50 : i32
    %select_n3A_10 = arith.select %eq3A_8, %jit3A, %jit3A_9 : i32
    "tpu.region"() ({
      %run_scoped3A = tpu.sem_alloc : memref<!tpu.dma_semaphore, #tpu.memory_space<semaphore_mem>>
      %dma_start3A_86 = arith.constant 0 : i32
      %dma_start3A_87 = tpu.memref_slice %arg8[%mul3A_0, %dma_start3A_86] : memref<10240x128xf32, #tpu.memory_space<vmem_shared>> -> memref<640x128xf32, #tpu.memory_space<vmem_shared>>
      %dma_start3A_88 = arith.constant 0 : i32
      %dma_start3A_89 = tpu.memref_slice %arg4[%mul3A_0, %dma_start3A_88] : memref<10240x128xf32, #tpu.memory_space<hbm>> -> memref<640x128xf32, #tpu.memory_space<hbm>>
      tpu.enqueue_dma source(%dma_start3A_89 : memref<640x128xf32, #tpu.memory_space<hbm>>) target(%dma_start3A_87 : memref<640x128xf32, #tpu.memory_space<vmem_shared>>) target_semaphore(%run_scoped3A : memref<!tpu.dma_semaphore, #tpu.memory_space<semaphore_mem>>)
      %dma_wait3A_90 = arith.constant 0 : i32
      %dma_wait3A_91 = tpu.memref_slice %arg8[%mul3A_0, %dma_wait3A_90] : memref<10240x128xf32, #tpu.memory_space<vmem_shared>> -> memref<640x128xf32, #tpu.memory_space<vmem_shared>>
      %dma_wait3A_92 = arith.constant 0 : i32
      %dma_wait3A_93 = tpu.memref_slice %arg4[%mul3A_0, %dma_wait3A_92] : memref<10240x128xf32, #tpu.memory_space<hbm>> -> memref<640x128xf32, #tpu.memory_space<hbm>>
      tpu.wait_dma2 semaphore(%run_scoped3A : memref<!tpu.dma_semaphore, #tpu.memory_space<semaphore_mem>>) src(%dma_wait3A_93 : memref<640x128xf32, #tpu.memory_space<hbm>>) dst(%dma_wait3A_91 : memref<640x128xf32, #tpu.memory_space<vmem_shared>>)
      tpu.yield
    }) : () -> ()
    %dma_start3A = arith.constant 0 : i32
    %dma_start3A_11 = arith.constant 0 : i32
    %dma_start3A_12 = arith.constant 0 : i32
    %dma_start3A_13 = tpu.memref_slice %arg6[%dma_start3A, %dma_start3A_11, %dma_start3A_12] : memref<2x2x128xi32, #tpu.memory_space<vmem>> -> memref<1x2x128xi32, #tpu.memory_space<vmem>>
    %dma_start3A_14 = tpu.memref_squeeze %dma_start3A_13 : memref<1x2x128xi32, #tpu.memory_space<vmem>> -> memref<2x128xi32, #tpu.memory_space<vmem>>
    %dma_start3A_15 = arith.constant 0 : i32
    %dma_start3A_16 = arith.constant 0 : i32
    %dma_start3A_17 = tpu.memref_slice %arg3[%select_n3A, %dma_start3A_15, %dma_start3A_16] : memref<2560x2x128xi32, #tpu.memory_space<hbm>> -> memref<1x2x128xi32, #tpu.memory_space<hbm>>
    %dma_start3A_18 = tpu.memref_squeeze %dma_start3A_17 : memref<1x2x128xi32, #tpu.memory_space<hbm>> -> memref<2x128xi32, #tpu.memory_space<hbm>>
    %dma_start3A_19 = arith.constant 0 : i32
    %dma_start3A_20 = arith.constant 0 : i32
    %dma_start3A_21 = tpu.memref_slice %arg6[%dma_start3A, %dma_start3A_19, %dma_start3A_20] : memref<2x2x128xi32, #tpu.memory_space<vmem>> -> memref<1x2x128xi32, #tpu.memory_space<vmem>>
    %dma_start3A_22 = tpu.memref_squeeze %dma_start3A_21 : memref<1x2x128xi32, #tpu.memory_space<vmem>> -> memref<2x128xi32, #tpu.memory_space<vmem>>
    %dma_start3A_23 = arith.constant 0 : i32
    %dma_start3A_24 = arith.constant 0 : i32
    %dma_start3A_25 = tpu.memref_slice %arg3[%select_n3A, %dma_start3A_23, %dma_start3A_24] : memref<2560x2x128xi32, #tpu.memory_space<hbm>> -> memref<1x2x128xi32, #tpu.memory_space<hbm>>
    %dma_start3A_26 = tpu.memref_squeeze %dma_start3A_25 : memref<1x2x128xi32, #tpu.memory_space<hbm>> -> memref<2x128xi32, #tpu.memory_space<hbm>>
    tpu.enqueue_dma source(%dma_start3A_26 : memref<2x128xi32, #tpu.memory_space<hbm>>) target(%dma_start3A_22 : memref<2x128xi32, #tpu.memory_space<vmem>>) target_semaphore(%arg9 : memref<!tpu.dma_semaphore, #tpu.memory_space<semaphore_mem>>)
    %add3A_27 = arith.constant 1 : i32
    %add3A_28 = arith.addi %select_n3A, %add3A_27 : i32
    %dma_start3A_29 = arith.constant 1 : i32
    %dma_start3A_30 = arith.constant 0 : i32
    %dma_start3A_31 = arith.constant 0 : i32
    %dma_start3A_32 = tpu.memref_slice %arg6[%dma_start3A_29, %dma_start3A_30, %dma_start3A_31] : memref<2x2x128xi32, #tpu.memory_space<vmem>> -> memref<1x2x128xi32, #tpu.memory_space<vmem>>
    %dma_start3A_33 = tpu.memref_squeeze %dma_start3A_32 : memref<1x2x128xi32, #tpu.memory_space<vmem>> -> memref<2x128xi32, #tpu.memory_space<vmem>>
    %dma_start3A_34 = arith.constant 0 : i32
    %dma_start3A_35 = arith.constant 0 : i32
    %dma_start3A_36 = tpu.memref_slice %arg3[%add3A_28, %dma_start3A_34, %dma_start3A_35] : memref<2560x2x128xi32, #tpu.memory_space<hbm>> -> memref<1x2x128xi32, #tpu.memory_space<hbm>>
    %dma_start3A_37 = tpu.memref_squeeze %dma_start3A_36 : memref<1x2x128xi32, #tpu.memory_space<hbm>> -> memref<2x128xi32, #tpu.memory_space<hbm>>
    %dma_start3A_38 = arith.constant 0 : i32
    %dma_start3A_39 = arith.constant 0 : i32
    %dma_start3A_40 = tpu.memref_slice %arg6[%dma_start3A_29, %dma_start3A_38, %dma_start3A_39] : memref<2x2x128xi32, #tpu.memory_space<vmem>> -> memref<1x2x128xi32, #tpu.memory_space<vmem>>
    %dma_start3A_41 = tpu.memref_squeeze %dma_start3A_40 : memref<1x2x128xi32, #tpu.memory_space<vmem>> -> memref<2x128xi32, #tpu.memory_space<vmem>>
    %dma_start3A_42 = arith.constant 0 : i32
    %dma_start3A_43 = arith.constant 0 : i32
    %dma_start3A_44 = tpu.memref_slice %arg3[%add3A_28, %dma_start3A_42, %dma_start3A_43] : memref<2560x2x128xi32, #tpu.memory_space<hbm>> -> memref<1x2x128xi32, #tpu.memory_space<hbm>>
    %dma_start3A_45 = tpu.memref_squeeze %dma_start3A_44 : memref<1x2x128xi32, #tpu.memory_space<hbm>> -> memref<2x128xi32, #tpu.memory_space<hbm>>
    tpu.enqueue_dma source(%dma_start3A_45 : memref<2x128xi32, #tpu.memory_space<hbm>>) target(%dma_start3A_41 : memref<2x128xi32, #tpu.memory_space<vmem>>) target_semaphore(%arg10 : memref<!tpu.dma_semaphore, #tpu.memory_space<semaphore_mem>>)
    %barrier3A = arith.constant 0 : index
    tpu.barrier barrier_id(%barrier3A)
    %dma_wait3A = arith.constant 0 : i32
    %dma_wait3A_46 = arith.constant 0 : i32
    %dma_wait3A_47 = arith.constant 0 : i32
    %dma_wait3A_48 = tpu.memref_slice %arg6[%dma_wait3A, %dma_wait3A_46, %dma_wait3A_47] : memref<2x2x128xi32, #tpu.memory_space<vmem>> -> memref<1x2x128xi32, #tpu.memory_space<vmem>>
    %dma_wait3A_49 = tpu.memref_squeeze %dma_wait3A_48 : memref<1x2x128xi32, #tpu.memory_space<vmem>> -> memref<2x128xi32, #tpu.memory_space<vmem>>
    %dma_wait3A_50 = arith.constant 0 : i32
    %dma_wait3A_51 = arith.constant 0 : i32
    %dma_wait3A_52 = tpu.memref_slice %arg3[%select_n3A, %dma_wait3A_50, %dma_wait3A_51] : memref<2560x2x128xi32, #tpu.memory_space<hbm>> -> memref<1x2x128xi32, #tpu.memory_space<hbm>>
    %dma_wait3A_53 = tpu.memref_squeeze %dma_wait3A_52 : memref<1x2x128xi32, #tpu.memory_space<hbm>> -> memref<2x128xi32, #tpu.memory_space<hbm>>
    %dma_wait3A_54 = arith.constant 0 : i32
    %dma_wait3A_55 = arith.constant 0 : i32
    %dma_wait3A_56 = tpu.memref_slice %arg6[%dma_wait3A, %dma_wait3A_54, %dma_wait3A_55] : memref<2x2x128xi32, #tpu.memory_space<vmem>> -> memref<1x2x128xi32, #tpu.memory_space<vmem>>
    %dma_wait3A_57 = tpu.memref_squeeze %dma_wait3A_56 : memref<1x2x128xi32, #tpu.memory_space<vmem>> -> memref<2x128xi32, #tpu.memory_space<vmem>>
    %dma_wait3A_58 = arith.constant 0 : i32
    %dma_wait3A_59 = arith.constant 0 : i32
    %dma_wait3A_60 = tpu.memref_slice %arg3[%select_n3A, %dma_wait3A_58, %dma_wait3A_59] : memref<2560x2x128xi32, #tpu.memory_space<hbm>> -> memref<1x2x128xi32, #tpu.memory_space<hbm>>
    %dma_wait3A_61 = tpu.memref_squeeze %dma_wait3A_60 : memref<1x2x128xi32, #tpu.memory_space<hbm>> -> memref<2x128xi32, #tpu.memory_space<hbm>>
    tpu.wait_dma2 semaphore(%arg9 : memref<!tpu.dma_semaphore, #tpu.memory_space<semaphore_mem>>) src(%dma_wait3A_61 : memref<2x128xi32, #tpu.memory_space<hbm>>) dst(%dma_wait3A_57 : memref<2x128xi32, #tpu.memory_space<vmem>>)
    %dma_start3A_62 = arith.constant 0 : i32
    %dma_start3A_63 = arith.constant 0 : i32
    %dma_start3A_64 = arith.constant 0 : i32
    %dma_start3A_65 = arith.constant 0 : i32
    %dma_start3A_66 = arith.constant 0 : i32
    %dma_start3A_67 = tpu.memref_slice %arg7[%dma_start3A_64, %dma_start3A_65, %dma_start3A_66] : memref<2x128x128xf32, #tpu.memory_space<vmem>> -> memref<1x128x128xf32, #tpu.memory_space<vmem>>
    %dma_start3A_68 = tpu.memref_squeeze %dma_start3A_67 : memref<1x128x128xf32, #tpu.memory_space<vmem>> -> memref<128x128xf32, #tpu.memory_space<vmem>>
    %dma_start3A_69 = arith.constant 0 : i32
    %dma_start3A_70 = tpu.memref_slice %arg6[%dma_start3A_62, %dma_start3A_63, %dma_start3A_69] : memref<2x2x128xi32, #tpu.memory_space<vmem>> -> memref<1x1x128xi32, #tpu.memory_space<vmem>>
    %dma_start3A_71 = tpu.memref_squeeze %dma_start3A_70 : memref<1x1x128xi32, #tpu.memory_space<vmem>> -> memref<128xi32, #tpu.memory_space<vmem>>
    %dma_start3A_72 = arith.constant 0 : i32
    %dma_start3A_73 = arith.constant 0 : i32
    %dma_start3A_74 = tpu.memref_slice %arg2[%dma_start3A_72, %dma_start3A_73] : memref<10240x128xf32, #tpu.memory_space<hbm>> -> memref<10240x128xf32, #tpu.memory_space<hbm>>
    tpu.enqueue_indirect_dma source(%dma_start3A_74 : memref<10240x128xf32, #tpu.memory_space<hbm>>) target(%dma_start3A_68 : memref<128x128xf32, #tpu.memory_space<vmem>>) offsets(%dma_start3A_71 : memref<128xi32, #tpu.memory_space<vmem>>) semaphore(%arg11 : memref<!tpu.dma_semaphore, #tpu.memory_space<semaphore_mem>>)
    %div3A = arith.constant 2 : i32
    %div3A_75 = arith.divsi %select_n3A_10, %div3A : i32
    %while3A = arith.constant 0 : i32
    %while3A_76 = arith.constant 0 : i32
    %while3A_77 = arith.subi %div3A_75, %while3A_76 : i32
    %while3A_78 = arith.addi %while3A_76, %while3A_77 : i32
    %while3A_79 = arith.constant 1 : i32
    %while3A_80 = arith.divsi %while3A_77, %while3A_79 : i32
    %while3A_81 = arith.muli %while3A_80, %while3A_79 : i32
    %while3A_82 = arith.addi %while3A_76, %while3A_81 : i32
    %while3A_83 = arith.constant 1 : i32
    scf.for %while3A_86 = %while3A_76 to %while3A_82 step %while3A_83  : i32 {
      %mul3A_87 = arith.constant 2 : i32
      %mul3A_88 = arith.muli %mul3A_87, %while3A_86 : i32
      %add3A_89 = arith.constant 0 : i32
      %add3A_90 = arith.addi %mul3A_88, %add3A_89 : i32
      %add3A_91 = arith.constant 1 : i32
      %add3A_92 = arith.addi %add3A_90, %add3A_91 : i32
      %lt3A = arith.cmpi slt, %add3A_92, %select_n3A_10 : i32
      %convert_element_type3A = arith.extui %lt3A : i1 to i32
      %cond3A = arith.constant 0 : i32
      %cond3A_93 = arith.cmpi ne, %convert_element_type3A, %cond3A : i32
      scf.if %cond3A_93 {
        %dma_wait3A_147 = arith.constant 1 : i32
        %dma_wait3A_148 = arith.constant 0 : i32
        %dma_wait3A_149 = arith.constant 0 : i32
        %dma_wait3A_150 = tpu.memref_slice %arg6[%dma_wait3A_147, %dma_wait3A_148, %dma_wait3A_149] : memref<2x2x128xi32, #tpu.memory_space<vmem>> -> memref<1x2x128xi32, #tpu.memory_space<vmem>>
        %dma_wait3A_151 = tpu.memref_squeeze %dma_wait3A_150 : memref<1x2x128xi32, #tpu.memory_space<vmem>> -> memref<2x128xi32, #tpu.memory_space<vmem>>
        %dma_wait3A_152 = arith.constant 0 : i32
        %dma_wait3A_153 = arith.constant 0 : i32
        %dma_wait3A_154 = tpu.memref_slice %arg3[%select_n3A, %dma_wait3A_152, %dma_wait3A_153] : memref<2560x2x128xi32, #tpu.memory_space<hbm>> -> memref<1x2x128xi32, #tpu.memory_space<hbm>>
        %dma_wait3A_155 = tpu.memref_squeeze %dma_wait3A_154 : memref<1x2x128xi32, #tpu.memory_space<hbm>> -> memref<2x128xi32, #tpu.memory_space<hbm>>
        %dma_wait3A_156 = arith.constant 0 : i32
        %dma_wait3A_157 = arith.constant 0 : i32
        %dma_wait3A_158 = tpu.memref_slice %arg6[%dma_wait3A_147, %dma_wait3A_156, %dma_wait3A_157] : memref<2x2x128xi32, #tpu.memory_space<vmem>> -> memref<1x2x128xi32, #tpu.memory_space<vmem>>
        %dma_wait3A_159 = tpu.memref_squeeze %dma_wait3A_158 : memref<1x2x128xi32, #tpu.memory_space<vmem>> -> memref<2x128xi32, #tpu.memory_space<vmem>>
        %dma_wait3A_160 = arith.constant 0 : i32
        %dma_wait3A_161 = arith.constant 0 : i32
        %dma_wait3A_162 = tpu.memref_slice %arg3[%select_n3A, %dma_wait3A_160, %dma_wait3A_161] : memref<2560x2x128xi32, #tpu.memory_space<hbm>> -> memref<1x2x128xi32, #tpu.memory_space<hbm>>
        %dma_wait3A_163 = tpu.memref_squeeze %dma_wait3A_162 : memref<1x2x128xi32, #tpu.memory_space<hbm>> -> memref<2x128xi32, #tpu.memory_space<hbm>>
        tpu.wait_dma2 semaphore(%arg10 : memref<!tpu.dma_semaphore, #tpu.memory_space<semaphore_mem>>) src(%dma_wait3A_163 : memref<2x128xi32, #tpu.memory_space<hbm>>) dst(%dma_wait3A_159 : memref<2x128xi32, #tpu.memory_space<vmem>>)
        %dma_start3A_164 = arith.constant 1 : i32
        %dma_start3A_165 = arith.constant 0 : i32
        %dma_start3A_166 = arith.constant 1 : i32
        %dma_start3A_167 = arith.constant 0 : i32
        %dma_start3A_168 = arith.constant 0 : i32
        %dma_start3A_169 = tpu.memref_slice %arg7[%dma_start3A_166, %dma_start3A_167, %dma_start3A_168] : memref<2x128x128xf32, #tpu.memory_space<vmem>> -> memref<1x128x128xf32, #tpu.memory_space<vmem>>
        %dma_start3A_170 = tpu.memref_squeeze %dma_start3A_169 : memref<1x128x128xf32, #tpu.memory_space<vmem>> -> memref<128x128xf32, #tpu.memory_space<vmem>>
        %dma_start3A_171 = arith.constant 0 : i32
        %dma_start3A_172 = tpu.memref_slice %arg6[%dma_start3A_164, %dma_start3A_165, %dma_start3A_171] : memref<2x2x128xi32, #tpu.memory_space<vmem>> -> memref<1x1x128xi32, #tpu.memory_space<vmem>>
        %dma_start3A_173 = tpu.memref_squeeze %dma_start3A_172 : memref<1x1x128xi32, #tpu.memory_space<vmem>> -> memref<128xi32, #tpu.memory_space<vmem>>
        %dma_start3A_174 = arith.constant 0 : i32
        %dma_start3A_175 = arith.constant 0 : i32
        %dma_start3A_176 = tpu.memref_slice %arg2[%dma_start3A_174, %dma_start3A_175] : memref<10240x128xf32, #tpu.memory_space<hbm>> -> memref<10240x128xf32, #tpu.memory_space<hbm>>
        tpu.enqueue_indirect_dma source(%dma_start3A_176 : memref<10240x128xf32, #tpu.memory_space<hbm>>) target(%dma_start3A_170 : memref<128x128xf32, #tpu.memory_space<vmem>>) offsets(%dma_start3A_173 : memref<128xi32, #tpu.memory_space<vmem>>) semaphore(%arg12 : memref<!tpu.dma_semaphore, #tpu.memory_space<semaphore_mem>>)
      } else {
      }
      %dma_wait3A_94 = arith.constant 0 : i32
      %dma_wait3A_95 = arith.constant 0 : i32
      %dma_wait3A_96 = arith.constant 0 : i32
      %dma_wait3A_97 = arith.constant 0 : i32
      %dma_wait3A_98 = arith.constant 0 : i32
      %dma_wait3A_99 = tpu.memref_slice %arg7[%dma_wait3A_96, %dma_wait3A_97, %dma_wait3A_98] : memref<2x128x128xf32, #tpu.memory_space<vmem>> -> memref<1x128x128xf32, #tpu.memory_space<vmem>>
      %dma_wait3A_100 = tpu.memref_squeeze %dma_wait3A_99 : memref<1x128x128xf32, #tpu.memory_space<vmem>> -> memref<128x128xf32, #tpu.memory_space<vmem>>
      %dma_wait3A_101 = arith.constant 0 : i32
      %dma_wait3A_102 = tpu.memref_slice %arg6[%dma_wait3A_94, %dma_wait3A_95, %dma_wait3A_101] : memref<2x2x128xi32, #tpu.memory_space<vmem>> -> memref<1x1x128xi32, #tpu.memory_space<vmem>>
      %dma_wait3A_103 = tpu.memref_squeeze %dma_wait3A_102 : memref<1x1x128xi32, #tpu.memory_space<vmem>> -> memref<128xi32, #tpu.memory_space<vmem>>
      %dma_wait3A_104 = arith.constant 0 : i32
      %dma_wait3A_105 = arith.constant 0 : i32
      %dma_wait3A_106 = tpu.memref_slice %arg2[%dma_wait3A_104, %dma_wait3A_105] : memref<10240x128xf32, #tpu.memory_space<hbm>> -> memref<10240x128xf32, #tpu.memory_space<hbm>>
      tpu.wait_indirect_dma semaphore(%arg11 : memref<!tpu.dma_semaphore, #tpu.memory_space<semaphore_mem>>) src(%dma_wait3A_106 : memref<10240x128xf32, #tpu.memory_space<hbm>>) dst(%dma_wait3A_100 : memref<128x128xf32, #tpu.memory_space<vmem>>)
      %run_scoped3A = arith.constant 0 : i32
      %run_scoped3A_107 = arith.constant 0 : i32
      %run_scoped3A_108 = arith.constant 1 : i32
      "tpu.region"() ({
        %run_scoped3A_147 = tpu.sem_alloc : memref<!tpu.dma_semaphore, #tpu.memory_space<semaphore_mem>>
        %dma_start3A_148 = arith.constant 0 : i32
        %dma_start3A_149 = arith.constant 0 : i32
        %dma_start3A_150 = tpu.memref_slice %arg7[%run_scoped3A, %dma_start3A_148, %dma_start3A_149] : memref<2x128x128xf32, #tpu.memory_space<vmem>> -> memref<1x128x128xf32, #tpu.memory_space<vmem>>
        %dma_start3A_151 = tpu.memref_squeeze %dma_start3A_150 : memref<1x128x128xf32, #tpu.memory_space<vmem>> -> memref<128x128xf32, #tpu.memory_space<vmem>>
        %dma_start3A_152 = arith.constant 0 : i32
        %dma_start3A_153 = tpu.memref_slice %arg6[%run_scoped3A_107, %run_scoped3A_108, %dma_start3A_152] : memref<2x2x128xi32, #tpu.memory_space<vmem>> -> memref<1x1x128xi32, #tpu.memory_space<vmem>>
        %dma_start3A_154 = tpu.memref_squeeze %dma_start3A_153 : memref<1x1x128xi32, #tpu.memory_space<vmem>> -> memref<128xi32, #tpu.memory_space<vmem>>
        %dma_start3A_155 = arith.constant 0 : i32
        %dma_start3A_156 = arith.constant 0 : i32
        %dma_start3A_157 = tpu.memref_slice %arg8[%dma_start3A_155, %dma_start3A_156] : memref<10240x128xf32, #tpu.memory_space<vmem_shared>> -> memref<10240x128xf32, #tpu.memory_space<vmem_shared>>
        tpu.enqueue_indirect_dma source(%dma_start3A_151 : memref<128x128xf32, #tpu.memory_space<vmem>>) target(%dma_start3A_157 : memref<10240x128xf32, #tpu.memory_space<vmem_shared>>) offsets(%dma_start3A_154 : memref<128xi32, #tpu.memory_space<vmem>>) semaphore(%run_scoped3A_147 : memref<!tpu.dma_semaphore, #tpu.memory_space<semaphore_mem>>) {add = true}
        %dma_wait3A_158 = arith.constant 0 : i32
        %dma_wait3A_159 = arith.constant 0 : i32
        %dma_wait3A_160 = tpu.memref_slice %arg7[%run_scoped3A, %dma_wait3A_158, %dma_wait3A_159] : memref<2x128x128xf32, #tpu.memory_space<vmem>> -> memref<1x128x128xf32, #tpu.memory_space<vmem>>
        %dma_wait3A_161 = tpu.memref_squeeze %dma_wait3A_160 : memref<1x128x128xf32, #tpu.memory_space<vmem>> -> memref<128x128xf32, #tpu.memory_space<vmem>>
        %dma_wait3A_162 = arith.constant 0 : i32
        %dma_wait3A_163 = tpu.memref_slice %arg6[%run_scoped3A_107, %run_scoped3A_108, %dma_wait3A_162] : memref<2x2x128xi32, #tpu.memory_space<vmem>> -> memref<1x1x128xi32, #tpu.memory_space<vmem>>
        %dma_wait3A_164 = tpu.memref_squeeze %dma_wait3A_163 : memref<1x1x128xi32, #tpu.memory_space<vmem>> -> memref<128xi32, #tpu.memory_space<vmem>>
        %dma_wait3A_165 = arith.constant 0 : i32
        %dma_wait3A_166 = arith.constant 0 : i32
        %dma_wait3A_167 = tpu.memref_slice %arg8[%dma_wait3A_165, %dma_wait3A_166] : memref<10240x128xf32, #tpu.memory_space<vmem_shared>> -> memref<10240x128xf32, #tpu.memory_space<vmem_shared>>
        tpu.wait_indirect_dma semaphore(%run_scoped3A_147 : memref<!tpu.dma_semaphore, #tpu.memory_space<semaphore_mem>>) src(%dma_wait3A_161 : memref<128x128xf32, #tpu.memory_space<vmem>>) dst(%dma_wait3A_167 : memref<10240x128xf32, #tpu.memory_space<vmem_shared>>)
        tpu.yield
      }) : () -> ()
      %add3A_109 = arith.constant 2 : i32
      %add3A_110 = arith.addi %add3A_90, %add3A_109 : i32
      %lt3A_111 = arith.cmpi slt, %add3A_110, %select_n3A_10 : i32
      %convert_element_type3A_112 = arith.extui %lt3A_111 : i1 to i32
      %cond3A_113 = arith.constant 0 : i32
      %cond3A_114 = arith.cmpi ne, %convert_element_type3A_112, %cond3A_113 : i32
      scf.if %cond3A_114 {
        %add3A_147 = arith.constant 2 : i32
        %add3A_148 = arith.addi %add3A_90, %add3A_147 : i32
        %add3A_149 = arith.addi %select_n3A, %add3A_148 : i32
        %dma_start3A_150 = arith.constant 0 : i32
        %dma_start3A_151 = arith.constant 0 : i32
        %dma_start3A_152 = arith.constant 0 : i32
        %dma_start3A_153 = tpu.memref_slice %arg6[%dma_start3A_150, %dma_start3A_151, %dma_start3A_152] : memref<2x2x128xi32, #tpu.memory_space<vmem>> -> memref<1x2x128xi32, #tpu.memory_space<vmem>>
        %dma_start3A_154 = tpu.memref_squeeze %dma_start3A_153 : memref<1x2x128xi32, #tpu.memory_space<vmem>> -> memref<2x128xi32, #tpu.memory_space<vmem>>
        %dma_start3A_155 = arith.constant 0 : i32
        %dma_start3A_156 = arith.constant 0 : i32
        %dma_start3A_157 = tpu.memref_slice %arg3[%add3A_149, %dma_start3A_155, %dma_start3A_156] : memref<2560x2x128xi32, #tpu.memory_space<hbm>> -> memref<1x2x128xi32, #tpu.memory_space<hbm>>
        %dma_start3A_158 = tpu.memref_squeeze %dma_start3A_157 : memref<1x2x128xi32, #tpu.memory_space<hbm>> -> memref<2x128xi32, #tpu.memory_space<hbm>>
        %dma_start3A_159 = arith.constant 0 : i32
        %dma_start3A_160 = arith.constant 0 : i32
        %dma_start3A_161 = tpu.memref_slice %arg6[%dma_start3A_150, %dma_start3A_159, %dma_start3A_160] : memref<2x2x128xi32, #tpu.memory_space<vmem>> -> memref<1x2x128xi32, #tpu.memory_space<vmem>>
        %dma_start3A_162 = tpu.memref_squeeze %dma_start3A_161 : memref<1x2x128xi32, #tpu.memory_space<vmem>> -> memref<2x128xi32, #tpu.memory_space<vmem>>
        %dma_start3A_163 = arith.constant 0 : i32
        %dma_start3A_164 = arith.constant 0 : i32
        %dma_start3A_165 = tpu.memref_slice %arg3[%add3A_149, %dma_start3A_163, %dma_start3A_164] : memref<2560x2x128xi32, #tpu.memory_space<hbm>> -> memref<1x2x128xi32, #tpu.memory_space<hbm>>
        %dma_start3A_166 = tpu.memref_squeeze %dma_start3A_165 : memref<1x2x128xi32, #tpu.memory_space<hbm>> -> memref<2x128xi32, #tpu.memory_space<hbm>>
        tpu.enqueue_dma source(%dma_start3A_166 : memref<2x128xi32, #tpu.memory_space<hbm>>) target(%dma_start3A_162 : memref<2x128xi32, #tpu.memory_space<vmem>>) target_semaphore(%arg9 : memref<!tpu.dma_semaphore, #tpu.memory_space<semaphore_mem>>)
      } else {
      }
      %mul3A_115 = arith.constant 2 : i32
      %mul3A_116 = arith.muli %mul3A_115, %while3A_86 : i32
      %add3A_117 = arith.constant 1 : i32
      %add3A_118 = arith.addi %mul3A_116, %add3A_117 : i32
      %add3A_119 = arith.constant 1 : i32
      %add3A_120 = arith.addi %add3A_118, %add3A_119 : i32
      %lt3A_121 = arith.cmpi slt, %add3A_120, %select_n3A_10 : i32
      %convert_element_type3A_122 = arith.extui %lt3A_121 : i1 to i32
      %cond3A_123 = arith.constant 0 : i32
      %cond3A_124 = arith.cmpi ne, %convert_element_type3A_122, %cond3A_123 : i32
      scf.if %cond3A_124 {
        %dma_wait3A_147 = arith.constant 0 : i32
        %dma_wait3A_148 = arith.constant 0 : i32
        %dma_wait3A_149 = arith.constant 0 : i32
        %dma_wait3A_150 = tpu.memref_slice %arg6[%dma_wait3A_147, %dma_wait3A_148, %dma_wait3A_149] : memref<2x2x128xi32, #tpu.memory_space<vmem>> -> memref<1x2x128xi32, #tpu.memory_space<vmem>>
        %dma_wait3A_151 = tpu.memref_squeeze %dma_wait3A_150 : memref<1x2x128xi32, #tpu.memory_space<vmem>> -> memref<2x128xi32, #tpu.memory_space<vmem>>
        %dma_wait3A_152 = arith.constant 0 : i32
        %dma_wait3A_153 = arith.constant 0 : i32
        %dma_wait3A_154 = tpu.memref_slice %arg3[%select_n3A, %dma_wait3A_152, %dma_wait3A_153] : memref<2560x2x128xi32, #tpu.memory_space<hbm>> -> memref<1x2x128xi32, #tpu.memory_space<hbm>>
        %dma_wait3A_155 = tpu.memref_squeeze %dma_wait3A_154 : memref<1x2x128xi32, #tpu.memory_space<hbm>> -> memref<2x128xi32, #tpu.memory_space<hbm>>
        %dma_wait3A_156 = arith.constant 0 : i32
        %dma_wait3A_157 = arith.constant 0 : i32
        %dma_wait3A_158 = tpu.memref_slice %arg6[%dma_wait3A_147, %dma_wait3A_156, %dma_wait3A_157] : memref<2x2x128xi32, #tpu.memory_space<vmem>> -> memref<1x2x128xi32, #tpu.memory_space<vmem>>
        %dma_wait3A_159 = tpu.memref_squeeze %dma_wait3A_158 : memref<1x2x128xi32, #tpu.memory_space<vmem>> -> memref<2x128xi32, #tpu.memory_space<vmem>>
        %dma_wait3A_160 = arith.constant 0 : i32
        %dma_wait3A_161 = arith.constant 0 : i32
        %dma_wait3A_162 = tpu.memref_slice %arg3[%select_n3A, %dma_wait3A_160, %dma_wait3A_161] : memref<2560x2x128xi32, #tpu.memory_space<hbm>> -> memref<1x2x128xi32, #tpu.memory_space<hbm>>
        %dma_wait3A_163 = tpu.memref_squeeze %dma_wait3A_162 : memref<1x2x128xi32, #tpu.memory_space<hbm>> -> memref<2x128xi32, #tpu.memory_space<hbm>>
        tpu.wait_dma2 semaphore(%arg9 : memref<!tpu.dma_semaphore, #tpu.memory_space<semaphore_mem>>) src(%dma_wait3A_163 : memref<2x128xi32, #tpu.memory_space<hbm>>) dst(%dma_wait3A_159 : memref<2x128xi32, #tpu.memory_space<vmem>>)
        %dma_start3A_164 = arith.constant 0 : i32
        %dma_start3A_165 = arith.constant 0 : i32
        %dma_start3A_166 = arith.constant 0 : i32
        %dma_start3A_167 = arith.constant 0 : i32
        %dma_start3A_168 = arith.constant 0 : i32
        %dma_start3A_169 = tpu.memref_slice %arg7[%dma_start3A_166, %dma_start3A_167, %dma_start3A_168] : memref<2x128x128xf32, #tpu.memory_space<vmem>> -> memref<1x128x128xf32, #tpu.memory_space<vmem>>
        %dma_start3A_170 = tpu.memref_squeeze %dma_start3A_169 : memref<1x128x128xf32, #tpu.memory_space<vmem>> -> memref<128x128xf32, #tpu.memory_space<vmem>>
        %dma_start3A_171 = arith.constant 0 : i32
        %dma_start3A_172 = tpu.memref_slice %arg6[%dma_start3A_164, %dma_start3A_165, %dma_start3A_171] : memref<2x2x128xi32, #tpu.memory_space<vmem>> -> memref<1x1x128xi32, #tpu.memory_space<vmem>>
        %dma_start3A_173 = tpu.memref_squeeze %dma_start3A_172 : memref<1x1x128xi32, #tpu.memory_space<vmem>> -> memref<128xi32, #tpu.memory_space<vmem>>
        %dma_start3A_174 = arith.constant 0 : i32
        %dma_start3A_175 = arith.constant 0 : i32
        %dma_start3A_176 = tpu.memref_slice %arg2[%dma_start3A_174, %dma_start3A_175] : memref<10240x128xf32, #tpu.memory_space<hbm>> -> memref<10240x128xf32, #tpu.memory_space<hbm>>
        tpu.enqueue_indirect_dma source(%dma_start3A_176 : memref<10240x128xf32, #tpu.memory_space<hbm>>) target(%dma_start3A_170 : memref<128x128xf32, #tpu.memory_space<vmem>>) offsets(%dma_start3A_173 : memref<128xi32, #tpu.memory_space<vmem>>) semaphore(%arg11 : memref<!tpu.dma_semaphore, #tpu.memory_space<semaphore_mem>>)
      } else {
      }
      %dma_wait3A_125 = arith.constant 1 : i32
      %dma_wait3A_126 = arith.constant 0 : i32
      %dma_wait3A_127 = arith.constant 1 : i32
      %dma_wait3A_128 = arith.constant 0 : i32
      %dma_wait3A_129 = arith.constant 0 : i32
      %dma_wait3A_130 = tpu.memref_slice %arg7[%dma_wait3A_127, %dma_wait3A_128, %dma_wait3A_129] : memref<2x128x128xf32, #tpu.memory_space<vmem>> -> memref<1x128x128xf32, #tpu.memory_space<vmem>>
      %dma_wait3A_131 = tpu.memref_squeeze %dma_wait3A_130 : memref<1x128x128xf32, #tpu.memory_space<vmem>> -> memref<128x128xf32, #tpu.memory_space<vmem>>
      %dma_wait3A_132 = arith.constant 0 : i32
      %dma_wait3A_133 = tpu.memref_slice %arg6[%dma_wait3A_125, %dma_wait3A_126, %dma_wait3A_132] : memref<2x2x128xi32, #tpu.memory_space<vmem>> -> memref<1x1x128xi32, #tpu.memory_space<vmem>>
      %dma_wait3A_134 = tpu.memref_squeeze %dma_wait3A_133 : memref<1x1x128xi32, #tpu.memory_space<vmem>> -> memref<128xi32, #tpu.memory_space<vmem>>
      %dma_wait3A_135 = arith.constant 0 : i32
      %dma_wait3A_136 = arith.constant 0 : i32
      %dma_wait3A_137 = tpu.memref_slice %arg2[%dma_wait3A_135, %dma_wait3A_136] : memref<10240x128xf32, #tpu.memory_space<hbm>> -> memref<10240x128xf32, #tpu.memory_space<hbm>>
      tpu.wait_indirect_dma semaphore(%arg12 : memref<!tpu.dma_semaphore, #tpu.memory_space<semaphore_mem>>) src(%dma_wait3A_137 : memref<10240x128xf32, #tpu.memory_space<hbm>>) dst(%dma_wait3A_131 : memref<128x128xf32, #tpu.memory_space<vmem>>)
      %run_scoped3A_138 = arith.constant 1 : i32
      %run_scoped3A_139 = arith.constant 1 : i32
      %run_scoped3A_140 = arith.constant 1 : i32
      "tpu.region"() ({
        %run_scoped3A_147 = tpu.sem_alloc : memref<!tpu.dma_semaphore, #tpu.memory_space<semaphore_mem>>
        %dma_start3A_148 = arith.constant 0 : i32
        %dma_start3A_149 = arith.constant 0 : i32
        %dma_start3A_150 = tpu.memref_slice %arg7[%run_scoped3A_138, %dma_start3A_148, %dma_start3A_149] : memref<2x128x128xf32, #tpu.memory_space<vmem>> -> memref<1x128x128xf32, #tpu.memory_space<vmem>>
        %dma_start3A_151 = tpu.memref_squeeze %dma_start3A_150 : memref<1x128x128xf32, #tpu.memory_space<vmem>> -> memref<128x128xf32, #tpu.memory_space<vmem>>
        %dma_start3A_152 = arith.constant 0 : i32
        %dma_start3A_153 = tpu.memref_slice %arg6[%run_scoped3A_139, %run_scoped3A_140, %dma_start3A_152] : memref<2x2x128xi32, #tpu.memory_space<vmem>> -> memref<1x1x128xi32, #tpu.memory_space<vmem>>
        %dma_start3A_154 = tpu.memref_squeeze %dma_start3A_153 : memref<1x1x128xi32, #tpu.memory_space<vmem>> -> memref<128xi32, #tpu.memory_space<vmem>>
        %dma_start3A_155 = arith.constant 0 : i32
        %dma_start3A_156 = arith.constant 0 : i32
        %dma_start3A_157 = tpu.memref_slice %arg8[%dma_start3A_155, %dma_start3A_156] : memref<10240x128xf32, #tpu.memory_space<vmem_shared>> -> memref<10240x128xf32, #tpu.memory_space<vmem_shared>>
        tpu.enqueue_indirect_dma source(%dma_start3A_151 : memref<128x128xf32, #tpu.memory_space<vmem>>) target(%dma_start3A_157 : memref<10240x128xf32, #tpu.memory_space<vmem_shared>>) offsets(%dma_start3A_154 : memref<128xi32, #tpu.memory_space<vmem>>) semaphore(%run_scoped3A_147 : memref<!tpu.dma_semaphore, #tpu.memory_space<semaphore_mem>>) {add = true}
        %dma_wait3A_158 = arith.constant 0 : i32
        %dma_wait3A_159 = arith.constant 0 : i32
        %dma_wait3A_160 = tpu.memref_slice %arg7[%run_scoped3A_138, %dma_wait3A_158, %dma_wait3A_159] : memref<2x128x128xf32, #tpu.memory_space<vmem>> -> memref<1x128x128xf32, #tpu.memory_space<vmem>>
        %dma_wait3A_161 = tpu.memref_squeeze %dma_wait3A_160 : memref<1x128x128xf32, #tpu.memory_space<vmem>> -> memref<128x128xf32, #tpu.memory_space<vmem>>
        %dma_wait3A_162 = arith.constant 0 : i32
        %dma_wait3A_163 = tpu.memref_slice %arg6[%run_scoped3A_139, %run_scoped3A_140, %dma_wait3A_162] : memref<2x2x128xi32, #tpu.memory_space<vmem>> -> memref<1x1x128xi32, #tpu.memory_space<vmem>>
        %dma_wait3A_164 = tpu.memref_squeeze %dma_wait3A_163 : memref<1x1x128xi32, #tpu.memory_space<vmem>> -> memref<128xi32, #tpu.memory_space<vmem>>
        %dma_wait3A_165 = arith.constant 0 : i32
        %dma_wait3A_166 = arith.constant 0 : i32
        %dma_wait3A_167 = tpu.memref_slice %arg8[%dma_wait3A_165, %dma_wait3A_166] : memref<10240x128xf32, #tpu.memory_space<vmem_shared>> -> memref<10240x128xf32, #tpu.memory_space<vmem_shared>>
        tpu.wait_indirect_dma semaphore(%run_scoped3A_147 : memref<!tpu.dma_semaphore, #tpu.memory_space<semaphore_mem>>) src(%dma_wait3A_161 : memref<128x128xf32, #tpu.memory_space<vmem>>) dst(%dma_wait3A_167 : memref<10240x128xf32, #tpu.memory_space<vmem_shared>>)
        tpu.yield
      }) : () -> ()
      %add3A_141 = arith.constant 2 : i32
      %add3A_142 = arith.addi %add3A_118, %add3A_141 : i32
      %lt3A_143 = arith.cmpi slt, %add3A_142, %select_n3A_10 : i32
      %convert_element_type3A_144 = arith.extui %lt3A_143 : i1 to i32
      %cond3A_145 = arith.constant 0 : i32
      %cond3A_146 = arith.cmpi ne, %convert_element_type3A_144, %cond3A_145 : i32
      scf.if %cond3A_146 {
        %add3A_147 = arith.constant 2 : i32
        %add3A_148 = arith.addi %add3A_118, %add3A_147 : i32
        %add3A_149 = arith.addi %select_n3A, %add3A_148 : i32
        %dma_start3A_150 = arith.constant 1 : i32
        %dma_start3A_151 = arith.constant 0 : i32
        %dma_start3A_152 = arith.constant 0 : i32
        %dma_start3A_153 = tpu.memref_slice %arg6[%dma_start3A_150, %dma_start3A_151, %dma_start3A_152] : memref<2x2x128xi32, #tpu.memory_space<vmem>> -> memref<1x2x128xi32, #tpu.memory_space<vmem>>
        %dma_start3A_154 = tpu.memref_squeeze %dma_start3A_153 : memref<1x2x128xi32, #tpu.memory_space<vmem>> -> memref<2x128xi32, #tpu.memory_space<vmem>>
        %dma_start3A_155 = arith.constant 0 : i32
        %dma_start3A_156 = arith.constant 0 : i32
        %dma_start3A_157 = tpu.memref_slice %arg3[%add3A_149, %dma_start3A_155, %dma_start3A_156] : memref<2560x2x128xi32, #tpu.memory_space<hbm>> -> memref<1x2x128xi32, #tpu.memory_space<hbm>>
        %dma_start3A_158 = tpu.memref_squeeze %dma_start3A_157 : memref<1x2x128xi32, #tpu.memory_space<hbm>> -> memref<2x128xi32, #tpu.memory_space<hbm>>
        %dma_start3A_159 = arith.constant 0 : i32
        %dma_start3A_160 = arith.constant 0 : i32
        %dma_start3A_161 = tpu.memref_slice %arg6[%dma_start3A_150, %dma_start3A_159, %dma_start3A_160] : memref<2x2x128xi32, #tpu.memory_space<vmem>> -> memref<1x2x128xi32, #tpu.memory_space<vmem>>
        %dma_start3A_162 = tpu.memref_squeeze %dma_start3A_161 : memref<1x2x128xi32, #tpu.memory_space<vmem>> -> memref<2x128xi32, #tpu.memory_space<vmem>>
        %dma_start3A_163 = arith.constant 0 : i32
        %dma_start3A_164 = arith.constant 0 : i32
        %dma_start3A_165 = tpu.memref_slice %arg3[%add3A_149, %dma_start3A_163, %dma_start3A_164] : memref<2560x2x128xi32, #tpu.memory_space<hbm>> -> memref<1x2x128xi32, #tpu.memory_space<hbm>>
        %dma_start3A_166 = tpu.memref_squeeze %dma_start3A_165 : memref<1x2x128xi32, #tpu.memory_space<hbm>> -> memref<2x128xi32, #tpu.memory_space<hbm>>
        tpu.enqueue_dma source(%dma_start3A_166 : memref<2x128xi32, #tpu.memory_space<hbm>>) target(%dma_start3A_162 : memref<2x128xi32, #tpu.memory_space<vmem>>) target_semaphore(%arg10 : memref<!tpu.dma_semaphore, #tpu.memory_space<semaphore_mem>>)
      } else {
      }
    }
    %while3A_84 = arith.constant 1 : i32
    scf.for %while3A_86 = %while3A_82 to %while3A_78 step %while3A_84  : i32 {
      %mul3A_87 = arith.constant 2 : i32
      %mul3A_88 = arith.muli %mul3A_87, %while3A_86 : i32
      %add3A_89 = arith.constant 0 : i32
      %add3A_90 = arith.addi %mul3A_88, %add3A_89 : i32
      %add3A_91 = arith.constant 1 : i32
      %add3A_92 = arith.addi %add3A_90, %add3A_91 : i32
      %lt3A = arith.cmpi slt, %add3A_92, %select_n3A_10 : i32
      %convert_element_type3A = arith.extui %lt3A : i1 to i32
      %cond3A = arith.constant 0 : i32
      %cond3A_93 = arith.cmpi ne, %convert_element_type3A, %cond3A : i32
      scf.if %cond3A_93 {
        %dma_wait3A_147 = arith.constant 1 : i32
        %dma_wait3A_148 = arith.constant 0 : i32
        %dma_wait3A_149 = arith.constant 0 : i32
        %dma_wait3A_150 = tpu.memref_slice %arg6[%dma_wait3A_147, %dma_wait3A_148, %dma_wait3A_149] : memref<2x2x128xi32, #tpu.memory_space<vmem>> -> memref<1x2x128xi32, #tpu.memory_space<vmem>>
        %dma_wait3A_151 = tpu.memref_squeeze %dma_wait3A_150 : memref<1x2x128xi32, #tpu.memory_space<vmem>> -> memref<2x128xi32, #tpu.memory_space<vmem>>
        %dma_wait3A_152 = arith.constant 0 : i32
        %dma_wait3A_153 = arith.constant 0 : i32
        %dma_wait3A_154 = tpu.memref_slice %arg3[%select_n3A, %dma_wait3A_152, %dma_wait3A_153] : memref<2560x2x128xi32, #tpu.memory_space<hbm>> -> memref<1x2x128xi32, #tpu.memory_space<hbm>>
        %dma_wait3A_155 = tpu.memref_squeeze %dma_wait3A_154 : memref<1x2x128xi32, #tpu.memory_space<hbm>> -> memref<2x128xi32, #tpu.memory_space<hbm>>
        %dma_wait3A_156 = arith.constant 0 : i32
        %dma_wait3A_157 = arith.constant 0 : i32
        %dma_wait3A_158 = tpu.memref_slice %arg6[%dma_wait3A_147, %dma_wait3A_156, %dma_wait3A_157] : memref<2x2x128xi32, #tpu.memory_space<vmem>> -> memref<1x2x128xi32, #tpu.memory_space<vmem>>
        %dma_wait3A_159 = tpu.memref_squeeze %dma_wait3A_158 : memref<1x2x128xi32, #tpu.memory_space<vmem>> -> memref<2x128xi32, #tpu.memory_space<vmem>>
        %dma_wait3A_160 = arith.constant 0 : i32
        %dma_wait3A_161 = arith.constant 0 : i32
        %dma_wait3A_162 = tpu.memref_slice %arg3[%select_n3A, %dma_wait3A_160, %dma_wait3A_161] : memref<2560x2x128xi32, #tpu.memory_space<hbm>> -> memref<1x2x128xi32, #tpu.memory_space<hbm>>
        %dma_wait3A_163 = tpu.memref_squeeze %dma_wait3A_162 : memref<1x2x128xi32, #tpu.memory_space<hbm>> -> memref<2x128xi32, #tpu.memory_space<hbm>>
        tpu.wait_dma2 semaphore(%arg10 : memref<!tpu.dma_semaphore, #tpu.memory_space<semaphore_mem>>) src(%dma_wait3A_163 : memref<2x128xi32, #tpu.memory_space<hbm>>) dst(%dma_wait3A_159 : memref<2x128xi32, #tpu.memory_space<vmem>>)
        %dma_start3A_164 = arith.constant 1 : i32
        %dma_start3A_165 = arith.constant 0 : i32
        %dma_start3A_166 = arith.constant 1 : i32
        %dma_start3A_167 = arith.constant 0 : i32
        %dma_start3A_168 = arith.constant 0 : i32
        %dma_start3A_169 = tpu.memref_slice %arg7[%dma_start3A_166, %dma_start3A_167, %dma_start3A_168] : memref<2x128x128xf32, #tpu.memory_space<vmem>> -> memref<1x128x128xf32, #tpu.memory_space<vmem>>
        %dma_start3A_170 = tpu.memref_squeeze %dma_start3A_169 : memref<1x128x128xf32, #tpu.memory_space<vmem>> -> memref<128x128xf32, #tpu.memory_space<vmem>>
        %dma_start3A_171 = arith.constant 0 : i32
        %dma_start3A_172 = tpu.memref_slice %arg6[%dma_start3A_164, %dma_start3A_165, %dma_start3A_171] : memref<2x2x128xi32, #tpu.memory_space<vmem>> -> memref<1x1x128xi32, #tpu.memory_space<vmem>>
        %dma_start3A_173 = tpu.memref_squeeze %dma_start3A_172 : memref<1x1x128xi32, #tpu.memory_space<vmem>> -> memref<128xi32, #tpu.memory_space<vmem>>
        %dma_start3A_174 = arith.constant 0 : i32
        %dma_start3A_175 = arith.constant 0 : i32
        %dma_start3A_176 = tpu.memref_slice %arg2[%dma_start3A_174, %dma_start3A_175] : memref<10240x128xf32, #tpu.memory_space<hbm>> -> memref<10240x128xf32, #tpu.memory_space<hbm>>
        tpu.enqueue_indirect_dma source(%dma_start3A_176 : memref<10240x128xf32, #tpu.memory_space<hbm>>) target(%dma_start3A_170 : memref<128x128xf32, #tpu.memory_space<vmem>>) offsets(%dma_start3A_173 : memref<128xi32, #tpu.memory_space<vmem>>) semaphore(%arg12 : memref<!tpu.dma_semaphore, #tpu.memory_space<semaphore_mem>>)
      } else {
      }
      %dma_wait3A_94 = arith.constant 0 : i32
      %dma_wait3A_95 = arith.constant 0 : i32
      %dma_wait3A_96 = arith.constant 0 : i32
      %dma_wait3A_97 = arith.constant 0 : i32
      %dma_wait3A_98 = arith.constant 0 : i32
      %dma_wait3A_99 = tpu.memref_slice %arg7[%dma_wait3A_96, %dma_wait3A_97, %dma_wait3A_98] : memref<2x128x128xf32, #tpu.memory_space<vmem>> -> memref<1x128x128xf32, #tpu.memory_space<vmem>>
      %dma_wait3A_100 = tpu.memref_squeeze %dma_wait3A_99 : memref<1x128x128xf32, #tpu.memory_space<vmem>> -> memref<128x128xf32, #tpu.memory_space<vmem>>
      %dma_wait3A_101 = arith.constant 0 : i32
      %dma_wait3A_102 = tpu.memref_slice %arg6[%dma_wait3A_94, %dma_wait3A_95, %dma_wait3A_101] : memref<2x2x128xi32, #tpu.memory_space<vmem>> -> memref<1x1x128xi32, #tpu.memory_space<vmem>>
      %dma_wait3A_103 = tpu.memref_squeeze %dma_wait3A_102 : memref<1x1x128xi32, #tpu.memory_space<vmem>> -> memref<128xi32, #tpu.memory_space<vmem>>
      %dma_wait3A_104 = arith.constant 0 : i32
      %dma_wait3A_105 = arith.constant 0 : i32
      %dma_wait3A_106 = tpu.memref_slice %arg2[%dma_wait3A_104, %dma_wait3A_105] : memref<10240x128xf32, #tpu.memory_space<hbm>> -> memref<10240x128xf32, #tpu.memory_space<hbm>>
      tpu.wait_indirect_dma semaphore(%arg11 : memref<!tpu.dma_semaphore, #tpu.memory_space<semaphore_mem>>) src(%dma_wait3A_106 : memref<10240x128xf32, #tpu.memory_space<hbm>>) dst(%dma_wait3A_100 : memref<128x128xf32, #tpu.memory_space<vmem>>)
      %run_scoped3A = arith.constant 0 : i32
      %run_scoped3A_107 = arith.constant 0 : i32
      %run_scoped3A_108 = arith.constant 1 : i32
      "tpu.region"() ({
        %run_scoped3A_147 = tpu.sem_alloc : memref<!tpu.dma_semaphore, #tpu.memory_space<semaphore_mem>>
        %dma_start3A_148 = arith.constant 0 : i32
        %dma_start3A_149 = arith.constant 0 : i32
        %dma_start3A_150 = tpu.memref_slice %arg7[%run_scoped3A, %dma_start3A_148, %dma_start3A_149] : memref<2x128x128xf32, #tpu.memory_space<vmem>> -> memref<1x128x128xf32, #tpu.memory_space<vmem>>
        %dma_start3A_151 = tpu.memref_squeeze %dma_start3A_150 : memref<1x128x128xf32, #tpu.memory_space<vmem>> -> memref<128x128xf32, #tpu.memory_space<vmem>>
        %dma_start3A_152 = arith.constant 0 : i32
        %dma_start3A_153 = tpu.memref_slice %arg6[%run_scoped3A_107, %run_scoped3A_108, %dma_start3A_152] : memref<2x2x128xi32, #tpu.memory_space<vmem>> -> memref<1x1x128xi32, #tpu.memory_space<vmem>>
        %dma_start3A_154 = tpu.memref_squeeze %dma_start3A_153 : memref<1x1x128xi32, #tpu.memory_space<vmem>> -> memref<128xi32, #tpu.memory_space<vmem>>
        %dma_start3A_155 = arith.constant 0 : i32
        %dma_start3A_156 = arith.constant 0 : i32
        %dma_start3A_157 = tpu.memref_slice %arg8[%dma_start3A_155, %dma_start3A_156] : memref<10240x128xf32, #tpu.memory_space<vmem_shared>> -> memref<10240x128xf32, #tpu.memory_space<vmem_shared>>
        tpu.enqueue_indirect_dma source(%dma_start3A_151 : memref<128x128xf32, #tpu.memory_space<vmem>>) target(%dma_start3A_157 : memref<10240x128xf32, #tpu.memory_space<vmem_shared>>) offsets(%dma_start3A_154 : memref<128xi32, #tpu.memory_space<vmem>>) semaphore(%run_scoped3A_147 : memref<!tpu.dma_semaphore, #tpu.memory_space<semaphore_mem>>) {add = true}
        %dma_wait3A_158 = arith.constant 0 : i32
        %dma_wait3A_159 = arith.constant 0 : i32
        %dma_wait3A_160 = tpu.memref_slice %arg7[%run_scoped3A, %dma_wait3A_158, %dma_wait3A_159] : memref<2x128x128xf32, #tpu.memory_space<vmem>> -> memref<1x128x128xf32, #tpu.memory_space<vmem>>
        %dma_wait3A_161 = tpu.memref_squeeze %dma_wait3A_160 : memref<1x128x128xf32, #tpu.memory_space<vmem>> -> memref<128x128xf32, #tpu.memory_space<vmem>>
        %dma_wait3A_162 = arith.constant 0 : i32
        %dma_wait3A_163 = tpu.memref_slice %arg6[%run_scoped3A_107, %run_scoped3A_108, %dma_wait3A_162] : memref<2x2x128xi32, #tpu.memory_space<vmem>> -> memref<1x1x128xi32, #tpu.memory_space<vmem>>
        %dma_wait3A_164 = tpu.memref_squeeze %dma_wait3A_163 : memref<1x1x128xi32, #tpu.memory_space<vmem>> -> memref<128xi32, #tpu.memory_space<vmem>>
        %dma_wait3A_165 = arith.constant 0 : i32
        %dma_wait3A_166 = arith.constant 0 : i32
        %dma_wait3A_167 = tpu.memref_slice %arg8[%dma_wait3A_165, %dma_wait3A_166] : memref<10240x128xf32, #tpu.memory_space<vmem_shared>> -> memref<10240x128xf32, #tpu.memory_space<vmem_shared>>
        tpu.wait_indirect_dma semaphore(%run_scoped3A_147 : memref<!tpu.dma_semaphore, #tpu.memory_space<semaphore_mem>>) src(%dma_wait3A_161 : memref<128x128xf32, #tpu.memory_space<vmem>>) dst(%dma_wait3A_167 : memref<10240x128xf32, #tpu.memory_space<vmem_shared>>)
        tpu.yield
      }) : () -> ()
      %add3A_109 = arith.constant 2 : i32
      %add3A_110 = arith.addi %add3A_90, %add3A_109 : i32
      %lt3A_111 = arith.cmpi slt, %add3A_110, %select_n3A_10 : i32
      %convert_element_type3A_112 = arith.extui %lt3A_111 : i1 to i32
      %cond3A_113 = arith.constant 0 : i32
      %cond3A_114 = arith.cmpi ne, %convert_element_type3A_112, %cond3A_113 : i32
      scf.if %cond3A_114 {
        %add3A_147 = arith.constant 2 : i32
        %add3A_148 = arith.addi %add3A_90, %add3A_147 : i32
        %add3A_149 = arith.addi %select_n3A, %add3A_148 : i32
        %dma_start3A_150 = arith.constant 0 : i32
        %dma_start3A_151 = arith.constant 0 : i32
        %dma_start3A_152 = arith.constant 0 : i32
        %dma_start3A_153 = tpu.memref_slice %arg6[%dma_start3A_150, %dma_start3A_151, %dma_start3A_152] : memref<2x2x128xi32, #tpu.memory_space<vmem>> -> memref<1x2x128xi32, #tpu.memory_space<vmem>>
        %dma_start3A_154 = tpu.memref_squeeze %dma_start3A_153 : memref<1x2x128xi32, #tpu.memory_space<vmem>> -> memref<2x128xi32, #tpu.memory_space<vmem>>
        %dma_start3A_155 = arith.constant 0 : i32
        %dma_start3A_156 = arith.constant 0 : i32
        %dma_start3A_157 = tpu.memref_slice %arg3[%add3A_149, %dma_start3A_155, %dma_start3A_156] : memref<2560x2x128xi32, #tpu.memory_space<hbm>> -> memref<1x2x128xi32, #tpu.memory_space<hbm>>
        %dma_start3A_158 = tpu.memref_squeeze %dma_start3A_157 : memref<1x2x128xi32, #tpu.memory_space<hbm>> -> memref<2x128xi32, #tpu.memory_space<hbm>>
        %dma_start3A_159 = arith.constant 0 : i32
        %dma_start3A_160 = arith.constant 0 : i32
        %dma_start3A_161 = tpu.memref_slice %arg6[%dma_start3A_150, %dma_start3A_159, %dma_start3A_160] : memref<2x2x128xi32, #tpu.memory_space<vmem>> -> memref<1x2x128xi32, #tpu.memory_space<vmem>>
        %dma_start3A_162 = tpu.memref_squeeze %dma_start3A_161 : memref<1x2x128xi32, #tpu.memory_space<vmem>> -> memref<2x128xi32, #tpu.memory_space<vmem>>
        %dma_start3A_163 = arith.constant 0 : i32
        %dma_start3A_164 = arith.constant 0 : i32
        %dma_start3A_165 = tpu.memref_slice %arg3[%add3A_149, %dma_start3A_163, %dma_start3A_164] : memref<2560x2x128xi32, #tpu.memory_space<hbm>> -> memref<1x2x128xi32, #tpu.memory_space<hbm>>
        %dma_start3A_166 = tpu.memref_squeeze %dma_start3A_165 : memref<1x2x128xi32, #tpu.memory_space<hbm>> -> memref<2x128xi32, #tpu.memory_space<hbm>>
        tpu.enqueue_dma source(%dma_start3A_166 : memref<2x128xi32, #tpu.memory_space<hbm>>) target(%dma_start3A_162 : memref<2x128xi32, #tpu.memory_space<vmem>>) target_semaphore(%arg9 : memref<!tpu.dma_semaphore, #tpu.memory_space<semaphore_mem>>)
      } else {
      }
      %mul3A_115 = arith.constant 2 : i32
      %mul3A_116 = arith.muli %mul3A_115, %while3A_86 : i32
      %add3A_117 = arith.constant 1 : i32
      %add3A_118 = arith.addi %mul3A_116, %add3A_117 : i32
      %add3A_119 = arith.constant 1 : i32
      %add3A_120 = arith.addi %add3A_118, %add3A_119 : i32
      %lt3A_121 = arith.cmpi slt, %add3A_120, %select_n3A_10 : i32
      %convert_element_type3A_122 = arith.extui %lt3A_121 : i1 to i32
      %cond3A_123 = arith.constant 0 : i32
      %cond3A_124 = arith.cmpi ne, %convert_element_type3A_122, %cond3A_123 : i32
      scf.if %cond3A_124 {
        %dma_wait3A_147 = arith.constant 0 : i32
        %dma_wait3A_148 = arith.constant 0 : i32
        %dma_wait3A_149 = arith.constant 0 : i32
        %dma_wait3A_150 = tpu.memref_slice %arg6[%dma_wait3A_147, %dma_wait3A_148, %dma_wait3A_149] : memref<2x2x128xi32, #tpu.memory_space<vmem>> -> memref<1x2x128xi32, #tpu.memory_space<vmem>>
        %dma_wait3A_151 = tpu.memref_squeeze %dma_wait3A_150 : memref<1x2x128xi32, #tpu.memory_space<vmem>> -> memref<2x128xi32, #tpu.memory_space<vmem>>
        %dma_wait3A_152 = arith.constant 0 : i32
        %dma_wait3A_153 = arith.constant 0 : i32
        %dma_wait3A_154 = tpu.memref_slice %arg3[%select_n3A, %dma_wait3A_152, %dma_wait3A_153] : memref<2560x2x128xi32, #tpu.memory_space<hbm>> -> memref<1x2x128xi32, #tpu.memory_space<hbm>>
        %dma_wait3A_155 = tpu.memref_squeeze %dma_wait3A_154 : memref<1x2x128xi32, #tpu.memory_space<hbm>> -> memref<2x128xi32, #tpu.memory_space<hbm>>
        %dma_wait3A_156 = arith.constant 0 : i32
        %dma_wait3A_157 = arith.constant 0 : i32
        %dma_wait3A_158 = tpu.memref_slice %arg6[%dma_wait3A_147, %dma_wait3A_156, %dma_wait3A_157] : memref<2x2x128xi32, #tpu.memory_space<vmem>> -> memref<1x2x128xi32, #tpu.memory_space<vmem>>
        %dma_wait3A_159 = tpu.memref_squeeze %dma_wait3A_158 : memref<1x2x128xi32, #tpu.memory_space<vmem>> -> memref<2x128xi32, #tpu.memory_space<vmem>>
        %dma_wait3A_160 = arith.constant 0 : i32
        %dma_wait3A_161 = arith.constant 0 : i32
        %dma_wait3A_162 = tpu.memref_slice %arg3[%select_n3A, %dma_wait3A_160, %dma_wait3A_161] : memref<2560x2x128xi32, #tpu.memory_space<hbm>> -> memref<1x2x128xi32, #tpu.memory_space<hbm>>
        %dma_wait3A_163 = tpu.memref_squeeze %dma_wait3A_162 : memref<1x2x128xi32, #tpu.memory_space<hbm>> -> memref<2x128xi32, #tpu.memory_space<hbm>>
        tpu.wait_dma2 semaphore(%arg9 : memref<!tpu.dma_semaphore, #tpu.memory_space<semaphore_mem>>) src(%dma_wait3A_163 : memref<2x128xi32, #tpu.memory_space<hbm>>) dst(%dma_wait3A_159 : memref<2x128xi32, #tpu.memory_space<vmem>>)
        %dma_start3A_164 = arith.constant 0 : i32
        %dma_start3A_165 = arith.constant 0 : i32
        %dma_start3A_166 = arith.constant 0 : i32
        %dma_start3A_167 = arith.constant 0 : i32
        %dma_start3A_168 = arith.constant 0 : i32
        %dma_start3A_169 = tpu.memref_slice %arg7[%dma_start3A_166, %dma_start3A_167, %dma_start3A_168] : memref<2x128x128xf32, #tpu.memory_space<vmem>> -> memref<1x128x128xf32, #tpu.memory_space<vmem>>
        %dma_start3A_170 = tpu.memref_squeeze %dma_start3A_169 : memref<1x128x128xf32, #tpu.memory_space<vmem>> -> memref<128x128xf32, #tpu.memory_space<vmem>>
        %dma_start3A_171 = arith.constant 0 : i32
        %dma_start3A_172 = tpu.memref_slice %arg6[%dma_start3A_164, %dma_start3A_165, %dma_start3A_171] : memref<2x2x128xi32, #tpu.memory_space<vmem>> -> memref<1x1x128xi32, #tpu.memory_space<vmem>>
        %dma_start3A_173 = tpu.memref_squeeze %dma_start3A_172 : memref<1x1x128xi32, #tpu.memory_space<vmem>> -> memref<128xi32, #tpu.memory_space<vmem>>
        %dma_start3A_174 = arith.constant 0 : i32
        %dma_start3A_175 = arith.constant 0 : i32
        %dma_start3A_176 = tpu.memref_slice %arg2[%dma_start3A_174, %dma_start3A_175] : memref<10240x128xf32, #tpu.memory_space<hbm>> -> memref<10240x128xf32, #tpu.memory_space<hbm>>
        tpu.enqueue_indirect_dma source(%dma_start3A_176 : memref<10240x128xf32, #tpu.memory_space<hbm>>) target(%dma_start3A_170 : memref<128x128xf32, #tpu.memory_space<vmem>>) offsets(%dma_start3A_173 : memref<128xi32, #tpu.memory_space<vmem>>) semaphore(%arg11 : memref<!tpu.dma_semaphore, #tpu.memory_space<semaphore_mem>>)
      } else {
      }
      %dma_wait3A_125 = arith.constant 1 : i32
      %dma_wait3A_126 = arith.constant 0 : i32
      %dma_wait3A_127 = arith.constant 1 : i32
      %dma_wait3A_128 = arith.constant 0 : i32
      %dma_wait3A_129 = arith.constant 0 : i32
      %dma_wait3A_130 = tpu.memref_slice %arg7[%dma_wait3A_127, %dma_wait3A_128, %dma_wait3A_129] : memref<2x128x128xf32, #tpu.memory_space<vmem>> -> memref<1x128x128xf32, #tpu.memory_space<vmem>>
      %dma_wait3A_131 = tpu.memref_squeeze %dma_wait3A_130 : memref<1x128x128xf32, #tpu.memory_space<vmem>> -> memref<128x128xf32, #tpu.memory_space<vmem>>
      %dma_wait3A_132 = arith.constant 0 : i32
      %dma_wait3A_133 = tpu.memref_slice %arg6[%dma_wait3A_125, %dma_wait3A_126, %dma_wait3A_132] : memref<2x2x128xi32, #tpu.memory_space<vmem>> -> memref<1x1x128xi32, #tpu.memory_space<vmem>>
      %dma_wait3A_134 = tpu.memref_squeeze %dma_wait3A_133 : memref<1x1x128xi32, #tpu.memory_space<vmem>> -> memref<128xi32, #tpu.memory_space<vmem>>
      %dma_wait3A_135 = arith.constant 0 : i32
      %dma_wait3A_136 = arith.constant 0 : i32
      %dma_wait3A_137 = tpu.memref_slice %arg2[%dma_wait3A_135, %dma_wait3A_136] : memref<10240x128xf32, #tpu.memory_space<hbm>> -> memref<10240x128xf32, #tpu.memory_space<hbm>>
      tpu.wait_indirect_dma semaphore(%arg12 : memref<!tpu.dma_semaphore, #tpu.memory_space<semaphore_mem>>) src(%dma_wait3A_137 : memref<10240x128xf32, #tpu.memory_space<hbm>>) dst(%dma_wait3A_131 : memref<128x128xf32, #tpu.memory_space<vmem>>)
      %run_scoped3A_138 = arith.constant 1 : i32
      %run_scoped3A_139 = arith.constant 1 : i32
      %run_scoped3A_140 = arith.constant 1 : i32
      "tpu.region"() ({
        %run_scoped3A_147 = tpu.sem_alloc : memref<!tpu.dma_semaphore, #tpu.memory_space<semaphore_mem>>
        %dma_start3A_148 = arith.constant 0 : i32
        %dma_start3A_149 = arith.constant 0 : i32
        %dma_start3A_150 = tpu.memref_slice %arg7[%run_scoped3A_138, %dma_start3A_148, %dma_start3A_149] : memref<2x128x128xf32, #tpu.memory_space<vmem>> -> memref<1x128x128xf32, #tpu.memory_space<vmem>>
        %dma_start3A_151 = tpu.memref_squeeze %dma_start3A_150 : memref<1x128x128xf32, #tpu.memory_space<vmem>> -> memref<128x128xf32, #tpu.memory_space<vmem>>
        %dma_start3A_152 = arith.constant 0 : i32
        %dma_start3A_153 = tpu.memref_slice %arg6[%run_scoped3A_139, %run_scoped3A_140, %dma_start3A_152] : memref<2x2x128xi32, #tpu.memory_space<vmem>> -> memref<1x1x128xi32, #tpu.memory_space<vmem>>
        %dma_start3A_154 = tpu.memref_squeeze %dma_start3A_153 : memref<1x1x128xi32, #tpu.memory_space<vmem>> -> memref<128xi32, #tpu.memory_space<vmem>>
        %dma_start3A_155 = arith.constant 0 : i32
        %dma_start3A_156 = arith.constant 0 : i32
        %dma_start3A_157 = tpu.memref_slice %arg8[%dma_start3A_155, %dma_start3A_156] : memref<10240x128xf32, #tpu.memory_space<vmem_shared>> -> memref<10240x128xf32, #tpu.memory_space<vmem_shared>>
        tpu.enqueue_indirect_dma source(%dma_start3A_151 : memref<128x128xf32, #tpu.memory_space<vmem>>) target(%dma_start3A_157 : memref<10240x128xf32, #tpu.memory_space<vmem_shared>>) offsets(%dma_start3A_154 : memref<128xi32, #tpu.memory_space<vmem>>) semaphore(%run_scoped3A_147 : memref<!tpu.dma_semaphore, #tpu.memory_space<semaphore_mem>>) {add = true}
        %dma_wait3A_158 = arith.constant 0 : i32
        %dma_wait3A_159 = arith.constant 0 : i32
        %dma_wait3A_160 = tpu.memref_slice %arg7[%run_scoped3A_138, %dma_wait3A_158, %dma_wait3A_159] : memref<2x128x128xf32, #tpu.memory_space<vmem>> -> memref<1x128x128xf32, #tpu.memory_space<vmem>>
        %dma_wait3A_161 = tpu.memref_squeeze %dma_wait3A_160 : memref<1x128x128xf32, #tpu.memory_space<vmem>> -> memref<128x128xf32, #tpu.memory_space<vmem>>
        %dma_wait3A_162 = arith.constant 0 : i32
        %dma_wait3A_163 = tpu.memref_slice %arg6[%run_scoped3A_139, %run_scoped3A_140, %dma_wait3A_162] : memref<2x2x128xi32, #tpu.memory_space<vmem>> -> memref<1x1x128xi32, #tpu.memory_space<vmem>>
        %dma_wait3A_164 = tpu.memref_squeeze %dma_wait3A_163 : memref<1x1x128xi32, #tpu.memory_space<vmem>> -> memref<128xi32, #tpu.memory_space<vmem>>
        %dma_wait3A_165 = arith.constant 0 : i32
        %dma_wait3A_166 = arith.constant 0 : i32
        %dma_wait3A_167 = tpu.memref_slice %arg8[%dma_wait3A_165, %dma_wait3A_166] : memref<10240x128xf32, #tpu.memory_space<vmem_shared>> -> memref<10240x128xf32, #tpu.memory_space<vmem_shared>>
        tpu.wait_indirect_dma semaphore(%run_scoped3A_147 : memref<!tpu.dma_semaphore, #tpu.memory_space<semaphore_mem>>) src(%dma_wait3A_161 : memref<128x128xf32, #tpu.memory_space<vmem>>) dst(%dma_wait3A_167 : memref<10240x128xf32, #tpu.memory_space<vmem_shared>>)
        tpu.yield
      }) : () -> ()
      %add3A_141 = arith.constant 2 : i32
      %add3A_142 = arith.addi %add3A_118, %add3A_141 : i32
      %lt3A_143 = arith.cmpi slt, %add3A_142, %select_n3A_10 : i32
      %convert_element_type3A_144 = arith.extui %lt3A_143 : i1 to i32
      %cond3A_145 = arith.constant 0 : i32
      %cond3A_146 = arith.cmpi ne, %convert_element_type3A_144, %cond3A_145 : i32
      scf.if %cond3A_146 {
        %add3A_147 = arith.constant 2 : i32
        %add3A_148 = arith.addi %add3A_118, %add3A_147 : i32
        %add3A_149 = arith.addi %select_n3A, %add3A_148 : i32
        %dma_start3A_150 = arith.constant 1 : i32
        %dma_start3A_151 = arith.constant 0 : i32
        %dma_start3A_152 = arith.constant 0 : i32
        %dma_start3A_153 = tpu.memref_slice %arg6[%dma_start3A_150, %dma_start3A_151, %dma_start3A_152] : memref<2x2x128xi32, #tpu.memory_space<vmem>> -> memref<1x2x128xi32, #tpu.memory_space<vmem>>
        %dma_start3A_154 = tpu.memref_squeeze %dma_start3A_153 : memref<1x2x128xi32, #tpu.memory_space<vmem>> -> memref<2x128xi32, #tpu.memory_space<vmem>>
        %dma_start3A_155 = arith.constant 0 : i32
        %dma_start3A_156 = arith.constant 0 : i32
        %dma_start3A_157 = tpu.memref_slice %arg3[%add3A_149, %dma_start3A_155, %dma_start3A_156] : memref<2560x2x128xi32, #tpu.memory_space<hbm>> -> memref<1x2x128xi32, #tpu.memory_space<hbm>>
        %dma_start3A_158 = tpu.memref_squeeze %dma_start3A_157 : memref<1x2x128xi32, #tpu.memory_space<hbm>> -> memref<2x128xi32, #tpu.memory_space<hbm>>
        %dma_start3A_159 = arith.constant 0 : i32
        %dma_start3A_160 = arith.constant 0 : i32
        %dma_start3A_161 = tpu.memref_slice %arg6[%dma_start3A_150, %dma_start3A_159, %dma_start3A_160] : memref<2x2x128xi32, #tpu.memory_space<vmem>> -> memref<1x2x128xi32, #tpu.memory_space<vmem>>
        %dma_start3A_162 = tpu.memref_squeeze %dma_start3A_161 : memref<1x2x128xi32, #tpu.memory_space<vmem>> -> memref<2x128xi32, #tpu.memory_space<vmem>>
        %dma_start3A_163 = arith.constant 0 : i32
        %dma_start3A_164 = arith.constant 0 : i32
        %dma_start3A_165 = tpu.memref_slice %arg3[%add3A_149, %dma_start3A_163, %dma_start3A_164] : memref<2560x2x128xi32, #tpu.memory_space<hbm>> -> memref<1x2x128xi32, #tpu.memory_space<hbm>>
        %dma_start3A_166 = tpu.memref_squeeze %dma_start3A_165 : memref<1x2x128xi32, #tpu.memory_space<hbm>> -> memref<2x128xi32, #tpu.memory_space<hbm>>
        tpu.enqueue_dma source(%dma_start3A_166 : memref<2x128xi32, #tpu.memory_space<hbm>>) target(%dma_start3A_162 : memref<2x128xi32, #tpu.memory_space<vmem>>) target_semaphore(%arg10 : memref<!tpu.dma_semaphore, #tpu.memory_space<semaphore_mem>>)
      } else {
      }
    }
    %barrier3A_85 = arith.constant 0 : index
    tpu.barrier barrier_id(%barrier3A_85)
    "tpu.region"() ({
      %run_scoped3A = tpu.sem_alloc : memref<!tpu.dma_semaphore, #tpu.memory_space<semaphore_mem>>
      %dma_start3A_86 = arith.constant 0 : i32
      %dma_start3A_87 = tpu.memref_slice %arg5[%arg0, %mul3A_0, %dma_start3A_86] : memref<2x10240x128xf32, #tpu.memory_space<hbm>> -> memref<1x640x128xf32, #tpu.memory_space<hbm>>
      %dma_start3A_88 = tpu.memref_squeeze %dma_start3A_87 : memref<1x640x128xf32, #tpu.memory_space<hbm>> -> memref<640x128xf32, #tpu.memory_space<hbm>>
      %dma_start3A_89 = arith.constant 0 : i32
      %dma_start3A_90 = tpu.memref_slice %arg8[%mul3A_0, %dma_start3A_89] : memref<10240x128xf32, #tpu.memory_space<vmem_shared>> -> memref<640x128xf32, #tpu.memory_space<vmem_shared>>
      tpu.enqueue_dma source(%dma_start3A_90 : memref<640x128xf32, #tpu.memory_space<vmem_shared>>) target(%dma_start3A_88 : memref<640x128xf32, #tpu.memory_space<hbm>>) target_semaphore(%run_scoped3A : memref<!tpu.dma_semaphore, #tpu.memory_space<semaphore_mem>>)
      %dma_wait3A_91 = arith.constant 0 : i32
      %dma_wait3A_92 = tpu.memref_slice %arg5[%arg0, %mul3A_0, %dma_wait3A_91] : memref<2x10240x128xf32, #tpu.memory_space<hbm>> -> memref<1x640x128xf32, #tpu.memory_space<hbm>>
      %dma_wait3A_93 = tpu.memref_squeeze %dma_wait3A_92 : memref<1x640x128xf32, #tpu.memory_space<hbm>> -> memref<640x128xf32, #tpu.memory_space<hbm>>
      %dma_wait3A_94 = arith.constant 0 : i32
      %dma_wait3A_95 = tpu.memref_slice %arg8[%mul3A_0, %dma_wait3A_94] : memref<10240x128xf32, #tpu.memory_space<vmem_shared>> -> memref<640x128xf32, #tpu.memory_space<vmem_shared>>
      tpu.wait_dma2 semaphore(%run_scoped3A : memref<!tpu.dma_semaphore, #tpu.memory_space<semaphore_mem>>) src(%dma_wait3A_95 : memref<640x128xf32, #tpu.memory_space<vmem_shared>>) dst(%dma_wait3A_93 : memref<640x128xf32, #tpu.memory_space<hbm>>)
      tpu.yield
    }) : () -> ()
    return
  }
}

module attributes {stable_mosaic.version = 14 : i64} {
  func.func @_mm_body(%arg0: i32, %arg1: memref<512x128xf32, #tpu.memory_space<vmem>>, %arg2: memref<128x128xf32, #tpu.memory_space<vmem>>, %arg3: memref<512x128xf32, #tpu.memory_space<vmem>>) attributes {dimension_semantics = [#tpu.dimension_semantics<arbitrary>], iteration_bounds = array<i64: 20>, scalar_prefetch = 0 : i64, scratch_operands = 0 : i64, tpu.core_type = #tpu.core_type<tc>, window_params = [{transform_indices = @transform_0, window_bounds = array<i64: 512, 128>}, {pipeline_mode = #tpu.pipeline_mode<synchronous>, transform_indices = @transform_1, window_bounds = array<i64: 128, 128>}, {transform_indices = @transform_2, window_bounds = array<i64: 512, 128>}]} {
    %get3A = arith.constant 0 : index
    %get3A_0 = arith.constant 0 : index
    %get3A_1 = vector.load %arg1[%get3A, %get3A_0] : memref<512x128xf32, #tpu.memory_space<vmem>>, vector<512x128xf32>
    %get3A_2 = arith.constant 0 : index
    %get3A_3 = arith.constant 0 : index
    %get3A_4 = vector.load %arg2[%get3A_2, %get3A_3] : memref<128x128xf32, #tpu.memory_space<vmem>>, vector<128x128xf32>
    %dot_general3A = arith.constant dense<0.000000e+00> : vector<512x128xf32>
    %dot_general3A_5 = tpu.matmul %get3A_1, %get3A_4, %dot_general3A {dimension_numbers = #tpu.dot_dimension_numbers<[1], [0], [0], [1], [0, 0, 1, 1], [], []>, transpose_lhs_hint = false} : vector<512x128xf32>, vector<128x128xf32>, vector<512x128xf32> -> vector<512x128xf32>
    %swap3A = arith.constant 0 : index
    %swap3A_6 = arith.constant 0 : index
    %swap3A_7 = vector.load %arg3[%swap3A, %swap3A_6] : memref<512x128xf32, #tpu.memory_space<vmem>>, vector<512x128xf32>
    tpu.vector_store %arg3[%swap3A, %swap3A_6], %dot_general3A_5 {strides = array<i32>} : memref<512x128xf32, #tpu.memory_space<vmem>>, vector<512x128xf32>,
    return
  }
  func.func @transform_0(%arg0: i32) -> (i32, i32) {
    %c0_i32 = arith.constant 0 : i32
    %c0_i32_0 = arith.constant 0 : i32
    return %arg0, %c0_i32 : i32, i32
  }
  func.func @transform_1(%arg0: i32) -> (i32, i32) {
    %c0_i32 = arith.constant 0 : i32
    %c0_i32_0 = arith.constant 0 : i32
    %c0_i32_1 = arith.constant 0 : i32
    return %c0_i32, %c0_i32_0 : i32, i32
  }
  func.func @transform_2(%arg0: i32) -> (i32, i32) {
    %c0_i32 = arith.constant 0 : i32
    %c0_i32_0 = arith.constant 0 : i32
    return %arg0, %c0_i32 : i32, i32
  }
}

module attributes {stable_mosaic.version = 14 : i64} {
  func.func @_scale1_body(%arg0: i32, %arg1: memref<2x512x128xf32, #tpu.memory_space<vmem>>, %arg2: memref<512x128xf32, #tpu.memory_space<vmem>>, %arg3: memref<512x128xf32, #tpu.memory_space<vmem>>, %arg4: memref<512x128xf32, #tpu.memory_space<vmem>>) attributes {dimension_semantics = [#tpu.dimension_semantics<arbitrary>], iteration_bounds = array<i64: 20>, scalar_prefetch = 0 : i64, scratch_operands = 0 : i64, tpu.core_type = #tpu.core_type<tc>, window_params = [{transform_indices = @transform_0, window_bounds = array<i64: 2, 512, 128>}, {transform_indices = @transform_1, window_bounds = array<i64: 512, 128>}, {transform_indices = @transform_2, window_bounds = array<i64: 512, 128>}, {transform_indices = @transform_3, window_bounds = array<i64: 512, 128>}]} {
    %get3A = arith.constant 0 : index
    %get3A_0 = arith.constant 0 : index
    %get3A_1 = arith.constant 0 : index
    %get3A_2 = vector.load %arg1[%get3A, %get3A_0, %get3A_1] : memref<2x512x128xf32, #tpu.memory_space<vmem>>, vector<1x512x128xf32>
    %get3A_3 = vector.shape_cast %get3A_2 : vector<1x512x128xf32> to vector<512x128xf32>
    %get3A_4 = arith.constant 1 : index
    %get3A_5 = arith.constant 0 : index
    %get3A_6 = arith.constant 0 : index
    %get3A_7 = vector.load %arg1[%get3A_4, %get3A_5, %get3A_6] : memref<2x512x128xf32, #tpu.memory_space<vmem>>, vector<1x512x128xf32>
    %get3A_8 = vector.shape_cast %get3A_7 : vector<1x512x128xf32> to vector<512x128xf32>
    %add3A = arith.addf %get3A_3, %get3A_8 : vector<512x128xf32>
    %add3A_9 = arith.constant 1.000000e+00 : f32
    %add3A_10 = vector.broadcast %add3A_9 : f32 to vector<512x128xf32>
    %add3A_11 = arith.addf %add3A, %add3A_10 : vector<512x128xf32>
    %gt3A = arith.constant 0.000000e+00 : f32
    %gt3A_12 = vector.broadcast %gt3A : f32 to vector<512x128xf32>
    %gt3A_13 = arith.cmpf ogt, %add3A_11, %gt3A_12 : vector<512x128xf32>
    %rsqrt3A = math.rsqrt %add3A_11 : vector<512x128xf32>
    %jit3A = arith.constant 0.000000e+00 : f32
    %broadcast_in_dim3A = vector.broadcast %jit3A : f32 to vector<512x128xf32>
    %select_n3A = arith.select %gt3A_13, %rsqrt3A, %broadcast_in_dim3A : vector<512x128xi1>, vector<512x128xf32>
    %swap3A = arith.constant 0 : index
    %swap3A_14 = arith.constant 0 : index
    %swap3A_15 = vector.load %arg4[%swap3A, %swap3A_14] : memref<512x128xf32, #tpu.memory_space<vmem>>, vector<512x128xf32>
    tpu.vector_store %arg4[%swap3A, %swap3A_14], %select_n3A {strides = array<i32>} : memref<512x128xf32, #tpu.memory_space<vmem>>, vector<512x128xf32>,
    %get3A_16 = arith.constant 0 : index
    %get3A_17 = arith.constant 0 : index
    %get3A_18 = vector.load %arg2[%get3A_16, %get3A_17] : memref<512x128xf32, #tpu.memory_space<vmem>>, vector<512x128xf32>
    %mul3A = arith.mulf %get3A_18, %select_n3A : vector<512x128xf32>
    %swap3A_19 = arith.constant 0 : index
    %swap3A_20 = arith.constant 0 : index
    %swap3A_21 = vector.load %arg3[%swap3A_19, %swap3A_20] : memref<512x128xf32, #tpu.memory_space<vmem>>, vector<512x128xf32>
    tpu.vector_store %arg3[%swap3A_19, %swap3A_20], %mul3A {strides = array<i32>} : memref<512x128xf32, #tpu.memory_space<vmem>>, vector<512x128xf32>,
    return
  }
  func.func @transform_0(%arg0: i32) -> (i32, i32, i32) {
    %c0_i32 = arith.constant 0 : i32
    %c0_i32_0 = arith.constant 0 : i32
    %c0_i32_1 = arith.constant 0 : i32
    return %c0_i32, %arg0, %c0_i32_0 : i32, i32, i32
  }
  func.func @transform_1(%arg0: i32) -> (i32, i32) {
    %c0_i32 = arith.constant 0 : i32
    %c0_i32_0 = arith.constant 0 : i32
    return %arg0, %c0_i32 : i32, i32
  }
  func.func @transform_2(%arg0: i32) -> (i32, i32) {
    %c0_i32 = arith.constant 0 : i32
    %c0_i32_0 = arith.constant 0 : i32
    return %arg0, %c0_i32 : i32, i32
  }
  func.func @transform_3(%arg0: i32) -> (i32, i32) {
    %c0_i32 = arith.constant 0 : i32
    %c0_i32_0 = arith.constant 0 : i32
    return %arg0, %c0_i32 : i32, i32
  }
}

module attributes {stable_mosaic.version = 14 : i64} {
  func.func @_layer_body(%arg0: i32, %arg1: memref<2x512x128xf32, #tpu.memory_space<vmem>>, %arg2: memref<512x128xf32, #tpu.memory_space<vmem>>, %arg3: memref<512x128xf32, #tpu.memory_space<vmem>>, %arg4: memref<1x128xf32, #tpu.memory_space<vmem>>, %arg5: memref<128x128xf32, #tpu.memory_space<vmem>>, %arg6: memref<512x128xf32, #tpu.memory_space<vmem>>, %arg7: memref<512x128xf32, #tpu.memory_space<vmem>>) attributes {dimension_semantics = [#tpu.dimension_semantics<arbitrary>], iteration_bounds = array<i64: 20>, scalar_prefetch = 0 : i64, scratch_operands = 0 : i64, tpu.core_type = #tpu.core_type<tc>, window_params = [{transform_indices = @transform_0, window_bounds = array<i64: 2, 512, 128>}, {transform_indices = @transform_1, window_bounds = array<i64: 512, 128>}, {transform_indices = @transform_2, window_bounds = array<i64: 512, 128>}, {pipeline_mode = #tpu.pipeline_mode<synchronous>, transform_indices = @transform_3, window_bounds = array<i64: 1, 128>}, {pipeline_mode = #tpu.pipeline_mode<synchronous>, transform_indices = @transform_4, window_bounds = array<i64: 128, 128>}, {transform_indices = @transform_5, window_bounds = array<i64: 512, 128>}, {transform_indices = @transform_6, window_bounds = array<i64: 512, 128>}]} {
    %get3A = arith.constant 0 : index
    %get3A_0 = arith.constant 0 : index
    %get3A_1 = vector.load %arg3[%get3A, %get3A_0] : memref<512x128xf32, #tpu.memory_space<vmem>>, vector<512x128xf32>
    %get3A_2 = arith.constant 0 : index
    %get3A_3 = arith.constant 0 : index
    %get3A_4 = arith.constant 0 : index
    %get3A_5 = vector.load %arg1[%get3A_2, %get3A_3, %get3A_4] : memref<2x512x128xf32, #tpu.memory_space<vmem>>, vector<1x512x128xf32>
    %get3A_6 = vector.shape_cast %get3A_5 : vector<1x512x128xf32> to vector<512x128xf32>
    %get3A_7 = arith.constant 1 : index
    %get3A_8 = arith.constant 0 : index
    %get3A_9 = arith.constant 0 : index
    %get3A_10 = vector.load %arg1[%get3A_7, %get3A_8, %get3A_9] : memref<2x512x128xf32, #tpu.memory_space<vmem>>, vector<1x512x128xf32>
    %get3A_11 = vector.shape_cast %get3A_10 : vector<1x512x128xf32> to vector<512x128xf32>
    %add3A = arith.addf %get3A_6, %get3A_11 : vector<512x128xf32>
    %get3A_12 = arith.constant 0 : index
    %get3A_13 = arith.constant 0 : index
    %get3A_14 = vector.load %arg2[%get3A_12, %get3A_13] : memref<512x128xf32, #tpu.memory_space<vmem>>, vector<512x128xf32>
    %add3A_15 = arith.addf %add3A, %get3A_14 : vector<512x128xf32>
    %mul3A = arith.mulf %add3A_15, %get3A_1 : vector<512x128xf32>
    %get3A_16 = arith.constant 0 : index
    %get3A_17 = arith.constant 0 : index
    %get3A_18 = vector.load %arg4[%get3A_16, %get3A_17] : memref<1x128xf32, #tpu.memory_space<vmem>>, vector<1x128xf32>
    %add3A_19 = vector.broadcast %get3A_18 : vector<1x128xf32> to vector<512x128xf32>
    %add3A_20 = arith.addf %mul3A, %add3A_19 : vector<512x128xf32>
    %max3A = arith.constant 0.000000e+00 : f32
    %max3A_21 = vector.broadcast %max3A : f32 to vector<512x128xf32>
    %max3A_22 = arith.maximumf %add3A_20, %max3A_21 : vector<512x128xf32>
    %swap3A = arith.constant 0 : index
    %swap3A_23 = arith.constant 0 : index
    %swap3A_24 = vector.load %arg6[%swap3A, %swap3A_23] : memref<512x128xf32, #tpu.memory_space<vmem>>, vector<512x128xf32>
    tpu.vector_store %arg6[%swap3A, %swap3A_23], %max3A_22 {strides = array<i32>} : memref<512x128xf32, #tpu.memory_space<vmem>>, vector<512x128xf32>,
    %get3A_25 = arith.constant 0 : index
    %get3A_26 = arith.constant 0 : index
    %get3A_27 = vector.load %arg5[%get3A_25, %get3A_26] : memref<128x128xf32, #tpu.memory_space<vmem>>, vector<128x128xf32>
    %dot_general3A = arith.constant dense<0.000000e+00> : vector<512x128xf32>
    %dot_general3A_28 = tpu.matmul %max3A_22, %get3A_27, %dot_general3A {dimension_numbers = #tpu.dot_dimension_numbers<[1], [0], [0], [1], [0, 0, 1, 1], [], []>, transpose_lhs_hint = false} : vector<512x128xf32>, vector<128x128xf32>, vector<512x128xf32> -> vector<512x128xf32>
    %mul3A_29 = arith.mulf %dot_general3A_28, %get3A_1 : vector<512x128xf32>
    %swap3A_30 = arith.constant 0 : index
    %swap3A_31 = arith.constant 0 : index
    %swap3A_32 = vector.load %arg7[%swap3A_30, %swap3A_31] : memref<512x128xf32, #tpu.memory_space<vmem>>, vector<512x128xf32>
    tpu.vector_store %arg7[%swap3A_30, %swap3A_31], %mul3A_29 {strides = array<i32>} : memref<512x128xf32, #tpu.memory_space<vmem>>, vector<512x128xf32>,
    return
  }
  func.func @transform_0(%arg0: i32) -> (i32, i32, i32) {
    %c0_i32 = arith.constant 0 : i32
    %c0_i32_0 = arith.constant 0 : i32
    %c0_i32_1 = arith.constant 0 : i32
    return %c0_i32, %arg0, %c0_i32_0 : i32, i32, i32
  }
  func.func @transform_1(%arg0: i32) -> (i32, i32) {
    %c0_i32 = arith.constant 0 : i32
    %c0_i32_0 = arith.constant 0 : i32
    return %arg0, %c0_i32 : i32, i32
  }
  func.func @transform_2(%arg0: i32) -> (i32, i32) {
    %c0_i32 = arith.constant 0 : i32
    %c0_i32_0 = arith.constant 0 : i32
    return %arg0, %c0_i32 : i32, i32
  }
  func.func @transform_3(%arg0: i32) -> (i32, i32) {
    %c0_i32 = arith.constant 0 : i32
    %c0_i32_0 = arith.constant 0 : i32
    %c0_i32_1 = arith.constant 0 : i32
    return %c0_i32, %c0_i32_0 : i32, i32
  }
  func.func @transform_4(%arg0: i32) -> (i32, i32) {
    %c0_i32 = arith.constant 0 : i32
    %c0_i32_0 = arith.constant 0 : i32
    %c0_i32_1 = arith.constant 0 : i32
    return %c0_i32, %c0_i32_0 : i32, i32
  }
  func.func @transform_5(%arg0: i32) -> (i32, i32) {
    %c0_i32 = arith.constant 0 : i32
    %c0_i32_0 = arith.constant 0 : i32
    return %arg0, %c0_i32 : i32, i32
  }
  func.func @transform_6(%arg0: i32) -> (i32, i32) {
    %c0_i32 = arith.constant 0 : i32
    %c0_i32_0 = arith.constant 0 : i32
    return %arg0, %c0_i32 : i32, i32
  }
}

module attributes {stable_mosaic.version = 14 : i64} {
  func.func @_layer_body(%arg0: i32, %arg1: memref<2x512x128xf32, #tpu.memory_space<vmem>>, %arg2: memref<512x128xf32, #tpu.memory_space<vmem>>, %arg3: memref<512x128xf32, #tpu.memory_space<vmem>>, %arg4: memref<1x128xf32, #tpu.memory_space<vmem>>, %arg5: memref<128x128xf32, #tpu.memory_space<vmem>>, %arg6: memref<512x128xf32, #tpu.memory_space<vmem>>, %arg7: memref<512x128xf32, #tpu.memory_space<vmem>>) attributes {dimension_semantics = [#tpu.dimension_semantics<arbitrary>], iteration_bounds = array<i64: 20>, scalar_prefetch = 0 : i64, scratch_operands = 0 : i64, tpu.core_type = #tpu.core_type<tc>, window_params = [{transform_indices = @transform_0, window_bounds = array<i64: 2, 512, 128>}, {transform_indices = @transform_1, window_bounds = array<i64: 512, 128>}, {transform_indices = @transform_2, window_bounds = array<i64: 512, 128>}, {pipeline_mode = #tpu.pipeline_mode<synchronous>, transform_indices = @transform_3, window_bounds = array<i64: 1, 128>}, {pipeline_mode = #tpu.pipeline_mode<synchronous>, transform_indices = @transform_4, window_bounds = array<i64: 128, 128>}, {transform_indices = @transform_5, window_bounds = array<i64: 512, 128>}, {transform_indices = @transform_6, window_bounds = array<i64: 512, 128>}]} {
    %get3A = arith.constant 0 : index
    %get3A_0 = arith.constant 0 : index
    %get3A_1 = vector.load %arg3[%get3A, %get3A_0] : memref<512x128xf32, #tpu.memory_space<vmem>>, vector<512x128xf32>
    %get3A_2 = arith.constant 0 : index
    %get3A_3 = arith.constant 0 : index
    %get3A_4 = arith.constant 0 : index
    %get3A_5 = vector.load %arg1[%get3A_2, %get3A_3, %get3A_4] : memref<2x512x128xf32, #tpu.memory_space<vmem>>, vector<1x512x128xf32>
    %get3A_6 = vector.shape_cast %get3A_5 : vector<1x512x128xf32> to vector<512x128xf32>
    %get3A_7 = arith.constant 1 : index
    %get3A_8 = arith.constant 0 : index
    %get3A_9 = arith.constant 0 : index
    %get3A_10 = vector.load %arg1[%get3A_7, %get3A_8, %get3A_9] : memref<2x512x128xf32, #tpu.memory_space<vmem>>, vector<1x512x128xf32>
    %get3A_11 = vector.shape_cast %get3A_10 : vector<1x512x128xf32> to vector<512x128xf32>
    %add3A = arith.addf %get3A_6, %get3A_11 : vector<512x128xf32>
    %get3A_12 = arith.constant 0 : index
    %get3A_13 = arith.constant 0 : index
    %get3A_14 = vector.load %arg2[%get3A_12, %get3A_13] : memref<512x128xf32, #tpu.memory_space<vmem>>, vector<512x128xf32>
    %add3A_15 = arith.addf %add3A, %get3A_14 : vector<512x128xf32>
    %mul3A = arith.mulf %add3A_15, %get3A_1 : vector<512x128xf32>
    %get3A_16 = arith.constant 0 : index
    %get3A_17 = arith.constant 0 : index
    %get3A_18 = vector.load %arg4[%get3A_16, %get3A_17] : memref<1x128xf32, #tpu.memory_space<vmem>>, vector<1x128xf32>
    %add3A_19 = vector.broadcast %get3A_18 : vector<1x128xf32> to vector<512x128xf32>
    %add3A_20 = arith.addf %mul3A, %add3A_19 : vector<512x128xf32>
    %max3A = arith.constant 0.000000e+00 : f32
    %max3A_21 = vector.broadcast %max3A : f32 to vector<512x128xf32>
    %max3A_22 = arith.maximumf %add3A_20, %max3A_21 : vector<512x128xf32>
    %swap3A = arith.constant 0 : index
    %swap3A_23 = arith.constant 0 : index
    %swap3A_24 = vector.load %arg6[%swap3A, %swap3A_23] : memref<512x128xf32, #tpu.memory_space<vmem>>, vector<512x128xf32>
    tpu.vector_store %arg6[%swap3A, %swap3A_23], %max3A_22 {strides = array<i32>} : memref<512x128xf32, #tpu.memory_space<vmem>>, vector<512x128xf32>,
    %get3A_25 = arith.constant 0 : index
    %get3A_26 = arith.constant 0 : index
    %get3A_27 = vector.load %arg5[%get3A_25, %get3A_26] : memref<128x128xf32, #tpu.memory_space<vmem>>, vector<128x128xf32>
    %dot_general3A = arith.constant dense<0.000000e+00> : vector<512x128xf32>
    %dot_general3A_28 = tpu.matmul %max3A_22, %get3A_27, %dot_general3A {dimension_numbers = #tpu.dot_dimension_numbers<[1], [0], [0], [1], [0, 0, 1, 1], [], []>, transpose_lhs_hint = false} : vector<512x128xf32>, vector<128x128xf32>, vector<512x128xf32> -> vector<512x128xf32>
    %mul3A_29 = arith.mulf %dot_general3A_28, %get3A_1 : vector<512x128xf32>
    %swap3A_30 = arith.constant 0 : index
    %swap3A_31 = arith.constant 0 : index
    %swap3A_32 = vector.load %arg7[%swap3A_30, %swap3A_31] : memref<512x128xf32, #tpu.memory_space<vmem>>, vector<512x128xf32>
    tpu.vector_store %arg7[%swap3A_30, %swap3A_31], %mul3A_29 {strides = array<i32>} : memref<512x128xf32, #tpu.memory_space<vmem>>, vector<512x128xf32>,
    return
  }
  func.func @transform_0(%arg0: i32) -> (i32, i32, i32) {
    %c0_i32 = arith.constant 0 : i32
    %c0_i32_0 = arith.constant 0 : i32
    %c0_i32_1 = arith.constant 0 : i32
    return %c0_i32, %arg0, %c0_i32_0 : i32, i32, i32
  }
  func.func @transform_1(%arg0: i32) -> (i32, i32) {
    %c0_i32 = arith.constant 0 : i32
    %c0_i32_0 = arith.constant 0 : i32
    return %arg0, %c0_i32 : i32, i32
  }
  func.func @transform_2(%arg0: i32) -> (i32, i32) {
    %c0_i32 = arith.constant 0 : i32
    %c0_i32_0 = arith.constant 0 : i32
    return %arg0, %c0_i32 : i32, i32
  }
  func.func @transform_3(%arg0: i32) -> (i32, i32) {
    %c0_i32 = arith.constant 0 : i32
    %c0_i32_0 = arith.constant 0 : i32
    %c0_i32_1 = arith.constant 0 : i32
    return %c0_i32, %c0_i32_0 : i32, i32
  }
  func.func @transform_4(%arg0: i32) -> (i32, i32) {
    %c0_i32 = arith.constant 0 : i32
    %c0_i32_0 = arith.constant 0 : i32
    %c0_i32_1 = arith.constant 0 : i32
    return %c0_i32, %c0_i32_0 : i32, i32
  }
  func.func @transform_5(%arg0: i32) -> (i32, i32) {
    %c0_i32 = arith.constant 0 : i32
    %c0_i32_0 = arith.constant 0 : i32
    return %arg0, %c0_i32 : i32, i32
  }
  func.func @transform_6(%arg0: i32) -> (i32, i32) {
    %c0_i32 = arith.constant 0 : i32
    %c0_i32_0 = arith.constant 0 : i32
    return %arg0, %c0_i32 : i32, i32
  }
}

module attributes {stable_mosaic.version = 14 : i64} {
  func.func @_layer_body(%arg0: i32, %arg1: memref<2x512x128xf32, #tpu.memory_space<vmem>>, %arg2: memref<512x128xf32, #tpu.memory_space<vmem>>, %arg3: memref<512x128xf32, #tpu.memory_space<vmem>>, %arg4: memref<1x128xf32, #tpu.memory_space<vmem>>, %arg5: memref<128x128xf32, #tpu.memory_space<vmem>>, %arg6: memref<512x128xf32, #tpu.memory_space<vmem>>, %arg7: memref<512x128xf32, #tpu.memory_space<vmem>>, %arg8: memref<512x128xf32, #tpu.memory_space<vmem>>) attributes {dimension_semantics = [#tpu.dimension_semantics<arbitrary>], iteration_bounds = array<i64: 20>, scalar_prefetch = 0 : i64, scratch_operands = 0 : i64, tpu.core_type = #tpu.core_type<tc>, window_params = [{transform_indices = @transform_0, window_bounds = array<i64: 2, 512, 128>}, {transform_indices = @transform_1, window_bounds = array<i64: 512, 128>}, {transform_indices = @transform_2, window_bounds = array<i64: 512, 128>}, {pipeline_mode = #tpu.pipeline_mode<synchronous>, transform_indices = @transform_3, window_bounds = array<i64: 1, 128>}, {pipeline_mode = #tpu.pipeline_mode<synchronous>, transform_indices = @transform_4, window_bounds = array<i64: 128, 128>}, {transform_indices = @transform_5, window_bounds = array<i64: 512, 128>}, {transform_indices = @transform_6, window_bounds = array<i64: 512, 128>}, {transform_indices = @transform_7, window_bounds = array<i64: 512, 128>}]} {
    %get3A = arith.constant 0 : index
    %get3A_0 = arith.constant 0 : index
    %get3A_1 = vector.load %arg3[%get3A, %get3A_0] : memref<512x128xf32, #tpu.memory_space<vmem>>, vector<512x128xf32>
    %get3A_2 = arith.constant 0 : index
    %get3A_3 = arith.constant 0 : index
    %get3A_4 = arith.constant 0 : index
    %get3A_5 = vector.load %arg1[%get3A_2, %get3A_3, %get3A_4] : memref<2x512x128xf32, #tpu.memory_space<vmem>>, vector<1x512x128xf32>
    %get3A_6 = vector.shape_cast %get3A_5 : vector<1x512x128xf32> to vector<512x128xf32>
    %get3A_7 = arith.constant 1 : index
    %get3A_8 = arith.constant 0 : index
    %get3A_9 = arith.constant 0 : index
    %get3A_10 = vector.load %arg1[%get3A_7, %get3A_8, %get3A_9] : memref<2x512x128xf32, #tpu.memory_space<vmem>>, vector<1x512x128xf32>
    %get3A_11 = vector.shape_cast %get3A_10 : vector<1x512x128xf32> to vector<512x128xf32>
    %add3A = arith.addf %get3A_6, %get3A_11 : vector<512x128xf32>
    %get3A_12 = arith.constant 0 : index
    %get3A_13 = arith.constant 0 : index
    %get3A_14 = vector.load %arg2[%get3A_12, %get3A_13] : memref<512x128xf32, #tpu.memory_space<vmem>>, vector<512x128xf32>
    %add3A_15 = arith.addf %add3A, %get3A_14 : vector<512x128xf32>
    %mul3A = arith.mulf %add3A_15, %get3A_1 : vector<512x128xf32>
    %get3A_16 = arith.constant 0 : index
    %get3A_17 = arith.constant 0 : index
    %get3A_18 = vector.load %arg4[%get3A_16, %get3A_17] : memref<1x128xf32, #tpu.memory_space<vmem>>, vector<1x128xf32>
    %add3A_19 = vector.broadcast %get3A_18 : vector<1x128xf32> to vector<512x128xf32>
    %add3A_20 = arith.addf %mul3A, %add3A_19 : vector<512x128xf32>
    %max3A = arith.constant 0.000000e+00 : f32
    %max3A_21 = vector.broadcast %max3A : f32 to vector<512x128xf32>
    %max3A_22 = arith.maximumf %add3A_20, %max3A_21 : vector<512x128xf32>
    %get3A_23 = arith.constant 0 : index
    %get3A_24 = arith.constant 0 : index
    %get3A_25 = vector.load %arg6[%get3A_23, %get3A_24] : memref<512x128xf32, #tpu.memory_space<vmem>>, vector<512x128xf32>
    %add3A_26 = arith.addf %max3A_22, %get3A_25 : vector<512x128xf32>
    %swap3A = arith.constant 0 : index
    %swap3A_27 = arith.constant 0 : index
    %swap3A_28 = vector.load %arg7[%swap3A, %swap3A_27] : memref<512x128xf32, #tpu.memory_space<vmem>>, vector<512x128xf32>
    tpu.vector_store %arg7[%swap3A, %swap3A_27], %add3A_26 {strides = array<i32>} : memref<512x128xf32, #tpu.memory_space<vmem>>, vector<512x128xf32>,
    %get3A_29 = arith.constant 0 : index
    %get3A_30 = arith.constant 0 : index
    %get3A_31 = vector.load %arg5[%get3A_29, %get3A_30] : memref<128x128xf32, #tpu.memory_space<vmem>>, vector<128x128xf32>
    %dot_general3A = arith.constant dense<0.000000e+00> : vector<512x128xf32>
    %dot_general3A_32 = tpu.matmul %add3A_26, %get3A_31, %dot_general3A {dimension_numbers = #tpu.dot_dimension_numbers<[1], [0], [0], [1], [0, 0, 1, 1], [], []>, transpose_lhs_hint = false} : vector<512x128xf32>, vector<128x128xf32>, vector<512x128xf32> -> vector<512x128xf32>
    %mul3A_33 = arith.mulf %dot_general3A_32, %get3A_1 : vector<512x128xf32>
    %swap3A_34 = arith.constant 0 : index
    %swap3A_35 = arith.constant 0 : index
    %swap3A_36 = vector.load %arg8[%swap3A_34, %swap3A_35] : memref<512x128xf32, #tpu.memory_space<vmem>>, vector<512x128xf32>
    tpu.vector_store %arg8[%swap3A_34, %swap3A_35], %mul3A_33 {strides = array<i32>} : memref<512x128xf32, #tpu.memory_space<vmem>>, vector<512x128xf32>,
    return
  }
  func.func @transform_0(%arg0: i32) -> (i32, i32, i32) {
    %c0_i32 = arith.constant 0 : i32
    %c0_i32_0 = arith.constant 0 : i32
    %c0_i32_1 = arith.constant 0 : i32
    return %c0_i32, %arg0, %c0_i32_0 : i32, i32, i32
  }
  func.func @transform_1(%arg0: i32) -> (i32, i32) {
    %c0_i32 = arith.constant 0 : i32
    %c0_i32_0 = arith.constant 0 : i32
    return %arg0, %c0_i32 : i32, i32
  }
  func.func @transform_2(%arg0: i32) -> (i32, i32) {
    %c0_i32 = arith.constant 0 : i32
    %c0_i32_0 = arith.constant 0 : i32
    return %arg0, %c0_i32 : i32, i32
  }
  func.func @transform_3(%arg0: i32) -> (i32, i32) {
    %c0_i32 = arith.constant 0 : i32
    %c0_i32_0 = arith.constant 0 : i32
    %c0_i32_1 = arith.constant 0 : i32
    return %c0_i32, %c0_i32_0 : i32, i32
  }
  func.func @transform_4(%arg0: i32) -> (i32, i32) {
    %c0_i32 = arith.constant 0 : i32
    %c0_i32_0 = arith.constant 0 : i32
    %c0_i32_1 = arith.constant 0 : i32
    return %c0_i32, %c0_i32_0 : i32, i32
  }
  func.func @transform_5(%arg0: i32) -> (i32, i32) {
    %c0_i32 = arith.constant 0 : i32
    %c0_i32_0 = arith.constant 0 : i32
    return %arg0, %c0_i32 : i32, i32
  }
  func.func @transform_6(%arg0: i32) -> (i32, i32) {
    %c0_i32 = arith.constant 0 : i32
    %c0_i32_0 = arith.constant 0 : i32
    return %arg0, %c0_i32 : i32, i32
  }
  func.func @transform_7(%arg0: i32) -> (i32, i32) {
    %c0_i32 = arith.constant 0 : i32
    %c0_i32_0 = arith.constant 0 : i32
    return %arg0, %c0_i32 : i32, i32
  }
}

module attributes {stable_mosaic.version = 14 : i64} {
  func.func @_final_body(%arg0: i32, %arg1: memref<2x512x128xf32, #tpu.memory_space<vmem>>, %arg2: memref<512x128xf32, #tpu.memory_space<vmem>>, %arg3: memref<512x128xf32, #tpu.memory_space<vmem>>, %arg4: memref<1x128xf32, #tpu.memory_space<vmem>>, %arg5: memref<512x128xf32, #tpu.memory_space<vmem>>, %arg6: memref<512x128xf32, #tpu.memory_space<vmem>>) attributes {dimension_semantics = [#tpu.dimension_semantics<arbitrary>], iteration_bounds = array<i64: 20>, scalar_prefetch = 0 : i64, scratch_operands = 0 : i64, tpu.core_type = #tpu.core_type<tc>, window_params = [{transform_indices = @transform_0, window_bounds = array<i64: 2, 512, 128>}, {transform_indices = @transform_1, window_bounds = array<i64: 512, 128>}, {transform_indices = @transform_2, window_bounds = array<i64: 512, 128>}, {pipeline_mode = #tpu.pipeline_mode<synchronous>, transform_indices = @transform_3, window_bounds = array<i64: 1, 128>}, {transform_indices = @transform_4, window_bounds = array<i64: 512, 128>}, {transform_indices = @transform_5, window_bounds = array<i64: 512, 128>}]} {
    %get3A = arith.constant 0 : index
    %get3A_0 = arith.constant 0 : index
    %get3A_1 = arith.constant 0 : index
    %get3A_2 = vector.load %arg1[%get3A, %get3A_0, %get3A_1] : memref<2x512x128xf32, #tpu.memory_space<vmem>>, vector<1x512x128xf32>
    %get3A_3 = vector.shape_cast %get3A_2 : vector<1x512x128xf32> to vector<512x128xf32>
    %get3A_4 = arith.constant 1 : index
    %get3A_5 = arith.constant 0 : index
    %get3A_6 = arith.constant 0 : index
    %get3A_7 = vector.load %arg1[%get3A_4, %get3A_5, %get3A_6] : memref<2x512x128xf32, #tpu.memory_space<vmem>>, vector<1x512x128xf32>
    %get3A_8 = vector.shape_cast %get3A_7 : vector<1x512x128xf32> to vector<512x128xf32>
    %add3A = arith.addf %get3A_3, %get3A_8 : vector<512x128xf32>
    %get3A_9 = arith.constant 0 : index
    %get3A_10 = arith.constant 0 : index
    %get3A_11 = vector.load %arg2[%get3A_9, %get3A_10] : memref<512x128xf32, #tpu.memory_space<vmem>>, vector<512x128xf32>
    %add3A_12 = arith.addf %add3A, %get3A_11 : vector<512x128xf32>
    %get3A_13 = arith.constant 0 : index
    %get3A_14 = arith.constant 0 : index
    %get3A_15 = vector.load %arg3[%get3A_13, %get3A_14] : memref<512x128xf32, #tpu.memory_space<vmem>>, vector<512x128xf32>
    %mul3A = arith.mulf %add3A_12, %get3A_15 : vector<512x128xf32>
    %get3A_16 = arith.constant 0 : index
    %get3A_17 = arith.constant 0 : index
    %get3A_18 = vector.load %arg4[%get3A_16, %get3A_17] : memref<1x128xf32, #tpu.memory_space<vmem>>, vector<1x128xf32>
    %add3A_19 = vector.broadcast %get3A_18 : vector<1x128xf32> to vector<512x128xf32>
    %add3A_20 = arith.addf %mul3A, %add3A_19 : vector<512x128xf32>
    %max3A = arith.constant 0.000000e+00 : f32
    %max3A_21 = vector.broadcast %max3A : f32 to vector<512x128xf32>
    %max3A_22 = arith.maximumf %add3A_20, %max3A_21 : vector<512x128xf32>
    %get3A_23 = arith.constant 0 : index
    %get3A_24 = arith.constant 0 : index
    %get3A_25 = vector.load %arg5[%get3A_23, %get3A_24] : memref<512x128xf32, #tpu.memory_space<vmem>>, vector<512x128xf32>
    %add3A_26 = arith.addf %max3A_22, %get3A_25 : vector<512x128xf32>
    %swap3A = arith.constant 0 : index
    %swap3A_27 = arith.constant 0 : index
    %swap3A_28 = vector.load %arg6[%swap3A, %swap3A_27] : memref<512x128xf32, #tpu.memory_space<vmem>>, vector<512x128xf32>
    tpu.vector_store %arg6[%swap3A, %swap3A_27], %add3A_26 {strides = array<i32>} : memref<512x128xf32, #tpu.memory_space<vmem>>, vector<512x128xf32>,
    return
  }
  func.func @transform_0(%arg0: i32) -> (i32, i32, i32) {
    %c0_i32 = arith.constant 0 : i32
    %c0_i32_0 = arith.constant 0 : i32
    %c0_i32_1 = arith.constant 0 : i32
    return %c0_i32, %arg0, %c0_i32_0 : i32, i32, i32
  }
  func.func @transform_1(%arg0: i32) -> (i32, i32) {
    %c0_i32 = arith.constant 0 : i32
    %c0_i32_0 = arith.constant 0 : i32
    return %arg0, %c0_i32 : i32, i32
  }
  func.func @transform_2(%arg0: i32) -> (i32, i32) {
    %c0_i32 = arith.constant 0 : i32
    %c0_i32_0 = arith.constant 0 : i32
    return %arg0, %c0_i32 : i32, i32
  }
  func.func @transform_3(%arg0: i32) -> (i32, i32) {
    %c0_i32 = arith.constant 0 : i32
    %c0_i32_0 = arith.constant 0 : i32
    %c0_i32_1 = arith.constant 0 : i32
    return %c0_i32, %c0_i32_0 : i32, i32
  }
  func.func @transform_4(%arg0: i32) -> (i32, i32) {
    %c0_i32 = arith.constant 0 : i32
    %c0_i32_0 = arith.constant 0 : i32
    return %arg0, %c0_i32 : i32, i32
  }
  func.func @transform_5(%arg0: i32) -> (i32, i32) {
    %c0_i32 = arith.constant 0 : i32
    %c0_i32_0 = arith.constant 0 : i32
    return %arg0, %c0_i32 : i32, i32
  }
}

</mosaic_0001>

<sc_bundles>
// kernel: kernel.13.cloned.1.call-start
scs
__scs_entry_jumppad:
0x0: {  	(pc) =	sbr.rel $0x88, $3  }
0x1: {  	(tag) =	ssettag $0x0;
	lr =	simm.s32 $0x1  }
0x2: {  	[smem:$0x3F97] =	sst lr;
	_ =	strace $0xD0000000  }
0x3: {  	_ = 	snop  }
0x4: {  	_ = 	snop  }
0x5: {  	_ = 	snop  }
0x6: {  	_ = 	snop  }
0x7: {  	_ = 	snop  }
__scs_overlays_trampoline_lowered:
0x8: {  	[smem:$0x3FA6] =	sst s0  }
0x9: {  	[smem:$0x3FA7] =	sst s1  }
0xa: {  	[smem:$0x3FA8] =	sst s2  }
0xb: {  	[smem:$0x3FA9] =	sst s3  }
0xc: {  	[smem:$0x3FAA] =	sst s4  }
0xd: {  	[smem:$0x3FAB] =	sst s5  }
0xe: {  	[smem:$0x3FAC] =	sst s6  }
0xf: {  	[smem:$0x3FAD] =	sst s7  }
0x10: {  	[smem:$0x3FAE] =	sst s8  }
0x11: {  	[smem:$0x3FAF] =	sst s9;
	s0 =	simm.s32 @!p0 $0x0  }
0x12: {  	s1 =	sld [smem:$0x3F95];
	s0 =	simm.s32 @p0 $0x1  }
0x13: {  	[smem:$0x3FB0] =	sst s0;
	s0 =	simm.s32 @!p1 $0x0  }
0x14: {  	s2 =	sld [smem:$0x3F94];
	s0 =	simm.s32 @p1 $0x1  }
0x15: {  	[smem:$0x3FB1] =	sst s0;
	s0 =	simm.s32 @!p2 $0x0  }
0x16: {  	s3 =	sld [smem:$0x3FDB];
	s0 =	simm.s32 @p2 $0x1  }
0x17: {  	s4 =	simm.s32 $0x1BF5;
	[smem:$0x3FB3] =	sst s0  }
0x18: {  	s0 =	sld [smem:$0x3F96];
	_ =	swait.ge [sflag:s4], $0x0  }
0x19: {  	s7 =	sld [smem:$0x3F97]  }
0x1a: {  	s8 =	sadd.s32 $0xFFFFE003, lr  }
0x1b: {  	s9 =	sadd.s32 $0xFFFFFEF7, lr;
	s5 =	simm.s32 $0xFFFFFFFF;
	p2 =	slt.u32 s8, $0xFFFFF086  }
0x1c: {  	p1 =	slt.u32 s9, $0xF7A;
	s5 =	simm.s32 @!p2 $0x0  }
0x1d: {  	s5 =	simm.s32 @p1 $0x1;
	p0 =	seq.s32 s7, s2  }
0x1e: {  	s7 =	smul.u32 @!p0 $0xF7A, s2;
	p2 =	seq.s32 @!p0 s5, $0x0  }
0x1f: {  	s9 =	smul.u32 $0xF7A, s1;
	s8 =	simm.s32 @!p0 $0x1BF5;
	p2 =	por !p2, p0  }
0x20: {  	[sflag:s8] =	ssyncset.s32 @!p0 $0xFFFFF086;
	s6 =	sadd.s32 @!p0 s3, s7;
	s7 =	simm.s32 @!p0 $0x108  }
0x21: {  	s3 =	sadd.s32 s3, s9;
	s6 =	sadd.s32 @!p0 $0x88, s6;
	s7 =	simm.s32 @p2 $0x1082  }
0x22: {  	[simem:s7], [sflag:s8] =	dma.local @!p0 [hbm:s6], $0xF7A  }
0x23: {  	s9 =	sor.u32 $0xD0000000, s2;
	s6 =	simm.s32 $0x108;
	_ =	swait.ge @!p0 [sflag:s8], $0x0  }
0x24: {  	s3 =	sadd.s32 $0x88, s3;
	s6 =	simm.s32 @!p1 $0x1082;
	[sflag:s4] =	ssyncset.s32 $0xFFFFF086  }
0x25: {  	[simem:s6], [sflag:s4] =	dma.local [hbm:s3], $0xF7A  }
0x26: {  	[smem:$0x3F97] =	sst s1;
	(tag) =	ssettag s2;
	_ =	strace s9  }
0x27: {  	s1 =	sld [smem:$0x3FA7]  }
0x28: {  	s2 =	sld [smem:$0x3FA8]  }
0x29: {  	s4 =	sld [smem:$0x3FAA]  }
0x2a: {  	p0 =	seq.s32 s5, $0x0;
	s5 =	sld [smem:$0x3FAB]  }
0x2b: {  	s6 =	sld [smem:$0x3FAC]  }
0x2c: {  	s7 =	sld [smem:$0x3FAD]  }
0x2d: {  	s3 =	simm.s32 $0x108;
	s8 =	sld [smem:$0x3FAE]  }
0x2e: {  	s3 =	simm.s32 @!p0 $0x1082;
	s9 =	sld [smem:$0x3FAF]  }
0x2f: {  	lr =	sadd.s32 s0, s3;
	s0 =	sld [smem:$0x3FA6]  }
0x30: {  	s3 =	sld [smem:$0x3FA9]  }
0x31: {  	[smem:$0x3FB2] =	sst s10  }
0x32: {  	s10 =	sld [smem:$0x3FB0];
	_ =	sdelay $0x3  }
0x33: {  	p0 =	seq.s32 s10, $0x1;
	s10 =	sld [smem:$0x3FB2];
	_ =	sdelay $0x3  }
0x34: {  	[smem:$0x3FB2] =	sst s10  }
0x35: {  	s10 =	sld [smem:$0x3FB1];
	_ =	sdelay $0x3  }
0x36: {  	p1 =	seq.s32 s10, $0x1;
	s10 =	sld [smem:$0x3FB2];
	_ =	sdelay $0x3  }
0x37: {  	[smem:$0x3FB2] =	sst s10  }
0x38: {  	s10 =	sld [smem:$0x3FB3]  }
0x39: {  	_ = 	snop;
	(pc) =	sbr.ind lr, $3  }
0x3a: {  	_ = 	snop  }
0x3b: {  	_ = 	snop  }
0x3c: {  	p2 =	seq.s32 s10, $0x1;
	s10 =	sld [smem:$0x3FB2]  }
0x3d: {  	_ =	shalt  }
0x3e: {  	_ =	shalt  }
0x3f: {  	_ =	shalt  }
0x40: {  	_ =	shalt  }
0x41: {  	_ =	shalt  }
0x42: {  	_ =	shalt  }
0x43: {  	_ =	shalt  }
0x44: {  	_ =	shalt  }
0x45: {  	_ =	shalt  }
0x46: {  	_ =	shalt  }
0x47: {  	_ =	shalt  }
0x48: {  	_ =	shalt  }
0x49: {  	_ =	shalt  }
0x4a: {  	_ =	shalt  }
0x4b: {  	_ =	shalt  }
0x4c: {  	_ =	shalt  }
0x4d: {  	_ =	shalt  }
0x4e: {  	_ =	shalt  }
0x4f: {  	_ =	shalt  }
0x50: {  	_ =	shalt  }
0x51: {  	_ =	shalt  }
0x52: {  	_ =	shalt  }
0x53: {  	_ =	shalt  }
0x54: {  	_ =	shalt  }
0x55: {  	_ =	shalt  }
0x56: {  	_ =	shalt  }
0x57: {  	_ =	shalt  }
0x58: {  	_ =	shalt  }
0x59: {  	_ =	shalt  }
0x5a: {  	_ =	shalt  }
0x5b: {  	_ =	shalt  }
0x5c: {  	_ =	shalt  }
0x5d: {  	_ =	shalt  }
0x5e: {  	_ =	shalt  }
0x5f: {  	_ =	shalt  }
0x60: {  	_ =	shalt  }
0x61: {  	_ =	shalt  }
0x62: {  	_ =	shalt  }
0x63: {  	_ =	shalt  }
0x64: {  	_ =	shalt  }
0x65: {  	_ =	shalt  }
0x66: {  	_ =	shalt  }
0x67: {  	_ =	shalt  }
0x68: {  	_ =	shalt  }
0x69: {  	_ =	shalt  }
0x6a: {  	_ =	shalt  }
0x6b: {  	_ =	shalt  }
0x6c: {  	_ =	shalt  }
0x6d: {  	_ =	shalt  }
0x6e: {  	_ =	shalt  }
0x6f: {  	_ =	shalt  }
0x70: {  	_ =	shalt  }
0x71: {  	_ =	shalt  }
0x72: {  	_ =	shalt  }
0x73: {  	_ =	shalt  }
0x74: {  	_ =	shalt  }
0x75: {  	_ =	shalt  }
0x76: {  	_ =	shalt  }
0x77: {  	_ =	shalt  }
0x78: {  	_ =	shalt  }
0x79: {  	_ =	shalt  }
0x7a: {  	_ =	shalt  }
0x7b: {  	_ =	shalt  }
0x7c: {  	_ =	shalt  }
0x7d: {  	_ =	shalt  }
0x7e: {  	_ =	shalt  }
0x7f: {  	_ =	shalt  }
0x80: {  	_ =	shalt  }
0x81: {  	_ =	shalt  }
0x82: {  	_ =	shalt  }
0x83: {  	_ =	shalt  }
0x84: {  	_ =	shalt  }
0x85: {  	_ =	shalt  }
0x86: {  	_ =	shalt  }
0x87: {  	_ =	shalt  }
.Lfunc_end0:
.L_simem_size_0:
called_computation_lowered:
.L_overlay_start_0:
0x88: {  	s2 =	sld [smem:$0x3FD9]  }
0x89: {  	s3 =	sld [smem:$0x3FFE];
	_ =	sdelay $0x1  }
0x8a: {  	s1 =	srdreg.scid  }
0x8b: {  	s0 =	sand.u32 $0x1, s1  }
0x8c: {  	s16 =	sshll.u32 s0, $0xA;
	s2 =	sadd.s32 s3, s2  }
0x8d: {  	s2 =	sadd.s32 s2, s16  }
0x8e: {  	[smem:$0x3FBE] =	sst s2  }
0x8f: {  	_ = 	snop  }
0x90: {  	(tm) =	ssettm $0x1  }
0x91: {  	s17 =	sld [smem:$0x3FFB];
	_ =	sdelay $0x3  }
0x92: {  	_ =	strace s17  }
0x93: {  	s2 =	sld [smem:$0x3FFC];
	_ =	sdelay $0x3  }
0x94: {  	_ =	strace s2  }
0x95: {  	s2 =	sld [smem:$0x3FFD];
	_ =	sdelay $0x3  }
0x96: {  	_ =	strace s2  }
0x97: {  	_ =	strace $0x8FFFFFFF  }
0x98: {  	s18 =	sld [smem:$0x3FDB];
	_ =	sdelay $0x1  }
0x99: {  	s19 =	simm.s32 $_scs_section_size  }
0x9a: {  	s4 =	simm.s32 $_size__tile_overlayer_lowered;
	s5 =	simm.s32 $_tile_overlayer_lowered  }
0x9b: {  	s22 =	simm.s32 $0x1BFF;
	s21 =	sshll.u32 s5, $0x1;
	s2 =	sadd.s32 s19, s18  }
0x9c: {  	s6 =	simm.s32 $0x0;
	s20 =	sshll.u32 s4, $0x1;
	s4 =	sadd.s32 s21, s2  }
0x9d: {  	[timem:s6], [sflag:s22] =	dma.local [hbm:s4], s20  }
0x9e: {  	_ =	swait.ge [sflag:s22], s20  }
0x9f: {  	s3 =	ssub.s32 $0x0, s20;
	[sflag:s22] =	ssyncset.done $0x0  }
0xa0: {  	[sflag:s22] =	ssyncadd.s32 s3;
	_ =	sdelay $0x1  }
0xa1: {  	s23 =	simm.s32 $0x1B8B  }
0xa2: {  	_ =	swait.ge [sflag:s23], $0x1  }
0xa3: {  	[sflag:s23] =	ssyncset.done $0x0  }
0xa4: {  	s25 =	simm.s32 $0x1B8E;
	s24 =	sld [smem:$0x3FFE];
	[sflag:s23] =	ssyncadd.s32 $0xFFFFFFFF  }
0xa5: {  	s26 =	simm.s32 $execute0_lowered;
	[smem:$0x3FD2] =	sst s25  }
0xa6: {  	s4 =	sshll.u32 s26, $0x1;
	_ =	strace $0x80000046;
	[dreg:$0x1] =	wrdreg $0xFFFFFFFF  }
0xa7: {  	s28 =	simm.s32 $_size_execute0_lowered;
	s2 =	sadd.s32 s2, s4;
	[dreg:$0x0] =	wrdreg $0x0  }
0xa8: {  	s4 =	sshll.u32 s28, $0x1;
	[dreg:$0x2] =	wrdreg s2  }
0xa9: {  	[dreg:$0x3] =	wrdreg s4  }
0xaa: {  	[dreg:$0x4] =	wrdreg $0xC0  }
0xab: {  	_ =	task [dreg:s6], $0x5FFFF  }
0xac: {  	[dreg:$0x1] =	wrdreg $0xFFFFFFFF  }
0xad: {  	[dreg:$0x0] =	wrdreg $0x60  }
0xae: {  	[dreg:$0x2] =	wrdreg s24  }
0xaf: {  	[dreg:$0x3] =	wrdreg $0x68000  }
0xb0: {  	[dreg:$0x4] =	wrdreg $0x9  }
0xb1: {  	_ =	task.clear_ibuf [dreg:s6], $0x5FFFF;
	_ =	strace $0x90000046  }
0xb2: {  	s29 =	simm.s32 $0x9;
	_ =	strace $0x80000048  }
0xb3: {  	_ =	swait.ge [sflag:s29], $0x1  }
0xb4: {  	[sflag:s29] =	ssyncadd.s32 $0xFFFFFFFF  }
0xb5: {  	_ =	strace $0x90000048  }
0xb6: {  	_ =	sfence  }
0xb7: {  	s30 =	sld [smem:$0x0];
	_ =	sdelay $0x2  }
0xb8: {  	s31 =	sshll.u32 s1, $0xD;
	s1 =	sshrl.u32 s1, $0x2  }
0xb9: {  	s3 =	sand.u32 $0x4000, s31;
	s1 =	sadd.s32 s1, s30  }
0xba: {  	s0 =	sor.u32 s3, s0;
	s1 =	sshll.u32 s1, $0x11  }
0xbb: {  	s0 =	sor.u32 s1, s0  }
0xbc: {  	s0 =	sadd.s32 $0x8F2B, s0  }
0xbd: {  	[sflag:s0] =	ssyncadd.remote.s32 $0x1  }
0xbe: {  	_ =	sfence.sel $0xFFFF  }
0xbf: {  	[dreg:$0x0] =	wrdreg $0xFFFFFFFF;
	(pc) =	sbr.abs _section_cstart, $3  }
0xc0: {  	[dreg:$0x1] =	wrdreg $0xFFFFFFFF  }
0xc1: {  	_ =	task.clear_ibuf [dreg:s6], $0x2FFFF;
	_ =	strace $0x9FFFFFFF  }
0xc2: {  	(tm) =	ssettm $0x7FFFFFFF  }
0xc3: {  	_ =	shalt  }
tec
execute0_lowered:
.L_overlay_start_1:
0x0: {  	(tag) =	ssettag $0x1  }
0x1: {  	s5 =	rddreg [dreg:$0x0]  }
0x2: {  	s0 =	srdreg.scid;
	s2 =	rddreg [dreg:$0x1]  }
0x3: {  	s3 =	simm.s32 $0x0;
	s4 =	sand.u32 $0x1, s0;
	s0 =	stileid.u32  }
0x4: {  	s14 =	simm.s32 $0x1;
	s15 =	simm.s32 $0x0;
	s7 =	smul.u32 $0x14000, s0  }
0x5: {  	[smem:$0x7FF] =	sst s3;
	s1 =	sshll.u32 s4, $0x4;
	s8 =	smul.u32 $0x140000, s4  }
0x6: {  	s26 =	ssub.s32 $0x2, s4;
	s28 =	smul.u32 $0x50000, s0;
	s4 =	sadd.s32 $0xE000, s5  }
0x7: {  	s31 =	sshll.u32 s0, $0x6;
	s1 =	sor.u32 s0, s1;
	s29 =	sshrl.u32 s26, $0x1  }
0x8: {  	s6 =	smul.u32 $0x500, s1;
	s1 =	rddreg [dreg:$0x2];
	_ =	strace $0x80000047  }
0x9: {  	s9 =	sshrl.u32 s7, $0x3;
	s7 =	sadd.s32 s7, s8;
	s12 =	ssub.s32 s26, s29  }
0xa: {  	s30 =	sshrl.u32 s28, $0x2;
	s25 =	sadd.s32 s9, s5;
	s7 =	sshrl.u32 s7, $0x3  }
0xb: {  	s13 =	sadd.s32 s30, s2;
	s9 =	smax.u32 s12, $0x1;
	s12 =	simm.s32 $0x2800  }
0xc: {  	s10 =	sadd.s32 s6, s5;
	s11 =	sadd.s32 s7, s5;
	s5 =	sadd.s32 $0xE800, s25  }
0xd: {  	s6 =	sor.u32 $0x1C02, s31;
	s7 =	sadd.s32 $0x4000, s10;
	s8 =	sadd.s32 $0x36800, s11  }
0xe: {  	s10 =	sshrl.u32 s13, $0x3;
	s11 =	simm.s32 $0x2;
	s13 =	simm.s32 $0x80  }
.LBB2_1:
0xf: {  	[spmem:s10], [sflag:s6] =	dma.local [hbm:s5], $0x2800  }
0x10: {  	_ =	swait.ge [sflag:s11], $0x2800  }
0x11: {  	[sflag:s11] =	ssyncset.done $0x0  }
0x12: {  	[sflag:s11] =	ssyncadd.s32 $0xFFFFD800  }
0x13: {  	[tilespmem:s12], [sflag:$0x2] =	stream.linear.gather [hbm4b:s4+s3], $0x4000, $0x38;
	[tilespmem:$0x1A800] =	vst v63  }
0x14: {  	_ =	swait.ge [sflag:s11], $0x4000  }
0x15: {  	[sflag:s11] =	ssyncset.done $0x0  }
0x16: {  	[sflag:s11] =	ssyncadd.s32 $0xFFFFC000  }
0x17: {  	[tilespmem:s3], [sflag:$0x2] =	stream.linear.gather [hbm4b:s7+s3], $0x2800, $0x38;
	[tilespmem:$0x1A800] =	vst v63  }
0x18: {  	_ =	swait.ge [sflag:s11], $0x2800  }
0x19: {  	[sflag:s11] =	ssyncset.done $0x0  }
0x1a: {  	[sflag:s11] =	ssyncadd.s32 $0xFFFFD800  }
0x1b: {  	s16 =	simm.s32 $0x0;
	[bflag:$0x0] =	sbarrier.arrive $0xFFFF  }
.LBB2_2:
0x1c: {  	p0 =	sne.s32 s16, $0x9E00  }
.Ltmp0:
0x1d: {  	_ = 	snop;
	(pc) =	sbr.rel @p0 .LBB2_2-.Ltmp0, $3  }
0x1e: {  	_ =	sdelay $0x1  }
0x1f: {  	s17 =	sshra.s32 s16, $0x2;
	s16 =	sadd.s32 $0x200, s16  }
0x20: {  	[spmem:s2] =	stream.indirect.scatter.add.f32 [tilespmem:s12], [sflag:$0x1], $0x80, s17, s13, $0xb8;
	[tilespmem:$0x1A800] =	vst v63  }
0x21: {  	_ =	swait.ge [sflag:s14], $0x4000  }
0x22: {  	s16 =	simm.s32 $0x4F;
	[sflag:s14] =	ssyncset.done $0x0  }
.LBB2_4:
0x23: {  	p0 =	sne.s32 s16, $0x1;
	s16 =	sadd.s32 $0xFFFFFFFF, s16;
	[sflag:s14] =	ssyncadd.s32 $0xFFFFC000  }
.Ltmp1:
0x24: {  	(pc) =	sbr.rel @p0 .LBB2_4-.Ltmp1, $3  }
0x25: {  	_ =	sdelay $0x1  }
0x26: {  	_ =	swait.ge [sflag:s14], $0x4000  }
0x27: {  	[sflag:s14] =	ssyncset.done $0x0  }
0x28: {  	s15 =	sadd.s32 $0x1, s15  }
0x29: {  	[sflag:s14] =	ssyncadd.s32 $0xFFFFC000;
	p0 =	sne.s32 s15, s9  }
.Ltmp2:
0x2a: {  	[bflag:$0x0] =	sbarrier.arrive $0xFFFF;
	(pc) =	sbr.rel @p0 .LBB2_1-.Ltmp2, $4  }
0x2b: {  	[hbm:s8], [sflag:s6] =	dma.local [spmem:s10], $0x2800  }
0x2c: {  	_ =	swait.ge [sflag:s11], $0x2800  }
0x2d: {  	[sflag:s11] =	ssyncset.done $0x0  }
0x2e: {  	[sflag:s11] =	ssyncadd.s32 $0xFFFFD800  }
0x2f: {  	_ =	sfence.sel $0x180000  }
0x30: {  	[bflag:$0x0] =	sbarrier.arrive $0xFFFF  }
0x31: {  	p0 =	sne.s32 s0, $0x0;
	_ =	strace $0x90000047  }
0x32: {  	s0 =	sadd.s32 @!p0 $0x100000, s1;
	[bflag:$0x2] =	sbarrier.arrive $0xFFFF  }
0x33: {  	[sflag:s0] =	ssyncadd.tile.s32 @!p0 $0x1;
	_ =	shalt  }
.Lfunc_end2:
_tile_overlayer_lowered:
.L_overlay_start_2:
0x34: {  	(tag) =	ssettag $0x2  }
0x35: {  	s0 =	rddreg [dreg:$0x0];
	s2 =	stileid.u32  }
0x36: {  	s1 =	rddreg [dreg:$0x1];
	p0 =	sne.s32 s2, $0x0  }
0x37: {  	s3 =	rddreg [dreg:$0x2];
	[bflag:$0x3] =	sbarrier.arrive $0xFFFF;
	s2 =	simm.s32 @!p0 $0x1C02  }
0x38: {  	[timem:s3], [sflag:s2] =	dma.local @!p0 [hbm:s0], s1  }
0x39: {  	s0 =	simm.s32 @!p0 $0x2  }
0x3a: {  	_ =	swait.ge @!p0 [sflag:s0], s1  }
0x3b: {  	s1 =	ssub.s32 @!p0 $0x0, s1;
	[sflag:s0] =	ssyncset.done @!p0 $0x0  }
0x3c: {  	[sflag:s0] =	ssyncadd.s32 @!p0 s1  }
0x3d: {  	[bflag:$0x3] =	sbarrier.arrive $0xFFFF  }
0x3e: {  	_ =	shalt  }

// kernel: kernel.16.cloned.1.call-start
scs
__scs_entry_jumppad:
0x0: {  	(pc) =	sbr.rel $0x88, $3  }
0x1: {  	(tag) =	ssettag $0x0;
	lr =	simm.s32 $0x1  }
0x2: {  	[smem:$0x3F97] =	sst lr;
	_ =	strace $0xD0000000  }
0x3: {  	_ = 	snop  }
0x4: {  	_ = 	snop  }
0x5: {  	_ = 	snop  }
0x6: {  	_ = 	snop  }
0x7: {  	_ = 	snop  }
__scs_overlays_trampoline_lowered:
0x8: {  	[smem:$0x3FA6] =	sst s0  }
0x9: {  	[smem:$0x3FA7] =	sst s1  }
0xa: {  	[smem:$0x3FA8] =	sst s2  }
0xb: {  	[smem:$0x3FA9] =	sst s3  }
0xc: {  	[smem:$0x3FAA] =	sst s4  }
0xd: {  	[smem:$0x3FAB] =	sst s5  }
0xe: {  	[smem:$0x3FAC] =	sst s6  }
0xf: {  	[smem:$0x3FAD] =	sst s7  }
0x10: {  	[smem:$0x3FAE] =	sst s8  }
0x11: {  	[smem:$0x3FAF] =	sst s9;
	s0 =	simm.s32 @!p0 $0x0  }
0x12: {  	s1 =	sld [smem:$0x3F95];
	s0 =	simm.s32 @p0 $0x1  }
0x13: {  	[smem:$0x3FB0] =	sst s0;
	s0 =	simm.s32 @!p1 $0x0  }
0x14: {  	s2 =	sld [smem:$0x3F94];
	s0 =	simm.s32 @p1 $0x1  }
0x15: {  	[smem:$0x3FB1] =	sst s0;
	s0 =	simm.s32 @!p2 $0x0  }
0x16: {  	s3 =	sld [smem:$0x3FDB];
	s0 =	simm.s32 @p2 $0x1  }
0x17: {  	s4 =	simm.s32 $0x1BF5;
	[smem:$0x3FB3] =	sst s0  }
0x18: {  	s0 =	sld [smem:$0x3F96];
	_ =	swait.ge [sflag:s4], $0x0  }
0x19: {  	s7 =	sld [smem:$0x3F97]  }
0x1a: {  	s8 =	sadd.s32 $0xFFFFE003, lr  }
0x1b: {  	s9 =	sadd.s32 $0xFFFFFEF7, lr;
	s5 =	simm.s32 $0xFFFFFFFF;
	p2 =	slt.u32 s8, $0xFFFFF086  }
0x1c: {  	p1 =	slt.u32 s9, $0xF7A;
	s5 =	simm.s32 @!p2 $0x0  }
0x1d: {  	s5 =	simm.s32 @p1 $0x1;
	p0 =	seq.s32 s7, s2  }
0x1e: {  	s7 =	smul.u32 @!p0 $0xF7A, s2;
	p2 =	seq.s32 @!p0 s5, $0x0  }
0x1f: {  	s9 =	smul.u32 $0xF7A, s1;
	s8 =	simm.s32 @!p0 $0x1BF5;
	p2 =	por !p2, p0  }
0x20: {  	[sflag:s8] =	ssyncset.s32 @!p0 $0xFFFFF086;
	s6 =	sadd.s32 @!p0 s3, s7;
	s7 =	simm.s32 @!p0 $0x108  }
0x21: {  	s3 =	sadd.s32 s3, s9;
	s6 =	sadd.s32 @!p0 $0x88, s6;
	s7 =	simm.s32 @p2 $0x1082  }
0x22: {  	[simem:s7], [sflag:s8] =	dma.local @!p0 [hbm:s6], $0xF7A  }
0x23: {  	s9 =	sor.u32 $0xD0000000, s2;
	s6 =	simm.s32 $0x108;
	_ =	swait.ge @!p0 [sflag:s8], $0x0  }
0x24: {  	s3 =	sadd.s32 $0x88, s3;
	s6 =	simm.s32 @!p1 $0x1082;
	[sflag:s4] =	ssyncset.s32 $0xFFFFF086  }
0x25: {  	[simem:s6], [sflag:s4] =	dma.local [hbm:s3], $0xF7A  }
0x26: {  	[smem:$0x3F97] =	sst s1;
	(tag) =	ssettag s2;
	_ =	strace s9  }
0x27: {  	s1 =	sld [smem:$0x3FA7]  }
0x28: {  	s2 =	sld [smem:$0x3FA8]  }
0x29: {  	s4 =	sld [smem:$0x3FAA]  }
0x2a: {  	p0 =	seq.s32 s5, $0x0;
	s5 =	sld [smem:$0x3FAB]  }
0x2b: {  	s6 =	sld [smem:$0x3FAC]  }
0x2c: {  	s7 =	sld [smem:$0x3FAD]  }
0x2d: {  	s3 =	simm.s32 $0x108;
	s8 =	sld [smem:$0x3FAE]  }
0x2e: {  	s3 =	simm.s32 @!p0 $0x1082;
	s9 =	sld [smem:$0x3FAF]  }
0x2f: {  	lr =	sadd.s32 s0, s3;
	s0 =	sld [smem:$0x3FA6]  }
0x30: {  	s3 =	sld [smem:$0x3FA9]  }
0x31: {  	[smem:$0x3FB2] =	sst s10  }
0x32: {  	s10 =	sld [smem:$0x3FB0];
	_ =	sdelay $0x3  }
0x33: {  	p0 =	seq.s32 s10, $0x1;
	s10 =	sld [smem:$0x3FB2];
	_ =	sdelay $0x3  }
0x34: {  	[smem:$0x3FB2] =	sst s10  }
0x35: {  	s10 =	sld [smem:$0x3FB1];
	_ =	sdelay $0x3  }
0x36: {  	p1 =	seq.s32 s10, $0x1;
	s10 =	sld [smem:$0x3FB2];
	_ =	sdelay $0x3  }
0x37: {  	[smem:$0x3FB2] =	sst s10  }
0x38: {  	s10 =	sld [smem:$0x3FB3]  }
0x39: {  	_ = 	snop;
	(pc) =	sbr.ind lr, $3  }
0x3a: {  	_ = 	snop  }
0x3b: {  	_ = 	snop  }
0x3c: {  	p2 =	seq.s32 s10, $0x1;
	s10 =	sld [smem:$0x3FB2]  }
0x3d: {  	_ =	shalt  }
0x3e: {  	_ =	shalt  }
0x3f: {  	_ =	shalt  }
0x40: {  	_ =	shalt  }
0x41: {  	_ =	shalt  }
0x42: {  	_ =	shalt  }
0x43: {  	_ =	shalt  }
0x44: {  	_ =	shalt  }
0x45: {  	_ =	shalt  }
0x46: {  	_ =	shalt  }
0x47: {  	_ =	shalt  }
0x48: {  	_ =	shalt  }
0x49: {  	_ =	shalt  }
0x4a: {  	_ =	shalt  }
0x4b: {  	_ =	shalt  }
0x4c: {  	_ =	shalt  }
0x4d: {  	_ =	shalt  }
0x4e: {  	_ =	shalt  }
0x4f: {  	_ =	shalt  }
0x50: {  	_ =	shalt  }
0x51: {  	_ =	shalt  }
0x52: {  	_ =	shalt  }
0x53: {  	_ =	shalt  }
0x54: {  	_ =	shalt  }
0x55: {  	_ =	shalt  }
0x56: {  	_ =	shalt  }
0x57: {  	_ =	shalt  }
0x58: {  	_ =	shalt  }
0x59: {  	_ =	shalt  }
0x5a: {  	_ =	shalt  }
0x5b: {  	_ =	shalt  }
0x5c: {  	_ =	shalt  }
0x5d: {  	_ =	shalt  }
0x5e: {  	_ =	shalt  }
0x5f: {  	_ =	shalt  }
0x60: {  	_ =	shalt  }
0x61: {  	_ =	shalt  }
0x62: {  	_ =	shalt  }
0x63: {  	_ =	shalt  }
0x64: {  	_ =	shalt  }
0x65: {  	_ =	shalt  }
0x66: {  	_ =	shalt  }
0x67: {  	_ =	shalt  }
0x68: {  	_ =	shalt  }
0x69: {  	_ =	shalt  }
0x6a: {  	_ =	shalt  }
0x6b: {  	_ =	shalt  }
0x6c: {  	_ =	shalt  }
0x6d: {  	_ =	shalt  }
0x6e: {  	_ =	shalt  }
0x6f: {  	_ =	shalt  }
0x70: {  	_ =	shalt  }
0x71: {  	_ =	shalt  }
0x72: {  	_ =	shalt  }
0x73: {  	_ =	shalt  }
0x74: {  	_ =	shalt  }
0x75: {  	_ =	shalt  }
0x76: {  	_ =	shalt  }
0x77: {  	_ =	shalt  }
0x78: {  	_ =	shalt  }
0x79: {  	_ =	shalt  }
0x7a: {  	_ =	shalt  }
0x7b: {  	_ =	shalt  }
0x7c: {  	_ =	shalt  }
0x7d: {  	_ =	shalt  }
0x7e: {  	_ =	shalt  }
0x7f: {  	_ =	shalt  }
0x80: {  	_ =	shalt  }
0x81: {  	_ =	shalt  }
0x82: {  	_ =	shalt  }
0x83: {  	_ =	shalt  }
0x84: {  	_ =	shalt  }
0x85: {  	_ =	shalt  }
0x86: {  	_ =	shalt  }
0x87: {  	_ =	shalt  }
.Lfunc_end0:
.L_simem_size_0:
called_computation.1_lowered:
.L_overlay_start_0:
0x88: {  	s2 =	sld [smem:$0x3FD9]  }
0x89: {  	s3 =	sld [smem:$0x3FFE];
	_ =	sdelay $0x1  }
0x8a: {  	s1 =	srdreg.scid  }
0x8b: {  	s0 =	sand.u32 $0x1, s1  }
0x8c: {  	s17 =	sshll.u32 s0, $0xA;
	s2 =	sadd.s32 s3, s2  }
0x8d: {  	s2 =	sadd.s32 s2, s17  }
0x8e: {  	[smem:$0x3FBE] =	sst s2  }
0x8f: {  	_ = 	snop  }
0x90: {  	s2 =	sld [smem:$0x3FD0];
	(tm) =	ssettm $0x1  }
0x91: {  	s18 =	sld [smem:$0x3FFB];
	_ =	sdelay $0x3  }
0x92: {  	_ =	strace s18  }
0x93: {  	s3 =	sld [smem:$0x3FFC];
	_ =	sdelay $0x3  }
0x94: {  	_ =	strace s3  }
0x95: {  	s3 =	sld [smem:$0x3FFD];
	_ =	sdelay $0x3  }
0x96: {  	_ =	strace s3  }
0x97: {  	_ =	strace $0x8FFFFFFF  }
0x98: {  	s19 =	sld [smem:$0x3FDB];
	_ =	sdelay $0x1  }
0x99: {  	s4 =	simm.s32 $_scs_section_size  }
0x9a: {  	s5 =	simm.s32 $_size__tile_overlayer_lowered;
	s6 =	simm.s32 $_tile_overlayer_lowered  }
0x9b: {  	s22 =	simm.s32 $0x1BFF;
	s21 =	sshll.u32 s6, $0x1;
	s3 =	sadd.s32 s4, s19  }
0x9c: {  	s7 =	simm.s32 $0x0;
	s20 =	sshll.u32 s5, $0x1;
	s5 =	sadd.s32 s21, s3  }
0x9d: {  	[timem:s7], [sflag:s22] =	dma.local [hbm:s5], s20  }
0x9e: {  	_ =	swait.ge [sflag:s22], s20  }
0x9f: {  	s4 =	ssub.s32 $0x0, s20;
	[sflag:s22] =	ssyncset.done $0x0  }
0xa0: {  	[sflag:s22] =	ssyncadd.s32 s4;
	_ =	sdelay $0x1  }
0xa1: {  	s23 =	simm.s32 $0x1B8B  }
0xa2: {  	_ =	swait.ge [sflag:s23], $0x1  }
0xa3: {  	[sflag:s23] =	ssyncset.done $0x0  }
0xa4: {  	s25 =	simm.s32 $0x1B8E;
	s24 =	sld [smem:$0x3FFE];
	[sflag:s23] =	ssyncadd.s32 $0xFFFFFFFF  }
0xa5: {  	s26 =	simm.s32 $execute0_lowered;
	[smem:$0x3FD2] =	sst s25  }
0xa6: {  	s5 =	sshll.u32 s26, $0x1;
	_ =	strace $0x80000049;
	[dreg:$0x1] =	wrdreg $0xFFFFFFFF  }
0xa7: {  	s28 =	simm.s32 $_size_execute0_lowered;
	s3 =	sadd.s32 s3, s5;
	[dreg:$0x0] =	wrdreg $0x0  }
0xa8: {  	s5 =	sshll.u32 s28, $0x1;
	[dreg:$0x2] =	wrdreg s3  }
0xa9: {  	[dreg:$0x3] =	wrdreg s5  }
0xaa: {  	[dreg:$0x4] =	wrdreg $0xC0  }
0xab: {  	_ =	task [dreg:s7], $0x5FFFF  }
0xac: {  	[dreg:$0x1] =	wrdreg $0xFFFFFFFF  }
0xad: {  	[dreg:$0x0] =	wrdreg $0x60  }
0xae: {  	[dreg:$0x2] =	wrdreg s24  }
0xaf: {  	[dreg:$0x3] =	wrdreg s2  }
0xb0: {  	[dreg:$0x4] =	wrdreg $0x82000  }
0xb1: {  	[dreg:$0x5] =	wrdreg $0x9  }
0xb2: {  	_ =	task.clear_ibuf [dreg:s7], $0x6FFFF;
	_ =	strace $0x90000049  }
0xb3: {  	s29 =	simm.s32 $0x9;
	_ =	strace $0x8000004B  }
0xb4: {  	_ =	swait.ge [sflag:s29], $0x1  }
0xb5: {  	[sflag:s29] =	ssyncadd.s32 $0xFFFFFFFF  }
0xb6: {  	_ =	strace $0x9000004B  }
0xb7: {  	_ =	sfence  }
0xb8: {  	s30 =	sld [smem:$0x0];
	_ =	sdelay $0x2  }
0xb9: {  	s31 =	sshll.u32 s1, $0xD;
	s1 =	sshrl.u32 s1, $0x2  }
0xba: {  	s3 =	sand.u32 $0x4000, s31;
	s1 =	sadd.s32 s1, s30  }
0xbb: {  	s0 =	sor.u32 s3, s0;
	s1 =	sshll.u32 s1, $0x11  }
0xbc: {  	s0 =	sor.u32 s1, s0  }
0xbd: {  	s0 =	sadd.s32 $0x8F2B, s0  }
0xbe: {  	[sflag:s0] =	ssyncadd.remote.s32 $0x1  }
0xbf: {  	_ =	sfence.sel $0xFFFF  }
0xc0: {  	[dreg:$0x0] =	wrdreg $0xFFFFFFFF;
	(pc) =	sbr.abs _section_cstart, $3  }
0xc1: {  	[dreg:$0x1] =	wrdreg $0xFFFFFFFF  }
0xc2: {  	_ =	task.clear_ibuf [dreg:s7], $0x2FFFF;
	_ =	strace $0x9FFFFFFF  }
0xc3: {  	(tm) =	ssettm $0x7FFFFFFF  }
tec
execute0_lowered:
.L_overlay_start_1:
0x0: {  	(tag) =	ssettag $0x1  }
0x1: {  	s5 =	rddreg [dreg:$0x0]  }
0x2: {  	s8 =	rddreg [dreg:$0x1]  }
0x3: {  	s2 =	rddreg [dreg:$0x2]  }
0x4: {  	s0 =	stileid.u32;
	s4 =	srdreg.scid  }
0x5: {  	s3 =	simm.s32 $0x0;
	s16 =	simm.s32 $0x5;
	s18 =	simm.s32 $0x1  }
0x6: {  	s19 =	simm.s32 $0x80;
	s20 =	simm.s32 $0x200;
	s21 =	simm.s32 $0x3  }
0x7: {  	s22 =	simm.s32 $0x4;
	s23 =	simm.s32 $0x180;
	s6 =	smul.u32 $0x14000, s0  }
0x8: {  	s24 =	simm.s32 $0x4200;
	s25 =	simm.s32 $0x0;
	s11 =	smul.u32 $0x6E, s0  }
0x9: {  	s7 =	sand.u32 $0x1, s4;
	[smem:$0x7FF] =	sst s3;
	s13 =	smul.u32 $0x32, s0  }
0xa: {  	s4 =	sadd.s32 $0x36800, s5;
	s28 =	smul.u32 $0x50000, s0;
	s29 =	sshll.u32 s0, $0x6  }
0xb: {  	s10 =	smul.u32 $0x140000, s7;
	_ =	strace $0x8000004A;
	s26 =	ssub.s32 $0x2, s7  }
0xc: {  	p0 =	seq.s32 s7, $0x0;
	s9 =	sshrl.u32 s6, $0x3;
	s12 =	sshrl.u32 s26, $0x1  }
0xd: {  	s7 =	sadd.s32 $0x6E0, s13;
	s9 =	sadd.s32 s9, s5;
	s6 =	sadd.s32 s6, s10  }
0xe: {  	s12 =	ssub.s32 s26, s12;
	s7 =	smov.u32 @p0 s11;
	s6 =	sshrl.u32 s6, $0x3  }
0xf: {  	s11 =	sshll.u32 s7, $0x5;
	s30 =	sadd.s32 $0xE800, s9;
	s7 =	sor.u32 $0x1C05, s29  }
0x10: {  	s12 =	smax.u32 s12, $0x1;
	s14 =	sadd.s32 s6, s5;
	s5 =	simm.s32 $0x6E  }
0x11: {  	s6 =	sshrl.u32 s28, $0x2;
	[dreg:$0x4] =	wrdreg s30;
	s8 =	sadd.s32 s8, s11  }
0x12: {  	s5 =	simm.s32 @!p0 $0x32;
	s15 =	sadd.s32 s6, s2;
	s9 =	sadd.s32 $0x20, s8  }
0x13: {  	s11 =	sadd.s32 $0x5E800, s14;
	s14 =	sadd.s32 $0x60, s8;
	s31 =	sshrl.u32 s5, $0x1  }
0x14: {  	s10 =	sadd.s32 $0xFFFFFFFF, s5;
	s15 =	sshrl.u32 s15, $0x3;
	s13 =	sadd.s32 $0xFFFFFFFF, s31  }
.LBB2_1:
0x15: {  	s0 =	rddreg [dreg:$0x4]  }
0x16: {  	[spmem:s15], [sflag:s7] =	dma.local [hbm:s0], $0x2800  }
0x17: {  	_ =	swait.ge [sflag:s16], $0x2800  }
0x18: {  	[sflag:s16] =	ssyncset.done $0x0  }
0x19: {  	s26 =	sadd.s32 $0xFFFFFFFF, s13;
	[sflag:s16] =	ssyncadd.s32 $0xFFFFD800  }
0x1a: {  	[tilespmem:s3], [sflag:$0x1] =	stream.linear.gather [hbm4b:s8+s3], $0x100, $0x38;
	[tilespmem:$0x1C200] =	vst v63  }
0x1b: {  	s31 =	simm.s32 $0x100;
	p2 =	sne.s32 s26, $0x0  }
0x1c: {  	[tilespmem:s31], [sflag:$0x2] =	stream.linear.gather [hbm4b:s9+s3], $0x100, $0x38;
	[tilespmem:$0x1C200] =	vst v63  }
.Ltmp0:
0x1d: {  	[bflag:$0x0] =	sbarrier.arrive $0xFFFF;
	(pc) =	sbr.rel @!p2 .LBB2_2-.Ltmp0, $4  }
0x1e: {  	_ =	swait.ge [sflag:s18], $0x100  }
0x1f: {  	[sflag:s18] =	ssyncset.done $0x0  }
0x20: {  	p1 =	sle.u32 s10, $0x0;
	p0 =	por $0x0, $0x0;
	[sflag:s18] =	ssyncadd.s32 $0xFFFFFF00  }
0x21: {  	[tilespmem:s20], [sflag:$0x3] =	stream.indirect.gather [hbm4b:s4+s19], $0x80, s3, s19, $0xb8;
	[tilespmem:$0x1C200] =	vst v63  }
0x22: {  	s28 =	simm.s32 @!p1 $0x2  }
0x23: {  	_ =	swait.ge @!p1 [sflag:s28], $0x100  }
0x24: {  	s29 =	simm.s32 @!p1 $0x4200;
	[sflag:s28] =	ssyncset.done @!p1 $0x0  }
0x25: {  	s30 =	simm.s32 @!p1 $0x80;
	s31 =	simm.s32 @!p1 $0x100;
	[sflag:s28] =	ssyncadd.s32 @!p1 $0xFFFFFF00  }
0x26: {  	[tilespmem:s29], [sflag:$0x4] =	stream.indirect.gather @!p1 [hbm4b:s4+s30], $0x80, s31, s30, $0xb8;
	[tilespmem:$0x1C200] =	vst v63  }
0x27: {  	_ =	swait.ge [sflag:s21], $0x4000  }
0x28: {  	[sflag:s21] =	ssyncset.done $0x0  }
0x29: {  	[sflag:s21] =	ssyncadd.s32 $0xFFFFC000  }
0x2a: {  	[spmem:s2] =	stream.indirect.scatter.add.f32 [tilespmem:s20], [sflag:$0x5], $0x80, s19, s19, $0xb8;
	[tilespmem:$0x1C200] =	vst v63  }
0x2b: {  	p0 =	sle.u32 s5, $0x2;
	_ =	swait.ge [sflag:s16], $0x4000  }
0x2c: {  	s28 =	sadd.s32 @!p0 $0xFFFFFFE0, s14;
	[sflag:s16] =	ssyncset.done $0x0  }
0x2d: {  	s29 =	simm.s32 @!p0 $0x0;
	s30 =	simm.s32 @!p0 $0x1;
	[sflag:s16] =	ssyncadd.s32 $0xFFFFC000  }
0x2e: {  	[tilespmem:s29], [sflag:$0x1] =	stream.linear.gather @!p0 [hbm4b:s28+s29], $0x100, $0x38;
	[tilespmem:$0x1C200] =	vst v63  }
0x2f: {  	_ =	swait.ge @!p0 [sflag:s30], $0x100  }
0x30: {  	[sflag:s30] =	ssyncset.done @!p0 $0x0  }
0x31: {  	s31 =	simm.s32 @!p0 $0x200;
	s28 =	simm.s32 @!p0 $0x80;
	[sflag:s30] =	ssyncadd.s32 @!p0 $0xFFFFFF00  }
0x32: {  	[tilespmem:s31], [sflag:$0x3] =	stream.indirect.gather @!p0 [hbm4b:s4+s28], $0x80, s29, s28, $0xb8;
	[tilespmem:$0x1C200] =	vst v63  }
0x33: {  	s29 =	sadd.s32 $0xFFFFFFFF, s26  }
0x34: {  	p2 =	sne.s32 s29, $0x0  }
.Ltmp1:
0x35: {  	_ =	swait.ge [sflag:s22], $0x4000;
	(pc) =	sbr.rel @!p2 .LBB2_4-.Ltmp1, $4  }
0x36: {  	p3 =	sle.u32 s5, $0x3;
	p1 =	sle.u32 s10, $0x2;
	[sflag:s22] =	ssyncset.done $0x0  }
0x37: {  	s30 =	smov.u32 s14;
	s28 =	simm.s32 $0x5;
	[sflag:s22] =	ssyncadd.s32 $0xFFFFC000  }
0x38: {  	[spmem:s2] =	stream.indirect.scatter.add.f32 [tilespmem:s24], [sflag:$0x5], $0x80, s23, s19, $0xb8;
	[tilespmem:$0x1C200] =	vst v63  }
0x39: {  	s26 =	sadd.s32 $0x40, s14;
	p0 =	por $0x1, $0x1;
	_ =	swait.ge [sflag:s16], $0x4000  }
.LBB2_5:
0x3a: {  	s31 =	simm.s32 @!p1 $0x2;
	[sflag:s16] =	ssyncset.done $0x0;
	s1 =	simm.s32 @!p3 $0x100  }
0x3b: {  	s29 =	sadd.s32 $0xFFFFFFFF, s29;
	s0 =	simm.s32 @!p3 $0x0;
	[sflag:s16] =	ssyncadd.s32 $0xFFFFC000  }
0x3c: {  	[tilespmem:s1], [sflag:$0x2] =	stream.linear.gather @!p3 [hbm4b:s30+s0], $0x100, $0x38;
	[tilespmem:$0x1C200] =	vst v63  }
0x3d: {  	p2 =	sne.s32 s29, $0x0;
	s0 =	simm.s32 @!p1 $0x4200;
	_ =	swait.ge @!p1 [sflag:s31], $0x100  }
0x3e: {  	s17 =	simm.s32 @!p1 $0x100;
	s1 =	simm.s32 @!p1 $0x80;
	[sflag:s31] =	ssyncset.done @!p1 $0x0  }
0x3f: {  	s30 =	smov.u32 s26;
	[sflag:s31] =	ssyncadd.s32 @!p1 $0xFFFFFF00;
	s31 =	smov.u32 s28  }
0x40: {  	[tilespmem:s0], [sflag:$0x4] =	stream.indirect.gather @!p1 [hbm4b:s4+s1], $0x80, s17, s1, $0xb8;
	[tilespmem:$0x1C200] =	vst v63  }
0x41: {  	_ =	swait.ge [sflag:s21], $0x4000  }
0x42: {  	[sflag:s21] =	ssyncset.done $0x0  }
0x43: {  	s0 =	sadd.s32 $0xFFFFFFFF, s28;
	[sflag:s21] =	ssyncadd.s32 $0xFFFFC000  }
0x44: {  	[spmem:s2] =	stream.indirect.scatter.add.f32 [tilespmem:s20], [sflag:$0x5], $0x80, s19, s19, $0xb8;
	[tilespmem:$0x1C200] =	vst v63  }
0x45: {  	p1 =	sge.u32 s0, s5;
	_ =	swait.ge [sflag:s16], $0x4000  }
0x46: {  	s0 =	sadd.s32 @!p1 $0xFFFFFFE0, s26;
	s1 =	simm.s32 @!p1 $0x0;
	[sflag:s16] =	ssyncset.done $0x0  }
0x47: {  	s17 =	simm.s32 @!p1 $0x1;
	[sflag:s16] =	ssyncadd.s32 $0xFFFFC000  }
0x48: {  	[tilespmem:s1], [sflag:$0x1] =	stream.linear.gather @!p1 [hbm4b:s0+s1], $0x100, $0x38;
	[tilespmem:$0x1C200] =	vst v63  }
0x49: {  	_ =	swait.ge @!p1 [sflag:s17], $0x100  }
0x4a: {  	s6 =	simm.s32 @!p1 $0x200;
	s0 =	simm.s32 @!p1 $0x80;
	[sflag:s17] =	ssyncset.done @!p1 $0x0  }
0x4b: {  	[sflag:s17] =	ssyncadd.s32 @!p1 $0xFFFFFF00  }
0x4c: {  	[tilespmem:s6], [sflag:$0x3] =	stream.indirect.gather @!p1 [hbm4b:s4+s0], $0x80, s1, s0, $0xb8;
	[tilespmem:$0x1C200] =	vst v63  }
.Ltmp2:
0x4d: {  	_ =	swait.ge [sflag:s22], $0x4000;
	(pc) =	sbr.rel @p2 .LBB2_5-.Ltmp2, $4  }
0x4e: {  	s28 =	sadd.s32 $0x2, s28;
	[sflag:s22] =	ssyncset.done $0x0  }
0x4f: {  	s26 =	sadd.s32 $0x40, s26;
	s0 =	sadd.s32 $0xFFFFFFFD, s28;
	[sflag:s22] =	ssyncadd.s32 $0xFFFFC000  }
0x50: {  	[spmem:s2] =	stream.indirect.scatter.add.f32 [tilespmem:s24], [sflag:$0x5], $0x80, s23, s19, $0xb8;
	[tilespmem:$0x1C200] =	vst v63  }
0x51: {  	p3 =	sge.u32 s31, s5;
	p1 =	sge.u32 s0, s10;
	_ =	swait.ge [sflag:s16], $0x4000  }
.LBB2_6:
0x52: {  	s0 =	simm.s32 @!p1 $0x2;
	[sflag:s16] =	ssyncset.done @p0 $0x0;
	p2 =	por p3, !p0  }
0x53: {  	s1 =	simm.s32 @!p2 $0x100;
	[sflag:s16] =	ssyncadd.s32 @p0 $0xFFFFC000;
	s6 =	simm.s32 @!p2 $0x0  }
0x54: {  	[tilespmem:s1], [sflag:$0x2] =	stream.linear.gather @!p2 [hbm4b:s30+s6], $0x100, $0x38;
	[tilespmem:$0x1C200] =	vst v63  }
0x55: {  	_ =	swait.ge @!p1 [sflag:s0], $0x100  }
0x56: {  	s17 =	simm.s32 @!p1 $0x100;
	[sflag:s0] =	ssyncset.done @!p1 $0x0  }
0x57: {  	s1 =	simm.s32 @!p1 $0x4200;
	s6 =	simm.s32 @!p1 $0x80;
	[sflag:s0] =	ssyncadd.s32 @!p1 $0xFFFFFF00  }
0x58: {  	[tilespmem:s1], [sflag:$0x4] =	stream.indirect.gather @!p1 [hbm4b:s4+s6], $0x80, s17, s6, $0xb8;
	[tilespmem:$0x1C200] =	vst v63  }
0x59: {  	_ =	swait.ge [sflag:s21], $0x4000  }
0x5a: {  	[sflag:s21] =	ssyncset.done $0x0  }
0x5b: {  	s17 =	sadd.s32 $0xFFFFFFFF, s28;
	[sflag:s21] =	ssyncadd.s32 $0xFFFFC000  }
0x5c: {  	[spmem:s2] =	stream.indirect.scatter.add.f32 [tilespmem:s20], [sflag:$0x5], $0x80, s19, s19, $0xb8;
	[tilespmem:$0x1C200] =	vst v63  }
0x5d: {  	p0 =	sge.u32 s17, s5;
	_ =	swait.ge [sflag:s16], $0x4000  }
0x5e: {  	s0 =	sadd.s32 @!p0 $0xFFFFFFE0, s26;
	[sflag:s16] =	ssyncset.done $0x0  }
0x5f: {  	s1 =	simm.s32 @!p0 $0x0;
	s6 =	simm.s32 @!p0 $0x1;
	[sflag:s16] =	ssyncadd.s32 $0xFFFFC000  }
0x60: {  	[tilespmem:s1], [sflag:$0x1] =	stream.linear.gather @!p0 [hbm4b:s0+s1], $0x100, $0x38;
	[tilespmem:$0x1C200] =	vst v63  }
0x61: {  	_ =	swait.ge @!p0 [sflag:s6], $0x100  }
0x62: {  	[sflag:s6] =	ssyncset.done @!p0 $0x0  }
0x63: {  	s17 =	simm.s32 @!p0 $0x200;
	s0 =	simm.s32 @!p0 $0x80;
	[sflag:s6] =	ssyncadd.s32 @!p0 $0xFFFFFF00  }
0x64: {  	[tilespmem:s17], [sflag:$0x3] =	stream.indirect.gather @!p0 [hbm4b:s4+s0], $0x80, s1, s0, $0xb8;
	[tilespmem:$0x1C200] =	vst v63  }
0x65: {  	_ =	swait.ge [sflag:s22], $0x4000  }
0x66: {  	[sflag:s22] =	ssyncset.done $0x0  }
0x67: {  	[sflag:s22] =	ssyncadd.s32 $0xFFFFC000  }
0x68: {  	[spmem:s2] =	stream.indirect.scatter.add.f32 [tilespmem:s24], [sflag:$0x5], $0x80, s23, s19, $0xb8;
	[tilespmem:$0x1C200] =	vst v63  }
0x69: {  	s29 =	sadd.s32 $0x2, s28;
	_ =	swait.ge [sflag:s16], $0x4000  }
0x6a: {  	s30 =	sadd.s32 $0xFFFFFFFD, s29;
	p0 =	sge.u32 s28, s5;
	[sflag:s16] =	ssyncset.done $0x0  }
0x6b: {  	s1 =	simm.s32 @!p0 $0x100;
	s6 =	simm.s32 @!p0 $0x0;
	[sflag:s16] =	ssyncadd.s32 $0xFFFFC000  }
0x6c: {  	[tilespmem:s1], [sflag:$0x2] =	stream.linear.gather @!p0 [hbm4b:s26+s6], $0x100, $0x38;
	[tilespmem:$0x1C200] =	vst v63  }
0x6d: {  	p0 =	sge.u32 s30, s10  }
0x6e: {  	s1 =	simm.s32 @!p0 $0x2  }
0x6f: {  	_ =	swait.ge @!p0 [sflag:s1], $0x100  }
0x70: {  	s6 =	simm.s32 @!p0 $0x100;
	[sflag:s1] =	ssyncset.done @!p0 $0x0  }
0x71: {  	s17 =	simm.s32 @!p0 $0x4200;
	[sflag:s1] =	ssyncadd.s32 @!p0 $0xFFFFFF00;
	s1 =	simm.s32 @!p0 $0x80  }
0x72: {  	[tilespmem:s17], [sflag:$0x4] =	stream.indirect.gather @!p0 [hbm4b:s4+s1], $0x80, s6, s1, $0xb8;
	[tilespmem:$0x1C200] =	vst v63  }
0x73: {  	_ =	swait.ge [sflag:s21], $0x4000  }
0x74: {  	[sflag:s21] =	ssyncset.done $0x0  }
0x75: {  	[sflag:s21] =	ssyncadd.s32 $0xFFFFC000  }
0x76: {  	[spmem:s2] =	stream.indirect.scatter.add.f32 [tilespmem:s20], [sflag:$0x5], $0x80, s19, s19, $0xb8;
	[tilespmem:$0x1C200] =	vst v63  }
0x77: {  	s31 =	sadd.s32 $0xFFFFFFFF, s29;
	_ =	swait.ge [sflag:s16], $0x4000  }
0x78: {  	s6 =	sadd.s32 $0x40, s26;
	p0 =	sge.u32 s31, s5;
	[sflag:s16] =	ssyncset.done $0x0  }
0x79: {  	s1 =	sadd.s32 @!p0 $0xFFFFFFE0, s6;
	s17 =	simm.s32 @!p0 $0x0;
	[sflag:s16] =	ssyncadd.s32 $0xFFFFC000  }
0x7a: {  	[tilespmem:s17], [sflag:$0x1] =	stream.linear.gather @!p0 [hbm4b:s1+s17], $0x100, $0x38;
	[tilespmem:$0x1C200] =	vst v63  }
0x7b: {  	s1 =	simm.s32 @!p0 $0x1  }
0x7c: {  	_ =	swait.ge @!p0 [sflag:s1], $0x100  }
0x7d: {  	[sflag:s1] =	ssyncset.done @!p0 $0x0  }
0x7e: {  	s26 =	simm.s32 @!p0 $0x200;
	[sflag:s1] =	ssyncadd.s32 @!p0 $0xFFFFFF00;
	s1 =	simm.s32 @!p0 $0x80  }
0x7f: {  	[tilespmem:s26], [sflag:$0x3] =	stream.indirect.gather @!p0 [hbm4b:s4+s1], $0x80, s17, s1, $0xb8;
	[tilespmem:$0x1C200] =	vst v63  }
0x80: {  	_ =	swait.ge [sflag:s22], $0x4000  }
0x81: {  	[sflag:s22] =	ssyncset.done $0x0  }
0x82: {  	[sflag:s22] =	ssyncadd.s32 $0xFFFFC000  }
0x83: {  	[spmem:s2] =	stream.indirect.scatter.add.f32 [tilespmem:s24], [sflag:$0x5], $0x80, s23, s19, $0xb8;
	[tilespmem:$0x1C200] =	vst v63  }
0x84: {  	_ =	swait.ge [sflag:s16], $0x4000  }
0x85: {  	s25 =	sadd.s32 $0x1, s25;
	p0 =	sge.u32 s29, s5;
	[sflag:s16] =	ssyncset.done $0x0  }
0x86: {  	s0 =	simm.s32 @!p0 $0x0;
	s1 =	simm.s32 @!p0 $0x100;
	[sflag:s16] =	ssyncadd.s32 $0xFFFFC000  }
0x87: {  	[tilespmem:s1], [sflag:$0x2] =	stream.linear.gather @!p0 [hbm4b:s6+s0], $0x100, $0x38;
	[tilespmem:$0x1C200] =	vst v63  }
0x88: {  	p0 =	sne.s32 s25, s12;
	[bflag:$0x0] =	sbarrier.arrive $0xFFFF  }
0x89: {  	[hbm:s11], [sflag:s7] =	dma.local [spmem:s15], $0x2800  }
.Ltmp3:
0x8a: {  	_ = 	snop;
	(pc) =	sbr.rel @p0 .LBB2_1-.Ltmp3, $4  }
.Ltmp4:
0x8b: {  	_ = 	snop;
	(pc) =	sbr.rel @!p0 .LBB2_7-.Ltmp4, $4  }
0x8c: {  	_ =	swait.ge [sflag:s16], $0x2800  }
0x8d: {  	[sflag:s16] =	ssyncset.done $0x0  }
0x8e: {  	[sflag:s16] =	ssyncadd.s32 $0xFFFFD800  }
0x8f: {  	_ = 	snop  }
.LBB2_2:
.Ltmp5:
0x90: {  	(pc) =	sbr.rel .LBB2_6-.Ltmp5, $2  }
0x91: {  	_ =	sdelay $0x2  }
0x92: {  	s28 =	simm.s32 $0x3;
	s26 =	smov.u32 s14  }
.LBB2_4:
.Ltmp6:
0x93: {  	(pc) =	sbr.rel .LBB2_6-.Ltmp6, $2  }
0x94: {  	_ =	sdelay $0x2  }
0x95: {  	s30 =	smov.u32 s14  }
.LBB2_7:
0x96: {  	_ =	sfence.sel $0x180000  }
0x97: {  	[bflag:$0x0] =	sbarrier.arrive $0xFFFF  }
0x98: {  	_ =	strace $0x9000004A  }
0x99: {  	s0 =	stileid.u32;
	[bflag:$0x2] =	sbarrier.arrive $0xFFFF  }
0x9a: {  	p0 =	sne.s32 s0, $0x0;
	s0 =	rddreg [dreg:$0x3]  }
0x9b: {  	s0 =	sadd.s32 @!p0 $0x100000, s0  }
0x9c: {  	[sflag:s0] =	ssyncadd.tile.s32 @!p0 $0x1;
	_ =	shalt  }
.Lfunc_end2:
_tile_overlayer_lowered:
.L_overlay_start_2:
0x9d: {  	(tag) =	ssettag $0x2  }
0x9e: {  	s0 =	rddreg [dreg:$0x0];
	s2 =	stileid.u32  }
0x9f: {  	s1 =	rddreg [dreg:$0x1];
	p0 =	sne.s32 s2, $0x0  }
0xa0: {  	s3 =	rddreg [dreg:$0x2];
	[bflag:$0x3] =	sbarrier.arrive $0xFFFF;
	s2 =	simm.s32 @!p0 $0x1C05  }
0xa1: {  	[timem:s3], [sflag:s2] =	dma.local @!p0 [hbm:s0], s1  }
0xa2: {  	s0 =	simm.s32 @!p0 $0x5  }
0xa3: {  	_ =	swait.ge @!p0 [sflag:s0], s1  }
0xa4: {  	s1 =	ssub.s32 @!p0 $0x0, s1;
	[sflag:s0] =	ssyncset.done @!p0 $0x0  }
0xa5: {  	[sflag:s0] =	ssyncadd.s32 @!p0 s1  }
0xa6: {  	[bflag:$0x3] =	sbarrier.arrive $0xFFFF  }
0xa7: {  	_ =	shalt  }

// kernel: kernel.19.cloned.1.call-start
scs
__scs_entry_jumppad:
0x0: {  	(pc) =	sbr.rel $0x88, $3  }
0x1: {  	(tag) =	ssettag $0x0;
	lr =	simm.s32 $0x1  }
0x2: {  	[smem:$0x3F97] =	sst lr;
	_ =	strace $0xD0000000  }
0x3: {  	_ = 	snop  }
0x4: {  	_ = 	snop  }
0x5: {  	_ = 	snop  }
0x6: {  	_ = 	snop  }
0x7: {  	_ = 	snop  }
__scs_overlays_trampoline_lowered:
0x8: {  	[smem:$0x3FA6] =	sst s0  }
0x9: {  	[smem:$0x3FA7] =	sst s1  }
0xa: {  	[smem:$0x3FA8] =	sst s2  }
0xb: {  	[smem:$0x3FA9] =	sst s3  }
0xc: {  	[smem:$0x3FAA] =	sst s4  }
0xd: {  	[smem:$0x3FAB] =	sst s5  }
0xe: {  	[smem:$0x3FAC] =	sst s6  }
0xf: {  	[smem:$0x3FAD] =	sst s7  }
0x10: {  	[smem:$0x3FAE] =	sst s8  }
0x11: {  	[smem:$0x3FAF] =	sst s9;
	s0 =	simm.s32 @!p0 $0x0  }
0x12: {  	s1 =	sld [smem:$0x3F95];
	s0 =	simm.s32 @p0 $0x1  }
0x13: {  	[smem:$0x3FB0] =	sst s0;
	s0 =	simm.s32 @!p1 $0x0  }
0x14: {  	s2 =	sld [smem:$0x3F94];
	s0 =	simm.s32 @p1 $0x1  }
0x15: {  	[smem:$0x3FB1] =	sst s0;
	s0 =	simm.s32 @!p2 $0x0  }
0x16: {  	s3 =	sld [smem:$0x3FDB];
	s0 =	simm.s32 @p2 $0x1  }
0x17: {  	s4 =	simm.s32 $0x1BF5;
	[smem:$0x3FB3] =	sst s0  }
0x18: {  	s0 =	sld [smem:$0x3F96];
	_ =	swait.ge [sflag:s4], $0x0  }
0x19: {  	s7 =	sld [smem:$0x3F97]  }
0x1a: {  	s8 =	sadd.s32 $0xFFFFE003, lr  }
0x1b: {  	s9 =	sadd.s32 $0xFFFFFEF7, lr;
	s5 =	simm.s32 $0xFFFFFFFF;
	p2 =	slt.u32 s8, $0xFFFFF086  }
0x1c: {  	p1 =	slt.u32 s9, $0xF7A;
	s5 =	simm.s32 @!p2 $0x0  }
0x1d: {  	s5 =	simm.s32 @p1 $0x1;
	p0 =	seq.s32 s7, s2  }
0x1e: {  	s7 =	smul.u32 @!p0 $0xF7A, s2;
	p2 =	seq.s32 @!p0 s5, $0x0  }
0x1f: {  	s9 =	smul.u32 $0xF7A, s1;
	s8 =	simm.s32 @!p0 $0x1BF5;
	p2 =	por !p2, p0  }
0x20: {  	[sflag:s8] =	ssyncset.s32 @!p0 $0xFFFFF086;
	s6 =	sadd.s32 @!p0 s3, s7;
	s7 =	simm.s32 @!p0 $0x108  }
0x21: {  	s3 =	sadd.s32 s3, s9;
	s6 =	sadd.s32 @!p0 $0x88, s6;
	s7 =	simm.s32 @p2 $0x1082  }
0x22: {  	[simem:s7], [sflag:s8] =	dma.local @!p0 [hbm:s6], $0xF7A  }
0x23: {  	s9 =	sor.u32 $0xD0000000, s2;
	s6 =	simm.s32 $0x108;
	_ =	swait.ge @!p0 [sflag:s8], $0x0  }
0x24: {  	s3 =	sadd.s32 $0x88, s3;
	s6 =	simm.s32 @!p1 $0x1082;
	[sflag:s4] =	ssyncset.s32 $0xFFFFF086  }
0x25: {  	[simem:s6], [sflag:s4] =	dma.local [hbm:s3], $0xF7A  }
0x26: {  	[smem:$0x3F97] =	sst s1;
	(tag) =	ssettag s2;
	_ =	strace s9  }
0x27: {  	s1 =	sld [smem:$0x3FA7]  }
0x28: {  	s2 =	sld [smem:$0x3FA8]  }
0x29: {  	s4 =	sld [smem:$0x3FAA]  }
0x2a: {  	p0 =	seq.s32 s5, $0x0;
	s5 =	sld [smem:$0x3FAB]  }
0x2b: {  	s6 =	sld [smem:$0x3FAC]  }
0x2c: {  	s7 =	sld [smem:$0x3FAD]  }
0x2d: {  	s3 =	simm.s32 $0x108;
	s8 =	sld [smem:$0x3FAE]  }
0x2e: {  	s3 =	simm.s32 @!p0 $0x1082;
	s9 =	sld [smem:$0x3FAF]  }
0x2f: {  	lr =	sadd.s32 s0, s3;
	s0 =	sld [smem:$0x3FA6]  }
0x30: {  	s3 =	sld [smem:$0x3FA9]  }
0x31: {  	[smem:$0x3FB2] =	sst s10  }
0x32: {  	s10 =	sld [smem:$0x3FB0];
	_ =	sdelay $0x3  }
0x33: {  	p0 =	seq.s32 s10, $0x1;
	s10 =	sld [smem:$0x3FB2];
	_ =	sdelay $0x3  }
0x34: {  	[smem:$0x3FB2] =	sst s10  }
0x35: {  	s10 =	sld [smem:$0x3FB1];
	_ =	sdelay $0x3  }
0x36: {  	p1 =	seq.s32 s10, $0x1;
	s10 =	sld [smem:$0x3FB2];
	_ =	sdelay $0x3  }
0x37: {  	[smem:$0x3FB2] =	sst s10  }
0x38: {  	s10 =	sld [smem:$0x3FB3]  }
0x39: {  	_ = 	snop;
	(pc) =	sbr.ind lr, $3  }
0x3a: {  	_ = 	snop  }
0x3b: {  	_ = 	snop  }
0x3c: {  	p2 =	seq.s32 s10, $0x1;
	s10 =	sld [smem:$0x3FB2]  }
0x3d: {  	_ =	shalt  }
0x3e: {  	_ =	shalt  }
0x3f: {  	_ =	shalt  }
0x40: {  	_ =	shalt  }
0x41: {  	_ =	shalt  }
0x42: {  	_ =	shalt  }
0x43: {  	_ =	shalt  }
0x44: {  	_ =	shalt  }
0x45: {  	_ =	shalt  }
0x46: {  	_ =	shalt  }
0x47: {  	_ =	shalt  }
0x48: {  	_ =	shalt  }
0x49: {  	_ =	shalt  }
0x4a: {  	_ =	shalt  }
0x4b: {  	_ =	shalt  }
0x4c: {  	_ =	shalt  }
0x4d: {  	_ =	shalt  }
0x4e: {  	_ =	shalt  }
0x4f: {  	_ =	shalt  }
0x50: {  	_ =	shalt  }
0x51: {  	_ =	shalt  }
0x52: {  	_ =	shalt  }
0x53: {  	_ =	shalt  }
0x54: {  	_ =	shalt  }
0x55: {  	_ =	shalt  }
0x56: {  	_ =	shalt  }
0x57: {  	_ =	shalt  }
0x58: {  	_ =	shalt  }
0x59: {  	_ =	shalt  }
0x5a: {  	_ =	shalt  }
0x5b: {  	_ =	shalt  }
0x5c: {  	_ =	shalt  }
0x5d: {  	_ =	shalt  }
0x5e: {  	_ =	shalt  }
0x5f: {  	_ =	shalt  }
0x60: {  	_ =	shalt  }
0x61: {  	_ =	shalt  }
0x62: {  	_ =	shalt  }
0x63: {  	_ =	shalt  }
0x64: {  	_ =	shalt  }
0x65: {  	_ =	shalt  }
0x66: {  	_ =	shalt  }
0x67: {  	_ =	shalt  }
0x68: {  	_ =	shalt  }
0x69: {  	_ =	shalt  }
0x6a: {  	_ =	shalt  }
0x6b: {  	_ =	shalt  }
0x6c: {  	_ =	shalt  }
0x6d: {  	_ =	shalt  }
0x6e: {  	_ =	shalt  }
0x6f: {  	_ =	shalt  }
0x70: {  	_ =	shalt  }
0x71: {  	_ =	shalt  }
0x72: {  	_ =	shalt  }
0x73: {  	_ =	shalt  }
0x74: {  	_ =	shalt  }
0x75: {  	_ =	shalt  }
0x76: {  	_ =	shalt  }
0x77: {  	_ =	shalt  }
0x78: {  	_ =	shalt  }
0x79: {  	_ =	shalt  }
0x7a: {  	_ =	shalt  }
0x7b: {  	_ =	shalt  }
0x7c: {  	_ =	shalt  }
0x7d: {  	_ =	shalt  }
0x7e: {  	_ =	shalt  }
0x7f: {  	_ =	shalt  }
0x80: {  	_ =	shalt  }
0x81: {  	_ =	shalt  }
0x82: {  	_ =	shalt  }
0x83: {  	_ =	shalt  }
0x84: {  	_ =	shalt  }
0x85: {  	_ =	shalt  }
0x86: {  	_ =	shalt  }
0x87: {  	_ =	shalt  }
.Lfunc_end0:
.L_simem_size_0:
called_computation.2_lowered:
.L_overlay_start_0:
0x88: {  	s2 =	sld [smem:$0x3FD9]  }
0x89: {  	s3 =	sld [smem:$0x3FFE];
	_ =	sdelay $0x1  }
0x8a: {  	s1 =	srdreg.scid  }
0x8b: {  	s0 =	sand.u32 $0x1, s1  }
0x8c: {  	s17 =	sshll.u32 s0, $0xA;
	s2 =	sadd.s32 s3, s2  }
0x8d: {  	s2 =	sadd.s32 s2, s17  }
0x8e: {  	[smem:$0x3FBE] =	sst s2  }
0x8f: {  	_ = 	snop  }
0x90: {  	s2 =	sld [smem:$0x3FD0];
	(tm) =	ssettm $0x1  }
0x91: {  	s18 =	sld [smem:$0x3FFB];
	_ =	sdelay $0x3  }
0x92: {  	_ =	strace s18  }
0x93: {  	s3 =	sld [smem:$0x3FFC];
	_ =	sdelay $0x3  }
0x94: {  	_ =	strace s3  }
0x95: {  	s3 =	sld [smem:$0x3FFD];
	_ =	sdelay $0x3  }
0x96: {  	_ =	strace s3  }
0x97: {  	_ =	strace $0x8FFFFFFF  }
0x98: {  	s19 =	sld [smem:$0x3FDB];
	_ =	sdelay $0x1  }
0x99: {  	s4 =	simm.s32 $_scs_section_size  }
0x9a: {  	s5 =	simm.s32 $_size__tile_overlayer_lowered;
	s6 =	simm.s32 $_tile_overlayer_lowered  }
0x9b: {  	s22 =	simm.s32 $0x1BFF;
	s21 =	sshll.u32 s6, $0x1;
	s3 =	sadd.s32 s4, s19  }
0x9c: {  	s7 =	simm.s32 $0x0;
	s20 =	sshll.u32 s5, $0x1;
	s5 =	sadd.s32 s21, s3  }
0x9d: {  	[timem:s7], [sflag:s22] =	dma.local [hbm:s5], s20  }
0x9e: {  	_ =	swait.ge [sflag:s22], s20  }
0x9f: {  	s4 =	ssub.s32 $0x0, s20;
	[sflag:s22] =	ssyncset.done $0x0  }
0xa0: {  	[sflag:s22] =	ssyncadd.s32 s4;
	_ =	sdelay $0x1  }
0xa1: {  	s23 =	simm.s32 $0x1B8B  }
0xa2: {  	_ =	swait.ge [sflag:s23], $0x1  }
0xa3: {  	[sflag:s23] =	ssyncset.done $0x0  }
0xa4: {  	s25 =	simm.s32 $0x1B8E;
	s24 =	sld [smem:$0x3FFE];
	[sflag:s23] =	ssyncadd.s32 $0xFFFFFFFF  }
0xa5: {  	s26 =	simm.s32 $execute0_lowered;
	[smem:$0x3FD2] =	sst s25  }
0xa6: {  	s5 =	sshll.u32 s26, $0x1;
	_ =	strace $0x8000004C;
	[dreg:$0x1] =	wrdreg $0xFFFFFFFF  }
0xa7: {  	s28 =	simm.s32 $_size_execute0_lowered;
	s3 =	sadd.s32 s3, s5;
	[dreg:$0x0] =	wrdreg $0x0  }
0xa8: {  	s5 =	sshll.u32 s28, $0x1;
	[dreg:$0x2] =	wrdreg s3  }
0xa9: {  	[dreg:$0x3] =	wrdreg s5  }
0xaa: {  	[dreg:$0x4] =	wrdreg $0xC0  }
0xab: {  	_ =	task [dreg:s7], $0x5FFFF  }
0xac: {  	[dreg:$0x1] =	wrdreg $0xFFFFFFFF  }
0xad: {  	[dreg:$0x0] =	wrdreg $0x60  }
0xae: {  	[dreg:$0x2] =	wrdreg s24  }
0xaf: {  	[dreg:$0x3] =	wrdreg s2  }
0xb0: {  	[dreg:$0x4] =	wrdreg $0x82000  }
0xb1: {  	[dreg:$0x5] =	wrdreg $0x9  }
0xb2: {  	_ =	task.clear_ibuf [dreg:s7], $0x6FFFF;
	_ =	strace $0x9000004C  }
0xb3: {  	s29 =	simm.s32 $0x9;
	_ =	strace $0x8000004E  }
0xb4: {  	_ =	swait.ge [sflag:s29], $0x1  }
0xb5: {  	[sflag:s29] =	ssyncadd.s32 $0xFFFFFFFF  }
0xb6: {  	_ =	strace $0x9000004E  }
0xb7: {  	_ =	sfence  }
0xb8: {  	s30 =	sld [smem:$0x0];
	_ =	sdelay $0x2  }
0xb9: {  	s31 =	sshll.u32 s1, $0xD;
	s1 =	sshrl.u32 s1, $0x2  }
0xba: {  	s3 =	sand.u32 $0x4000, s31;
	s1 =	sadd.s32 s1, s30  }
0xbb: {  	s0 =	sor.u32 s3, s0;
	s1 =	sshll.u32 s1, $0x11  }
0xbc: {  	s0 =	sor.u32 s1, s0  }
0xbd: {  	s0 =	sadd.s32 $0x8F2B, s0  }
0xbe: {  	[sflag:s0] =	ssyncadd.remote.s32 $0x1  }
0xbf: {  	_ =	sfence.sel $0xFFFF  }
0xc0: {  	[dreg:$0x0] =	wrdreg $0xFFFFFFFF;
	(pc) =	sbr.abs _section_cstart, $3  }
0xc1: {  	[dreg:$0x1] =	wrdreg $0xFFFFFFFF  }
0xc2: {  	_ =	task.clear_ibuf [dreg:s7], $0x2FFFF;
	_ =	strace $0x9FFFFFFF  }
0xc3: {  	(tm) =	ssettm $0x7FFFFFFF  }
tec
execute0_lowered:
.L_overlay_start_1:
0x0: {  	(tag) =	ssettag $0x1  }
0x1: {  	s5 =	rddreg [dreg:$0x0]  }
0x2: {  	s8 =	rddreg [dreg:$0x1]  }
0x3: {  	s2 =	rddreg [dreg:$0x2]  }
0x4: {  	s0 =	stileid.u32;
	s4 =	srdreg.scid  }
0x5: {  	s3 =	simm.s32 $0x0;
	s16 =	simm.s32 $0x5;
	s18 =	simm.s32 $0x1  }
0x6: {  	s19 =	simm.s32 $0x80;
	s20 =	simm.s32 $0x200;
	s21 =	simm.s32 $0x3  }
0x7: {  	s22 =	simm.s32 $0x4;
	s23 =	simm.s32 $0x180;
	s6 =	smul.u32 $0x14000, s0  }
0x8: {  	s24 =	simm.s32 $0x4200;
	s25 =	simm.s32 $0x0;
	s11 =	smul.u32 $0x6E, s0  }
0x9: {  	s7 =	sand.u32 $0x1, s4;
	[smem:$0x7FF] =	sst s3;
	s13 =	smul.u32 $0x32, s0  }
0xa: {  	s4 =	sadd.s32 $0x36800, s5;
	s28 =	smul.u32 $0x50000, s0;
	s29 =	sshll.u32 s0, $0x6  }
0xb: {  	s10 =	smul.u32 $0x140000, s7;
	_ =	strace $0x8000004D;
	s26 =	ssub.s32 $0x2, s7  }
0xc: {  	p0 =	seq.s32 s7, $0x0;
	s9 =	sshrl.u32 s6, $0x3;
	s12 =	sshrl.u32 s26, $0x1  }
0xd: {  	s7 =	sadd.s32 $0x6E0, s13;
	s9 =	sadd.s32 s9, s5;
	s6 =	sadd.s32 s6, s10  }
0xe: {  	s12 =	ssub.s32 s26, s12;
	s7 =	smov.u32 @p0 s11;
	s6 =	sshrl.u32 s6, $0x3  }
0xf: {  	s11 =	sshll.u32 s7, $0x5;
	s30 =	sadd.s32 $0xE800, s9;
	s7 =	sor.u32 $0x1C05, s29  }
0x10: {  	s12 =	smax.u32 s12, $0x1;
	s14 =	sadd.s32 s6, s5;
	s5 =	simm.s32 $0x6E  }
0x11: {  	s6 =	sshrl.u32 s28, $0x2;
	[dreg:$0x4] =	wrdreg s30;
	s8 =	sadd.s32 s8, s11  }
0x12: {  	s5 =	simm.s32 @!p0 $0x32;
	s15 =	sadd.s32 s6, s2;
	s9 =	sadd.s32 $0x20, s8  }
0x13: {  	s11 =	sadd.s32 $0x86800, s14;
	s14 =	sadd.s32 $0x60, s8;
	s31 =	sshrl.u32 s5, $0x1  }
0x14: {  	s10 =	sadd.s32 $0xFFFFFFFF, s5;
	s15 =	sshrl.u32 s15, $0x3;
	s13 =	sadd.s32 $0xFFFFFFFF, s31  }
.LBB2_1:
0x15: {  	s0 =	rddreg [dreg:$0x4]  }
0x16: {  	[spmem:s15], [sflag:s7] =	dma.local [hbm:s0], $0x2800  }
0x17: {  	_ =	swait.ge [sflag:s16], $0x2800  }
0x18: {  	[sflag:s16] =	ssyncset.done $0x0  }
0x19: {  	s26 =	sadd.s32 $0xFFFFFFFF, s13;
	[sflag:s16] =	ssyncadd.s32 $0xFFFFD800  }
0x1a: {  	[tilespmem:s3], [sflag:$0x1] =	stream.linear.gather [hbm4b:s8+s3], $0x100, $0x38;
	[tilespmem:$0x1C200] =	vst v63  }
0x1b: {  	s31 =	simm.s32 $0x100;
	p2 =	sne.s32 s26, $0x0  }
0x1c: {  	[tilespmem:s31], [sflag:$0x2] =	stream.linear.gather [hbm4b:s9+s3], $0x100, $0x38;
	[tilespmem:$0x1C200] =	vst v63  }
.Ltmp0:
0x1d: {  	[bflag:$0x0] =	sbarrier.arrive $0xFFFF;
	(pc) =	sbr.rel @!p2 .LBB2_2-.Ltmp0, $4  }
0x1e: {  	_ =	swait.ge [sflag:s18], $0x100  }
0x1f: {  	[sflag:s18] =	ssyncset.done $0x0  }
0x20: {  	p1 =	sle.u32 s10, $0x0;
	p0 =	por $0x0, $0x0;
	[sflag:s18] =	ssyncadd.s32 $0xFFFFFF00  }
0x21: {  	[tilespmem:s20], [sflag:$0x3] =	stream.indirect.gather [hbm4b:s4+s19], $0x80, s3, s19, $0xb8;
	[tilespmem:$0x1C200] =	vst v63  }
0x22: {  	s28 =	simm.s32 @!p1 $0x2  }
0x23: {  	_ =	swait.ge @!p1 [sflag:s28], $0x100  }
0x24: {  	s29 =	simm.s32 @!p1 $0x4200;
	[sflag:s28] =	ssyncset.done @!p1 $0x0  }
0x25: {  	s30 =	simm.s32 @!p1 $0x80;
	s31 =	simm.s32 @!p1 $0x100;
	[sflag:s28] =	ssyncadd.s32 @!p1 $0xFFFFFF00  }
0x26: {  	[tilespmem:s29], [sflag:$0x4] =	stream.indirect.gather @!p1 [hbm4b:s4+s30], $0x80, s31, s30, $0xb8;
	[tilespmem:$0x1C200] =	vst v63  }
0x27: {  	_ =	swait.ge [sflag:s21], $0x4000  }
0x28: {  	[sflag:s21] =	ssyncset.done $0x0  }
0x29: {  	[sflag:s21] =	ssyncadd.s32 $0xFFFFC000  }
0x2a: {  	[spmem:s2] =	stream.indirect.scatter.add.f32 [tilespmem:s20], [sflag:$0x5], $0x80, s19, s19, $0xb8;
	[tilespmem:$0x1C200] =	vst v63  }
0x2b: {  	p0 =	sle.u32 s5, $0x2;
	_ =	swait.ge [sflag:s16], $0x4000  }
0x2c: {  	s28 =	sadd.s32 @!p0 $0xFFFFFFE0, s14;
	[sflag:s16] =	ssyncset.done $0x0  }
0x2d: {  	s29 =	simm.s32 @!p0 $0x0;
	s30 =	simm.s32 @!p0 $0x1;
	[sflag:s16] =	ssyncadd.s32 $0xFFFFC000  }
0x2e: {  	[tilespmem:s29], [sflag:$0x1] =	stream.linear.gather @!p0 [hbm4b:s28+s29], $0x100, $0x38;
	[tilespmem:$0x1C200] =	vst v63  }
0x2f: {  	_ =	swait.ge @!p0 [sflag:s30], $0x100  }
0x30: {  	[sflag:s30] =	ssyncset.done @!p0 $0x0  }
0x31: {  	s31 =	simm.s32 @!p0 $0x200;
	s28 =	simm.s32 @!p0 $0x80;
	[sflag:s30] =	ssyncadd.s32 @!p0 $0xFFFFFF00  }
0x32: {  	[tilespmem:s31], [sflag:$0x3] =	stream.indirect.gather @!p0 [hbm4b:s4+s28], $0x80, s29, s28, $0xb8;
	[tilespmem:$0x1C200] =	vst v63  }
0x33: {  	s29 =	sadd.s32 $0xFFFFFFFF, s26  }
0x34: {  	p2 =	sne.s32 s29, $0x0  }
.Ltmp1:
0x35: {  	_ =	swait.ge [sflag:s22], $0x4000;
	(pc) =	sbr.rel @!p2 .LBB2_4-.Ltmp1, $4  }
0x36: {  	p3 =	sle.u32 s5, $0x3;
	p1 =	sle.u32 s10, $0x2;
	[sflag:s22] =	ssyncset.done $0x0  }
0x37: {  	s30 =	smov.u32 s14;
	s28 =	simm.s32 $0x5;
	[sflag:s22] =	ssyncadd.s32 $0xFFFFC000  }
0x38: {  	[spmem:s2] =	stream.indirect.scatter.add.f32 [tilespmem:s24], [sflag:$0x5], $0x80, s23, s19, $0xb8;
	[tilespmem:$0x1C200] =	vst v63  }
0x39: {  	s26 =	sadd.s32 $0x40, s14;
	p0 =	por $0x1, $0x1;
	_ =	swait.ge [sflag:s16], $0x4000  }
.LBB2_5:
0x3a: {  	s31 =	simm.s32 @!p1 $0x2;
	[sflag:s16] =	ssyncset.done $0x0;
	s1 =	simm.s32 @!p3 $0x100  }
0x3b: {  	s29 =	sadd.s32 $0xFFFFFFFF, s29;
	s0 =	simm.s32 @!p3 $0x0;
	[sflag:s16] =	ssyncadd.s32 $0xFFFFC000  }
0x3c: {  	[tilespmem:s1], [sflag:$0x2] =	stream.linear.gather @!p3 [hbm4b:s30+s0], $0x100, $0x38;
	[tilespmem:$0x1C200] =	vst v63  }
0x3d: {  	p2 =	sne.s32 s29, $0x0;
	s0 =	simm.s32 @!p1 $0x4200;
	_ =	swait.ge @!p1 [sflag:s31], $0x100  }
0x3e: {  	s17 =	simm.s32 @!p1 $0x100;
	s1 =	simm.s32 @!p1 $0x80;
	[sflag:s31] =	ssyncset.done @!p1 $0x0  }
0x3f: {  	s30 =	smov.u32 s26;
	[sflag:s31] =	ssyncadd.s32 @!p1 $0xFFFFFF00;
	s31 =	smov.u32 s28  }
0x40: {  	[tilespmem:s0], [sflag:$0x4] =	stream.indirect.gather @!p1 [hbm4b:s4+s1], $0x80, s17, s1, $0xb8;
	[tilespmem:$0x1C200] =	vst v63  }
0x41: {  	_ =	swait.ge [sflag:s21], $0x4000  }
0x42: {  	[sflag:s21] =	ssyncset.done $0x0  }
0x43: {  	s0 =	sadd.s32 $0xFFFFFFFF, s28;
	[sflag:s21] =	ssyncadd.s32 $0xFFFFC000  }
0x44: {  	[spmem:s2] =	stream.indirect.scatter.add.f32 [tilespmem:s20], [sflag:$0x5], $0x80, s19, s19, $0xb8;
	[tilespmem:$0x1C200] =	vst v63  }
0x45: {  	p1 =	sge.u32 s0, s5;
	_ =	swait.ge [sflag:s16], $0x4000  }
0x46: {  	s0 =	sadd.s32 @!p1 $0xFFFFFFE0, s26;
	s1 =	simm.s32 @!p1 $0x0;
	[sflag:s16] =	ssyncset.done $0x0  }
0x47: {  	s17 =	simm.s32 @!p1 $0x1;
	[sflag:s16] =	ssyncadd.s32 $0xFFFFC000  }
0x48: {  	[tilespmem:s1], [sflag:$0x1] =	stream.linear.gather @!p1 [hbm4b:s0+s1], $0x100, $0x38;
	[tilespmem:$0x1C200] =	vst v63  }
0x49: {  	_ =	swait.ge @!p1 [sflag:s17], $0x100  }
0x4a: {  	s6 =	simm.s32 @!p1 $0x200;
	s0 =	simm.s32 @!p1 $0x80;
	[sflag:s17] =	ssyncset.done @!p1 $0x0  }
0x4b: {  	[sflag:s17] =	ssyncadd.s32 @!p1 $0xFFFFFF00  }
0x4c: {  	[tilespmem:s6], [sflag:$0x3] =	stream.indirect.gather @!p1 [hbm4b:s4+s0], $0x80, s1, s0, $0xb8;
	[tilespmem:$0x1C200] =	vst v63  }
.Ltmp2:
0x4d: {  	_ =	swait.ge [sflag:s22], $0x4000;
	(pc) =	sbr.rel @p2 .LBB2_5-.Ltmp2, $4  }
0x4e: {  	s28 =	sadd.s32 $0x2, s28;
	[sflag:s22] =	ssyncset.done $0x0  }
0x4f: {  	s26 =	sadd.s32 $0x40, s26;
	s0 =	sadd.s32 $0xFFFFFFFD, s28;
	[sflag:s22] =	ssyncadd.s32 $0xFFFFC000  }
0x50: {  	[spmem:s2] =	stream.indirect.scatter.add.f32 [tilespmem:s24], [sflag:$0x5], $0x80, s23, s19, $0xb8;
	[tilespmem:$0x1C200] =	vst v63  }
0x51: {  	p3 =	sge.u32 s31, s5;
	p1 =	sge.u32 s0, s10;
	_ =	swait.ge [sflag:s16], $0x4000  }
.LBB2_6:
0x52: {  	s0 =	simm.s32 @!p1 $0x2;
	[sflag:s16] =	ssyncset.done @p0 $0x0;
	p2 =	por p3, !p0  }
0x53: {  	s1 =	simm.s32 @!p2 $0x100;
	[sflag:s16] =	ssyncadd.s32 @p0 $0xFFFFC000;
	s6 =	simm.s32 @!p2 $0x0  }
0x54: {  	[tilespmem:s1], [sflag:$0x2] =	stream.linear.gather @!p2 [hbm4b:s30+s6], $0x100, $0x38;
	[tilespmem:$0x1C200] =	vst v63  }
0x55: {  	_ =	swait.ge @!p1 [sflag:s0], $0x100  }
0x56: {  	s17 =	simm.s32 @!p1 $0x100;
	[sflag:s0] =	ssyncset.done @!p1 $0x0  }
0x57: {  	s1 =	simm.s32 @!p1 $0x4200;
	s6 =	simm.s32 @!p1 $0x80;
	[sflag:s0] =	ssyncadd.s32 @!p1 $0xFFFFFF00  }
0x58: {  	[tilespmem:s1], [sflag:$0x4] =	stream.indirect.gather @!p1 [hbm4b:s4+s6], $0x80, s17, s6, $0xb8;
	[tilespmem:$0x1C200] =	vst v63  }
0x59: {  	_ =	swait.ge [sflag:s21], $0x4000  }
0x5a: {  	[sflag:s21] =	ssyncset.done $0x0  }
0x5b: {  	s17 =	sadd.s32 $0xFFFFFFFF, s28;
	[sflag:s21] =	ssyncadd.s32 $0xFFFFC000  }
0x5c: {  	[spmem:s2] =	stream.indirect.scatter.add.f32 [tilespmem:s20], [sflag:$0x5], $0x80, s19, s19, $0xb8;
	[tilespmem:$0x1C200] =	vst v63  }
0x5d: {  	p0 =	sge.u32 s17, s5;
	_ =	swait.ge [sflag:s16], $0x4000  }
0x5e: {  	s0 =	sadd.s32 @!p0 $0xFFFFFFE0, s26;
	[sflag:s16] =	ssyncset.done $0x0  }
0x5f: {  	s1 =	simm.s32 @!p0 $0x0;
	s6 =	simm.s32 @!p0 $0x1;
	[sflag:s16] =	ssyncadd.s32 $0xFFFFC000  }
0x60: {  	[tilespmem:s1], [sflag:$0x1] =	stream.linear.gather @!p0 [hbm4b:s0+s1], $0x100, $0x38;
	[tilespmem:$0x1C200] =	vst v63  }
0x61: {  	_ =	swait.ge @!p0 [sflag:s6], $0x100  }
0x62: {  	[sflag:s6] =	ssyncset.done @!p0 $0x0  }
0x63: {  	s17 =	simm.s32 @!p0 $0x200;
	s0 =	simm.s32 @!p0 $0x80;
	[sflag:s6] =	ssyncadd.s32 @!p0 $0xFFFFFF00  }
0x64: {  	[tilespmem:s17], [sflag:$0x3] =	stream.indirect.gather @!p0 [hbm4b:s4+s0], $0x80, s1, s0, $0xb8;
	[tilespmem:$0x1C200] =	vst v63  }
0x65: {  	_ =	swait.ge [sflag:s22], $0x4000  }
0x66: {  	[sflag:s22] =	ssyncset.done $0x0  }
0x67: {  	[sflag:s22] =	ssyncadd.s32 $0xFFFFC000  }
0x68: {  	[spmem:s2] =	stream.indirect.scatter.add.f32 [tilespmem:s24], [sflag:$0x5], $0x80, s23, s19, $0xb8;
	[tilespmem:$0x1C200] =	vst v63  }
0x69: {  	s29 =	sadd.s32 $0x2, s28;
	_ =	swait.ge [sflag:s16], $0x4000  }
0x6a: {  	s30 =	sadd.s32 $0xFFFFFFFD, s29;
	p0 =	sge.u32 s28, s5;
	[sflag:s16] =	ssyncset.done $0x0  }
0x6b: {  	s1 =	simm.s32 @!p0 $0x100;
	s6 =	simm.s32 @!p0 $0x0;
	[sflag:s16] =	ssyncadd.s32 $0xFFFFC000  }
0x6c: {  	[tilespmem:s1], [sflag:$0x2] =	stream.linear.gather @!p0 [hbm4b:s26+s6], $0x100, $0x38;
	[tilespmem:$0x1C200] =	vst v63  }
0x6d: {  	p0 =	sge.u32 s30, s10  }
0x6e: {  	s1 =	simm.s32 @!p0 $0x2  }
0x6f: {  	_ =	swait.ge @!p0 [sflag:s1], $0x100  }
0x70: {  	s6 =	simm.s32 @!p0 $0x100;
	[sflag:s1] =	ssyncset.done @!p0 $0x0  }
0x71: {  	s17 =	simm.s32 @!p0 $0x4200;
	[sflag:s1] =	ssyncadd.s32 @!p0 $0xFFFFFF00;
	s1 =	simm.s32 @!p0 $0x80  }
0x72: {  	[tilespmem:s17], [sflag:$0x4] =	stream.indirect.gather @!p0 [hbm4b:s4+s1], $0x80, s6, s1, $0xb8;
	[tilespmem:$0x1C200] =	vst v63  }
0x73: {  	_ =	swait.ge [sflag:s21], $0x4000  }
0x74: {  	[sflag:s21] =	ssyncset.done $0x0  }
0x75: {  	[sflag:s21] =	ssyncadd.s32 $0xFFFFC000  }
0x76: {  	[spmem:s2] =	stream.indirect.scatter.add.f32 [tilespmem:s20], [sflag:$0x5], $0x80, s19, s19, $0xb8;
	[tilespmem:$0x1C200] =	vst v63  }
0x77: {  	s31 =	sadd.s32 $0xFFFFFFFF, s29;
	_ =	swait.ge [sflag:s16], $0x4000  }
0x78: {  	s6 =	sadd.s32 $0x40, s26;
	p0 =	sge.u32 s31, s5;
	[sflag:s16] =	ssyncset.done $0x0  }
0x79: {  	s1 =	sadd.s32 @!p0 $0xFFFFFFE0, s6;
	s17 =	simm.s32 @!p0 $0x0;
	[sflag:s16] =	ssyncadd.s32 $0xFFFFC000  }
0x7a: {  	[tilespmem:s17], [sflag:$0x1] =	stream.linear.gather @!p0 [hbm4b:s1+s17], $0x100, $0x38;
	[tilespmem:$0x1C200] =	vst v63  }
0x7b: {  	s1 =	simm.s32 @!p0 $0x1  }
0x7c: {  	_ =	swait.ge @!p0 [sflag:s1], $0x100  }
0x7d: {  	[sflag:s1] =	ssyncset.done @!p0 $0x0  }
0x7e: {  	s26 =	simm.s32 @!p0 $0x200;
	[sflag:s1] =	ssyncadd.s32 @!p0 $0xFFFFFF00;
	s1 =	simm.s32 @!p0 $0x80  }
0x7f: {  	[tilespmem:s26], [sflag:$0x3] =	stream.indirect.gather @!p0 [hbm4b:s4+s1], $0x80, s17, s1, $0xb8;
	[tilespmem:$0x1C200] =	vst v63  }
0x80: {  	_ =	swait.ge [sflag:s22], $0x4000  }
0x81: {  	[sflag:s22] =	ssyncset.done $0x0  }
0x82: {  	[sflag:s22] =	ssyncadd.s32 $0xFFFFC000  }
0x83: {  	[spmem:s2] =	stream.indirect.scatter.add.f32 [tilespmem:s24], [sflag:$0x5], $0x80, s23, s19, $0xb8;
	[tilespmem:$0x1C200] =	vst v63  }
0x84: {  	_ =	swait.ge [sflag:s16], $0x4000  }
0x85: {  	s25 =	sadd.s32 $0x1, s25;
	p0 =	sge.u32 s29, s5;
	[sflag:s16] =	ssyncset.done $0x0  }
0x86: {  	s0 =	simm.s32 @!p0 $0x0;
	s1 =	simm.s32 @!p0 $0x100;
	[sflag:s16] =	ssyncadd.s32 $0xFFFFC000  }
0x87: {  	[tilespmem:s1], [sflag:$0x2] =	stream.linear.gather @!p0 [hbm4b:s6+s0], $0x100, $0x38;
	[tilespmem:$0x1C200] =	vst v63  }
0x88: {  	p0 =	sne.s32 s25, s12;
	[bflag:$0x0] =	sbarrier.arrive $0xFFFF  }
0x89: {  	[hbm:s11], [sflag:s7] =	dma.local [spmem:s15], $0x2800  }
.Ltmp3:
0x8a: {  	_ = 	snop;
	(pc) =	sbr.rel @p0 .LBB2_1-.Ltmp3, $4  }
.Ltmp4:
0x8b: {  	_ = 	snop;
	(pc) =	sbr.rel @!p0 .LBB2_7-.Ltmp4, $4  }
0x8c: {  	_ =	swait.ge [sflag:s16], $0x2800  }
0x8d: {  	[sflag:s16] =	ssyncset.done $0x0  }
0x8e: {  	[sflag:s16] =	ssyncadd.s32 $0xFFFFD800  }
0x8f: {  	_ = 	snop  }
.LBB2_2:
.Ltmp5:
0x90: {  	(pc) =	sbr.rel .LBB2_6-.Ltmp5, $2  }
0x91: {  	_ =	sdelay $0x2  }
0x92: {  	s28 =	simm.s32 $0x3;
	s26 =	smov.u32 s14  }
.LBB2_4:
.Ltmp6:
0x93: {  	(pc) =	sbr.rel .LBB2_6-.Ltmp6, $2  }
0x94: {  	_ =	sdelay $0x2  }
0x95: {  	s30 =	smov.u32 s14  }
.LBB2_7:
0x96: {  	_ =	sfence.sel $0x180000  }
0x97: {  	[bflag:$0x0] =	sbarrier.arrive $0xFFFF  }
0x98: {  	_ =	strace $0x9000004D  }
0x99: {  	s0 =	stileid.u32;
	[bflag:$0x2] =	sbarrier.arrive $0xFFFF  }
0x9a: {  	p0 =	sne.s32 s0, $0x0;
	s0 =	rddreg [dreg:$0x3]  }
0x9b: {  	s0 =	sadd.s32 @!p0 $0x100000, s0  }
0x9c: {  	[sflag:s0] =	ssyncadd.tile.s32 @!p0 $0x1;
	_ =	shalt  }
.Lfunc_end2:
_tile_overlayer_lowered:
.L_overlay_start_2:
0x9d: {  	(tag) =	ssettag $0x2  }
0x9e: {  	s0 =	rddreg [dreg:$0x0];
	s2 =	stileid.u32  }
0x9f: {  	s1 =	rddreg [dreg:$0x1];
	p0 =	sne.s32 s2, $0x0  }
0xa0: {  	s3 =	rddreg [dreg:$0x2];
	[bflag:$0x3] =	sbarrier.arrive $0xFFFF;
	s2 =	simm.s32 @!p0 $0x1C05  }
0xa1: {  	[timem:s3], [sflag:s2] =	dma.local @!p0 [hbm:s0], s1  }
0xa2: {  	s0 =	simm.s32 @!p0 $0x5  }
0xa3: {  	_ =	swait.ge @!p0 [sflag:s0], s1  }
0xa4: {  	s1 =	ssub.s32 @!p0 $0x0, s1;
	[sflag:s0] =	ssyncset.done @!p0 $0x0  }
0xa5: {  	[sflag:s0] =	ssyncadd.s32 @!p0 s1  }
0xa6: {  	[bflag:$0x3] =	sbarrier.arrive $0xFFFF  }
0xa7: {  	_ =	shalt  }

// kernel: kernel.22.cloned.1.call-start
scs
__scs_entry_jumppad:
0x0: {  	(pc) =	sbr.rel $0x88, $3  }
0x1: {  	(tag) =	ssettag $0x0;
	lr =	simm.s32 $0x1  }
0x2: {  	[smem:$0x3F97] =	sst lr;
	_ =	strace $0xD0000000  }
0x3: {  	_ = 	snop  }
0x4: {  	_ = 	snop  }
0x5: {  	_ = 	snop  }
0x6: {  	_ = 	snop  }
0x7: {  	_ = 	snop  }
__scs_overlays_trampoline_lowered:
0x8: {  	[smem:$0x3FA6] =	sst s0  }
0x9: {  	[smem:$0x3FA7] =	sst s1  }
0xa: {  	[smem:$0x3FA8] =	sst s2  }
0xb: {  	[smem:$0x3FA9] =	sst s3  }
0xc: {  	[smem:$0x3FAA] =	sst s4  }
0xd: {  	[smem:$0x3FAB] =	sst s5  }
0xe: {  	[smem:$0x3FAC] =	sst s6  }
0xf: {  	[smem:$0x3FAD] =	sst s7  }
0x10: {  	[smem:$0x3FAE] =	sst s8  }
0x11: {  	[smem:$0x3FAF] =	sst s9;
	s0 =	simm.s32 @!p0 $0x0  }
0x12: {  	s1 =	sld [smem:$0x3F95];
	s0 =	simm.s32 @p0 $0x1  }
0x13: {  	[smem:$0x3FB0] =	sst s0;
	s0 =	simm.s32 @!p1 $0x0  }
0x14: {  	s2 =	sld [smem:$0x3F94];
	s0 =	simm.s32 @p1 $0x1  }
0x15: {  	[smem:$0x3FB1] =	sst s0;
	s0 =	simm.s32 @!p2 $0x0  }
0x16: {  	s3 =	sld [smem:$0x3FDB];
	s0 =	simm.s32 @p2 $0x1  }
0x17: {  	s4 =	simm.s32 $0x1BF5;
	[smem:$0x3FB3] =	sst s0  }
0x18: {  	s0 =	sld [smem:$0x3F96];
	_ =	swait.ge [sflag:s4], $0x0  }
0x19: {  	s7 =	sld [smem:$0x3F97]  }
0x1a: {  	s8 =	sadd.s32 $0xFFFFE003, lr  }
0x1b: {  	s9 =	sadd.s32 $0xFFFFFEF7, lr;
	s5 =	simm.s32 $0xFFFFFFFF;
	p2 =	slt.u32 s8, $0xFFFFF086  }
0x1c: {  	p1 =	slt.u32 s9, $0xF7A;
	s5 =	simm.s32 @!p2 $0x0  }
0x1d: {  	s5 =	simm.s32 @p1 $0x1;
	p0 =	seq.s32 s7, s2  }
0x1e: {  	s7 =	smul.u32 @!p0 $0xF7A, s2;
	p2 =	seq.s32 @!p0 s5, $0x0  }
0x1f: {  	s9 =	smul.u32 $0xF7A, s1;
	s8 =	simm.s32 @!p0 $0x1BF5;
	p2 =	por !p2, p0  }
0x20: {  	[sflag:s8] =	ssyncset.s32 @!p0 $0xFFFFF086;
	s6 =	sadd.s32 @!p0 s3, s7;
	s7 =	simm.s32 @!p0 $0x108  }
0x21: {  	s3 =	sadd.s32 s3, s9;
	s6 =	sadd.s32 @!p0 $0x88, s6;
	s7 =	simm.s32 @p2 $0x1082  }
0x22: {  	[simem:s7], [sflag:s8] =	dma.local @!p0 [hbm:s6], $0xF7A  }
0x23: {  	s9 =	sor.u32 $0xD0000000, s2;
	s6 =	simm.s32 $0x108;
	_ =	swait.ge @!p0 [sflag:s8], $0x0  }
0x24: {  	s3 =	sadd.s32 $0x88, s3;
	s6 =	simm.s32 @!p1 $0x1082;
	[sflag:s4] =	ssyncset.s32 $0xFFFFF086  }
0x25: {  	[simem:s6], [sflag:s4] =	dma.local [hbm:s3], $0xF7A  }
0x26: {  	[smem:$0x3F97] =	sst s1;
	(tag) =	ssettag s2;
	_ =	strace s9  }
0x27: {  	s1 =	sld [smem:$0x3FA7]  }
0x28: {  	s2 =	sld [smem:$0x3FA8]  }
0x29: {  	s4 =	sld [smem:$0x3FAA]  }
0x2a: {  	p0 =	seq.s32 s5, $0x0;
	s5 =	sld [smem:$0x3FAB]  }
0x2b: {  	s6 =	sld [smem:$0x3FAC]  }
0x2c: {  	s7 =	sld [smem:$0x3FAD]  }
0x2d: {  	s3 =	simm.s32 $0x108;
	s8 =	sld [smem:$0x3FAE]  }
0x2e: {  	s3 =	simm.s32 @!p0 $0x1082;
	s9 =	sld [smem:$0x3FAF]  }
0x2f: {  	lr =	sadd.s32 s0, s3;
	s0 =	sld [smem:$0x3FA6]  }
0x30: {  	s3 =	sld [smem:$0x3FA9]  }
0x31: {  	[smem:$0x3FB2] =	sst s10  }
0x32: {  	s10 =	sld [smem:$0x3FB0];
	_ =	sdelay $0x3  }
0x33: {  	p0 =	seq.s32 s10, $0x1;
	s10 =	sld [smem:$0x3FB2];
	_ =	sdelay $0x3  }
0x34: {  	[smem:$0x3FB2] =	sst s10  }
0x35: {  	s10 =	sld [smem:$0x3FB1];
	_ =	sdelay $0x3  }
0x36: {  	p1 =	seq.s32 s10, $0x1;
	s10 =	sld [smem:$0x3FB2];
	_ =	sdelay $0x3  }
0x37: {  	[smem:$0x3FB2] =	sst s10  }
0x38: {  	s10 =	sld [smem:$0x3FB3]  }
0x39: {  	_ = 	snop;
	(pc) =	sbr.ind lr, $3  }
0x3a: {  	_ = 	snop  }
0x3b: {  	_ = 	snop  }
0x3c: {  	p2 =	seq.s32 s10, $0x1;
	s10 =	sld [smem:$0x3FB2]  }
0x3d: {  	_ =	shalt  }
0x3e: {  	_ =	shalt  }
0x3f: {  	_ =	shalt  }
0x40: {  	_ =	shalt  }
0x41: {  	_ =	shalt  }
0x42: {  	_ =	shalt  }
0x43: {  	_ =	shalt  }
0x44: {  	_ =	shalt  }
0x45: {  	_ =	shalt  }
0x46: {  	_ =	shalt  }
0x47: {  	_ =	shalt  }
0x48: {  	_ =	shalt  }
0x49: {  	_ =	shalt  }
0x4a: {  	_ =	shalt  }
0x4b: {  	_ =	shalt  }
0x4c: {  	_ =	shalt  }
0x4d: {  	_ =	shalt  }
0x4e: {  	_ =	shalt  }
0x4f: {  	_ =	shalt  }
0x50: {  	_ =	shalt  }
0x51: {  	_ =	shalt  }
0x52: {  	_ =	shalt  }
0x53: {  	_ =	shalt  }
0x54: {  	_ =	shalt  }
0x55: {  	_ =	shalt  }
0x56: {  	_ =	shalt  }
0x57: {  	_ =	shalt  }
0x58: {  	_ =	shalt  }
0x59: {  	_ =	shalt  }
0x5a: {  	_ =	shalt  }
0x5b: {  	_ =	shalt  }
0x5c: {  	_ =	shalt  }
0x5d: {  	_ =	shalt  }
0x5e: {  	_ =	shalt  }
0x5f: {  	_ =	shalt  }
0x60: {  	_ =	shalt  }
0x61: {  	_ =	shalt  }
0x62: {  	_ =	shalt  }
0x63: {  	_ =	shalt  }
0x64: {  	_ =	shalt  }
0x65: {  	_ =	shalt  }
0x66: {  	_ =	shalt  }
0x67: {  	_ =	shalt  }
0x68: {  	_ =	shalt  }
0x69: {  	_ =	shalt  }
0x6a: {  	_ =	shalt  }
0x6b: {  	_ =	shalt  }
0x6c: {  	_ =	shalt  }
0x6d: {  	_ =	shalt  }
0x6e: {  	_ =	shalt  }
0x6f: {  	_ =	shalt  }
0x70: {  	_ =	shalt  }
0x71: {  	_ =	shalt  }
0x72: {  	_ =	shalt  }
0x73: {  	_ =	shalt  }
0x74: {  	_ =	shalt  }
0x75: {  	_ =	shalt  }
0x76: {  	_ =	shalt  }
0x77: {  	_ =	shalt  }
0x78: {  	_ =	shalt  }
0x79: {  	_ =	shalt  }
0x7a: {  	_ =	shalt  }
0x7b: {  	_ =	shalt  }
0x7c: {  	_ =	shalt  }
0x7d: {  	_ =	shalt  }
0x7e: {  	_ =	shalt  }
0x7f: {  	_ =	shalt  }
0x80: {  	_ =	shalt  }
0x81: {  	_ =	shalt  }
0x82: {  	_ =	shalt  }
0x83: {  	_ =	shalt  }
0x84: {  	_ =	shalt  }
0x85: {  	_ =	shalt  }
0x86: {  	_ =	shalt  }
0x87: {  	_ =	shalt  }
.Lfunc_end0:
.L_simem_size_0:
called_computation.3_lowered:
.L_overlay_start_0:
0x88: {  	s2 =	sld [smem:$0x3FD9]  }
0x89: {  	s3 =	sld [smem:$0x3FFE];
	_ =	sdelay $0x1  }
0x8a: {  	s1 =	srdreg.scid  }
0x8b: {  	s0 =	sand.u32 $0x1, s1  }
0x8c: {  	s17 =	sshll.u32 s0, $0xA;
	s2 =	sadd.s32 s3, s2  }
0x8d: {  	s2 =	sadd.s32 s2, s17  }
0x8e: {  	[smem:$0x3FBE] =	sst s2  }
0x8f: {  	_ = 	snop  }
0x90: {  	s2 =	sld [smem:$0x3FD0];
	(tm) =	ssettm $0x1  }
0x91: {  	s18 =	sld [smem:$0x3FFB];
	_ =	sdelay $0x3  }
0x92: {  	_ =	strace s18  }
0x93: {  	s3 =	sld [smem:$0x3FFC];
	_ =	sdelay $0x3  }
0x94: {  	_ =	strace s3  }
0x95: {  	s3 =	sld [smem:$0x3FFD];
	_ =	sdelay $0x3  }
0x96: {  	_ =	strace s3  }
0x97: {  	_ =	strace $0x8FFFFFFF  }
0x98: {  	s19 =	sld [smem:$0x3FDB];
	_ =	sdelay $0x1  }
0x99: {  	s4 =	simm.s32 $_scs_section_size  }
0x9a: {  	s5 =	simm.s32 $_size__tile_overlayer_lowered;
	s6 =	simm.s32 $_tile_overlayer_lowered  }
0x9b: {  	s22 =	simm.s32 $0x1BFF;
	s21 =	sshll.u32 s6, $0x1;
	s3 =	sadd.s32 s4, s19  }
0x9c: {  	s7 =	simm.s32 $0x0;
	s20 =	sshll.u32 s5, $0x1;
	s5 =	sadd.s32 s21, s3  }
0x9d: {  	[timem:s7], [sflag:s22] =	dma.local [hbm:s5], s20  }
0x9e: {  	_ =	swait.ge [sflag:s22], s20  }
0x9f: {  	s4 =	ssub.s32 $0x0, s20;
	[sflag:s22] =	ssyncset.done $0x0  }
0xa0: {  	[sflag:s22] =	ssyncadd.s32 s4;
	_ =	sdelay $0x1  }
0xa1: {  	s23 =	simm.s32 $0x1B8B  }
0xa2: {  	_ =	swait.ge [sflag:s23], $0x1  }
0xa3: {  	[sflag:s23] =	ssyncset.done $0x0  }
0xa4: {  	s25 =	simm.s32 $0x1B8E;
	s24 =	sld [smem:$0x3FFE];
	[sflag:s23] =	ssyncadd.s32 $0xFFFFFFFF  }
0xa5: {  	s26 =	simm.s32 $execute0_lowered;
	[smem:$0x3FD2] =	sst s25  }
0xa6: {  	s5 =	sshll.u32 s26, $0x1;
	_ =	strace $0x8000004F;
	[dreg:$0x1] =	wrdreg $0xFFFFFFFF  }
0xa7: {  	s28 =	simm.s32 $_size_execute0_lowered;
	s3 =	sadd.s32 s3, s5;
	[dreg:$0x0] =	wrdreg $0x0  }
0xa8: {  	s5 =	sshll.u32 s28, $0x1;
	[dreg:$0x2] =	wrdreg s3  }
0xa9: {  	[dreg:$0x3] =	wrdreg s5  }
0xaa: {  	[dreg:$0x4] =	wrdreg $0xC0  }
0xab: {  	_ =	task [dreg:s7], $0x5FFFF  }
0xac: {  	[dreg:$0x1] =	wrdreg $0xFFFFFFFF  }
0xad: {  	[dreg:$0x0] =	wrdreg $0x60  }
0xae: {  	[dreg:$0x2] =	wrdreg s24  }
0xaf: {  	[dreg:$0x3] =	wrdreg s2  }
0xb0: {  	[dreg:$0x4] =	wrdreg $0x82000  }
0xb1: {  	[dreg:$0x5] =	wrdreg $0x9  }
0xb2: {  	_ =	task.clear_ibuf [dreg:s7], $0x6FFFF;
	_ =	strace $0x9000004F  }
0xb3: {  	s29 =	simm.s32 $0x9;
	_ =	strace $0x80000051  }
0xb4: {  	_ =	swait.ge [sflag:s29], $0x1  }
0xb5: {  	[sflag:s29] =	ssyncadd.s32 $0xFFFFFFFF  }
0xb6: {  	_ =	strace $0x90000051  }
0xb7: {  	_ =	sfence  }
0xb8: {  	s30 =	sld [smem:$0x0];
	_ =	sdelay $0x2  }
0xb9: {  	s31 =	sshll.u32 s1, $0xD;
	s1 =	sshrl.u32 s1, $0x2  }
0xba: {  	s3 =	sand.u32 $0x4000, s31;
	s1 =	sadd.s32 s1, s30  }
0xbb: {  	s0 =	sor.u32 s3, s0;
	s1 =	sshll.u32 s1, $0x11  }
0xbc: {  	s0 =	sor.u32 s1, s0  }
0xbd: {  	s0 =	sadd.s32 $0x8F2B, s0  }
0xbe: {  	[sflag:s0] =	ssyncadd.remote.s32 $0x1  }
0xbf: {  	_ =	sfence.sel $0xFFFF  }
0xc0: {  	[dreg:$0x0] =	wrdreg $0xFFFFFFFF;
	(pc) =	sbr.abs _section_cstart, $3  }
0xc1: {  	[dreg:$0x1] =	wrdreg $0xFFFFFFFF  }
0xc2: {  	_ =	task.clear_ibuf [dreg:s7], $0x2FFFF;
	_ =	strace $0x9FFFFFFF  }
0xc3: {  	(tm) =	ssettm $0x7FFFFFFF  }
tec
execute0_lowered:
.L_overlay_start_1:
0x0: {  	(tag) =	ssettag $0x1  }
0x1: {  	s5 =	rddreg [dreg:$0x0]  }
0x2: {  	s8 =	rddreg [dreg:$0x1]  }
0x3: {  	s2 =	rddreg [dreg:$0x2]  }
0x4: {  	s0 =	stileid.u32;
	s4 =	srdreg.scid  }
0x5: {  	s3 =	simm.s32 $0x0;
	s16 =	simm.s32 $0x5;
	s18 =	simm.s32 $0x1  }
0x6: {  	s19 =	simm.s32 $0x80;
	s20 =	simm.s32 $0x200;
	s21 =	simm.s32 $0x3  }
0x7: {  	s22 =	simm.s32 $0x4;
	s23 =	simm.s32 $0x180;
	s6 =	smul.u32 $0x14000, s0  }
0x8: {  	s24 =	simm.s32 $0x4200;
	s25 =	simm.s32 $0x0;
	s11 =	smul.u32 $0x6E, s0  }
0x9: {  	s7 =	sand.u32 $0x1, s4;
	[smem:$0x7FF] =	sst s3;
	s13 =	smul.u32 $0x32, s0  }
0xa: {  	s4 =	sadd.s32 $0x36800, s5;
	s28 =	smul.u32 $0x50000, s0;
	s29 =	sshll.u32 s0, $0x6  }
0xb: {  	s10 =	smul.u32 $0x140000, s7;
	_ =	strace $0x80000050;
	s26 =	ssub.s32 $0x2, s7  }
0xc: {  	p0 =	seq.s32 s7, $0x0;
	s9 =	sshrl.u32 s6, $0x3;
	s12 =	sshrl.u32 s26, $0x1  }
0xd: {  	s7 =	sadd.s32 $0x6E0, s13;
	s9 =	sadd.s32 s9, s5;
	s6 =	sadd.s32 s6, s10  }
0xe: {  	s12 =	ssub.s32 s26, s12;
	s7 =	smov.u32 @p0 s11;
	s6 =	sshrl.u32 s6, $0x3  }
0xf: {  	s11 =	sshll.u32 s7, $0x5;
	s30 =	sadd.s32 $0xE800, s9;
	s7 =	sor.u32 $0x1C05, s29  }
0x10: {  	s12 =	smax.u32 s12, $0x1;
	s14 =	sadd.s32 s6, s5;
	s5 =	simm.s32 $0x6E  }
0x11: {  	s6 =	sshrl.u32 s28, $0x2;
	[dreg:$0x4] =	wrdreg s30;
	s8 =	sadd.s32 s8, s11  }
0x12: {  	s5 =	simm.s32 @!p0 $0x32;
	s15 =	sadd.s32 s6, s2;
	s9 =	sadd.s32 $0x20, s8  }
0x13: {  	s11 =	sadd.s32 $0x86800, s14;
	s14 =	sadd.s32 $0x60, s8;
	s31 =	sshrl.u32 s5, $0x1  }
0x14: {  	s10 =	sadd.s32 $0xFFFFFFFF, s5;
	s15 =	sshrl.u32 s15, $0x3;
	s13 =	sadd.s32 $0xFFFFFFFF, s31  }
.LBB2_1:
0x15: {  	s0 =	rddreg [dreg:$0x4]  }
0x16: {  	[spmem:s15], [sflag:s7] =	dma.local [hbm:s0], $0x2800  }
0x17: {  	_ =	swait.ge [sflag:s16], $0x2800  }
0x18: {  	[sflag:s16] =	ssyncset.done $0x0  }
0x19: {  	s26 =	sadd.s32 $0xFFFFFFFF, s13;
	[sflag:s16] =	ssyncadd.s32 $0xFFFFD800  }
0x1a: {  	[tilespmem:s3], [sflag:$0x1] =	stream.linear.gather [hbm4b:s8+s3], $0x100, $0x38;
	[tilespmem:$0x1C200] =	vst v63  }
0x1b: {  	s31 =	simm.s32 $0x100;
	p2 =	sne.s32 s26, $0x0  }
0x1c: {  	[tilespmem:s31], [sflag:$0x2] =	stream.linear.gather [hbm4b:s9+s3], $0x100, $0x38;
	[tilespmem:$0x1C200] =	vst v63  }
.Ltmp0:
0x1d: {  	[bflag:$0x0] =	sbarrier.arrive $0xFFFF;
	(pc) =	sbr.rel @!p2 .LBB2_2-.Ltmp0, $4  }
0x1e: {  	_ =	swait.ge [sflag:s18], $0x100  }
0x1f: {  	[sflag:s18] =	ssyncset.done $0x0  }
0x20: {  	p1 =	sle.u32 s10, $0x0;
	p0 =	por $0x0, $0x0;
	[sflag:s18] =	ssyncadd.s32 $0xFFFFFF00  }
0x21: {  	[tilespmem:s20], [sflag:$0x3] =	stream.indirect.gather [hbm4b:s4+s19], $0x80, s3, s19, $0xb8;
	[tilespmem:$0x1C200] =	vst v63  }
0x22: {  	s28 =	simm.s32 @!p1 $0x2  }
0x23: {  	_ =	swait.ge @!p1 [sflag:s28], $0x100  }
0x24: {  	s29 =	simm.s32 @!p1 $0x4200;
	[sflag:s28] =	ssyncset.done @!p1 $0x0  }
0x25: {  	s30 =	simm.s32 @!p1 $0x80;
	s31 =	simm.s32 @!p1 $0x100;
	[sflag:s28] =	ssyncadd.s32 @!p1 $0xFFFFFF00  }
0x26: {  	[tilespmem:s29], [sflag:$0x4] =	stream.indirect.gather @!p1 [hbm4b:s4+s30], $0x80, s31, s30, $0xb8;
	[tilespmem:$0x1C200] =	vst v63  }
0x27: {  	_ =	swait.ge [sflag:s21], $0x4000  }
0x28: {  	[sflag:s21] =	ssyncset.done $0x0  }
0x29: {  	[sflag:s21] =	ssyncadd.s32 $0xFFFFC000  }
0x2a: {  	[spmem:s2] =	stream.indirect.scatter.add.f32 [tilespmem:s20], [sflag:$0x5], $0x80, s19, s19, $0xb8;
	[tilespmem:$0x1C200] =	vst v63  }
0x2b: {  	p0 =	sle.u32 s5, $0x2;
	_ =	swait.ge [sflag:s16], $0x4000  }
0x2c: {  	s28 =	sadd.s32 @!p0 $0xFFFFFFE0, s14;
	[sflag:s16] =	ssyncset.done $0x0  }
0x2d: {  	s29 =	simm.s32 @!p0 $0x0;
	s30 =	simm.s32 @!p0 $0x1;
	[sflag:s16] =	ssyncadd.s32 $0xFFFFC000  }
0x2e: {  	[tilespmem:s29], [sflag:$0x1] =	stream.linear.gather @!p0 [hbm4b:s28+s29], $0x100, $0x38;
	[tilespmem:$0x1C200] =	vst v63  }
0x2f: {  	_ =	swait.ge @!p0 [sflag:s30], $0x100  }
0x30: {  	[sflag:s30] =	ssyncset.done @!p0 $0x0  }
0x31: {  	s31 =	simm.s32 @!p0 $0x200;
	s28 =	simm.s32 @!p0 $0x80;
	[sflag:s30] =	ssyncadd.s32 @!p0 $0xFFFFFF00  }
0x32: {  	[tilespmem:s31], [sflag:$0x3] =	stream.indirect.gather @!p0 [hbm4b:s4+s28], $0x80, s29, s28, $0xb8;
	[tilespmem:$0x1C200] =	vst v63  }
0x33: {  	s29 =	sadd.s32 $0xFFFFFFFF, s26  }
0x34: {  	p2 =	sne.s32 s29, $0x0  }
.Ltmp1:
0x35: {  	_ =	swait.ge [sflag:s22], $0x4000;
	(pc) =	sbr.rel @!p2 .LBB2_4-.Ltmp1, $4  }
0x36: {  	p3 =	sle.u32 s5, $0x3;
	p1 =	sle.u32 s10, $0x2;
	[sflag:s22] =	ssyncset.done $0x0  }
0x37: {  	s30 =	smov.u32 s14;
	s28 =	simm.s32 $0x5;
	[sflag:s22] =	ssyncadd.s32 $0xFFFFC000  }
0x38: {  	[spmem:s2] =	stream.indirect.scatter.add.f32 [tilespmem:s24], [sflag:$0x5], $0x80, s23, s19, $0xb8;
	[tilespmem:$0x1C200] =	vst v63  }
0x39: {  	s26 =	sadd.s32 $0x40, s14;
	p0 =	por $0x1, $0x1;
	_ =	swait.ge [sflag:s16], $0x4000  }
.LBB2_5:
0x3a: {  	s31 =	simm.s32 @!p1 $0x2;
	[sflag:s16] =	ssyncset.done $0x0;
	s1 =	simm.s32 @!p3 $0x100  }
0x3b: {  	s29 =	sadd.s32 $0xFFFFFFFF, s29;
	s0 =	simm.s32 @!p3 $0x0;
	[sflag:s16] =	ssyncadd.s32 $0xFFFFC000  }
0x3c: {  	[tilespmem:s1], [sflag:$0x2] =	stream.linear.gather @!p3 [hbm4b:s30+s0], $0x100, $0x38;
	[tilespmem:$0x1C200] =	vst v63  }
0x3d: {  	p2 =	sne.s32 s29, $0x0;
	s0 =	simm.s32 @!p1 $0x4200;
	_ =	swait.ge @!p1 [sflag:s31], $0x100  }
0x3e: {  	s17 =	simm.s32 @!p1 $0x100;
	s1 =	simm.s32 @!p1 $0x80;
	[sflag:s31] =	ssyncset.done @!p1 $0x0  }
0x3f: {  	s30 =	smov.u32 s26;
	[sflag:s31] =	ssyncadd.s32 @!p1 $0xFFFFFF00;
	s31 =	smov.u32 s28  }
0x40: {  	[tilespmem:s0], [sflag:$0x4] =	stream.indirect.gather @!p1 [hbm4b:s4+s1], $0x80, s17, s1, $0xb8;
	[tilespmem:$0x1C200] =	vst v63  }
0x41: {  	_ =	swait.ge [sflag:s21], $0x4000  }
0x42: {  	[sflag:s21] =	ssyncset.done $0x0  }
0x43: {  	s0 =	sadd.s32 $0xFFFFFFFF, s28;
	[sflag:s21] =	ssyncadd.s32 $0xFFFFC000  }
0x44: {  	[spmem:s2] =	stream.indirect.scatter.add.f32 [tilespmem:s20], [sflag:$0x5], $0x80, s19, s19, $0xb8;
	[tilespmem:$0x1C200] =	vst v63  }
0x45: {  	p1 =	sge.u32 s0, s5;
	_ =	swait.ge [sflag:s16], $0x4000  }
0x46: {  	s0 =	sadd.s32 @!p1 $0xFFFFFFE0, s26;
	s1 =	simm.s32 @!p1 $0x0;
	[sflag:s16] =	ssyncset.done $0x0  }
0x47: {  	s17 =	simm.s32 @!p1 $0x1;
	[sflag:s16] =	ssyncadd.s32 $0xFFFFC000  }
0x48: {  	[tilespmem:s1], [sflag:$0x1] =	stream.linear.gather @!p1 [hbm4b:s0+s1], $0x100, $0x38;
	[tilespmem:$0x1C200] =	vst v63  }
0x49: {  	_ =	swait.ge @!p1 [sflag:s17], $0x100  }
0x4a: {  	s6 =	simm.s32 @!p1 $0x200;
	s0 =	simm.s32 @!p1 $0x80;
	[sflag:s17] =	ssyncset.done @!p1 $0x0  }
0x4b: {  	[sflag:s17] =	ssyncadd.s32 @!p1 $0xFFFFFF00  }
0x4c: {  	[tilespmem:s6], [sflag:$0x3] =	stream.indirect.gather @!p1 [hbm4b:s4+s0], $0x80, s1, s0, $0xb8;
	[tilespmem:$0x1C200] =	vst v63  }
.Ltmp2:
0x4d: {  	_ =	swait.ge [sflag:s22], $0x4000;
	(pc) =	sbr.rel @p2 .LBB2_5-.Ltmp2, $4  }
0x4e: {  	s28 =	sadd.s32 $0x2, s28;
	[sflag:s22] =	ssyncset.done $0x0  }
0x4f: {  	s26 =	sadd.s32 $0x40, s26;
	s0 =	sadd.s32 $0xFFFFFFFD, s28;
	[sflag:s22] =	ssyncadd.s32 $0xFFFFC000  }
0x50: {  	[spmem:s2] =	stream.indirect.scatter.add.f32 [tilespmem:s24], [sflag:$0x5], $0x80, s23, s19, $0xb8;
	[tilespmem:$0x1C200] =	vst v63  }
0x51: {  	p3 =	sge.u32 s31, s5;
	p1 =	sge.u32 s0, s10;
	_ =	swait.ge [sflag:s16], $0x4000  }
.LBB2_6:
0x52: {  	s0 =	simm.s32 @!p1 $0x2;
	[sflag:s16] =	ssyncset.done @p0 $0x0;
	p2 =	por p3, !p0  }
0x53: {  	s1 =	simm.s32 @!p2 $0x100;
	[sflag:s16] =	ssyncadd.s32 @p0 $0xFFFFC000;
	s6 =	simm.s32 @!p2 $0x0  }
0x54: {  	[tilespmem:s1], [sflag:$0x2] =	stream.linear.gather @!p2 [hbm4b:s30+s6], $0x100, $0x38;
	[tilespmem:$0x1C200] =	vst v63  }
0x55: {  	_ =	swait.ge @!p1 [sflag:s0], $0x100  }
0x56: {  	s17 =	simm.s32 @!p1 $0x100;
	[sflag:s0] =	ssyncset.done @!p1 $0x0  }
0x57: {  	s1 =	simm.s32 @!p1 $0x4200;
	s6 =	simm.s32 @!p1 $0x80;
	[sflag:s0] =	ssyncadd.s32 @!p1 $0xFFFFFF00  }
0x58: {  	[tilespmem:s1], [sflag:$0x4] =	stream.indirect.gather @!p1 [hbm4b:s4+s6], $0x80, s17, s6, $0xb8;
	[tilespmem:$0x1C200] =	vst v63  }
0x59: {  	_ =	swait.ge [sflag:s21], $0x4000  }
0x5a: {  	[sflag:s21] =	ssyncset.done $0x0  }
0x5b: {  	s17 =	sadd.s32 $0xFFFFFFFF, s28;
	[sflag:s21] =	ssyncadd.s32 $0xFFFFC000  }
0x5c: {  	[spmem:s2] =	stream.indirect.scatter.add.f32 [tilespmem:s20], [sflag:$0x5], $0x80, s19, s19, $0xb8;
	[tilespmem:$0x1C200] =	vst v63  }
0x5d: {  	p0 =	sge.u32 s17, s5;
	_ =	swait.ge [sflag:s16], $0x4000  }
0x5e: {  	s0 =	sadd.s32 @!p0 $0xFFFFFFE0, s26;
	[sflag:s16] =	ssyncset.done $0x0  }
0x5f: {  	s1 =	simm.s32 @!p0 $0x0;
	s6 =	simm.s32 @!p0 $0x1;
	[sflag:s16] =	ssyncadd.s32 $0xFFFFC000  }
0x60: {  	[tilespmem:s1], [sflag:$0x1] =	stream.linear.gather @!p0 [hbm4b:s0+s1], $0x100, $0x38;
	[tilespmem:$0x1C200] =	vst v63  }
0x61: {  	_ =	swait.ge @!p0 [sflag:s6], $0x100  }
0x62: {  	[sflag:s6] =	ssyncset.done @!p0 $0x0  }
0x63: {  	s17 =	simm.s32 @!p0 $0x200;
	s0 =	simm.s32 @!p0 $0x80;
	[sflag:s6] =	ssyncadd.s32 @!p0 $0xFFFFFF00  }
0x64: {  	[tilespmem:s17], [sflag:$0x3] =	stream.indirect.gather @!p0 [hbm4b:s4+s0], $0x80, s1, s0, $0xb8;
	[tilespmem:$0x1C200] =	vst v63  }
0x65: {  	_ =	swait.ge [sflag:s22], $0x4000  }
0x66: {  	[sflag:s22] =	ssyncset.done $0x0  }
0x67: {  	[sflag:s22] =	ssyncadd.s32 $0xFFFFC000  }
0x68: {  	[spmem:s2] =	stream.indirect.scatter.add.f32 [tilespmem:s24], [sflag:$0x5], $0x80, s23, s19, $0xb8;
	[tilespmem:$0x1C200] =	vst v63  }
0x69: {  	s29 =	sadd.s32 $0x2, s28;
	_ =	swait.ge [sflag:s16], $0x4000  }
0x6a: {  	s30 =	sadd.s32 $0xFFFFFFFD, s29;
	p0 =	sge.u32 s28, s5;
	[sflag:s16] =	ssyncset.done $0x0  }
0x6b: {  	s1 =	simm.s32 @!p0 $0x100;
	s6 =	simm.s32 @!p0 $0x0;
	[sflag:s16] =	ssyncadd.s32 $0xFFFFC000  }
0x6c: {  	[tilespmem:s1], [sflag:$0x2] =	stream.linear.gather @!p0 [hbm4b:s26+s6], $0x100, $0x38;
	[tilespmem:$0x1C200] =	vst v63  }
0x6d: {  	p0 =	sge.u32 s30, s10  }
0x6e: {  	s1 =	simm.s32 @!p0 $0x2  }
0x6f: {  	_ =	swait.ge @!p0 [sflag:s1], $0x100  }
0x70: {  	s6 =	simm.s32 @!p0 $0x100;
	[sflag:s1] =	ssyncset.done @!p0 $0x0  }
0x71: {  	s17 =	simm.s32 @!p0 $0x4200;
	[sflag:s1] =	ssyncadd.s32 @!p0 $0xFFFFFF00;
	s1 =	simm.s32 @!p0 $0x80  }
0x72: {  	[tilespmem:s17], [sflag:$0x4] =	stream.indirect.gather @!p0 [hbm4b:s4+s1], $0x80, s6, s1, $0xb8;
	[tilespmem:$0x1C200] =	vst v63  }
0x73: {  	_ =	swait.ge [sflag:s21], $0x4000  }
0x74: {  	[sflag:s21] =	ssyncset.done $0x0  }
0x75: {  	[sflag:s21] =	ssyncadd.s32 $0xFFFFC000  }
0x76: {  	[spmem:s2] =	stream.indirect.scatter.add.f32 [tilespmem:s20], [sflag:$0x5], $0x80, s19, s19, $0xb8;
	[tilespmem:$0x1C200] =	vst v63  }
0x77: {  	s31 =	sadd.s32 $0xFFFFFFFF, s29;
	_ =	swait.ge [sflag:s16], $0x4000  }
0x78: {  	s6 =	sadd.s32 $0x40, s26;
	p0 =	sge.u32 s31, s5;
	[sflag:s16] =	ssyncset.done $0x0  }
0x79: {  	s1 =	sadd.s32 @!p0 $0xFFFFFFE0, s6;
	s17 =	simm.s32 @!p0 $0x0;
	[sflag:s16] =	ssyncadd.s32 $0xFFFFC000  }
0x7a: {  	[tilespmem:s17], [sflag:$0x1] =	stream.linear.gather @!p0 [hbm4b:s1+s17], $0x100, $0x38;
	[tilespmem:$0x1C200] =	vst v63  }
0x7b: {  	s1 =	simm.s32 @!p0 $0x1  }
0x7c: {  	_ =	swait.ge @!p0 [sflag:s1], $0x100  }
0x7d: {  	[sflag:s1] =	ssyncset.done @!p0 $0x0  }
0x7e: {  	s26 =	simm.s32 @!p0 $0x200;
	[sflag:s1] =	ssyncadd.s32 @!p0 $0xFFFFFF00;
	s1 =	simm.s32 @!p0 $0x80  }
0x7f: {  	[tilespmem:s26], [sflag:$0x3] =	stream.indirect.gather @!p0 [hbm4b:s4+s1], $0x80, s17, s1, $0xb8;
	[tilespmem:$0x1C200] =	vst v63  }
0x80: {  	_ =	swait.ge [sflag:s22], $0x4000  }
0x81: {  	[sflag:s22] =	ssyncset.done $0x0  }
0x82: {  	[sflag:s22] =	ssyncadd.s32 $0xFFFFC000  }
0x83: {  	[spmem:s2] =	stream.indirect.scatter.add.f32 [tilespmem:s24], [sflag:$0x5], $0x80, s23, s19, $0xb8;
	[tilespmem:$0x1C200] =	vst v63  }
0x84: {  	_ =	swait.ge [sflag:s16], $0x4000  }
0x85: {  	s25 =	sadd.s32 $0x1, s25;
	p0 =	sge.u32 s29, s5;
	[sflag:s16] =	ssyncset.done $0x0  }
0x86: {  	s0 =	simm.s32 @!p0 $0x0;
	s1 =	simm.s32 @!p0 $0x100;
	[sflag:s16] =	ssyncadd.s32 $0xFFFFC000  }
0x87: {  	[tilespmem:s1], [sflag:$0x2] =	stream.linear.gather @!p0 [hbm4b:s6+s0], $0x100, $0x38;
	[tilespmem:$0x1C200] =	vst v63  }
0x88: {  	p0 =	sne.s32 s25, s12;
	[bflag:$0x0] =	sbarrier.arrive $0xFFFF  }
0x89: {  	[hbm:s11], [sflag:s7] =	dma.local [spmem:s15], $0x2800  }
.Ltmp3:
0x8a: {  	_ = 	snop;
	(pc) =	sbr.rel @p0 .LBB2_1-.Ltmp3, $4  }
.Ltmp4:
0x8b: {  	_ = 	snop;
	(pc) =	sbr.rel @!p0 .LBB2_7-.Ltmp4, $4  }
0x8c: {  	_ =	swait.ge [sflag:s16], $0x2800  }
0x8d: {  	[sflag:s16] =	ssyncset.done $0x0  }
0x8e: {  	[sflag:s16] =	ssyncadd.s32 $0xFFFFD800  }
0x8f: {  	_ = 	snop  }
.LBB2_2:
.Ltmp5:
0x90: {  	(pc) =	sbr.rel .LBB2_6-.Ltmp5, $2  }
0x91: {  	_ =	sdelay $0x2  }
0x92: {  	s28 =	simm.s32 $0x3;
	s26 =	smov.u32 s14  }
.LBB2_4:
.Ltmp6:
0x93: {  	(pc) =	sbr.rel .LBB2_6-.Ltmp6, $2  }
0x94: {  	_ =	sdelay $0x2  }
0x95: {  	s30 =	smov.u32 s14  }
.LBB2_7:
0x96: {  	_ =	sfence.sel $0x180000  }
0x97: {  	[bflag:$0x0] =	sbarrier.arrive $0xFFFF  }
0x98: {  	_ =	strace $0x90000050  }
0x99: {  	s0 =	stileid.u32;
	[bflag:$0x2] =	sbarrier.arrive $0xFFFF  }
0x9a: {  	p0 =	sne.s32 s0, $0x0;
	s0 =	rddreg [dreg:$0x3]  }
0x9b: {  	s0 =	sadd.s32 @!p0 $0x100000, s0  }
0x9c: {  	[sflag:s0] =	ssyncadd.tile.s32 @!p0 $0x1;
	_ =	shalt  }
.Lfunc_end2:
_tile_overlayer_lowered:
.L_overlay_start_2:
0x9d: {  	(tag) =	ssettag $0x2  }
0x9e: {  	s0 =	rddreg [dreg:$0x0];
	s2 =	stileid.u32  }
0x9f: {  	s1 =	rddreg [dreg:$0x1];
	p0 =	sne.s32 s2, $0x0  }
0xa0: {  	s3 =	rddreg [dreg:$0x2];
	[bflag:$0x3] =	sbarrier.arrive $0xFFFF;
	s2 =	simm.s32 @!p0 $0x1C05  }
0xa1: {  	[timem:s3], [sflag:s2] =	dma.local @!p0 [hbm:s0], s1  }
0xa2: {  	s0 =	simm.s32 @!p0 $0x5  }
0xa3: {  	_ =	swait.ge @!p0 [sflag:s0], s1  }
0xa4: {  	s1 =	ssub.s32 @!p0 $0x0, s1;
	[sflag:s0] =	ssyncset.done @!p0 $0x0  }
0xa5: {  	[sflag:s0] =	ssyncadd.s32 @!p0 s1  }
0xa6: {  	[bflag:$0x3] =	sbarrier.arrive $0xFFFF  }
0xa7: {  	_ =	shalt  }

// kernel: kernel.25.cloned.1.call-start
scs
__scs_entry_jumppad:
0x0: {  	(pc) =	sbr.rel $0x88, $3  }
0x1: {  	(tag) =	ssettag $0x0;
	lr =	simm.s32 $0x1  }
0x2: {  	[smem:$0x3F97] =	sst lr;
	_ =	strace $0xD0000000  }
0x3: {  	_ = 	snop  }
0x4: {  	_ = 	snop  }
0x5: {  	_ = 	snop  }
0x6: {  	_ = 	snop  }
0x7: {  	_ = 	snop  }
__scs_overlays_trampoline_lowered:
0x8: {  	[smem:$0x3FA6] =	sst s0  }
0x9: {  	[smem:$0x3FA7] =	sst s1  }
0xa: {  	[smem:$0x3FA8] =	sst s2  }
0xb: {  	[smem:$0x3FA9] =	sst s3  }
0xc: {  	[smem:$0x3FAA] =	sst s4  }
0xd: {  	[smem:$0x3FAB] =	sst s5  }
0xe: {  	[smem:$0x3FAC] =	sst s6  }
0xf: {  	[smem:$0x3FAD] =	sst s7  }
0x10: {  	[smem:$0x3FAE] =	sst s8  }
0x11: {  	[smem:$0x3FAF] =	sst s9;
	s0 =	simm.s32 @!p0 $0x0  }
0x12: {  	s1 =	sld [smem:$0x3F95];
	s0 =	simm.s32 @p0 $0x1  }
0x13: {  	[smem:$0x3FB0] =	sst s0;
	s0 =	simm.s32 @!p1 $0x0  }
0x14: {  	s2 =	sld [smem:$0x3F94];
	s0 =	simm.s32 @p1 $0x1  }
0x15: {  	[smem:$0x3FB1] =	sst s0;
	s0 =	simm.s32 @!p2 $0x0  }
0x16: {  	s3 =	sld [smem:$0x3FDB];
	s0 =	simm.s32 @p2 $0x1  }
0x17: {  	s4 =	simm.s32 $0x1BF5;
	[smem:$0x3FB3] =	sst s0  }
0x18: {  	s0 =	sld [smem:$0x3F96];
	_ =	swait.ge [sflag:s4], $0x0  }
0x19: {  	s7 =	sld [smem:$0x3F97]  }
0x1a: {  	s8 =	sadd.s32 $0xFFFFE003, lr  }
0x1b: {  	s9 =	sadd.s32 $0xFFFFFEF7, lr;
	s5 =	simm.s32 $0xFFFFFFFF;
	p2 =	slt.u32 s8, $0xFFFFF086  }
0x1c: {  	p1 =	slt.u32 s9, $0xF7A;
	s5 =	simm.s32 @!p2 $0x0  }
0x1d: {  	s5 =	simm.s32 @p1 $0x1;
	p0 =	seq.s32 s7, s2  }
0x1e: {  	s7 =	smul.u32 @!p0 $0xF7A, s2;
	p2 =	seq.s32 @!p0 s5, $0x0  }
0x1f: {  	s9 =	smul.u32 $0xF7A, s1;
	s8 =	simm.s32 @!p0 $0x1BF5;
	p2 =	por !p2, p0  }
0x20: {  	[sflag:s8] =	ssyncset.s32 @!p0 $0xFFFFF086;
	s6 =	sadd.s32 @!p0 s3, s7;
	s7 =	simm.s32 @!p0 $0x108  }
0x21: {  	s3 =	sadd.s32 s3, s9;
	s6 =	sadd.s32 @!p0 $0x88, s6;
	s7 =	simm.s32 @p2 $0x1082  }
0x22: {  	[simem:s7], [sflag:s8] =	dma.local @!p0 [hbm:s6], $0xF7A  }
0x23: {  	s9 =	sor.u32 $0xD0000000, s2;
	s6 =	simm.s32 $0x108;
	_ =	swait.ge @!p0 [sflag:s8], $0x0  }
0x24: {  	s3 =	sadd.s32 $0x88, s3;
	s6 =	simm.s32 @!p1 $0x1082;
	[sflag:s4] =	ssyncset.s32 $0xFFFFF086  }
0x25: {  	[simem:s6], [sflag:s4] =	dma.local [hbm:s3], $0xF7A  }
0x26: {  	[smem:$0x3F97] =	sst s1;
	(tag) =	ssettag s2;
	_ =	strace s9  }
0x27: {  	s1 =	sld [smem:$0x3FA7]  }
0x28: {  	s2 =	sld [smem:$0x3FA8]  }
0x29: {  	s4 =	sld [smem:$0x3FAA]  }
0x2a: {  	p0 =	seq.s32 s5, $0x0;
	s5 =	sld [smem:$0x3FAB]  }
0x2b: {  	s6 =	sld [smem:$0x3FAC]  }
0x2c: {  	s7 =	sld [smem:$0x3FAD]  }
0x2d: {  	s3 =	simm.s32 $0x108;
	s8 =	sld [smem:$0x3FAE]  }
0x2e: {  	s3 =	simm.s32 @!p0 $0x1082;
	s9 =	sld [smem:$0x3FAF]  }
0x2f: {  	lr =	sadd.s32 s0, s3;
	s0 =	sld [smem:$0x3FA6]  }
0x30: {  	s3 =	sld [smem:$0x3FA9]  }
0x31: {  	[smem:$0x3FB2] =	sst s10  }
0x32: {  	s10 =	sld [smem:$0x3FB0];
	_ =	sdelay $0x3  }
0x33: {  	p0 =	seq.s32 s10, $0x1;
	s10 =	sld [smem:$0x3FB2];
	_ =	sdelay $0x3  }
0x34: {  	[smem:$0x3FB2] =	sst s10  }
0x35: {  	s10 =	sld [smem:$0x3FB1];
	_ =	sdelay $0x3  }
0x36: {  	p1 =	seq.s32 s10, $0x1;
	s10 =	sld [smem:$0x3FB2];
	_ =	sdelay $0x3  }
0x37: {  	[smem:$0x3FB2] =	sst s10  }
0x38: {  	s10 =	sld [smem:$0x3FB3]  }
0x39: {  	_ = 	snop;
	(pc) =	sbr.ind lr, $3  }
0x3a: {  	_ = 	snop  }
0x3b: {  	_ = 	snop  }
0x3c: {  	p2 =	seq.s32 s10, $0x1;
	s10 =	sld [smem:$0x3FB2]  }
0x3d: {  	_ =	shalt  }
0x3e: {  	_ =	shalt  }
0x3f: {  	_ =	shalt  }
0x40: {  	_ =	shalt  }
0x41: {  	_ =	shalt  }
0x42: {  	_ =	shalt  }
0x43: {  	_ =	shalt  }
0x44: {  	_ =	shalt  }
0x45: {  	_ =	shalt  }
0x46: {  	_ =	shalt  }
0x47: {  	_ =	shalt  }
0x48: {  	_ =	shalt  }
0x49: {  	_ =	shalt  }
0x4a: {  	_ =	shalt  }
0x4b: {  	_ =	shalt  }
0x4c: {  	_ =	shalt  }
0x4d: {  	_ =	shalt  }
0x4e: {  	_ =	shalt  }
0x4f: {  	_ =	shalt  }
0x50: {  	_ =	shalt  }
0x51: {  	_ =	shalt  }
0x52: {  	_ =	shalt  }
0x53: {  	_ =	shalt  }
0x54: {  	_ =	shalt  }
0x55: {  	_ =	shalt  }
0x56: {  	_ =	shalt  }
0x57: {  	_ =	shalt  }
0x58: {  	_ =	shalt  }
0x59: {  	_ =	shalt  }
0x5a: {  	_ =	shalt  }
0x5b: {  	_ =	shalt  }
0x5c: {  	_ =	shalt  }
0x5d: {  	_ =	shalt  }
0x5e: {  	_ =	shalt  }
0x5f: {  	_ =	shalt  }
0x60: {  	_ =	shalt  }
0x61: {  	_ =	shalt  }
0x62: {  	_ =	shalt  }
0x63: {  	_ =	shalt  }
0x64: {  	_ =	shalt  }
0x65: {  	_ =	shalt  }
0x66: {  	_ =	shalt  }
0x67: {  	_ =	shalt  }
0x68: {  	_ =	shalt  }
0x69: {  	_ =	shalt  }
0x6a: {  	_ =	shalt  }
0x6b: {  	_ =	shalt  }
0x6c: {  	_ =	shalt  }
0x6d: {  	_ =	shalt  }
0x6e: {  	_ =	shalt  }
0x6f: {  	_ =	shalt  }
0x70: {  	_ =	shalt  }
0x71: {  	_ =	shalt  }
0x72: {  	_ =	shalt  }
0x73: {  	_ =	shalt  }
0x74: {  	_ =	shalt  }
0x75: {  	_ =	shalt  }
0x76: {  	_ =	shalt  }
0x77: {  	_ =	shalt  }
0x78: {  	_ =	shalt  }
0x79: {  	_ =	shalt  }
0x7a: {  	_ =	shalt  }
0x7b: {  	_ =	shalt  }
0x7c: {  	_ =	shalt  }
0x7d: {  	_ =	shalt  }
0x7e: {  	_ =	shalt  }
0x7f: {  	_ =	shalt  }
0x80: {  	_ =	shalt  }
0x81: {  	_ =	shalt  }
0x82: {  	_ =	shalt  }
0x83: {  	_ =	shalt  }
0x84: {  	_ =	shalt  }
0x85: {  	_ =	shalt  }
0x86: {  	_ =	shalt  }
0x87: {  	_ =	shalt  }
.Lfunc_end0:
.L_simem_size_0:
called_computation.4_lowered:
.L_overlay_start_0:
0x88: {  	s2 =	sld [smem:$0x3FD9]  }
0x89: {  	s3 =	sld [smem:$0x3FFE];
	_ =	sdelay $0x1  }
0x8a: {  	s1 =	srdreg.scid  }
0x8b: {  	s0 =	sand.u32 $0x1, s1  }
0x8c: {  	s17 =	sshll.u32 s0, $0xA;
	s2 =	sadd.s32 s3, s2  }
0x8d: {  	s2 =	sadd.s32 s2, s17  }
0x8e: {  	[smem:$0x3FBE] =	sst s2  }
0x8f: {  	_ = 	snop  }
0x90: {  	s2 =	sld [smem:$0x3FD0];
	(tm) =	ssettm $0x1  }
0x91: {  	s18 =	sld [smem:$0x3FFB];
	_ =	sdelay $0x3  }
0x92: {  	_ =	strace s18  }
0x93: {  	s3 =	sld [smem:$0x3FFC];
	_ =	sdelay $0x3  }
0x94: {  	_ =	strace s3  }
0x95: {  	s3 =	sld [smem:$0x3FFD];
	_ =	sdelay $0x3  }
0x96: {  	_ =	strace s3  }
0x97: {  	_ =	strace $0x8FFFFFFF  }
0x98: {  	s19 =	sld [smem:$0x3FDB];
	_ =	sdelay $0x1  }
0x99: {  	s4 =	simm.s32 $_scs_section_size  }
0x9a: {  	s5 =	simm.s32 $_size__tile_overlayer_lowered;
	s6 =	simm.s32 $_tile_overlayer_lowered  }
0x9b: {  	s22 =	simm.s32 $0x1BFF;
	s21 =	sshll.u32 s6, $0x1;
	s3 =	sadd.s32 s4, s19  }
0x9c: {  	s7 =	simm.s32 $0x0;
	s20 =	sshll.u32 s5, $0x1;
	s5 =	sadd.s32 s21, s3  }
0x9d: {  	[timem:s7], [sflag:s22] =	dma.local [hbm:s5], s20  }
0x9e: {  	_ =	swait.ge [sflag:s22], s20  }
0x9f: {  	s4 =	ssub.s32 $0x0, s20;
	[sflag:s22] =	ssyncset.done $0x0  }
0xa0: {  	[sflag:s22] =	ssyncadd.s32 s4;
	_ =	sdelay $0x1  }
0xa1: {  	s23 =	simm.s32 $0x1B8B  }
0xa2: {  	_ =	swait.ge [sflag:s23], $0x1  }
0xa3: {  	[sflag:s23] =	ssyncset.done $0x0  }
0xa4: {  	s25 =	simm.s32 $0x1B8E;
	s24 =	sld [smem:$0x3FFE];
	[sflag:s23] =	ssyncadd.s32 $0xFFFFFFFF  }
0xa5: {  	s26 =	simm.s32 $execute0_lowered;
	[smem:$0x3FD2] =	sst s25  }
0xa6: {  	s5 =	sshll.u32 s26, $0x1;
	_ =	strace $0x80000052;
	[dreg:$0x1] =	wrdreg $0xFFFFFFFF  }
0xa7: {  	s28 =	simm.s32 $_size_execute0_lowered;
	s3 =	sadd.s32 s3, s5;
	[dreg:$0x0] =	wrdreg $0x0  }
0xa8: {  	s5 =	sshll.u32 s28, $0x1;
	[dreg:$0x2] =	wrdreg s3  }
0xa9: {  	[dreg:$0x3] =	wrdreg s5  }
0xaa: {  	[dreg:$0x4] =	wrdreg $0xC0  }
0xab: {  	_ =	task [dreg:s7], $0x5FFFF  }
0xac: {  	[dreg:$0x1] =	wrdreg $0xFFFFFFFF  }
0xad: {  	[dreg:$0x0] =	wrdreg $0x60  }
0xae: {  	[dreg:$0x2] =	wrdreg s24  }
0xaf: {  	[dreg:$0x3] =	wrdreg s2  }
0xb0: {  	[dreg:$0x4] =	wrdreg $0x82000  }
0xb1: {  	[dreg:$0x5] =	wrdreg $0x9  }
0xb2: {  	_ =	task.clear_ibuf [dreg:s7], $0x6FFFF;
	_ =	strace $0x90000052  }
0xb3: {  	s29 =	simm.s32 $0x9;
	_ =	strace $0x80000054  }
0xb4: {  	_ =	swait.ge [sflag:s29], $0x1  }
0xb5: {  	[sflag:s29] =	ssyncadd.s32 $0xFFFFFFFF  }
0xb6: {  	_ =	strace $0x90000054  }
0xb7: {  	_ =	sfence  }
0xb8: {  	s30 =	sld [smem:$0x0];
	_ =	sdelay $0x2  }
0xb9: {  	s31 =	sshll.u32 s1, $0xD;
	s1 =	sshrl.u32 s1, $0x2  }
0xba: {  	s3 =	sand.u32 $0x4000, s31;
	s1 =	sadd.s32 s1, s30  }
0xbb: {  	s0 =	sor.u32 s3, s0;
	s1 =	sshll.u32 s1, $0x11  }
0xbc: {  	s0 =	sor.u32 s1, s0  }
0xbd: {  	s0 =	sadd.s32 $0x8F2B, s0  }
0xbe: {  	[sflag:s0] =	ssyncadd.remote.s32 $0x1  }
0xbf: {  	_ =	sfence.sel $0xFFFF  }
0xc0: {  	[dreg:$0x0] =	wrdreg $0xFFFFFFFF;
	(pc) =	sbr.abs _section_cstart, $3  }
0xc1: {  	[dreg:$0x1] =	wrdreg $0xFFFFFFFF  }
0xc2: {  	_ =	task.clear_ibuf [dreg:s7], $0x2FFFF;
	_ =	strace $0x9FFFFFFF  }
0xc3: {  	(tm) =	ssettm $0x7FFFFFFF  }
tec
execute0_lowered:
.L_overlay_start_1:
0x0: {  	(tag) =	ssettag $0x1  }
0x1: {  	s5 =	rddreg [dreg:$0x0]  }
0x2: {  	s8 =	rddreg [dreg:$0x1]  }
0x3: {  	s2 =	rddreg [dreg:$0x2]  }
0x4: {  	s0 =	stileid.u32;
	s4 =	srdreg.scid  }
0x5: {  	s3 =	simm.s32 $0x0;
	s16 =	simm.s32 $0x5;
	s18 =	simm.s32 $0x1  }
0x6: {  	s19 =	simm.s32 $0x80;
	s20 =	simm.s32 $0x200;
	s21 =	simm.s32 $0x3  }
0x7: {  	s22 =	simm.s32 $0x4;
	s23 =	simm.s32 $0x180;
	s6 =	smul.u32 $0x14000, s0  }
0x8: {  	s24 =	simm.s32 $0x4200;
	s25 =	simm.s32 $0x0;
	s11 =	smul.u32 $0x6E, s0  }
0x9: {  	s7 =	sand.u32 $0x1, s4;
	[smem:$0x7FF] =	sst s3;
	s13 =	smul.u32 $0x32, s0  }
0xa: {  	s4 =	sadd.s32 $0x36800, s5;
	s28 =	smul.u32 $0x50000, s0;
	s29 =	sshll.u32 s0, $0x6  }
0xb: {  	s10 =	smul.u32 $0x140000, s7;
	_ =	strace $0x80000053;
	s26 =	ssub.s32 $0x2, s7  }
0xc: {  	p0 =	seq.s32 s7, $0x0;
	s9 =	sshrl.u32 s6, $0x3;
	s12 =	sshrl.u32 s26, $0x1  }
0xd: {  	s7 =	sadd.s32 $0x6E0, s13;
	s9 =	sadd.s32 s9, s5;
	s6 =	sadd.s32 s6, s10  }
0xe: {  	s12 =	ssub.s32 s26, s12;
	s7 =	smov.u32 @p0 s11;
	s6 =	sshrl.u32 s6, $0x3  }
0xf: {  	s11 =	sshll.u32 s7, $0x5;
	s30 =	sadd.s32 $0xE800, s9;
	s7 =	sor.u32 $0x1C05, s29  }
0x10: {  	s12 =	smax.u32 s12, $0x1;
	s14 =	sadd.s32 s6, s5;
	s5 =	simm.s32 $0x6E  }
0x11: {  	s6 =	sshrl.u32 s28, $0x2;
	[dreg:$0x4] =	wrdreg s30;
	s8 =	sadd.s32 s8, s11  }
0x12: {  	s5 =	simm.s32 @!p0 $0x32;
	s15 =	sadd.s32 s6, s2;
	s9 =	sadd.s32 $0x20, s8  }
0x13: {  	s11 =	sadd.s32 $0x5E800, s14;
	s14 =	sadd.s32 $0x60, s8;
	s31 =	sshrl.u32 s5, $0x1  }
0x14: {  	s10 =	sadd.s32 $0xFFFFFFFF, s5;
	s15 =	sshrl.u32 s15, $0x3;
	s13 =	sadd.s32 $0xFFFFFFFF, s31  }
.LBB2_1:
0x15: {  	s0 =	rddreg [dreg:$0x4]  }
0x16: {  	[spmem:s15], [sflag:s7] =	dma.local [hbm:s0], $0x2800  }
0x17: {  	_ =	swait.ge [sflag:s16], $0x2800  }
0x18: {  	[sflag:s16] =	ssyncset.done $0x0  }
0x19: {  	s26 =	sadd.s32 $0xFFFFFFFF, s13;
	[sflag:s16] =	ssyncadd.s32 $0xFFFFD800  }
0x1a: {  	[tilespmem:s3], [sflag:$0x1] =	stream.linear.gather [hbm4b:s8+s3], $0x100, $0x38;
	[tilespmem:$0x1C200] =	vst v63  }
0x1b: {  	s31 =	simm.s32 $0x100;
	p2 =	sne.s32 s26, $0x0  }
0x1c: {  	[tilespmem:s31], [sflag:$0x2] =	stream.linear.gather [hbm4b:s9+s3], $0x100, $0x38;
	[tilespmem:$0x1C200] =	vst v63  }
.Ltmp0:
0x1d: {  	[bflag:$0x0] =	sbarrier.arrive $0xFFFF;
	(pc) =	sbr.rel @!p2 .LBB2_2-.Ltmp0, $4  }
0x1e: {  	_ =	swait.ge [sflag:s18], $0x100  }
0x1f: {  	[sflag:s18] =	ssyncset.done $0x0  }
0x20: {  	p1 =	sle.u32 s10, $0x0;
	p0 =	por $0x0, $0x0;
	[sflag:s18] =	ssyncadd.s32 $0xFFFFFF00  }
0x21: {  	[tilespmem:s20], [sflag:$0x3] =	stream.indirect.gather [hbm4b:s4+s19], $0x80, s3, s19, $0xb8;
	[tilespmem:$0x1C200] =	vst v63  }
0x22: {  	s28 =	simm.s32 @!p1 $0x2  }
0x23: {  	_ =	swait.ge @!p1 [sflag:s28], $0x100  }
0x24: {  	s29 =	simm.s32 @!p1 $0x4200;
	[sflag:s28] =	ssyncset.done @!p1 $0x0  }
0x25: {  	s30 =	simm.s32 @!p1 $0x80;
	s31 =	simm.s32 @!p1 $0x100;
	[sflag:s28] =	ssyncadd.s32 @!p1 $0xFFFFFF00  }
0x26: {  	[tilespmem:s29], [sflag:$0x4] =	stream.indirect.gather @!p1 [hbm4b:s4+s30], $0x80, s31, s30, $0xb8;
	[tilespmem:$0x1C200] =	vst v63  }
0x27: {  	_ =	swait.ge [sflag:s21], $0x4000  }
0x28: {  	[sflag:s21] =	ssyncset.done $0x0  }
0x29: {  	[sflag:s21] =	ssyncadd.s32 $0xFFFFC000  }
0x2a: {  	[spmem:s2] =	stream.indirect.scatter.add.f32 [tilespmem:s20], [sflag:$0x5], $0x80, s19, s19, $0xb8;
	[tilespmem:$0x1C200] =	vst v63  }
0x2b: {  	p0 =	sle.u32 s5, $0x2;
	_ =	swait.ge [sflag:s16], $0x4000  }
0x2c: {  	s28 =	sadd.s32 @!p0 $0xFFFFFFE0, s14;
	[sflag:s16] =	ssyncset.done $0x0  }
0x2d: {  	s29 =	simm.s32 @!p0 $0x0;
	s30 =	simm.s32 @!p0 $0x1;
	[sflag:s16] =	ssyncadd.s32 $0xFFFFC000  }
0x2e: {  	[tilespmem:s29], [sflag:$0x1] =	stream.linear.gather @!p0 [hbm4b:s28+s29], $0x100, $0x38;
	[tilespmem:$0x1C200] =	vst v63  }
0x2f: {  	_ =	swait.ge @!p0 [sflag:s30], $0x100  }
0x30: {  	[sflag:s30] =	ssyncset.done @!p0 $0x0  }
0x31: {  	s31 =	simm.s32 @!p0 $0x200;
	s28 =	simm.s32 @!p0 $0x80;
	[sflag:s30] =	ssyncadd.s32 @!p0 $0xFFFFFF00  }
0x32: {  	[tilespmem:s31], [sflag:$0x3] =	stream.indirect.gather @!p0 [hbm4b:s4+s28], $0x80, s29, s28, $0xb8;
	[tilespmem:$0x1C200] =	vst v63  }
0x33: {  	s29 =	sadd.s32 $0xFFFFFFFF, s26  }
0x34: {  	p2 =	sne.s32 s29, $0x0  }
.Ltmp1:
0x35: {  	_ =	swait.ge [sflag:s22], $0x4000;
	(pc) =	sbr.rel @!p2 .LBB2_4-.Ltmp1, $4  }
0x36: {  	p3 =	sle.u32 s5, $0x3;
	p1 =	sle.u32 s10, $0x2;
	[sflag:s22] =	ssyncset.done $0x0  }
0x37: {  	s30 =	smov.u32 s14;
	s28 =	simm.s32 $0x5;
	[sflag:s22] =	ssyncadd.s32 $0xFFFFC000  }
0x38: {  	[spmem:s2] =	stream.indirect.scatter.add.f32 [tilespmem:s24], [sflag:$0x5], $0x80, s23, s19, $0xb8;
	[tilespmem:$0x1C200] =	vst v63  }
0x39: {  	s26 =	sadd.s32 $0x40, s14;
	p0 =	por $0x1, $0x1;
	_ =	swait.ge [sflag:s16], $0x4000  }
.LBB2_5:
0x3a: {  	s31 =	simm.s32 @!p1 $0x2;
	[sflag:s16] =	ssyncset.done $0x0;
	s1 =	simm.s32 @!p3 $0x100  }
0x3b: {  	s29 =	sadd.s32 $0xFFFFFFFF, s29;
	s0 =	simm.s32 @!p3 $0x0;
	[sflag:s16] =	ssyncadd.s32 $0xFFFFC000  }
0x3c: {  	[tilespmem:s1], [sflag:$0x2] =	stream.linear.gather @!p3 [hbm4b:s30+s0], $0x100, $0x38;
	[tilespmem:$0x1C200] =	vst v63  }
0x3d: {  	p2 =	sne.s32 s29, $0x0;
	s0 =	simm.s32 @!p1 $0x4200;
	_ =	swait.ge @!p1 [sflag:s31], $0x100  }
0x3e: {  	s17 =	simm.s32 @!p1 $0x100;
	s1 =	simm.s32 @!p1 $0x80;
	[sflag:s31] =	ssyncset.done @!p1 $0x0  }
0x3f: {  	s30 =	smov.u32 s26;
	[sflag:s31] =	ssyncadd.s32 @!p1 $0xFFFFFF00;
	s31 =	smov.u32 s28  }
0x40: {  	[tilespmem:s0], [sflag:$0x4] =	stream.indirect.gather @!p1 [hbm4b:s4+s1], $0x80, s17, s1, $0xb8;
	[tilespmem:$0x1C200] =	vst v63  }
0x41: {  	_ =	swait.ge [sflag:s21], $0x4000  }
0x42: {  	[sflag:s21] =	ssyncset.done $0x0  }
0x43: {  	s0 =	sadd.s32 $0xFFFFFFFF, s28;
	[sflag:s21] =	ssyncadd.s32 $0xFFFFC000  }
0x44: {  	[spmem:s2] =	stream.indirect.scatter.add.f32 [tilespmem:s20], [sflag:$0x5], $0x80, s19, s19, $0xb8;
	[tilespmem:$0x1C200] =	vst v63  }
0x45: {  	p1 =	sge.u32 s0, s5;
	_ =	swait.ge [sflag:s16], $0x4000  }
0x46: {  	s0 =	sadd.s32 @!p1 $0xFFFFFFE0, s26;
	s1 =	simm.s32 @!p1 $0x0;
	[sflag:s16] =	ssyncset.done $0x0  }
0x47: {  	s17 =	simm.s32 @!p1 $0x1;
	[sflag:s16] =	ssyncadd.s32 $0xFFFFC000  }
0x48: {  	[tilespmem:s1], [sflag:$0x1] =	stream.linear.gather @!p1 [hbm4b:s0+s1], $0x100, $0x38;
	[tilespmem:$0x1C200] =	vst v63  }
0x49: {  	_ =	swait.ge @!p1 [sflag:s17], $0x100  }
0x4a: {  	s6 =	simm.s32 @!p1 $0x200;
	s0 =	simm.s32 @!p1 $0x80;
	[sflag:s17] =	ssyncset.done @!p1 $0x0  }
0x4b: {  	[sflag:s17] =	ssyncadd.s32 @!p1 $0xFFFFFF00  }
0x4c: {  	[tilespmem:s6], [sflag:$0x3] =	stream.indirect.gather @!p1 [hbm4b:s4+s0], $0x80, s1, s0, $0xb8;
	[tilespmem:$0x1C200] =	vst v63  }
.Ltmp2:
0x4d: {  	_ =	swait.ge [sflag:s22], $0x4000;
	(pc) =	sbr.rel @p2 .LBB2_5-.Ltmp2, $4  }
0x4e: {  	s28 =	sadd.s32 $0x2, s28;
	[sflag:s22] =	ssyncset.done $0x0  }
0x4f: {  	s26 =	sadd.s32 $0x40, s26;
	s0 =	sadd.s32 $0xFFFFFFFD, s28;
	[sflag:s22] =	ssyncadd.s32 $0xFFFFC000  }
0x50: {  	[spmem:s2] =	stream.indirect.scatter.add.f32 [tilespmem:s24], [sflag:$0x5], $0x80, s23, s19, $0xb8;
	[tilespmem:$0x1C200] =	vst v63  }
0x51: {  	p3 =	sge.u32 s31, s5;
	p1 =	sge.u32 s0, s10;
	_ =	swait.ge [sflag:s16], $0x4000  }
.LBB2_6:
0x52: {  	s0 =	simm.s32 @!p1 $0x2;
	[sflag:s16] =	ssyncset.done @p0 $0x0;
	p2 =	por p3, !p0  }
0x53: {  	s1 =	simm.s32 @!p2 $0x100;
	[sflag:s16] =	ssyncadd.s32 @p0 $0xFFFFC000;
	s6 =	simm.s32 @!p2 $0x0  }
0x54: {  	[tilespmem:s1], [sflag:$0x2] =	stream.linear.gather @!p2 [hbm4b:s30+s6], $0x100, $0x38;
	[tilespmem:$0x1C200] =	vst v63  }
0x55: {  	_ =	swait.ge @!p1 [sflag:s0], $0x100  }
0x56: {  	s17 =	simm.s32 @!p1 $0x100;
	[sflag:s0] =	ssyncset.done @!p1 $0x0  }
0x57: {  	s1 =	simm.s32 @!p1 $0x4200;
	s6 =	simm.s32 @!p1 $0x80;
	[sflag:s0] =	ssyncadd.s32 @!p1 $0xFFFFFF00  }
0x58: {  	[tilespmem:s1], [sflag:$0x4] =	stream.indirect.gather @!p1 [hbm4b:s4+s6], $0x80, s17, s6, $0xb8;
	[tilespmem:$0x1C200] =	vst v63  }
0x59: {  	_ =	swait.ge [sflag:s21], $0x4000  }
0x5a: {  	[sflag:s21] =	ssyncset.done $0x0  }
0x5b: {  	s17 =	sadd.s32 $0xFFFFFFFF, s28;
	[sflag:s21] =	ssyncadd.s32 $0xFFFFC000  }
0x5c: {  	[spmem:s2] =	stream.indirect.scatter.add.f32 [tilespmem:s20], [sflag:$0x5], $0x80, s19, s19, $0xb8;
	[tilespmem:$0x1C200] =	vst v63  }
0x5d: {  	p0 =	sge.u32 s17, s5;
	_ =	swait.ge [sflag:s16], $0x4000  }
0x5e: {  	s0 =	sadd.s32 @!p0 $0xFFFFFFE0, s26;
	[sflag:s16] =	ssyncset.done $0x0  }
0x5f: {  	s1 =	simm.s32 @!p0 $0x0;
	s6 =	simm.s32 @!p0 $0x1;
	[sflag:s16] =	ssyncadd.s32 $0xFFFFC000  }
0x60: {  	[tilespmem:s1], [sflag:$0x1] =	stream.linear.gather @!p0 [hbm4b:s0+s1], $0x100, $0x38;
	[tilespmem:$0x1C200] =	vst v63  }
0x61: {  	_ =	swait.ge @!p0 [sflag:s6], $0x100  }
0x62: {  	[sflag:s6] =	ssyncset.done @!p0 $0x0  }
0x63: {  	s17 =	simm.s32 @!p0 $0x200;
	s0 =	simm.s32 @!p0 $0x80;
	[sflag:s6] =	ssyncadd.s32 @!p0 $0xFFFFFF00  }
0x64: {  	[tilespmem:s17], [sflag:$0x3] =	stream.indirect.gather @!p0 [hbm4b:s4+s0], $0x80, s1, s0, $0xb8;
	[tilespmem:$0x1C200] =	vst v63  }
0x65: {  	_ =	swait.ge [sflag:s22], $0x4000  }
0x66: {  	[sflag:s22] =	ssyncset.done $0x0  }
0x67: {  	[sflag:s22] =	ssyncadd.s32 $0xFFFFC000  }
0x68: {  	[spmem:s2] =	stream.indirect.scatter.add.f32 [tilespmem:s24], [sflag:$0x5], $0x80, s23, s19, $0xb8;
	[tilespmem:$0x1C200] =	vst v63  }
0x69: {  	s29 =	sadd.s32 $0x2, s28;
	_ =	swait.ge [sflag:s16], $0x4000  }
0x6a: {  	s30 =	sadd.s32 $0xFFFFFFFD, s29;
	p0 =	sge.u32 s28, s5;
	[sflag:s16] =	ssyncset.done $0x0  }
0x6b: {  	s1 =	simm.s32 @!p0 $0x100;
	s6 =	simm.s32 @!p0 $0x0;
	[sflag:s16] =	ssyncadd.s32 $0xFFFFC000  }
0x6c: {  	[tilespmem:s1], [sflag:$0x2] =	stream.linear.gather @!p0 [hbm4b:s26+s6], $0x100, $0x38;
	[tilespmem:$0x1C200] =	vst v63  }
0x6d: {  	p0 =	sge.u32 s30, s10  }
0x6e: {  	s1 =	simm.s32 @!p0 $0x2  }
0x6f: {  	_ =	swait.ge @!p0 [sflag:s1], $0x100  }
0x70: {  	s6 =	simm.s32 @!p0 $0x100;
	[sflag:s1] =	ssyncset.done @!p0 $0x0  }
0x71: {  	s17 =	simm.s32 @!p0 $0x4200;
	[sflag:s1] =	ssyncadd.s32 @!p0 $0xFFFFFF00;
	s1 =	simm.s32 @!p0 $0x80  }
0x72: {  	[tilespmem:s17], [sflag:$0x4] =	stream.indirect.gather @!p0 [hbm4b:s4+s1], $0x80, s6, s1, $0xb8;
	[tilespmem:$0x1C200] =	vst v63  }
0x73: {  	_ =	swait.ge [sflag:s21], $0x4000  }
0x74: {  	[sflag:s21] =	ssyncset.done $0x0  }
0x75: {  	[sflag:s21] =	ssyncadd.s32 $0xFFFFC000  }
0x76: {  	[spmem:s2] =	stream.indirect.scatter.add.f32 [tilespmem:s20], [sflag:$0x5], $0x80, s19, s19, $0xb8;
	[tilespmem:$0x1C200] =	vst v63  }
0x77: {  	s31 =	sadd.s32 $0xFFFFFFFF, s29;
	_ =	swait.ge [sflag:s16], $0x4000  }
0x78: {  	s6 =	sadd.s32 $0x40, s26;
	p0 =	sge.u32 s31, s5;
	[sflag:s16] =	ssyncset.done $0x0  }
0x79: {  	s1 =	sadd.s32 @!p0 $0xFFFFFFE0, s6;
	s17 =	simm.s32 @!p0 $0x0;
	[sflag:s16] =	ssyncadd.s32 $0xFFFFC000  }
0x7a: {  	[tilespmem:s17], [sflag:$0x1] =	stream.linear.gather @!p0 [hbm4b:s1+s17], $0x100, $0x38;
	[tilespmem:$0x1C200] =	vst v63  }
0x7b: {  	s1 =	simm.s32 @!p0 $0x1  }
0x7c: {  	_ =	swait.ge @!p0 [sflag:s1], $0x100  }
0x7d: {  	[sflag:s1] =	ssyncset.done @!p0 $0x0  }
0x7e: {  	s26 =	simm.s32 @!p0 $0x200;
	[sflag:s1] =	ssyncadd.s32 @!p0 $0xFFFFFF00;
	s1 =	simm.s32 @!p0 $0x80  }
0x7f: {  	[tilespmem:s26], [sflag:$0x3] =	stream.indirect.gather @!p0 [hbm4b:s4+s1], $0x80, s17, s1, $0xb8;
	[tilespmem:$0x1C200] =	vst v63  }
0x80: {  	_ =	swait.ge [sflag:s22], $0x4000  }
0x81: {  	[sflag:s22] =	ssyncset.done $0x0  }
0x82: {  	[sflag:s22] =	ssyncadd.s32 $0xFFFFC000  }
0x83: {  	[spmem:s2] =	stream.indirect.scatter.add.f32 [tilespmem:s24], [sflag:$0x5], $0x80, s23, s19, $0xb8;
	[tilespmem:$0x1C200] =	vst v63  }
0x84: {  	_ =	swait.ge [sflag:s16], $0x4000  }
0x85: {  	s25 =	sadd.s32 $0x1, s25;
	p0 =	sge.u32 s29, s5;
	[sflag:s16] =	ssyncset.done $0x0  }
0x86: {  	s0 =	simm.s32 @!p0 $0x0;
	s1 =	simm.s32 @!p0 $0x100;
	[sflag:s16] =	ssyncadd.s32 $0xFFFFC000  }
0x87: {  	[tilespmem:s1], [sflag:$0x2] =	stream.linear.gather @!p0 [hbm4b:s6+s0], $0x100, $0x38;
	[tilespmem:$0x1C200] =	vst v63  }
0x88: {  	p0 =	sne.s32 s25, s12;
	[bflag:$0x0] =	sbarrier.arrive $0xFFFF  }
0x89: {  	[hbm:s11], [sflag:s7] =	dma.local [spmem:s15], $0x2800  }
.Ltmp3:
0x8a: {  	_ = 	snop;
	(pc) =	sbr.rel @p0 .LBB2_1-.Ltmp3, $4  }
.Ltmp4:
0x8b: {  	_ = 	snop;
	(pc) =	sbr.rel @!p0 .LBB2_7-.Ltmp4, $4  }
0x8c: {  	_ =	swait.ge [sflag:s16], $0x2800  }
0x8d: {  	[sflag:s16] =	ssyncset.done $0x0  }
0x8e: {  	[sflag:s16] =	ssyncadd.s32 $0xFFFFD800  }
0x8f: {  	_ = 	snop  }
.LBB2_2:
.Ltmp5:
0x90: {  	(pc) =	sbr.rel .LBB2_6-.Ltmp5, $2  }
0x91: {  	_ =	sdelay $0x2  }
0x92: {  	s28 =	simm.s32 $0x3;
	s26 =	smov.u32 s14  }
.LBB2_4:
.Ltmp6:
0x93: {  	(pc) =	sbr.rel .LBB2_6-.Ltmp6, $2  }
0x94: {  	_ =	sdelay $0x2  }
0x95: {  	s30 =	smov.u32 s14  }
.LBB2_7:
0x96: {  	_ =	sfence.sel $0x180000  }
0x97: {  	[bflag:$0x0] =	sbarrier.arrive $0xFFFF  }
0x98: {  	_ =	strace $0x90000053  }
0x99: {  	s0 =	stileid.u32;
	[bflag:$0x2] =	sbarrier.arrive $0xFFFF  }
0x9a: {  	p0 =	sne.s32 s0, $0x0;
	s0 =	rddreg [dreg:$0x3]  }
0x9b: {  	s0 =	sadd.s32 @!p0 $0x100000, s0  }
0x9c: {  	[sflag:s0] =	ssyncadd.tile.s32 @!p0 $0x1;
	_ =	shalt  }
.Lfunc_end2:
_tile_overlayer_lowered:
.L_overlay_start_2:
0x9d: {  	(tag) =	ssettag $0x2  }
0x9e: {  	s0 =	rddreg [dreg:$0x0];
	s2 =	stileid.u32  }
0x9f: {  	s1 =	rddreg [dreg:$0x1];
	p0 =	sne.s32 s2, $0x0  }
0xa0: {  	s3 =	rddreg [dreg:$0x2];
	[bflag:$0x3] =	sbarrier.arrive $0xFFFF;
	s2 =	simm.s32 @!p0 $0x1C05  }
0xa1: {  	[timem:s3], [sflag:s2] =	dma.local @!p0 [hbm:s0], s1  }
0xa2: {  	s0 =	simm.s32 @!p0 $0x5  }
0xa3: {  	_ =	swait.ge @!p0 [sflag:s0], s1  }
0xa4: {  	s1 =	ssub.s32 @!p0 $0x0, s1;
	[sflag:s0] =	ssyncset.done @!p0 $0x0  }
0xa5: {  	[sflag:s0] =	ssyncadd.s32 @!p0 s1  }
0xa6: {  	[bflag:$0x3] =	sbarrier.arrive $0xFFFF  }
0xa7: {  	_ =	shalt  }

</sc_bundles>
